<compile_context>
chip_gen: v7x
topology: tpu7x:2x2x1
jax: 0.10.2.dev20260603
libtpu: 0.0.44.dev20260713+nightly
codegen_flags: <defaults>
</compile_context>

<pallas_src>
import functools

import jax
import jax.numpy as jnp
from jax import lax
from jax.experimental import pallas as pl
from jax.experimental.pallas import tpu as pltpu
from jax.experimental.pallas import tpu_sc as plsc

N = 10000
E = 320000
H = 128
G = 256
VOCAB_PAD = 128

NBLK = 10
BN = N // NBLK
NSC = 2
NSUB = 16
NTILES = NSC * NSUB
EPT = E // NTILES
ECH = 80
NCH = EPT // ECH
RPTB = 624
TAIL = N - NSUB * RPTB


def _make_edge_agg():
    mesh = plsc.VectorSubcoreMesh(core_axis_name="c", subcore_axis_name="s")

    @functools.partial(
        pl.kernel,
        mesh=mesh,
        out_type=jax.ShapeDtypeStruct((NSC, N, H), jnp.float32),
        scratch_types=[
            pltpu.VMEM_SHARED((N, H), jnp.float32),
            pltpu.VMEM((EPT,), jnp.int32),
            pltpu.VMEM((NCH, ECH), jnp.int32),
            pltpu.VMEM((ECH, H), jnp.float32),
            pltpu.VMEM((ECH, H), jnp.float32),
            pltpu.SemaphoreType.DMA,
            pltpu.SemaphoreType.DMA,
        ],
    )
    def edge_agg(h_hbm, src_hbm, dst_hbm, zero_hbm, out_hbm,
                 acc_sh, src_v, dst_v, rows0_v, rows1_v, sem0, sem1):
        c = lax.axis_index("c")
        s = lax.axis_index("s")
        wid = c * NSUB + s
        r0 = s * RPTB
        pltpu.sync_copy(zero_hbm.at[pl.ds(r0, RPTB)], acc_sh.at[pl.ds(r0, RPTB)])

        @pl.when(s == NSUB - 1)
        def _():
            pltpu.sync_copy(zero_hbm.at[pl.ds(NSUB * RPTB, TAIL)],
                            acc_sh.at[pl.ds(NSUB * RPTB, TAIL)])

        pltpu.sync_copy(src_hbm.at[wid], src_v)
        pltpu.sync_copy(dst_hbm.at[wid], dst_v)
        plsc.subcore_barrier()

        def gather(j, buf, sem):
            off = 0
            for sz in (24, 16, 24, 16):
                pltpu.async_copy(
                    h_hbm.at[src_v.at[pl.ds(j * ECH + off, sz)]],
                    buf.at[pl.ds(off, sz)], sem)
                off += sz

        gather(0, rows0_v, sem0)
        gather(1, rows1_v, sem1)

        def body(k, carry):
            j0 = 2 * k
            pltpu.make_async_copy(h_hbm.at[src_v.at[pl.ds(0, ECH)]], rows0_v, sem0).wait()
            pltpu.sync_copy(rows0_v, acc_sh.at[dst_v.at[j0]], add=True)
            gather(jnp.minimum(j0 + 2, NCH - 1), rows0_v, sem0)
            pltpu.make_async_copy(h_hbm.at[src_v.at[pl.ds(0, ECH)]], rows1_v, sem1).wait()
            pltpu.sync_copy(rows1_v, acc_sh.at[dst_v.at[j0 + 1]], add=True)
            gather(jnp.minimum(j0 + 3, NCH - 1), rows1_v, sem1)
            return carry

        lax.fori_loop(0, NCH // 2, body, 0)
        pltpu.make_async_copy(h_hbm.at[src_v.at[pl.ds(0, ECH)]], rows0_v, sem0).wait()
        pltpu.sync_copy(rows0_v, acc_sh.at[dst_v.at[NCH - 1]], add=True)
        pltpu.make_async_copy(h_hbm.at[src_v.at[pl.ds(0, ECH)]], rows1_v, sem1).wait()
        plsc.subcore_barrier()
        pltpu.sync_copy(acc_sh.at[pl.ds(r0, RPTB)],
                        out_hbm.at[c, pl.ds(r0, RPTB)])

        @pl.when(s == NSUB - 1)
        def _():
            pltpu.sync_copy(acc_sh.at[pl.ds(NSUB * RPTB, TAIL)],
                            out_hbm.at[c, pl.ds(NSUB * RPTB, TAIL)])

    return edge_agg


_EDGE_AGG = _make_edge_agg()


def _embed_body(x_ref, tab_ref, out_ref):
    xb = x_ref[0, 0, :]
    oh = (xb[:, None] ==
          lax.broadcasted_iota(jnp.int32, (BN, VOCAB_PAD), 1)).astype(jnp.float32)
    out_ref[...] = jnp.dot(oh, tab_ref[...], preferred_element_type=jnp.float32)


def _embed(x, tab_padded):
    x3 = x.reshape(NBLK, 1, BN)
    return pl.pallas_call(
        _embed_body,
        grid=(NBLK,),
        in_specs=[
            pl.BlockSpec((1, 1, BN), lambda i: (i, 0, 0)),
            pl.BlockSpec((VOCAB_PAD, H), lambda i: (0, 0)),
        ],
        out_specs=pl.BlockSpec((BN, H), lambda i: (i, 0)),
        out_shape=jax.ShapeDtypeStruct((N, H), jnp.float32),
    )(x3, tab_padded)


def _layer_body(eps_ref, h_ref, agg_ref, w1_ref, b1_ref, w2_ref, b2_ref,
                gamma_ref, beta_ref, out_ref, z2_acc, stat_acc):
    p = pl.program_id(0)
    i = pl.program_id(1)

    @pl.when(p == 0)
    def _():
        z = (1.0 + eps_ref[0, 0]) * h_ref[...] + agg_ref[0] + agg_ref[1]
        z1 = jnp.maximum(
            jnp.dot(z, w1_ref[...], preferred_element_type=jnp.float32) + b1_ref[...],
            0.0)
        z2 = jnp.dot(z1, w2_ref[...], preferred_element_type=jnp.float32) + b2_ref[...]
        z2_acc[pl.ds(i * BN, BN), :] = z2

        @pl.when(i == 0)
        def _():
            stat_acc[...] = jnp.zeros_like(stat_acc)

        stat_acc[0:1, :] += jnp.sum(z2, axis=0, keepdims=True)
        stat_acc[1:2, :] += jnp.sum(z2 * z2, axis=0, keepdims=True)

    @pl.when(p == 1)
    def _():
        mu = stat_acc[0:1, :] * (1.0 / N)
        ex2 = stat_acc[1:2, :] * (1.0 / N)
        var = ex2 - mu * mu
        inv = lax.rsqrt(var + 1e-5)
        out_ref[...] = ((z2_acc[pl.ds(i * BN, BN), :] - mu)
                        * (inv * gamma_ref[...])
                        + beta_ref[...] + h_ref[...])


def _layer(eps2, h, agg, w1, b1r, w2, b2r, gammar, betar):
    return pl.pallas_call(
        _layer_body,
        grid=(2, NBLK),
        in_specs=[
            pl.BlockSpec(memory_space=pltpu.SMEM),
            pl.BlockSpec((BN, H), lambda p, i: (i, 0)),
            pl.BlockSpec((NSC, BN, H), lambda p, i: (0, jnp.where(p == 0, i, 0), 0)),
            pl.BlockSpec((H, H), lambda p, i: (0, 0)),
            pl.BlockSpec((1, H), lambda p, i: (0, 0)),
            pl.BlockSpec((H, H), lambda p, i: (0, 0)),
            pl.BlockSpec((1, H), lambda p, i: (0, 0)),
            pl.BlockSpec((1, H), lambda p, i: (0, 0)),
            pl.BlockSpec((1, H), lambda p, i: (0, 0)),
        ],
        out_specs=pl.BlockSpec((BN, H), lambda p, i: (jnp.where(p == 1, i, 0), 0)),
        out_shape=jax.ShapeDtypeStruct((N, H), jnp.float32),
        scratch_shapes=[
            pltpu.VMEM((N, H), jnp.float32),
            pltpu.VMEM((8, H), jnp.float32),
        ],
    )(eps2, h, agg, w1, b1r, w2, b2r, gammar, betar)


def _last_layer_body(eps_ref, h_ref, agg_ref, w1_ref, b1_ref, w2_ref, b2_ref,
                     gamma_ref, beta_ref, b_ref, out_ref, z2_acc, stat_acc,
                     pool_acc):
    p = pl.program_id(0)
    i = pl.program_id(1)

    @pl.when(p == 0)
    def _():
        z = (1.0 + eps_ref[0, 0]) * h_ref[...] + agg_ref[0] + agg_ref[1]
        z1 = jnp.maximum(
            jnp.dot(z, w1_ref[...], preferred_element_type=jnp.float32)
            + b1_ref[...], 0.0)
        z2 = (jnp.dot(z1, w2_ref[...], preferred_element_type=jnp.float32)
              + b2_ref[...])
        z2_acc[pl.ds(i * BN, BN), :] = z2

        @pl.when(i == 0)
        def _():
            stat_acc[...] = jnp.zeros_like(stat_acc)

        stat_acc[0:1, :] += jnp.sum(z2, axis=0, keepdims=True)
        stat_acc[1:2, :] += jnp.sum(z2 * z2, axis=0, keepdims=True)

    @pl.when(p == 1)
    def _():
        mu = stat_acc[0:1, :] * (1.0 / N)
        ex2 = stat_acc[1:2, :] * (1.0 / N)
        var = ex2 - mu * mu
        inv = lax.rsqrt(var + 1e-5)
        z2_acc[pl.ds(i * BN, BN), :] = (
            (z2_acc[pl.ds(i * BN, BN), :] - mu) * (inv * gamma_ref[...])
            + beta_ref[...] + h_ref[...])

    @pl.when(p == 2)
    def _():
        b = b_ref[0, 0, :]
        oht = (lax.broadcasted_iota(jnp.int32, (G, BN), 0) ==
               b[None, :]).astype(jnp.float32)
        part = jnp.dot(oht, z2_acc[pl.ds(i * BN, BN), :],
                       preferred_element_type=jnp.float32)

        @pl.when(i == 0)
        def _():
            pool_acc[...] = jnp.zeros_like(pool_acc)

        pool_acc[...] += part

        @pl.when(i == NBLK - 1)
        def _():
            out_ref[...] = pool_acc[...]


def _last_layer(eps2, h, agg, w1, b1r, w2, b2r, gammar, betar, batch):
    b3 = batch.reshape(NBLK, 1, BN)
    return pl.pallas_call(
        _last_layer_body,
        grid=(3, NBLK),
        in_specs=[
            pl.BlockSpec(memory_space=pltpu.SMEM),
            pl.BlockSpec((BN, H), lambda p, i: (jnp.where(p == 2, 0, i), 0)),
            pl.BlockSpec((NSC, BN, H), lambda p, i: (0, jnp.where(p == 0, i, 0), 0)),
            pl.BlockSpec((H, H), lambda p, i: (0, 0)),
            pl.BlockSpec((1, H), lambda p, i: (0, 0)),
            pl.BlockSpec((H, H), lambda p, i: (0, 0)),
            pl.BlockSpec((1, H), lambda p, i: (0, 0)),
            pl.BlockSpec((1, H), lambda p, i: (0, 0)),
            pl.BlockSpec((1, H), lambda p, i: (0, 0)),
            pl.BlockSpec((1, 1, BN), lambda p, i: (jnp.where(p == 2, i, 0), 0, 0)),
        ],
        out_specs=pl.BlockSpec((G, H), lambda p, i: (0, 0)),
        out_shape=jax.ShapeDtypeStruct((G, H), jnp.float32),
        scratch_shapes=[
            pltpu.VMEM((N, H), jnp.float32),
            pltpu.VMEM((8, H), jnp.float32),
            pltpu.VMEM((G, H), jnp.float32),
        ],
    )(eps2, h, agg, w1, b1r, w2, b2r, gammar, betar, b3)


def kernel(x, edge_index, edge_attr, batch, params):
    del edge_attr
    table = params["atom_table"]
    tab_padded = jnp.concatenate(
        [table, jnp.zeros((VOCAB_PAD - table.shape[0], H), jnp.float32)], axis=0)
    src = edge_index[0].reshape(NTILES, EPT)
    dst = edge_index[1].reshape(NTILES, NCH, ECH)
    zeros_nh = jnp.zeros((N, H), jnp.float32)

    h = _embed(x, tab_padded)
    for li, p in enumerate(params["layers"]):
        agg = _EDGE_AGG(h, src, dst, zeros_nh)
        eps2 = p["eps"].reshape(1, 1)
        args = (eps2, h, agg, p["W1"], p["b1"].reshape(1, H),
                p["W2"], p["b2"].reshape(1, H),
                p["gamma"].reshape(1, H), p["beta"].reshape(1, H))
        if li == len(params["layers"]) - 1:
            return _last_layer(*args, batch)
        h = _layer(*args)

# --- scband reference (transcript-rebuilt; emitter-appended) ---
"""Pipeline reference for scband-arch5-graph-encoder-8254927143545 (READ-ONLY COPY).

The authoritative reference and input builder live on the scoring server;
editing this copy changes nothing except your own understanding.
"""

import jax, jax.numpy as jnp
import numpy as np

N = 10000
E = 320000
H = 128
G = 256
ATOM_VOCAB = 100
BOND_VOCAB = 9
L = 4


def _make_layer_params(key):
    ks = jax.random.split(key, 2)
    s = 1.0 / np.sqrt(H)
    return {
        "eps": jnp.zeros((), dtype=jnp.float32),
        "W1": jax.random.normal(ks[0], (H, H), dtype=jnp.float32) * s,
        "b1": jnp.zeros((H,), dtype=jnp.float32),
        "W2": jax.random.normal(ks[1], (H, H), dtype=jnp.float32) * s,
        "b2": jnp.zeros((H,), dtype=jnp.float32),
        "gamma": jnp.ones((H,), dtype=jnp.float32),
        "beta": jnp.zeros((H,), dtype=jnp.float32),
    }


def setup_inputs(seed: int = 0) -> dict:
    key = jax.random.key(seed)
    ks = jax.random.split(key, 8)
    x = jax.random.randint(ks[0], (N,), 0, ATOM_VOCAB, dtype=jnp.int32)
    edge_index = jax.random.randint(ks[1], (2, E), 0, N, dtype=jnp.int32)
    # bond codes are 1-based in the original module (forward does edge_attr - 1)
    edge_attr = jax.random.randint(ks[2], (E,), 1, BOND_VOCAB, dtype=jnp.int32)
    batch = jnp.sort(jax.random.randint(ks[3], (N,), 0, G, dtype=jnp.int32))
    layer_keys = jax.random.split(ks[4], L)
    params = {
        "atom_table": jax.random.normal(ks[5], (ATOM_VOCAB, H), dtype=jnp.float32) * 0.02,
        "bond_table": jax.random.normal(ks[6], (BOND_VOCAB, H), dtype=jnp.float32) * 0.02,
        "layers": [_make_layer_params(k) for k in layer_keys],
    }
    return {"x": x, "edge_index": edge_index, "edge_attr": edge_attr, "batch": batch, "params": params}


def _batchnorm(z, gamma, beta):
    mu = jnp.mean(z, axis=0)
    var = jnp.var(z, axis=0)
    return (z - mu) / jnp.sqrt(var + 1e-5) * gamma + beta


def _gin_layer(h, edge_index, p):
    src = edge_index[0]
    dst = edge_index[1]
    # sum aggregation of neighbor messages (scatter-add by dst)
    agg = jnp.zeros_like(h).at[dst].add(h[src])
    z = (1.0 + p["eps"]) * h + agg
    z = jnp.maximum(z @ p["W1"] + p["b1"], 0.0)
    z = z @ p["W2"] + p["b2"]
    z = _batchnorm(z, p["gamma"], p["beta"])
    return z + h  # residual; in==out so res_proj is Identity


def reference(x, edge_index, edge_attr, batch, params):
    h = params["atom_table"][x]  # atom_encoder embedding lookup
    _ea = params["bond_table"][edge_attr - 1]  # bond_encoder (unused by conv_type='gin')
    for p in params["layers"]:
        h = _gin_layer(h, edge_index, p)
    # sum graph pool per graph id
    out = jnp.zeros((G, H), dtype=h.dtype).at[batch].add(h)
    return out

if __name__ == "__main__":
    import jax
    _d = setup_inputs()
    print(jax.jit(kernel)(*tuple(_d.values())))

</pallas_src>

<mosaic_0001>
#map = affine_map<(d0, d1) -> (0, 0)>
#map1 = affine_map<(d0, d1) -> (0, 0, 0)>
module attributes {stable_mosaic.version = 14 : i64} {
  func.func @edge_agg(%arg0: i32, %arg1: i32, %arg2: memref<10000x128xf32, #tpu.memory_space<hbm>>, %arg3: memref<32x10000xi32, #tpu.memory_space<hbm>>, %arg4: memref<32x125x80xi32, #tpu.memory_space<hbm>>, %arg5: memref<10000x128xf32, #tpu.memory_space<hbm>>, %arg6: memref<2x10000x128xf32, #tpu.memory_space<hbm>>, %arg7: memref<10000x128xf32, #tpu.memory_space<vmem_shared>>, %arg8: memref<10000xi32, #tpu.memory_space<vmem>>, %arg9: memref<125x80xi32, #tpu.memory_space<vmem>>, %arg10: memref<80x128xf32, #tpu.memory_space<vmem>>, %arg11: memref<80x128xf32, #tpu.memory_space<vmem>>, %arg12: memref<!tpu.dma_semaphore, #tpu.memory_space<semaphore_mem>>, %arg13: memref<!tpu.dma_semaphore, #tpu.memory_space<semaphore_mem>>) attributes {dimension_semantics = [#tpu.dimension_semantics<core_parallel>, #tpu.dimension_semantics<subcore_parallel>], iteration_bounds = array<i64: 2, 16>, scalar_prefetch = 0 : i64, scratch_operands = 7 : i64, tpu.core_type = #tpu.core_type<sc_vector_subcore>, window_params = [{transform_indices = #map}, {transform_indices = #map}, {transform_indices = #map1}, {transform_indices = #map}, {transform_indices = #map1}]} {
    %mul3A = arith.constant 16 : i32
    %mul3A_0 = arith.muli %arg0, %mul3A : i32
    %add3A = arith.addi %mul3A_0, %arg1 : i32
    %mul3A_1 = arith.constant 624 : i32
    %mul3A_2 = arith.muli %arg1, %mul3A_1 : i32
    "tpu.region"() ({
      %run_scoped3A_88 = tpu.sem_alloc : memref<!tpu.dma_semaphore, #tpu.memory_space<semaphore_mem>>
      %dma_start3A_89 = arith.constant 0 : i32
      %dma_start3A_90 = tpu.memref_slice %arg7[%mul3A_2, %dma_start3A_89] : memref<10000x128xf32, #tpu.memory_space<vmem_shared>> -> memref<624x128xf32, #tpu.memory_space<vmem_shared>>
      %dma_start3A_91 = arith.constant 0 : i32
      %dma_start3A_92 = tpu.memref_slice %arg5[%mul3A_2, %dma_start3A_91] : memref<10000x128xf32, #tpu.memory_space<hbm>> -> memref<624x128xf32, #tpu.memory_space<hbm>>
      tpu.enqueue_dma source(%dma_start3A_92 : memref<624x128xf32, #tpu.memory_space<hbm>>) target(%dma_start3A_90 : memref<624x128xf32, #tpu.memory_space<vmem_shared>>) target_semaphore(%run_scoped3A_88 : memref<!tpu.dma_semaphore, #tpu.memory_space<semaphore_mem>>)
      %dma_wait3A_93 = arith.constant 0 : i32
      %dma_wait3A_94 = tpu.memref_slice %arg7[%mul3A_2, %dma_wait3A_93] : memref<10000x128xf32, #tpu.memory_space<vmem_shared>> -> memref<624x128xf32, #tpu.memory_space<vmem_shared>>
      %dma_wait3A_95 = arith.constant 0 : i32
      %dma_wait3A_96 = tpu.memref_slice %arg5[%mul3A_2, %dma_wait3A_95] : memref<10000x128xf32, #tpu.memory_space<hbm>> -> memref<624x128xf32, #tpu.memory_space<hbm>>
      tpu.wait_dma2 semaphore(%run_scoped3A_88 : memref<!tpu.dma_semaphore, #tpu.memory_space<semaphore_mem>>) src(%dma_wait3A_96 : memref<624x128xf32, #tpu.memory_space<hbm>>) dst(%dma_wait3A_94 : memref<624x128xf32, #tpu.memory_space<vmem_shared>>)
      tpu.yield
    }) : () -> ()
    %eq3A = arith.constant 15 : i32
    %eq3A_3 = arith.cmpi eq, %arg1, %eq3A : i32
    %convert_element_type3A = arith.extui %eq3A_3 : i1 to i32
    %cond3A = arith.constant 0 : i32
    %cond3A_4 = arith.cmpi ne, %convert_element_type3A, %cond3A : i32
    scf.if %cond3A_4 {
      "tpu.region"() ({
        %run_scoped3A_88 = tpu.sem_alloc : memref<!tpu.dma_semaphore, #tpu.memory_space<semaphore_mem>>
        %dma_start3A_89 = arith.constant 9984 : i32
        %dma_start3A_90 = arith.constant 0 : i32
        %dma_start3A_91 = tpu.memref_slice %arg7[%dma_start3A_89, %dma_start3A_90] : memref<10000x128xf32, #tpu.memory_space<vmem_shared>> -> memref<16x128xf32, #tpu.memory_space<vmem_shared>>
        %dma_start3A_92 = arith.constant 9984 : i32
        %dma_start3A_93 = arith.constant 0 : i32
        %dma_start3A_94 = tpu.memref_slice %arg5[%dma_start3A_92, %dma_start3A_93] : memref<10000x128xf32, #tpu.memory_space<hbm>> -> memref<16x128xf32, #tpu.memory_space<hbm>>
        tpu.enqueue_dma source(%dma_start3A_94 : memref<16x128xf32, #tpu.memory_space<hbm>>) target(%dma_start3A_91 : memref<16x128xf32, #tpu.memory_space<vmem_shared>>) target_semaphore(%run_scoped3A_88 : memref<!tpu.dma_semaphore, #tpu.memory_space<semaphore_mem>>)
        %dma_wait3A_95 = arith.constant 9984 : i32
        %dma_wait3A_96 = arith.constant 0 : i32
        %dma_wait3A_97 = tpu.memref_slice %arg7[%dma_wait3A_95, %dma_wait3A_96] : memref<10000x128xf32, #tpu.memory_space<vmem_shared>> -> memref<16x128xf32, #tpu.memory_space<vmem_shared>>
        %dma_wait3A_98 = arith.constant 9984 : i32
        %dma_wait3A_99 = arith.constant 0 : i32
        %dma_wait3A_100 = tpu.memref_slice %arg5[%dma_wait3A_98, %dma_wait3A_99] : memref<10000x128xf32, #tpu.memory_space<hbm>> -> memref<16x128xf32, #tpu.memory_space<hbm>>
        tpu.wait_dma2 semaphore(%run_scoped3A_88 : memref<!tpu.dma_semaphore, #tpu.memory_space<semaphore_mem>>) src(%dma_wait3A_100 : memref<16x128xf32, #tpu.memory_space<hbm>>) dst(%dma_wait3A_97 : memref<16x128xf32, #tpu.memory_space<vmem_shared>>)
        tpu.yield
      }) : () -> ()
    } else {
    }
    "tpu.region"() ({
      %run_scoped3A_88 = tpu.sem_alloc : memref<!tpu.dma_semaphore, #tpu.memory_space<semaphore_mem>>
      %dma_start3A_89 = arith.constant 0 : i32
      %dma_start3A_90 = tpu.memref_slice %arg3[%add3A, %dma_start3A_89] : memref<32x10000xi32, #tpu.memory_space<hbm>> -> memref<1x10000xi32, #tpu.memory_space<hbm>>
      %dma_start3A_91 = tpu.memref_squeeze %dma_start3A_90 : memref<1x10000xi32, #tpu.memory_space<hbm>> -> memref<10000xi32, #tpu.memory_space<hbm>>
      %dma_start3A_92 = arith.constant 0 : i32
      %dma_start3A_93 = tpu.memref_slice %arg3[%add3A, %dma_start3A_92] : memref<32x10000xi32, #tpu.memory_space<hbm>> -> memref<1x10000xi32, #tpu.memory_space<hbm>>
      %dma_start3A_94 = tpu.memref_squeeze %dma_start3A_93 : memref<1x10000xi32, #tpu.memory_space<hbm>> -> memref<10000xi32, #tpu.memory_space<hbm>>
      tpu.enqueue_dma source(%dma_start3A_94 : memref<10000xi32, #tpu.memory_space<hbm>>) target(%arg8 : memref<10000xi32, #tpu.memory_space<vmem>>) target_semaphore(%run_scoped3A_88 : memref<!tpu.dma_semaphore, #tpu.memory_space<semaphore_mem>>)
      %dma_wait3A_95 = arith.constant 0 : i32
      %dma_wait3A_96 = tpu.memref_slice %arg3[%add3A, %dma_wait3A_95] : memref<32x10000xi32, #tpu.memory_space<hbm>> -> memref<1x10000xi32, #tpu.memory_space<hbm>>
      %dma_wait3A_97 = tpu.memref_squeeze %dma_wait3A_96 : memref<1x10000xi32, #tpu.memory_space<hbm>> -> memref<10000xi32, #tpu.memory_space<hbm>>
      %dma_wait3A_98 = arith.constant 0 : i32
      %dma_wait3A_99 = tpu.memref_slice %arg3[%add3A, %dma_wait3A_98] : memref<32x10000xi32, #tpu.memory_space<hbm>> -> memref<1x10000xi32, #tpu.memory_space<hbm>>
      %dma_wait3A_100 = tpu.memref_squeeze %dma_wait3A_99 : memref<1x10000xi32, #tpu.memory_space<hbm>> -> memref<10000xi32, #tpu.memory_space<hbm>>
      tpu.wait_dma2 semaphore(%run_scoped3A_88 : memref<!tpu.dma_semaphore, #tpu.memory_space<semaphore_mem>>) src(%dma_wait3A_100 : memref<10000xi32, #tpu.memory_space<hbm>>) dst(%arg8 : memref<10000xi32, #tpu.memory_space<vmem>>)
      tpu.yield
    }) : () -> ()
    "tpu.region"() ({
      %run_scoped3A_88 = tpu.sem_alloc : memref<!tpu.dma_semaphore, #tpu.memory_space<semaphore_mem>>
      %dma_start3A_89 = arith.constant 0 : i32
      %dma_start3A_90 = arith.constant 0 : i32
      %dma_start3A_91 = tpu.memref_slice %arg4[%add3A, %dma_start3A_89, %dma_start3A_90] : memref<32x125x80xi32, #tpu.memory_space<hbm>> -> memref<1x125x80xi32, #tpu.memory_space<hbm>>
      %dma_start3A_92 = tpu.memref_squeeze %dma_start3A_91 : memref<1x125x80xi32, #tpu.memory_space<hbm>> -> memref<125x80xi32, #tpu.memory_space<hbm>>
      %dma_start3A_93 = arith.constant 0 : i32
      %dma_start3A_94 = arith.constant 0 : i32
      %dma_start3A_95 = tpu.memref_slice %arg4[%add3A, %dma_start3A_93, %dma_start3A_94] : memref<32x125x80xi32, #tpu.memory_space<hbm>> -> memref<1x125x80xi32, #tpu.memory_space<hbm>>
      %dma_start3A_96 = tpu.memref_squeeze %dma_start3A_95 : memref<1x125x80xi32, #tpu.memory_space<hbm>> -> memref<125x80xi32, #tpu.memory_space<hbm>>
      tpu.enqueue_dma source(%dma_start3A_96 : memref<125x80xi32, #tpu.memory_space<hbm>>) target(%arg9 : memref<125x80xi32, #tpu.memory_space<vmem>>) target_semaphore(%run_scoped3A_88 : memref<!tpu.dma_semaphore, #tpu.memory_space<semaphore_mem>>)
      %dma_wait3A_97 = arith.constant 0 : i32
      %dma_wait3A_98 = arith.constant 0 : i32
      %dma_wait3A_99 = tpu.memref_slice %arg4[%add3A, %dma_wait3A_97, %dma_wait3A_98] : memref<32x125x80xi32, #tpu.memory_space<hbm>> -> memref<1x125x80xi32, #tpu.memory_space<hbm>>
      %dma_wait3A_100 = tpu.memref_squeeze %dma_wait3A_99 : memref<1x125x80xi32, #tpu.memory_space<hbm>> -> memref<125x80xi32, #tpu.memory_space<hbm>>
      %dma_wait3A_101 = arith.constant 0 : i32
      %dma_wait3A_102 = arith.constant 0 : i32
      %dma_wait3A_103 = tpu.memref_slice %arg4[%add3A, %dma_wait3A_101, %dma_wait3A_102] : memref<32x125x80xi32, #tpu.memory_space<hbm>> -> memref<1x125x80xi32, #tpu.memory_space<hbm>>
      %dma_wait3A_104 = tpu.memref_squeeze %dma_wait3A_103 : memref<1x125x80xi32, #tpu.memory_space<hbm>> -> memref<125x80xi32, #tpu.memory_space<hbm>>
      tpu.wait_dma2 semaphore(%run_scoped3A_88 : memref<!tpu.dma_semaphore, #tpu.memory_space<semaphore_mem>>) src(%dma_wait3A_104 : memref<125x80xi32, #tpu.memory_space<hbm>>) dst(%arg9 : memref<125x80xi32, #tpu.memory_space<vmem>>)
      tpu.yield
    }) : () -> ()
    %barrier3A = arith.constant 0 : index
    tpu.barrier barrier_id(%barrier3A)
    %dma_start3A = arith.constant 0 : i32
    %dma_start3A_5 = arith.constant 0 : i32
    %dma_start3A_6 = tpu.memref_slice %arg10[%dma_start3A, %dma_start3A_5] : memref<80x128xf32, #tpu.memory_space<vmem>> -> memref<24x128xf32, #tpu.memory_space<vmem>>
    %dma_start3A_7 = arith.constant 0 : i32
    %dma_start3A_8 = tpu.memref_slice %arg8[%dma_start3A_7] : memref<10000xi32, #tpu.memory_space<vmem>> -> memref<24xi32, #tpu.memory_space<vmem>>
    %dma_start3A_9 = arith.constant 0 : i32
    %dma_start3A_10 = arith.constant 0 : i32
    %dma_start3A_11 = tpu.memref_slice %arg2[%dma_start3A_9, %dma_start3A_10] : memref<10000x128xf32, #tpu.memory_space<hbm>> -> memref<10000x128xf32, #tpu.memory_space<hbm>>
    tpu.enqueue_indirect_dma source(%dma_start3A_11 : memref<10000x128xf32, #tpu.memory_space<hbm>>) target(%dma_start3A_6 : memref<24x128xf32, #tpu.memory_space<vmem>>) offsets(%dma_start3A_8 : memref<24xi32, #tpu.memory_space<vmem>>) semaphore(%arg12 : memref<!tpu.dma_semaphore, #tpu.memory_space<semaphore_mem>>)
    %dma_start3A_12 = arith.constant 24 : i32
    %dma_start3A_13 = arith.constant 0 : i32
    %dma_start3A_14 = tpu.memref_slice %arg10[%dma_start3A_12, %dma_start3A_13] : memref<80x128xf32, #tpu.memory_space<vmem>> -> memref<16x128xf32, #tpu.memory_space<vmem>>
    %dma_start3A_15 = arith.constant 24 : i32
    %dma_start3A_16 = tpu.memref_slice %arg8[%dma_start3A_15] : memref<10000xi32, #tpu.memory_space<vmem>> -> memref<16xi32, #tpu.memory_space<vmem>>
    %dma_start3A_17 = arith.constant 0 : i32
    %dma_start3A_18 = arith.constant 0 : i32
    %dma_start3A_19 = tpu.memref_slice %arg2[%dma_start3A_17, %dma_start3A_18] : memref<10000x128xf32, #tpu.memory_space<hbm>> -> memref<10000x128xf32, #tpu.memory_space<hbm>>
    tpu.enqueue_indirect_dma source(%dma_start3A_19 : memref<10000x128xf32, #tpu.memory_space<hbm>>) target(%dma_start3A_14 : memref<16x128xf32, #tpu.memory_space<vmem>>) offsets(%dma_start3A_16 : memref<16xi32, #tpu.memory_space<vmem>>) semaphore(%arg12 : memref<!tpu.dma_semaphore, #tpu.memory_space<semaphore_mem>>)
    %dma_start3A_20 = arith.constant 40 : i32
    %dma_start3A_21 = arith.constant 0 : i32
    %dma_start3A_22 = tpu.memref_slice %arg10[%dma_start3A_20, %dma_start3A_21] : memref<80x128xf32, #tpu.memory_space<vmem>> -> memref<24x128xf32, #tpu.memory_space<vmem>>
    %dma_start3A_23 = arith.constant 40 : i32
    %dma_start3A_24 = tpu.memref_slice %arg8[%dma_start3A_23] : memref<10000xi32, #tpu.memory_space<vmem>> -> memref<24xi32, #tpu.memory_space<vmem>>
    %dma_start3A_25 = arith.constant 0 : i32
    %dma_start3A_26 = arith.constant 0 : i32
    %dma_start3A_27 = tpu.memref_slice %arg2[%dma_start3A_25, %dma_start3A_26] : memref<10000x128xf32, #tpu.memory_space<hbm>> -> memref<10000x128xf32, #tpu.memory_space<hbm>>
    tpu.enqueue_indirect_dma source(%dma_start3A_27 : memref<10000x128xf32, #tpu.memory_space<hbm>>) target(%dma_start3A_22 : memref<24x128xf32, #tpu.memory_space<vmem>>) offsets(%dma_start3A_24 : memref<24xi32, #tpu.memory_space<vmem>>) semaphore(%arg12 : memref<!tpu.dma_semaphore, #tpu.memory_space<semaphore_mem>>)
    %dma_start3A_28 = arith.constant 64 : i32
    %dma_start3A_29 = arith.constant 0 : i32
    %dma_start3A_30 = tpu.memref_slice %arg10[%dma_start3A_28, %dma_start3A_29] : memref<80x128xf32, #tpu.memory_space<vmem>> -> memref<16x128xf32, #tpu.memory_space<vmem>>
    %dma_start3A_31 = arith.constant 64 : i32
    %dma_start3A_32 = tpu.memref_slice %arg8[%dma_start3A_31] : memref<10000xi32, #tpu.memory_space<vmem>> -> memref<16xi32, #tpu.memory_space<vmem>>
    %dma_start3A_33 = arith.constant 0 : i32
    %dma_start3A_34 = arith.constant 0 : i32
    %dma_start3A_35 = tpu.memref_slice %arg2[%dma_start3A_33, %dma_start3A_34] : memref<10000x128xf32, #tpu.memory_space<hbm>> -> memref<10000x128xf32, #tpu.memory_space<hbm>>
    tpu.enqueue_indirect_dma source(%dma_start3A_35 : memref<10000x128xf32, #tpu.memory_space<hbm>>) target(%dma_start3A_30 : memref<16x128xf32, #tpu.memory_space<vmem>>) offsets(%dma_start3A_32 : memref<16xi32, #tpu.memory_space<vmem>>) semaphore(%arg12 : memref<!tpu.dma_semaphore, #tpu.memory_space<semaphore_mem>>)
    %dma_start3A_36 = arith.constant 0 : i32
    %dma_start3A_37 = arith.constant 0 : i32
    %dma_start3A_38 = tpu.memref_slice %arg11[%dma_start3A_36, %dma_start3A_37] : memref<80x128xf32, #tpu.memory_space<vmem>> -> memref<24x128xf32, #tpu.memory_space<vmem>>
    %dma_start3A_39 = arith.constant 80 : i32
    %dma_start3A_40 = tpu.memref_slice %arg8[%dma_start3A_39] : memref<10000xi32, #tpu.memory_space<vmem>> -> memref<24xi32, #tpu.memory_space<vmem>>
    %dma_start3A_41 = arith.constant 0 : i32
    %dma_start3A_42 = arith.constant 0 : i32
    %dma_start3A_43 = tpu.memref_slice %arg2[%dma_start3A_41, %dma_start3A_42] : memref<10000x128xf32, #tpu.memory_space<hbm>> -> memref<10000x128xf32, #tpu.memory_space<hbm>>
    tpu.enqueue_indirect_dma source(%dma_start3A_43 : memref<10000x128xf32, #tpu.memory_space<hbm>>) target(%dma_start3A_38 : memref<24x128xf32, #tpu.memory_space<vmem>>) offsets(%dma_start3A_40 : memref<24xi32, #tpu.memory_space<vmem>>) semaphore(%arg13 : memref<!tpu.dma_semaphore, #tpu.memory_space<semaphore_mem>>)
    %dma_start3A_44 = arith.constant 24 : i32
    %dma_start3A_45 = arith.constant 0 : i32
    %dma_start3A_46 = tpu.memref_slice %arg11[%dma_start3A_44, %dma_start3A_45] : memref<80x128xf32, #tpu.memory_space<vmem>> -> memref<16x128xf32, #tpu.memory_space<vmem>>
    %dma_start3A_47 = arith.constant 104 : i32
    %dma_start3A_48 = tpu.memref_slice %arg8[%dma_start3A_47] : memref<10000xi32, #tpu.memory_space<vmem>> -> memref<16xi32, #tpu.memory_space<vmem>>
    %dma_start3A_49 = arith.constant 0 : i32
    %dma_start3A_50 = arith.constant 0 : i32
    %dma_start3A_51 = tpu.memref_slice %arg2[%dma_start3A_49, %dma_start3A_50] : memref<10000x128xf32, #tpu.memory_space<hbm>> -> memref<10000x128xf32, #tpu.memory_space<hbm>>
    tpu.enqueue_indirect_dma source(%dma_start3A_51 : memref<10000x128xf32, #tpu.memory_space<hbm>>) target(%dma_start3A_46 : memref<16x128xf32, #tpu.memory_space<vmem>>) offsets(%dma_start3A_48 : memref<16xi32, #tpu.memory_space<vmem>>) semaphore(%arg13 : memref<!tpu.dma_semaphore, #tpu.memory_space<semaphore_mem>>)
    %dma_start3A_52 = arith.constant 40 : i32
    %dma_start3A_53 = arith.constant 0 : i32
    %dma_start3A_54 = tpu.memref_slice %arg11[%dma_start3A_52, %dma_start3A_53] : memref<80x128xf32, #tpu.memory_space<vmem>> -> memref<24x128xf32, #tpu.memory_space<vmem>>
    %dma_start3A_55 = arith.constant 120 : i32
    %dma_start3A_56 = tpu.memref_slice %arg8[%dma_start3A_55] : memref<10000xi32, #tpu.memory_space<vmem>> -> memref<24xi32, #tpu.memory_space<vmem>>
    %dma_start3A_57 = arith.constant 0 : i32
    %dma_start3A_58 = arith.constant 0 : i32
    %dma_start3A_59 = tpu.memref_slice %arg2[%dma_start3A_57, %dma_start3A_58] : memref<10000x128xf32, #tpu.memory_space<hbm>> -> memref<10000x128xf32, #tpu.memory_space<hbm>>
    tpu.enqueue_indirect_dma source(%dma_start3A_59 : memref<10000x128xf32, #tpu.memory_space<hbm>>) target(%dma_start3A_54 : memref<24x128xf32, #tpu.memory_space<vmem>>) offsets(%dma_start3A_56 : memref<24xi32, #tpu.memory_space<vmem>>) semaphore(%arg13 : memref<!tpu.dma_semaphore, #tpu.memory_space<semaphore_mem>>)
    %dma_start3A_60 = arith.constant 64 : i32
    %dma_start3A_61 = arith.constant 0 : i32
    %dma_start3A_62 = tpu.memref_slice %arg11[%dma_start3A_60, %dma_start3A_61] : memref<80x128xf32, #tpu.memory_space<vmem>> -> memref<16x128xf32, #tpu.memory_space<vmem>>
    %dma_start3A_63 = arith.constant 144 : i32
    %dma_start3A_64 = tpu.memref_slice %arg8[%dma_start3A_63] : memref<10000xi32, #tpu.memory_space<vmem>> -> memref<16xi32, #tpu.memory_space<vmem>>
    %dma_start3A_65 = arith.constant 0 : i32
    %dma_start3A_66 = arith.constant 0 : i32
    %dma_start3A_67 = tpu.memref_slice %arg2[%dma_start3A_65, %dma_start3A_66] : memref<10000x128xf32, #tpu.memory_space<hbm>> -> memref<10000x128xf32, #tpu.memory_space<hbm>>
    tpu.enqueue_indirect_dma source(%dma_start3A_67 : memref<10000x128xf32, #tpu.memory_space<hbm>>) target(%dma_start3A_62 : memref<16x128xf32, #tpu.memory_space<vmem>>) offsets(%dma_start3A_64 : memref<16xi32, #tpu.memory_space<vmem>>) semaphore(%arg13 : memref<!tpu.dma_semaphore, #tpu.memory_space<semaphore_mem>>)
    %scan3A = arith.constant 0 : i32
    %scan3A_68 = arith.constant 0 : i32
    %scan3A_69 = arith.constant 62 : i32
    %scan3A_70 = arith.addi %scan3A_68, %scan3A_69 : i32
    %scan3A_71 = arith.constant 1 : i32
    scf.for %scan3A_88 = %scan3A_68 to %scan3A_70 step %scan3A_71  : i32 {
      %mul3A_89 = arith.constant 2 : i32
      %mul3A_90 = arith.muli %mul3A_89, %scan3A_88 : i32
      %dma_wait3A_91 = arith.constant 0 : i32
      %dma_wait3A_92 = tpu.memref_slice %arg8[%dma_wait3A_91] : memref<10000xi32, #tpu.memory_space<vmem>> -> memref<80xi32, #tpu.memory_space<vmem>>
      %dma_wait3A_93 = arith.constant 0 : i32
      %dma_wait3A_94 = arith.constant 0 : i32
      %dma_wait3A_95 = tpu.memref_slice %arg2[%dma_wait3A_93, %dma_wait3A_94] : memref<10000x128xf32, #tpu.memory_space<hbm>> -> memref<10000x128xf32, #tpu.memory_space<hbm>>
      tpu.wait_indirect_dma semaphore(%arg12 : memref<!tpu.dma_semaphore, #tpu.memory_space<semaphore_mem>>) src(%dma_wait3A_95 : memref<10000x128xf32, #tpu.memory_space<hbm>>) dst(%arg10 : memref<80x128xf32, #tpu.memory_space<vmem>>)
      "tpu.region"() ({
        %run_scoped3A_198 = tpu.sem_alloc : memref<!tpu.dma_semaphore, #tpu.memory_space<semaphore_mem>>
        %dma_start3A_199 = arith.constant 0 : i32
        %dma_start3A_200 = tpu.memref_slice %arg9[%mul3A_90, %dma_start3A_199] : memref<125x80xi32, #tpu.memory_space<vmem>> -> memref<1x80xi32, #tpu.memory_space<vmem>>
        %dma_start3A_201 = tpu.memref_squeeze %dma_start3A_200 : memref<1x80xi32, #tpu.memory_space<vmem>> -> memref<80xi32, #tpu.memory_space<vmem>>
        %dma_start3A_202 = arith.constant 0 : i32
        %dma_start3A_203 = arith.constant 0 : i32
        %dma_start3A_204 = tpu.memref_slice %arg7[%dma_start3A_202, %dma_start3A_203] : memref<10000x128xf32, #tpu.memory_space<vmem_shared>> -> memref<10000x128xf32, #tpu.memory_space<vmem_shared>>
        tpu.enqueue_indirect_dma source(%arg10 : memref<80x128xf32, #tpu.memory_space<vmem>>) target(%dma_start3A_204 : memref<10000x128xf32, #tpu.memory_space<vmem_shared>>) offsets(%dma_start3A_201 : memref<80xi32, #tpu.memory_space<vmem>>) semaphore(%run_scoped3A_198 : memref<!tpu.dma_semaphore, #tpu.memory_space<semaphore_mem>>) {add = true}
        %dma_wait3A_205 = arith.constant 0 : i32
        %dma_wait3A_206 = tpu.memref_slice %arg9[%mul3A_90, %dma_wait3A_205] : memref<125x80xi32, #tpu.memory_space<vmem>> -> memref<1x80xi32, #tpu.memory_space<vmem>>
        %dma_wait3A_207 = tpu.memref_squeeze %dma_wait3A_206 : memref<1x80xi32, #tpu.memory_space<vmem>> -> memref<80xi32, #tpu.memory_space<vmem>>
        %dma_wait3A_208 = arith.constant 0 : i32
        %dma_wait3A_209 = arith.constant 0 : i32
        %dma_wait3A_210 = tpu.memref_slice %arg7[%dma_wait3A_208, %dma_wait3A_209] : memref<10000x128xf32, #tpu.memory_space<vmem_shared>> -> memref<10000x128xf32, #tpu.memory_space<vmem_shared>>
        tpu.wait_indirect_dma semaphore(%run_scoped3A_198 : memref<!tpu.dma_semaphore, #tpu.memory_space<semaphore_mem>>) src(%arg10 : memref<80x128xf32, #tpu.memory_space<vmem>>) dst(%dma_wait3A_210 : memref<10000x128xf32, #tpu.memory_space<vmem_shared>>)
        tpu.yield
      }) : () -> ()
      %add3A_96 = arith.constant 2 : i32
      %add3A_97 = arith.addi %mul3A_90, %add3A_96 : i32
      %min3A = arith.constant 124 : i32
      %min3A_98 = arith.minsi %add3A_97, %min3A : i32
      %mul3A_99 = arith.constant 80 : i32
      %mul3A_100 = arith.muli %min3A_98, %mul3A_99 : i32
      %add3A_101 = arith.constant 0 : i32
      %add3A_102 = arith.addi %mul3A_100, %add3A_101 : i32
      %dma_start3A_103 = arith.constant 0 : i32
      %dma_start3A_104 = arith.constant 0 : i32
      %dma_start3A_105 = tpu.memref_slice %arg10[%dma_start3A_103, %dma_start3A_104] : memref<80x128xf32, #tpu.memory_space<vmem>> -> memref<24x128xf32, #tpu.memory_space<vmem>>
      %dma_start3A_106 = tpu.memref_slice %arg8[%add3A_102] : memref<10000xi32, #tpu.memory_space<vmem>> -> memref<24xi32, #tpu.memory_space<vmem>>
      %dma_start3A_107 = arith.constant 0 : i32
      %dma_start3A_108 = arith.constant 0 : i32
      %dma_start3A_109 = tpu.memref_slice %arg2[%dma_start3A_107, %dma_start3A_108] : memref<10000x128xf32, #tpu.memory_space<hbm>> -> memref<10000x128xf32, #tpu.memory_space<hbm>>
      tpu.enqueue_indirect_dma source(%dma_start3A_109 : memref<10000x128xf32, #tpu.memory_space<hbm>>) target(%dma_start3A_105 : memref<24x128xf32, #tpu.memory_space<vmem>>) offsets(%dma_start3A_106 : memref<24xi32, #tpu.memory_space<vmem>>) semaphore(%arg12 : memref<!tpu.dma_semaphore, #tpu.memory_space<semaphore_mem>>)
      %mul3A_110 = arith.constant 80 : i32
      %mul3A_111 = arith.muli %min3A_98, %mul3A_110 : i32
      %add3A_112 = arith.constant 24 : i32
      %add3A_113 = arith.addi %mul3A_111, %add3A_112 : i32
      %dma_start3A_114 = arith.constant 24 : i32
      %dma_start3A_115 = arith.constant 0 : i32
      %dma_start3A_116 = tpu.memref_slice %arg10[%dma_start3A_114, %dma_start3A_115] : memref<80x128xf32, #tpu.memory_space<vmem>> -> memref<16x128xf32, #tpu.memory_space<vmem>>
      %dma_start3A_117 = tpu.memref_slice %arg8[%add3A_113] : memref<10000xi32, #tpu.memory_space<vmem>> -> memref<16xi32, #tpu.memory_space<vmem>>
      %dma_start3A_118 = arith.constant 0 : i32
      %dma_start3A_119 = arith.constant 0 : i32
      %dma_start3A_120 = tpu.memref_slice %arg2[%dma_start3A_118, %dma_start3A_119] : memref<10000x128xf32, #tpu.memory_space<hbm>> -> memref<10000x128xf32, #tpu.memory_space<hbm>>
      tpu.enqueue_indirect_dma source(%dma_start3A_120 : memref<10000x128xf32, #tpu.memory_space<hbm>>) target(%dma_start3A_116 : memref<16x128xf32, #tpu.memory_space<vmem>>) offsets(%dma_start3A_117 : memref<16xi32, #tpu.memory_space<vmem>>) semaphore(%arg12 : memref<!tpu.dma_semaphore, #tpu.memory_space<semaphore_mem>>)
      %mul3A_121 = arith.constant 80 : i32
      %mul3A_122 = arith.muli %min3A_98, %mul3A_121 : i32
      %add3A_123 = arith.constant 40 : i32
      %add3A_124 = arith.addi %mul3A_122, %add3A_123 : i32
      %dma_start3A_125 = arith.constant 40 : i32
      %dma_start3A_126 = arith.constant 0 : i32
      %dma_start3A_127 = tpu.memref_slice %arg10[%dma_start3A_125, %dma_start3A_126] : memref<80x128xf32, #tpu.memory_space<vmem>> -> memref<24x128xf32, #tpu.memory_space<vmem>>
      %dma_start3A_128 = tpu.memref_slice %arg8[%add3A_124] : memref<10000xi32, #tpu.memory_space<vmem>> -> memref<24xi32, #tpu.memory_space<vmem>>
      %dma_start3A_129 = arith.constant 0 : i32
      %dma_start3A_130 = arith.constant 0 : i32
      %dma_start3A_131 = tpu.memref_slice %arg2[%dma_start3A_129, %dma_start3A_130] : memref<10000x128xf32, #tpu.memory_space<hbm>> -> memref<10000x128xf32, #tpu.memory_space<hbm>>
      tpu.enqueue_indirect_dma source(%dma_start3A_131 : memref<10000x128xf32, #tpu.memory_space<hbm>>) target(%dma_start3A_127 : memref<24x128xf32, #tpu.memory_space<vmem>>) offsets(%dma_start3A_128 : memref<24xi32, #tpu.memory_space<vmem>>) semaphore(%arg12 : memref<!tpu.dma_semaphore, #tpu.memory_space<semaphore_mem>>)
      %mul3A_132 = arith.constant 80 : i32
      %mul3A_133 = arith.muli %min3A_98, %mul3A_132 : i32
      %add3A_134 = arith.constant 64 : i32
      %add3A_135 = arith.addi %mul3A_133, %add3A_134 : i32
      %dma_start3A_136 = arith.constant 64 : i32
      %dma_start3A_137 = arith.constant 0 : i32
      %dma_start3A_138 = tpu.memref_slice %arg10[%dma_start3A_136, %dma_start3A_137] : memref<80x128xf32, #tpu.memory_space<vmem>> -> memref<16x128xf32, #tpu.memory_space<vmem>>
      %dma_start3A_139 = tpu.memref_slice %arg8[%add3A_135] : memref<10000xi32, #tpu.memory_space<vmem>> -> memref<16xi32, #tpu.memory_space<vmem>>
      %dma_start3A_140 = arith.constant 0 : i32
      %dma_start3A_141 = arith.constant 0 : i32
      %dma_start3A_142 = tpu.memref_slice %arg2[%dma_start3A_140, %dma_start3A_141] : memref<10000x128xf32, #tpu.memory_space<hbm>> -> memref<10000x128xf32, #tpu.memory_space<hbm>>
      tpu.enqueue_indirect_dma source(%dma_start3A_142 : memref<10000x128xf32, #tpu.memory_space<hbm>>) target(%dma_start3A_138 : memref<16x128xf32, #tpu.memory_space<vmem>>) offsets(%dma_start3A_139 : memref<16xi32, #tpu.memory_space<vmem>>) semaphore(%arg12 : memref<!tpu.dma_semaphore, #tpu.memory_space<semaphore_mem>>)
      %dma_wait3A_143 = arith.constant 0 : i32
      %dma_wait3A_144 = tpu.memref_slice %arg8[%dma_wait3A_143] : memref<10000xi32, #tpu.memory_space<vmem>> -> memref<80xi32, #tpu.memory_space<vmem>>
      %dma_wait3A_145 = arith.constant 0 : i32
      %dma_wait3A_146 = arith.constant 0 : i32
      %dma_wait3A_147 = tpu.memref_slice %arg2[%dma_wait3A_145, %dma_wait3A_146] : memref<10000x128xf32, #tpu.memory_space<hbm>> -> memref<10000x128xf32, #tpu.memory_space<hbm>>
      tpu.wait_indirect_dma semaphore(%arg13 : memref<!tpu.dma_semaphore, #tpu.memory_space<semaphore_mem>>) src(%dma_wait3A_147 : memref<10000x128xf32, #tpu.memory_space<hbm>>) dst(%arg11 : memref<80x128xf32, #tpu.memory_space<vmem>>)
      %add3A_148 = arith.constant 1 : i32
      %add3A_149 = arith.addi %mul3A_90, %add3A_148 : i32
      "tpu.region"() ({
        %run_scoped3A_198 = tpu.sem_alloc : memref<!tpu.dma_semaphore, #tpu.memory_space<semaphore_mem>>
        %dma_start3A_199 = arith.constant 0 : i32
        %dma_start3A_200 = tpu.memref_slice %arg9[%add3A_149, %dma_start3A_199] : memref<125x80xi32, #tpu.memory_space<vmem>> -> memref<1x80xi32, #tpu.memory_space<vmem>>
        %dma_start3A_201 = tpu.memref_squeeze %dma_start3A_200 : memref<1x80xi32, #tpu.memory_space<vmem>> -> memref<80xi32, #tpu.memory_space<vmem>>
        %dma_start3A_202 = arith.constant 0 : i32
        %dma_start3A_203 = arith.constant 0 : i32
        %dma_start3A_204 = tpu.memref_slice %arg7[%dma_start3A_202, %dma_start3A_203] : memref<10000x128xf32, #tpu.memory_space<vmem_shared>> -> memref<10000x128xf32, #tpu.memory_space<vmem_shared>>
        tpu.enqueue_indirect_dma source(%arg11 : memref<80x128xf32, #tpu.memory_space<vmem>>) target(%dma_start3A_204 : memref<10000x128xf32, #tpu.memory_space<vmem_shared>>) offsets(%dma_start3A_201 : memref<80xi32, #tpu.memory_space<vmem>>) semaphore(%run_scoped3A_198 : memref<!tpu.dma_semaphore, #tpu.memory_space<semaphore_mem>>) {add = true}
        %dma_wait3A_205 = arith.constant 0 : i32
        %dma_wait3A_206 = tpu.memref_slice %arg9[%add3A_149, %dma_wait3A_205] : memref<125x80xi32, #tpu.memory_space<vmem>> -> memref<1x80xi32, #tpu.memory_space<vmem>>
        %dma_wait3A_207 = tpu.memref_squeeze %dma_wait3A_206 : memref<1x80xi32, #tpu.memory_space<vmem>> -> memref<80xi32, #tpu.memory_space<vmem>>
        %dma_wait3A_208 = arith.constant 0 : i32
        %dma_wait3A_209 = arith.constant 0 : i32
        %dma_wait3A_210 = tpu.memref_slice %arg7[%dma_wait3A_208, %dma_wait3A_209] : memref<10000x128xf32, #tpu.memory_space<vmem_shared>> -> memref<10000x128xf32, #tpu.memory_space<vmem_shared>>
        tpu.wait_indirect_dma semaphore(%run_scoped3A_198 : memref<!tpu.dma_semaphore, #tpu.memory_space<semaphore_mem>>) src(%arg11 : memref<80x128xf32, #tpu.memory_space<vmem>>) dst(%dma_wait3A_210 : memref<10000x128xf32, #tpu.memory_space<vmem_shared>>)
        tpu.yield
      }) : () -> ()
      %add3A_150 = arith.constant 3 : i32
      %add3A_151 = arith.addi %mul3A_90, %add3A_150 : i32
      %min3A_152 = arith.constant 124 : i32
      %min3A_153 = arith.minsi %add3A_151, %min3A_152 : i32
      %mul3A_154 = arith.constant 80 : i32
      %mul3A_155 = arith.muli %min3A_153, %mul3A_154 : i32
      %add3A_156 = arith.constant 0 : i32
      %add3A_157 = arith.addi %mul3A_155, %add3A_156 : i32
      %dma_start3A_158 = arith.constant 0 : i32
      %dma_start3A_159 = arith.constant 0 : i32
      %dma_start3A_160 = tpu.memref_slice %arg11[%dma_start3A_158, %dma_start3A_159] : memref<80x128xf32, #tpu.memory_space<vmem>> -> memref<24x128xf32, #tpu.memory_space<vmem>>
      %dma_start3A_161 = tpu.memref_slice %arg8[%add3A_157] : memref<10000xi32, #tpu.memory_space<vmem>> -> memref<24xi32, #tpu.memory_space<vmem>>
      %dma_start3A_162 = arith.constant 0 : i32
      %dma_start3A_163 = arith.constant 0 : i32
      %dma_start3A_164 = tpu.memref_slice %arg2[%dma_start3A_162, %dma_start3A_163] : memref<10000x128xf32, #tpu.memory_space<hbm>> -> memref<10000x128xf32, #tpu.memory_space<hbm>>
      tpu.enqueue_indirect_dma source(%dma_start3A_164 : memref<10000x128xf32, #tpu.memory_space<hbm>>) target(%dma_start3A_160 : memref<24x128xf32, #tpu.memory_space<vmem>>) offsets(%dma_start3A_161 : memref<24xi32, #tpu.memory_space<vmem>>) semaphore(%arg13 : memref<!tpu.dma_semaphore, #tpu.memory_space<semaphore_mem>>)
      %mul3A_165 = arith.constant 80 : i32
      %mul3A_166 = arith.muli %min3A_153, %mul3A_165 : i32
      %add3A_167 = arith.constant 24 : i32
      %add3A_168 = arith.addi %mul3A_166, %add3A_167 : i32
      %dma_start3A_169 = arith.constant 24 : i32
      %dma_start3A_170 = arith.constant 0 : i32
      %dma_start3A_171 = tpu.memref_slice %arg11[%dma_start3A_169, %dma_start3A_170] : memref<80x128xf32, #tpu.memory_space<vmem>> -> memref<16x128xf32, #tpu.memory_space<vmem>>
      %dma_start3A_172 = tpu.memref_slice %arg8[%add3A_168] : memref<10000xi32, #tpu.memory_space<vmem>> -> memref<16xi32, #tpu.memory_space<vmem>>
      %dma_start3A_173 = arith.constant 0 : i32
      %dma_start3A_174 = arith.constant 0 : i32
      %dma_start3A_175 = tpu.memref_slice %arg2[%dma_start3A_173, %dma_start3A_174] : memref<10000x128xf32, #tpu.memory_space<hbm>> -> memref<10000x128xf32, #tpu.memory_space<hbm>>
      tpu.enqueue_indirect_dma source(%dma_start3A_175 : memref<10000x128xf32, #tpu.memory_space<hbm>>) target(%dma_start3A_171 : memref<16x128xf32, #tpu.memory_space<vmem>>) offsets(%dma_start3A_172 : memref<16xi32, #tpu.memory_space<vmem>>) semaphore(%arg13 : memref<!tpu.dma_semaphore, #tpu.memory_space<semaphore_mem>>)
      %mul3A_176 = arith.constant 80 : i32
      %mul3A_177 = arith.muli %min3A_153, %mul3A_176 : i32
      %add3A_178 = arith.constant 40 : i32
      %add3A_179 = arith.addi %mul3A_177, %add3A_178 : i32
      %dma_start3A_180 = arith.constant 40 : i32
      %dma_start3A_181 = arith.constant 0 : i32
      %dma_start3A_182 = tpu.memref_slice %arg11[%dma_start3A_180, %dma_start3A_181] : memref<80x128xf32, #tpu.memory_space<vmem>> -> memref<24x128xf32, #tpu.memory_space<vmem>>
      %dma_start3A_183 = tpu.memref_slice %arg8[%add3A_179] : memref<10000xi32, #tpu.memory_space<vmem>> -> memref<24xi32, #tpu.memory_space<vmem>>
      %dma_start3A_184 = arith.constant 0 : i32
      %dma_start3A_185 = arith.constant 0 : i32
      %dma_start3A_186 = tpu.memref_slice %arg2[%dma_start3A_184, %dma_start3A_185] : memref<10000x128xf32, #tpu.memory_space<hbm>> -> memref<10000x128xf32, #tpu.memory_space<hbm>>
      tpu.enqueue_indirect_dma source(%dma_start3A_186 : memref<10000x128xf32, #tpu.memory_space<hbm>>) target(%dma_start3A_182 : memref<24x128xf32, #tpu.memory_space<vmem>>) offsets(%dma_start3A_183 : memref<24xi32, #tpu.memory_space<vmem>>) semaphore(%arg13 : memref<!tpu.dma_semaphore, #tpu.memory_space<semaphore_mem>>)
      %mul3A_187 = arith.constant 80 : i32
      %mul3A_188 = arith.muli %min3A_153, %mul3A_187 : i32
      %add3A_189 = arith.constant 64 : i32
      %add3A_190 = arith.addi %mul3A_188, %add3A_189 : i32
      %dma_start3A_191 = arith.constant 64 : i32
      %dma_start3A_192 = arith.constant 0 : i32
      %dma_start3A_193 = tpu.memref_slice %arg11[%dma_start3A_191, %dma_start3A_192] : memref<80x128xf32, #tpu.memory_space<vmem>> -> memref<16x128xf32, #tpu.memory_space<vmem>>
      %dma_start3A_194 = tpu.memref_slice %arg8[%add3A_190] : memref<10000xi32, #tpu.memory_space<vmem>> -> memref<16xi32, #tpu.memory_space<vmem>>
      %dma_start3A_195 = arith.constant 0 : i32
      %dma_start3A_196 = arith.constant 0 : i32
      %dma_start3A_197 = tpu.memref_slice %arg2[%dma_start3A_195, %dma_start3A_196] : memref<10000x128xf32, #tpu.memory_space<hbm>> -> memref<10000x128xf32, #tpu.memory_space<hbm>>
      tpu.enqueue_indirect_dma source(%dma_start3A_197 : memref<10000x128xf32, #tpu.memory_space<hbm>>) target(%dma_start3A_193 : memref<16x128xf32, #tpu.memory_space<vmem>>) offsets(%dma_start3A_194 : memref<16xi32, #tpu.memory_space<vmem>>) semaphore(%arg13 : memref<!tpu.dma_semaphore, #tpu.memory_space<semaphore_mem>>)
    }
    %scan3A_72 = arith.constant 62 : i32
    %dma_wait3A = arith.constant 0 : i32
    %dma_wait3A_73 = tpu.memref_slice %arg8[%dma_wait3A] : memref<10000xi32, #tpu.memory_space<vmem>> -> memref<80xi32, #tpu.memory_space<vmem>>
    %dma_wait3A_74 = arith.constant 0 : i32
    %dma_wait3A_75 = arith.constant 0 : i32
    %dma_wait3A_76 = tpu.memref_slice %arg2[%dma_wait3A_74, %dma_wait3A_75] : memref<10000x128xf32, #tpu.memory_space<hbm>> -> memref<10000x128xf32, #tpu.memory_space<hbm>>
    tpu.wait_indirect_dma semaphore(%arg12 : memref<!tpu.dma_semaphore, #tpu.memory_space<semaphore_mem>>) src(%dma_wait3A_76 : memref<10000x128xf32, #tpu.memory_space<hbm>>) dst(%arg10 : memref<80x128xf32, #tpu.memory_space<vmem>>)
    %run_scoped3A = arith.constant 124 : i32
    "tpu.region"() ({
      %run_scoped3A_88 = tpu.sem_alloc : memref<!tpu.dma_semaphore, #tpu.memory_space<semaphore_mem>>
      %dma_start3A_89 = arith.constant 0 : i32
      %dma_start3A_90 = tpu.memref_slice %arg9[%run_scoped3A, %dma_start3A_89] : memref<125x80xi32, #tpu.memory_space<vmem>> -> memref<1x80xi32, #tpu.memory_space<vmem>>
      %dma_start3A_91 = tpu.memref_squeeze %dma_start3A_90 : memref<1x80xi32, #tpu.memory_space<vmem>> -> memref<80xi32, #tpu.memory_space<vmem>>
      %dma_start3A_92 = arith.constant 0 : i32
      %dma_start3A_93 = arith.constant 0 : i32
      %dma_start3A_94 = tpu.memref_slice %arg7[%dma_start3A_92, %dma_start3A_93] : memref<10000x128xf32, #tpu.memory_space<vmem_shared>> -> memref<10000x128xf32, #tpu.memory_space<vmem_shared>>
      tpu.enqueue_indirect_dma source(%arg10 : memref<80x128xf32, #tpu.memory_space<vmem>>) target(%dma_start3A_94 : memref<10000x128xf32, #tpu.memory_space<vmem_shared>>) offsets(%dma_start3A_91 : memref<80xi32, #tpu.memory_space<vmem>>) semaphore(%run_scoped3A_88 : memref<!tpu.dma_semaphore, #tpu.memory_space<semaphore_mem>>) {add = true}
      %dma_wait3A_95 = arith.constant 0 : i32
      %dma_wait3A_96 = tpu.memref_slice %arg9[%run_scoped3A, %dma_wait3A_95] : memref<125x80xi32, #tpu.memory_space<vmem>> -> memref<1x80xi32, #tpu.memory_space<vmem>>
      %dma_wait3A_97 = tpu.memref_squeeze %dma_wait3A_96 : memref<1x80xi32, #tpu.memory_space<vmem>> -> memref<80xi32, #tpu.memory_space<vmem>>
      %dma_wait3A_98 = arith.constant 0 : i32
      %dma_wait3A_99 = arith.constant 0 : i32
      %dma_wait3A_100 = tpu.memref_slice %arg7[%dma_wait3A_98, %dma_wait3A_99] : memref<10000x128xf32, #tpu.memory_space<vmem_shared>> -> memref<10000x128xf32, #tpu.memory_space<vmem_shared>>
      tpu.wait_indirect_dma semaphore(%run_scoped3A_88 : memref<!tpu.dma_semaphore, #tpu.memory_space<semaphore_mem>>) src(%arg10 : memref<80x128xf32, #tpu.memory_space<vmem>>) dst(%dma_wait3A_100 : memref<10000x128xf32, #tpu.memory_space<vmem_shared>>)
      tpu.yield
    }) : () -> ()
    %dma_wait3A_77 = arith.constant 0 : i32
    %dma_wait3A_78 = tpu.memref_slice %arg8[%dma_wait3A_77] : memref<10000xi32, #tpu.memory_space<vmem>> -> memref<80xi32, #tpu.memory_space<vmem>>
    %dma_wait3A_79 = arith.constant 0 : i32
    %dma_wait3A_80 = arith.constant 0 : i32
    %dma_wait3A_81 = tpu.memref_slice %arg2[%dma_wait3A_79, %dma_wait3A_80] : memref<10000x128xf32, #tpu.memory_space<hbm>> -> memref<10000x128xf32, #tpu.memory_space<hbm>>
    tpu.wait_indirect_dma semaphore(%arg13 : memref<!tpu.dma_semaphore, #tpu.memory_space<semaphore_mem>>) src(%dma_wait3A_81 : memref<10000x128xf32, #tpu.memory_space<hbm>>) dst(%arg11 : memref<80x128xf32, #tpu.memory_space<vmem>>)
    %barrier3A_82 = arith.constant 0 : index
    tpu.barrier barrier_id(%barrier3A_82)
    "tpu.region"() ({
      %run_scoped3A_88 = tpu.sem_alloc : memref<!tpu.dma_semaphore, #tpu.memory_space<semaphore_mem>>
      %dma_start3A_89 = arith.constant 0 : i32
      %dma_start3A_90 = tpu.memref_slice %arg6[%arg0, %mul3A_2, %dma_start3A_89] : memref<2x10000x128xf32, #tpu.memory_space<hbm>> -> memref<1x624x128xf32, #tpu.memory_space<hbm>>
      %dma_start3A_91 = tpu.memref_squeeze %dma_start3A_90 : memref<1x624x128xf32, #tpu.memory_space<hbm>> -> memref<624x128xf32, #tpu.memory_space<hbm>>
      %dma_start3A_92 = arith.constant 0 : i32
      %dma_start3A_93 = tpu.memref_slice %arg7[%mul3A_2, %dma_start3A_92] : memref<10000x128xf32, #tpu.memory_space<vmem_shared>> -> memref<624x128xf32, #tpu.memory_space<vmem_shared>>
      tpu.enqueue_dma source(%dma_start3A_93 : memref<624x128xf32, #tpu.memory_space<vmem_shared>>) target(%dma_start3A_91 : memref<624x128xf32, #tpu.memory_space<hbm>>) target_semaphore(%run_scoped3A_88 : memref<!tpu.dma_semaphore, #tpu.memory_space<semaphore_mem>>)
      %dma_wait3A_94 = arith.constant 0 : i32
      %dma_wait3A_95 = tpu.memref_slice %arg6[%arg0, %mul3A_2, %dma_wait3A_94] : memref<2x10000x128xf32, #tpu.memory_space<hbm>> -> memref<1x624x128xf32, #tpu.memory_space<hbm>>
      %dma_wait3A_96 = tpu.memref_squeeze %dma_wait3A_95 : memref<1x624x128xf32, #tpu.memory_space<hbm>> -> memref<624x128xf32, #tpu.memory_space<hbm>>
      %dma_wait3A_97 = arith.constant 0 : i32
      %dma_wait3A_98 = tpu.memref_slice %arg7[%mul3A_2, %dma_wait3A_97] : memref<10000x128xf32, #tpu.memory_space<vmem_shared>> -> memref<624x128xf32, #tpu.memory_space<vmem_shared>>
      tpu.wait_dma2 semaphore(%run_scoped3A_88 : memref<!tpu.dma_semaphore, #tpu.memory_space<semaphore_mem>>) src(%dma_wait3A_98 : memref<624x128xf32, #tpu.memory_space<vmem_shared>>) dst(%dma_wait3A_96 : memref<624x128xf32, #tpu.memory_space<hbm>>)
      tpu.yield
    }) : () -> ()
    %eq3A_83 = arith.constant 15 : i32
    %eq3A_84 = arith.cmpi eq, %arg1, %eq3A_83 : i32
    %convert_element_type3A_85 = arith.extui %eq3A_84 : i1 to i32
    %cond3A_86 = arith.constant 0 : i32
    %cond3A_87 = arith.cmpi ne, %convert_element_type3A_85, %cond3A_86 : i32
    scf.if %cond3A_87 {
      "tpu.region"() ({
        %run_scoped3A_88 = tpu.sem_alloc : memref<!tpu.dma_semaphore, #tpu.memory_space<semaphore_mem>>
        %dma_start3A_89 = arith.constant 9984 : i32
        %dma_start3A_90 = arith.constant 0 : i32
        %dma_start3A_91 = tpu.memref_slice %arg6[%arg0, %dma_start3A_89, %dma_start3A_90] : memref<2x10000x128xf32, #tpu.memory_space<hbm>> -> memref<1x16x128xf32, #tpu.memory_space<hbm>>
        %dma_start3A_92 = tpu.memref_squeeze %dma_start3A_91 : memref<1x16x128xf32, #tpu.memory_space<hbm>> -> memref<16x128xf32, #tpu.memory_space<hbm>>
        %dma_start3A_93 = arith.constant 9984 : i32
        %dma_start3A_94 = arith.constant 0 : i32
        %dma_start3A_95 = tpu.memref_slice %arg7[%dma_start3A_93, %dma_start3A_94] : memref<10000x128xf32, #tpu.memory_space<vmem_shared>> -> memref<16x128xf32, #tpu.memory_space<vmem_shared>>
        tpu.enqueue_dma source(%dma_start3A_95 : memref<16x128xf32, #tpu.memory_space<vmem_shared>>) target(%dma_start3A_92 : memref<16x128xf32, #tpu.memory_space<hbm>>) target_semaphore(%run_scoped3A_88 : memref<!tpu.dma_semaphore, #tpu.memory_space<semaphore_mem>>)
        %dma_wait3A_96 = arith.constant 9984 : i32
        %dma_wait3A_97 = arith.constant 0 : i32
        %dma_wait3A_98 = tpu.memref_slice %arg6[%arg0, %dma_wait3A_96, %dma_wait3A_97] : memref<2x10000x128xf32, #tpu.memory_space<hbm>> -> memref<1x16x128xf32, #tpu.memory_space<hbm>>
        %dma_wait3A_99 = tpu.memref_squeeze %dma_wait3A_98 : memref<1x16x128xf32, #tpu.memory_space<hbm>> -> memref<16x128xf32, #tpu.memory_space<hbm>>
        %dma_wait3A_100 = arith.constant 9984 : i32
        %dma_wait3A_101 = arith.constant 0 : i32
        %dma_wait3A_102 = tpu.memref_slice %arg7[%dma_wait3A_100, %dma_wait3A_101] : memref<10000x128xf32, #tpu.memory_space<vmem_shared>> -> memref<16x128xf32, #tpu.memory_space<vmem_shared>>
        tpu.wait_dma2 semaphore(%run_scoped3A_88 : memref<!tpu.dma_semaphore, #tpu.memory_space<semaphore_mem>>) src(%dma_wait3A_102 : memref<16x128xf32, #tpu.memory_space<vmem_shared>>) dst(%dma_wait3A_99 : memref<16x128xf32, #tpu.memory_space<hbm>>)
        tpu.yield
      }) : () -> ()
    } else {
    }
    return
  }
}

#map = affine_map<(d0, d1) -> (0, 0)>
#map1 = affine_map<(d0, d1) -> (0, 0, 0)>
module attributes {stable_mosaic.version = 14 : i64} {
  func.func @edge_agg(%arg0: i32, %arg1: i32, %arg2: memref<10000x128xf32, #tpu.memory_space<hbm>>, %arg3: memref<32x10000xi32, #tpu.memory_space<hbm>>, %arg4: memref<32x125x80xi32, #tpu.memory_space<hbm>>, %arg5: memref<10000x128xf32, #tpu.memory_space<hbm>>, %arg6: memref<2x10000x128xf32, #tpu.memory_space<hbm>>, %arg7: memref<10000x128xf32, #tpu.memory_space<vmem_shared>>, %arg8: memref<10000xi32, #tpu.memory_space<vmem>>, %arg9: memref<125x80xi32, #tpu.memory_space<vmem>>, %arg10: memref<80x128xf32, #tpu.memory_space<vmem>>, %arg11: memref<80x128xf32, #tpu.memory_space<vmem>>, %arg12: memref<!tpu.dma_semaphore, #tpu.memory_space<semaphore_mem>>, %arg13: memref<!tpu.dma_semaphore, #tpu.memory_space<semaphore_mem>>) attributes {dimension_semantics = [#tpu.dimension_semantics<core_parallel>, #tpu.dimension_semantics<subcore_parallel>], iteration_bounds = array<i64: 2, 16>, scalar_prefetch = 0 : i64, scratch_operands = 7 : i64, tpu.core_type = #tpu.core_type<sc_vector_subcore>, window_params = [{transform_indices = #map}, {transform_indices = #map}, {transform_indices = #map1}, {transform_indices = #map}, {transform_indices = #map1}]} {
    %mul3A = arith.constant 16 : i32
    %mul3A_0 = arith.muli %arg0, %mul3A : i32
    %add3A = arith.addi %mul3A_0, %arg1 : i32
    %mul3A_1 = arith.constant 624 : i32
    %mul3A_2 = arith.muli %arg1, %mul3A_1 : i32
    "tpu.region"() ({
      %run_scoped3A_88 = tpu.sem_alloc : memref<!tpu.dma_semaphore, #tpu.memory_space<semaphore_mem>>
      %dma_start3A_89 = arith.constant 0 : i32
      %dma_start3A_90 = tpu.memref_slice %arg7[%mul3A_2, %dma_start3A_89] : memref<10000x128xf32, #tpu.memory_space<vmem_shared>> -> memref<624x128xf32, #tpu.memory_space<vmem_shared>>
      %dma_start3A_91 = arith.constant 0 : i32
      %dma_start3A_92 = tpu.memref_slice %arg5[%mul3A_2, %dma_start3A_91] : memref<10000x128xf32, #tpu.memory_space<hbm>> -> memref<624x128xf32, #tpu.memory_space<hbm>>
      tpu.enqueue_dma source(%dma_start3A_92 : memref<624x128xf32, #tpu.memory_space<hbm>>) target(%dma_start3A_90 : memref<624x128xf32, #tpu.memory_space<vmem_shared>>) target_semaphore(%run_scoped3A_88 : memref<!tpu.dma_semaphore, #tpu.memory_space<semaphore_mem>>)
      %dma_wait3A_93 = arith.constant 0 : i32
      %dma_wait3A_94 = tpu.memref_slice %arg7[%mul3A_2, %dma_wait3A_93] : memref<10000x128xf32, #tpu.memory_space<vmem_shared>> -> memref<624x128xf32, #tpu.memory_space<vmem_shared>>
      %dma_wait3A_95 = arith.constant 0 : i32
      %dma_wait3A_96 = tpu.memref_slice %arg5[%mul3A_2, %dma_wait3A_95] : memref<10000x128xf32, #tpu.memory_space<hbm>> -> memref<624x128xf32, #tpu.memory_space<hbm>>
      tpu.wait_dma2 semaphore(%run_scoped3A_88 : memref<!tpu.dma_semaphore, #tpu.memory_space<semaphore_mem>>) src(%dma_wait3A_96 : memref<624x128xf32, #tpu.memory_space<hbm>>) dst(%dma_wait3A_94 : memref<624x128xf32, #tpu.memory_space<vmem_shared>>)
      tpu.yield
    }) : () -> ()
    %eq3A = arith.constant 15 : i32
    %eq3A_3 = arith.cmpi eq, %arg1, %eq3A : i32
    %convert_element_type3A = arith.extui %eq3A_3 : i1 to i32
    %cond3A = arith.constant 0 : i32
    %cond3A_4 = arith.cmpi ne, %convert_element_type3A, %cond3A : i32
    scf.if %cond3A_4 {
      "tpu.region"() ({
        %run_scoped3A_88 = tpu.sem_alloc : memref<!tpu.dma_semaphore, #tpu.memory_space<semaphore_mem>>
        %dma_start3A_89 = arith.constant 9984 : i32
        %dma_start3A_90 = arith.constant 0 : i32
        %dma_start3A_91 = tpu.memref_slice %arg7[%dma_start3A_89, %dma_start3A_90] : memref<10000x128xf32, #tpu.memory_space<vmem_shared>> -> memref<16x128xf32, #tpu.memory_space<vmem_shared>>
        %dma_start3A_92 = arith.constant 9984 : i32
        %dma_start3A_93 = arith.constant 0 : i32
        %dma_start3A_94 = tpu.memref_slice %arg5[%dma_start3A_92, %dma_start3A_93] : memref<10000x128xf32, #tpu.memory_space<hbm>> -> memref<16x128xf32, #tpu.memory_space<hbm>>
        tpu.enqueue_dma source(%dma_start3A_94 : memref<16x128xf32, #tpu.memory_space<hbm>>) target(%dma_start3A_91 : memref<16x128xf32, #tpu.memory_space<vmem_shared>>) target_semaphore(%run_scoped3A_88 : memref<!tpu.dma_semaphore, #tpu.memory_space<semaphore_mem>>)
        %dma_wait3A_95 = arith.constant 9984 : i32
        %dma_wait3A_96 = arith.constant 0 : i32
        %dma_wait3A_97 = tpu.memref_slice %arg7[%dma_wait3A_95, %dma_wait3A_96] : memref<10000x128xf32, #tpu.memory_space<vmem_shared>> -> memref<16x128xf32, #tpu.memory_space<vmem_shared>>
        %dma_wait3A_98 = arith.constant 9984 : i32
        %dma_wait3A_99 = arith.constant 0 : i32
        %dma_wait3A_100 = tpu.memref_slice %arg5[%dma_wait3A_98, %dma_wait3A_99] : memref<10000x128xf32, #tpu.memory_space<hbm>> -> memref<16x128xf32, #tpu.memory_space<hbm>>
        tpu.wait_dma2 semaphore(%run_scoped3A_88 : memref<!tpu.dma_semaphore, #tpu.memory_space<semaphore_mem>>) src(%dma_wait3A_100 : memref<16x128xf32, #tpu.memory_space<hbm>>) dst(%dma_wait3A_97 : memref<16x128xf32, #tpu.memory_space<vmem_shared>>)
        tpu.yield
      }) : () -> ()
    } else {
    }
    "tpu.region"() ({
      %run_scoped3A_88 = tpu.sem_alloc : memref<!tpu.dma_semaphore, #tpu.memory_space<semaphore_mem>>
      %dma_start3A_89 = arith.constant 0 : i32
      %dma_start3A_90 = tpu.memref_slice %arg3[%add3A, %dma_start3A_89] : memref<32x10000xi32, #tpu.memory_space<hbm>> -> memref<1x10000xi32, #tpu.memory_space<hbm>>
      %dma_start3A_91 = tpu.memref_squeeze %dma_start3A_90 : memref<1x10000xi32, #tpu.memory_space<hbm>> -> memref<10000xi32, #tpu.memory_space<hbm>>
      %dma_start3A_92 = arith.constant 0 : i32
      %dma_start3A_93 = tpu.memref_slice %arg3[%add3A, %dma_start3A_92] : memref<32x10000xi32, #tpu.memory_space<hbm>> -> memref<1x10000xi32, #tpu.memory_space<hbm>>
      %dma_start3A_94 = tpu.memref_squeeze %dma_start3A_93 : memref<1x10000xi32, #tpu.memory_space<hbm>> -> memref<10000xi32, #tpu.memory_space<hbm>>
      tpu.enqueue_dma source(%dma_start3A_94 : memref<10000xi32, #tpu.memory_space<hbm>>) target(%arg8 : memref<10000xi32, #tpu.memory_space<vmem>>) target_semaphore(%run_scoped3A_88 : memref<!tpu.dma_semaphore, #tpu.memory_space<semaphore_mem>>)
      %dma_wait3A_95 = arith.constant 0 : i32
      %dma_wait3A_96 = tpu.memref_slice %arg3[%add3A, %dma_wait3A_95] : memref<32x10000xi32, #tpu.memory_space<hbm>> -> memref<1x10000xi32, #tpu.memory_space<hbm>>
      %dma_wait3A_97 = tpu.memref_squeeze %dma_wait3A_96 : memref<1x10000xi32, #tpu.memory_space<hbm>> -> memref<10000xi32, #tpu.memory_space<hbm>>
      %dma_wait3A_98 = arith.constant 0 : i32
      %dma_wait3A_99 = tpu.memref_slice %arg3[%add3A, %dma_wait3A_98] : memref<32x10000xi32, #tpu.memory_space<hbm>> -> memref<1x10000xi32, #tpu.memory_space<hbm>>
      %dma_wait3A_100 = tpu.memref_squeeze %dma_wait3A_99 : memref<1x10000xi32, #tpu.memory_space<hbm>> -> memref<10000xi32, #tpu.memory_space<hbm>>
      tpu.wait_dma2 semaphore(%run_scoped3A_88 : memref<!tpu.dma_semaphore, #tpu.memory_space<semaphore_mem>>) src(%dma_wait3A_100 : memref<10000xi32, #tpu.memory_space<hbm>>) dst(%arg8 : memref<10000xi32, #tpu.memory_space<vmem>>)
      tpu.yield
    }) : () -> ()
    "tpu.region"() ({
      %run_scoped3A_88 = tpu.sem_alloc : memref<!tpu.dma_semaphore, #tpu.memory_space<semaphore_mem>>
      %dma_start3A_89 = arith.constant 0 : i32
      %dma_start3A_90 = arith.constant 0 : i32
      %dma_start3A_91 = tpu.memref_slice %arg4[%add3A, %dma_start3A_89, %dma_start3A_90] : memref<32x125x80xi32, #tpu.memory_space<hbm>> -> memref<1x125x80xi32, #tpu.memory_space<hbm>>
      %dma_start3A_92 = tpu.memref_squeeze %dma_start3A_91 : memref<1x125x80xi32, #tpu.memory_space<hbm>> -> memref<125x80xi32, #tpu.memory_space<hbm>>
      %dma_start3A_93 = arith.constant 0 : i32
      %dma_start3A_94 = arith.constant 0 : i32
      %dma_start3A_95 = tpu.memref_slice %arg4[%add3A, %dma_start3A_93, %dma_start3A_94] : memref<32x125x80xi32, #tpu.memory_space<hbm>> -> memref<1x125x80xi32, #tpu.memory_space<hbm>>
      %dma_start3A_96 = tpu.memref_squeeze %dma_start3A_95 : memref<1x125x80xi32, #tpu.memory_space<hbm>> -> memref<125x80xi32, #tpu.memory_space<hbm>>
      tpu.enqueue_dma source(%dma_start3A_96 : memref<125x80xi32, #tpu.memory_space<hbm>>) target(%arg9 : memref<125x80xi32, #tpu.memory_space<vmem>>) target_semaphore(%run_scoped3A_88 : memref<!tpu.dma_semaphore, #tpu.memory_space<semaphore_mem>>)
      %dma_wait3A_97 = arith.constant 0 : i32
      %dma_wait3A_98 = arith.constant 0 : i32
      %dma_wait3A_99 = tpu.memref_slice %arg4[%add3A, %dma_wait3A_97, %dma_wait3A_98] : memref<32x125x80xi32, #tpu.memory_space<hbm>> -> memref<1x125x80xi32, #tpu.memory_space<hbm>>
      %dma_wait3A_100 = tpu.memref_squeeze %dma_wait3A_99 : memref<1x125x80xi32, #tpu.memory_space<hbm>> -> memref<125x80xi32, #tpu.memory_space<hbm>>
      %dma_wait3A_101 = arith.constant 0 : i32
      %dma_wait3A_102 = arith.constant 0 : i32
      %dma_wait3A_103 = tpu.memref_slice %arg4[%add3A, %dma_wait3A_101, %dma_wait3A_102] : memref<32x125x80xi32, #tpu.memory_space<hbm>> -> memref<1x125x80xi32, #tpu.memory_space<hbm>>
      %dma_wait3A_104 = tpu.memref_squeeze %dma_wait3A_103 : memref<1x125x80xi32, #tpu.memory_space<hbm>> -> memref<125x80xi32, #tpu.memory_space<hbm>>
      tpu.wait_dma2 semaphore(%run_scoped3A_88 : memref<!tpu.dma_semaphore, #tpu.memory_space<semaphore_mem>>) src(%dma_wait3A_104 : memref<125x80xi32, #tpu.memory_space<hbm>>) dst(%arg9 : memref<125x80xi32, #tpu.memory_space<vmem>>)
      tpu.yield
    }) : () -> ()
    %barrier3A = arith.constant 0 : index
    tpu.barrier barrier_id(%barrier3A)
    %dma_start3A = arith.constant 0 : i32
    %dma_start3A_5 = arith.constant 0 : i32
    %dma_start3A_6 = tpu.memref_slice %arg10[%dma_start3A, %dma_start3A_5] : memref<80x128xf32, #tpu.memory_space<vmem>> -> memref<24x128xf32, #tpu.memory_space<vmem>>
    %dma_start3A_7 = arith.constant 0 : i32
    %dma_start3A_8 = tpu.memref_slice %arg8[%dma_start3A_7] : memref<10000xi32, #tpu.memory_space<vmem>> -> memref<24xi32, #tpu.memory_space<vmem>>
    %dma_start3A_9 = arith.constant 0 : i32
    %dma_start3A_10 = arith.constant 0 : i32
    %dma_start3A_11 = tpu.memref_slice %arg2[%dma_start3A_9, %dma_start3A_10] : memref<10000x128xf32, #tpu.memory_space<hbm>> -> memref<10000x128xf32, #tpu.memory_space<hbm>>
    tpu.enqueue_indirect_dma source(%dma_start3A_11 : memref<10000x128xf32, #tpu.memory_space<hbm>>) target(%dma_start3A_6 : memref<24x128xf32, #tpu.memory_space<vmem>>) offsets(%dma_start3A_8 : memref<24xi32, #tpu.memory_space<vmem>>) semaphore(%arg12 : memref<!tpu.dma_semaphore, #tpu.memory_space<semaphore_mem>>)
    %dma_start3A_12 = arith.constant 24 : i32
    %dma_start3A_13 = arith.constant 0 : i32
    %dma_start3A_14 = tpu.memref_slice %arg10[%dma_start3A_12, %dma_start3A_13] : memref<80x128xf32, #tpu.memory_space<vmem>> -> memref<16x128xf32, #tpu.memory_space<vmem>>
    %dma_start3A_15 = arith.constant 24 : i32
    %dma_start3A_16 = tpu.memref_slice %arg8[%dma_start3A_15] : memref<10000xi32, #tpu.memory_space<vmem>> -> memref<16xi32, #tpu.memory_space<vmem>>
    %dma_start3A_17 = arith.constant 0 : i32
    %dma_start3A_18 = arith.constant 0 : i32
    %dma_start3A_19 = tpu.memref_slice %arg2[%dma_start3A_17, %dma_start3A_18] : memref<10000x128xf32, #tpu.memory_space<hbm>> -> memref<10000x128xf32, #tpu.memory_space<hbm>>
    tpu.enqueue_indirect_dma source(%dma_start3A_19 : memref<10000x128xf32, #tpu.memory_space<hbm>>) target(%dma_start3A_14 : memref<16x128xf32, #tpu.memory_space<vmem>>) offsets(%dma_start3A_16 : memref<16xi32, #tpu.memory_space<vmem>>) semaphore(%arg12 : memref<!tpu.dma_semaphore, #tpu.memory_space<semaphore_mem>>)
    %dma_start3A_20 = arith.constant 40 : i32
    %dma_start3A_21 = arith.constant 0 : i32
    %dma_start3A_22 = tpu.memref_slice %arg10[%dma_start3A_20, %dma_start3A_21] : memref<80x128xf32, #tpu.memory_space<vmem>> -> memref<24x128xf32, #tpu.memory_space<vmem>>
    %dma_start3A_23 = arith.constant 40 : i32
    %dma_start3A_24 = tpu.memref_slice %arg8[%dma_start3A_23] : memref<10000xi32, #tpu.memory_space<vmem>> -> memref<24xi32, #tpu.memory_space<vmem>>
    %dma_start3A_25 = arith.constant 0 : i32
    %dma_start3A_26 = arith.constant 0 : i32
    %dma_start3A_27 = tpu.memref_slice %arg2[%dma_start3A_25, %dma_start3A_26] : memref<10000x128xf32, #tpu.memory_space<hbm>> -> memref<10000x128xf32, #tpu.memory_space<hbm>>
    tpu.enqueue_indirect_dma source(%dma_start3A_27 : memref<10000x128xf32, #tpu.memory_space<hbm>>) target(%dma_start3A_22 : memref<24x128xf32, #tpu.memory_space<vmem>>) offsets(%dma_start3A_24 : memref<24xi32, #tpu.memory_space<vmem>>) semaphore(%arg12 : memref<!tpu.dma_semaphore, #tpu.memory_space<semaphore_mem>>)
    %dma_start3A_28 = arith.constant 64 : i32
    %dma_start3A_29 = arith.constant 0 : i32
    %dma_start3A_30 = tpu.memref_slice %arg10[%dma_start3A_28, %dma_start3A_29] : memref<80x128xf32, #tpu.memory_space<vmem>> -> memref<16x128xf32, #tpu.memory_space<vmem>>
    %dma_start3A_31 = arith.constant 64 : i32
    %dma_start3A_32 = tpu.memref_slice %arg8[%dma_start3A_31] : memref<10000xi32, #tpu.memory_space<vmem>> -> memref<16xi32, #tpu.memory_space<vmem>>
    %dma_start3A_33 = arith.constant 0 : i32
    %dma_start3A_34 = arith.constant 0 : i32
    %dma_start3A_35 = tpu.memref_slice %arg2[%dma_start3A_33, %dma_start3A_34] : memref<10000x128xf32, #tpu.memory_space<hbm>> -> memref<10000x128xf32, #tpu.memory_space<hbm>>
    tpu.enqueue_indirect_dma source(%dma_start3A_35 : memref<10000x128xf32, #tpu.memory_space<hbm>>) target(%dma_start3A_30 : memref<16x128xf32, #tpu.memory_space<vmem>>) offsets(%dma_start3A_32 : memref<16xi32, #tpu.memory_space<vmem>>) semaphore(%arg12 : memref<!tpu.dma_semaphore, #tpu.memory_space<semaphore_mem>>)
    %dma_start3A_36 = arith.constant 0 : i32
    %dma_start3A_37 = arith.constant 0 : i32
    %dma_start3A_38 = tpu.memref_slice %arg11[%dma_start3A_36, %dma_start3A_37] : memref<80x128xf32, #tpu.memory_space<vmem>> -> memref<24x128xf32, #tpu.memory_space<vmem>>
    %dma_start3A_39 = arith.constant 80 : i32
    %dma_start3A_40 = tpu.memref_slice %arg8[%dma_start3A_39] : memref<10000xi32, #tpu.memory_space<vmem>> -> memref<24xi32, #tpu.memory_space<vmem>>
    %dma_start3A_41 = arith.constant 0 : i32
    %dma_start3A_42 = arith.constant 0 : i32
    %dma_start3A_43 = tpu.memref_slice %arg2[%dma_start3A_41, %dma_start3A_42] : memref<10000x128xf32, #tpu.memory_space<hbm>> -> memref<10000x128xf32, #tpu.memory_space<hbm>>
    tpu.enqueue_indirect_dma source(%dma_start3A_43 : memref<10000x128xf32, #tpu.memory_space<hbm>>) target(%dma_start3A_38 : memref<24x128xf32, #tpu.memory_space<vmem>>) offsets(%dma_start3A_40 : memref<24xi32, #tpu.memory_space<vmem>>) semaphore(%arg13 : memref<!tpu.dma_semaphore, #tpu.memory_space<semaphore_mem>>)
    %dma_start3A_44 = arith.constant 24 : i32
    %dma_start3A_45 = arith.constant 0 : i32
    %dma_start3A_46 = tpu.memref_slice %arg11[%dma_start3A_44, %dma_start3A_45] : memref<80x128xf32, #tpu.memory_space<vmem>> -> memref<16x128xf32, #tpu.memory_space<vmem>>
    %dma_start3A_47 = arith.constant 104 : i32
    %dma_start3A_48 = tpu.memref_slice %arg8[%dma_start3A_47] : memref<10000xi32, #tpu.memory_space<vmem>> -> memref<16xi32, #tpu.memory_space<vmem>>
    %dma_start3A_49 = arith.constant 0 : i32
    %dma_start3A_50 = arith.constant 0 : i32
    %dma_start3A_51 = tpu.memref_slice %arg2[%dma_start3A_49, %dma_start3A_50] : memref<10000x128xf32, #tpu.memory_space<hbm>> -> memref<10000x128xf32, #tpu.memory_space<hbm>>
    tpu.enqueue_indirect_dma source(%dma_start3A_51 : memref<10000x128xf32, #tpu.memory_space<hbm>>) target(%dma_start3A_46 : memref<16x128xf32, #tpu.memory_space<vmem>>) offsets(%dma_start3A_48 : memref<16xi32, #tpu.memory_space<vmem>>) semaphore(%arg13 : memref<!tpu.dma_semaphore, #tpu.memory_space<semaphore_mem>>)
    %dma_start3A_52 = arith.constant 40 : i32
    %dma_start3A_53 = arith.constant 0 : i32
    %dma_start3A_54 = tpu.memref_slice %arg11[%dma_start3A_52, %dma_start3A_53] : memref<80x128xf32, #tpu.memory_space<vmem>> -> memref<24x128xf32, #tpu.memory_space<vmem>>
    %dma_start3A_55 = arith.constant 120 : i32
    %dma_start3A_56 = tpu.memref_slice %arg8[%dma_start3A_55] : memref<10000xi32, #tpu.memory_space<vmem>> -> memref<24xi32, #tpu.memory_space<vmem>>
    %dma_start3A_57 = arith.constant 0 : i32
    %dma_start3A_58 = arith.constant 0 : i32
    %dma_start3A_59 = tpu.memref_slice %arg2[%dma_start3A_57, %dma_start3A_58] : memref<10000x128xf32, #tpu.memory_space<hbm>> -> memref<10000x128xf32, #tpu.memory_space<hbm>>
    tpu.enqueue_indirect_dma source(%dma_start3A_59 : memref<10000x128xf32, #tpu.memory_space<hbm>>) target(%dma_start3A_54 : memref<24x128xf32, #tpu.memory_space<vmem>>) offsets(%dma_start3A_56 : memref<24xi32, #tpu.memory_space<vmem>>) semaphore(%arg13 : memref<!tpu.dma_semaphore, #tpu.memory_space<semaphore_mem>>)
    %dma_start3A_60 = arith.constant 64 : i32
    %dma_start3A_61 = arith.constant 0 : i32
    %dma_start3A_62 = tpu.memref_slice %arg11[%dma_start3A_60, %dma_start3A_61] : memref<80x128xf32, #tpu.memory_space<vmem>> -> memref<16x128xf32, #tpu.memory_space<vmem>>
    %dma_start3A_63 = arith.constant 144 : i32
    %dma_start3A_64 = tpu.memref_slice %arg8[%dma_start3A_63] : memref<10000xi32, #tpu.memory_space<vmem>> -> memref<16xi32, #tpu.memory_space<vmem>>
    %dma_start3A_65 = arith.constant 0 : i32
    %dma_start3A_66 = arith.constant 0 : i32
    %dma_start3A_67 = tpu.memref_slice %arg2[%dma_start3A_65, %dma_start3A_66] : memref<10000x128xf32, #tpu.memory_space<hbm>> -> memref<10000x128xf32, #tpu.memory_space<hbm>>
    tpu.enqueue_indirect_dma source(%dma_start3A_67 : memref<10000x128xf32, #tpu.memory_space<hbm>>) target(%dma_start3A_62 : memref<16x128xf32, #tpu.memory_space<vmem>>) offsets(%dma_start3A_64 : memref<16xi32, #tpu.memory_space<vmem>>) semaphore(%arg13 : memref<!tpu.dma_semaphore, #tpu.memory_space<semaphore_mem>>)
    %scan3A = arith.constant 0 : i32
    %scan3A_68 = arith.constant 0 : i32
    %scan3A_69 = arith.constant 62 : i32
    %scan3A_70 = arith.addi %scan3A_68, %scan3A_69 : i32
    %scan3A_71 = arith.constant 1 : i32
    scf.for %scan3A_88 = %scan3A_68 to %scan3A_70 step %scan3A_71  : i32 {
      %mul3A_89 = arith.constant 2 : i32
      %mul3A_90 = arith.muli %mul3A_89, %scan3A_88 : i32
      %dma_wait3A_91 = arith.constant 0 : i32
      %dma_wait3A_92 = tpu.memref_slice %arg8[%dma_wait3A_91] : memref<10000xi32, #tpu.memory_space<vmem>> -> memref<80xi32, #tpu.memory_space<vmem>>
      %dma_wait3A_93 = arith.constant 0 : i32
      %dma_wait3A_94 = arith.constant 0 : i32
      %dma_wait3A_95 = tpu.memref_slice %arg2[%dma_wait3A_93, %dma_wait3A_94] : memref<10000x128xf32, #tpu.memory_space<hbm>> -> memref<10000x128xf32, #tpu.memory_space<hbm>>
      tpu.wait_indirect_dma semaphore(%arg12 : memref<!tpu.dma_semaphore, #tpu.memory_space<semaphore_mem>>) src(%dma_wait3A_95 : memref<10000x128xf32, #tpu.memory_space<hbm>>) dst(%arg10 : memref<80x128xf32, #tpu.memory_space<vmem>>)
      "tpu.region"() ({
        %run_scoped3A_198 = tpu.sem_alloc : memref<!tpu.dma_semaphore, #tpu.memory_space<semaphore_mem>>
        %dma_start3A_199 = arith.constant 0 : i32
        %dma_start3A_200 = tpu.memref_slice %arg9[%mul3A_90, %dma_start3A_199] : memref<125x80xi32, #tpu.memory_space<vmem>> -> memref<1x80xi32, #tpu.memory_space<vmem>>
        %dma_start3A_201 = tpu.memref_squeeze %dma_start3A_200 : memref<1x80xi32, #tpu.memory_space<vmem>> -> memref<80xi32, #tpu.memory_space<vmem>>
        %dma_start3A_202 = arith.constant 0 : i32
        %dma_start3A_203 = arith.constant 0 : i32
        %dma_start3A_204 = tpu.memref_slice %arg7[%dma_start3A_202, %dma_start3A_203] : memref<10000x128xf32, #tpu.memory_space<vmem_shared>> -> memref<10000x128xf32, #tpu.memory_space<vmem_shared>>
        tpu.enqueue_indirect_dma source(%arg10 : memref<80x128xf32, #tpu.memory_space<vmem>>) target(%dma_start3A_204 : memref<10000x128xf32, #tpu.memory_space<vmem_shared>>) offsets(%dma_start3A_201 : memref<80xi32, #tpu.memory_space<vmem>>) semaphore(%run_scoped3A_198 : memref<!tpu.dma_semaphore, #tpu.memory_space<semaphore_mem>>) {add = true}
        %dma_wait3A_205 = arith.constant 0 : i32
        %dma_wait3A_206 = tpu.memref_slice %arg9[%mul3A_90, %dma_wait3A_205] : memref<125x80xi32, #tpu.memory_space<vmem>> -> memref<1x80xi32, #tpu.memory_space<vmem>>
        %dma_wait3A_207 = tpu.memref_squeeze %dma_wait3A_206 : memref<1x80xi32, #tpu.memory_space<vmem>> -> memref<80xi32, #tpu.memory_space<vmem>>
        %dma_wait3A_208 = arith.constant 0 : i32
        %dma_wait3A_209 = arith.constant 0 : i32
        %dma_wait3A_210 = tpu.memref_slice %arg7[%dma_wait3A_208, %dma_wait3A_209] : memref<10000x128xf32, #tpu.memory_space<vmem_shared>> -> memref<10000x128xf32, #tpu.memory_space<vmem_shared>>
        tpu.wait_indirect_dma semaphore(%run_scoped3A_198 : memref<!tpu.dma_semaphore, #tpu.memory_space<semaphore_mem>>) src(%arg10 : memref<80x128xf32, #tpu.memory_space<vmem>>) dst(%dma_wait3A_210 : memref<10000x128xf32, #tpu.memory_space<vmem_shared>>)
        tpu.yield
      }) : () -> ()
      %add3A_96 = arith.constant 2 : i32
      %add3A_97 = arith.addi %mul3A_90, %add3A_96 : i32
      %min3A = arith.constant 124 : i32
      %min3A_98 = arith.minsi %add3A_97, %min3A : i32
      %mul3A_99 = arith.constant 80 : i32
      %mul3A_100 = arith.muli %min3A_98, %mul3A_99 : i32
      %add3A_101 = arith.constant 0 : i32
      %add3A_102 = arith.addi %mul3A_100, %add3A_101 : i32
      %dma_start3A_103 = arith.constant 0 : i32
      %dma_start3A_104 = arith.constant 0 : i32
      %dma_start3A_105 = tpu.memref_slice %arg10[%dma_start3A_103, %dma_start3A_104] : memref<80x128xf32, #tpu.memory_space<vmem>> -> memref<24x128xf32, #tpu.memory_space<vmem>>
      %dma_start3A_106 = tpu.memref_slice %arg8[%add3A_102] : memref<10000xi32, #tpu.memory_space<vmem>> -> memref<24xi32, #tpu.memory_space<vmem>>
      %dma_start3A_107 = arith.constant 0 : i32
      %dma_start3A_108 = arith.constant 0 : i32
      %dma_start3A_109 = tpu.memref_slice %arg2[%dma_start3A_107, %dma_start3A_108] : memref<10000x128xf32, #tpu.memory_space<hbm>> -> memref<10000x128xf32, #tpu.memory_space<hbm>>
      tpu.enqueue_indirect_dma source(%dma_start3A_109 : memref<10000x128xf32, #tpu.memory_space<hbm>>) target(%dma_start3A_105 : memref<24x128xf32, #tpu.memory_space<vmem>>) offsets(%dma_start3A_106 : memref<24xi32, #tpu.memory_space<vmem>>) semaphore(%arg12 : memref<!tpu.dma_semaphore, #tpu.memory_space<semaphore_mem>>)
      %mul3A_110 = arith.constant 80 : i32
      %mul3A_111 = arith.muli %min3A_98, %mul3A_110 : i32
      %add3A_112 = arith.constant 24 : i32
      %add3A_113 = arith.addi %mul3A_111, %add3A_112 : i32
      %dma_start3A_114 = arith.constant 24 : i32
      %dma_start3A_115 = arith.constant 0 : i32
      %dma_start3A_116 = tpu.memref_slice %arg10[%dma_start3A_114, %dma_start3A_115] : memref<80x128xf32, #tpu.memory_space<vmem>> -> memref<16x128xf32, #tpu.memory_space<vmem>>
      %dma_start3A_117 = tpu.memref_slice %arg8[%add3A_113] : memref<10000xi32, #tpu.memory_space<vmem>> -> memref<16xi32, #tpu.memory_space<vmem>>
      %dma_start3A_118 = arith.constant 0 : i32
      %dma_start3A_119 = arith.constant 0 : i32
      %dma_start3A_120 = tpu.memref_slice %arg2[%dma_start3A_118, %dma_start3A_119] : memref<10000x128xf32, #tpu.memory_space<hbm>> -> memref<10000x128xf32, #tpu.memory_space<hbm>>
      tpu.enqueue_indirect_dma source(%dma_start3A_120 : memref<10000x128xf32, #tpu.memory_space<hbm>>) target(%dma_start3A_116 : memref<16x128xf32, #tpu.memory_space<vmem>>) offsets(%dma_start3A_117 : memref<16xi32, #tpu.memory_space<vmem>>) semaphore(%arg12 : memref<!tpu.dma_semaphore, #tpu.memory_space<semaphore_mem>>)
      %mul3A_121 = arith.constant 80 : i32
      %mul3A_122 = arith.muli %min3A_98, %mul3A_121 : i32
      %add3A_123 = arith.constant 40 : i32
      %add3A_124 = arith.addi %mul3A_122, %add3A_123 : i32
      %dma_start3A_125 = arith.constant 40 : i32
      %dma_start3A_126 = arith.constant 0 : i32
      %dma_start3A_127 = tpu.memref_slice %arg10[%dma_start3A_125, %dma_start3A_126] : memref<80x128xf32, #tpu.memory_space<vmem>> -> memref<24x128xf32, #tpu.memory_space<vmem>>
      %dma_start3A_128 = tpu.memref_slice %arg8[%add3A_124] : memref<10000xi32, #tpu.memory_space<vmem>> -> memref<24xi32, #tpu.memory_space<vmem>>
      %dma_start3A_129 = arith.constant 0 : i32
      %dma_start3A_130 = arith.constant 0 : i32
      %dma_start3A_131 = tpu.memref_slice %arg2[%dma_start3A_129, %dma_start3A_130] : memref<10000x128xf32, #tpu.memory_space<hbm>> -> memref<10000x128xf32, #tpu.memory_space<hbm>>
      tpu.enqueue_indirect_dma source(%dma_start3A_131 : memref<10000x128xf32, #tpu.memory_space<hbm>>) target(%dma_start3A_127 : memref<24x128xf32, #tpu.memory_space<vmem>>) offsets(%dma_start3A_128 : memref<24xi32, #tpu.memory_space<vmem>>) semaphore(%arg12 : memref<!tpu.dma_semaphore, #tpu.memory_space<semaphore_mem>>)
      %mul3A_132 = arith.constant 80 : i32
      %mul3A_133 = arith.muli %min3A_98, %mul3A_132 : i32
      %add3A_134 = arith.constant 64 : i32
      %add3A_135 = arith.addi %mul3A_133, %add3A_134 : i32
      %dma_start3A_136 = arith.constant 64 : i32
      %dma_start3A_137 = arith.constant 0 : i32
      %dma_start3A_138 = tpu.memref_slice %arg10[%dma_start3A_136, %dma_start3A_137] : memref<80x128xf32, #tpu.memory_space<vmem>> -> memref<16x128xf32, #tpu.memory_space<vmem>>
      %dma_start3A_139 = tpu.memref_slice %arg8[%add3A_135] : memref<10000xi32, #tpu.memory_space<vmem>> -> memref<16xi32, #tpu.memory_space<vmem>>
      %dma_start3A_140 = arith.constant 0 : i32
      %dma_start3A_141 = arith.constant 0 : i32
      %dma_start3A_142 = tpu.memref_slice %arg2[%dma_start3A_140, %dma_start3A_141] : memref<10000x128xf32, #tpu.memory_space<hbm>> -> memref<10000x128xf32, #tpu.memory_space<hbm>>
      tpu.enqueue_indirect_dma source(%dma_start3A_142 : memref<10000x128xf32, #tpu.memory_space<hbm>>) target(%dma_start3A_138 : memref<16x128xf32, #tpu.memory_space<vmem>>) offsets(%dma_start3A_139 : memref<16xi32, #tpu.memory_space<vmem>>) semaphore(%arg12 : memref<!tpu.dma_semaphore, #tpu.memory_space<semaphore_mem>>)
      %dma_wait3A_143 = arith.constant 0 : i32
      %dma_wait3A_144 = tpu.memref_slice %arg8[%dma_wait3A_143] : memref<10000xi32, #tpu.memory_space<vmem>> -> memref<80xi32, #tpu.memory_space<vmem>>
      %dma_wait3A_145 = arith.constant 0 : i32
      %dma_wait3A_146 = arith.constant 0 : i32
      %dma_wait3A_147 = tpu.memref_slice %arg2[%dma_wait3A_145, %dma_wait3A_146] : memref<10000x128xf32, #tpu.memory_space<hbm>> -> memref<10000x128xf32, #tpu.memory_space<hbm>>
      tpu.wait_indirect_dma semaphore(%arg13 : memref<!tpu.dma_semaphore, #tpu.memory_space<semaphore_mem>>) src(%dma_wait3A_147 : memref<10000x128xf32, #tpu.memory_space<hbm>>) dst(%arg11 : memref<80x128xf32, #tpu.memory_space<vmem>>)
      %add3A_148 = arith.constant 1 : i32
      %add3A_149 = arith.addi %mul3A_90, %add3A_148 : i32
      "tpu.region"() ({
        %run_scoped3A_198 = tpu.sem_alloc : memref<!tpu.dma_semaphore, #tpu.memory_space<semaphore_mem>>
        %dma_start3A_199 = arith.constant 0 : i32
        %dma_start3A_200 = tpu.memref_slice %arg9[%add3A_149, %dma_start3A_199] : memref<125x80xi32, #tpu.memory_space<vmem>> -> memref<1x80xi32, #tpu.memory_space<vmem>>
        %dma_start3A_201 = tpu.memref_squeeze %dma_start3A_200 : memref<1x80xi32, #tpu.memory_space<vmem>> -> memref<80xi32, #tpu.memory_space<vmem>>
        %dma_start3A_202 = arith.constant 0 : i32
        %dma_start3A_203 = arith.constant 0 : i32
        %dma_start3A_204 = tpu.memref_slice %arg7[%dma_start3A_202, %dma_start3A_203] : memref<10000x128xf32, #tpu.memory_space<vmem_shared>> -> memref<10000x128xf32, #tpu.memory_space<vmem_shared>>
        tpu.enqueue_indirect_dma source(%arg11 : memref<80x128xf32, #tpu.memory_space<vmem>>) target(%dma_start3A_204 : memref<10000x128xf32, #tpu.memory_space<vmem_shared>>) offsets(%dma_start3A_201 : memref<80xi32, #tpu.memory_space<vmem>>) semaphore(%run_scoped3A_198 : memref<!tpu.dma_semaphore, #tpu.memory_space<semaphore_mem>>) {add = true}
        %dma_wait3A_205 = arith.constant 0 : i32
        %dma_wait3A_206 = tpu.memref_slice %arg9[%add3A_149, %dma_wait3A_205] : memref<125x80xi32, #tpu.memory_space<vmem>> -> memref<1x80xi32, #tpu.memory_space<vmem>>
        %dma_wait3A_207 = tpu.memref_squeeze %dma_wait3A_206 : memref<1x80xi32, #tpu.memory_space<vmem>> -> memref<80xi32, #tpu.memory_space<vmem>>
        %dma_wait3A_208 = arith.constant 0 : i32
        %dma_wait3A_209 = arith.constant 0 : i32
        %dma_wait3A_210 = tpu.memref_slice %arg7[%dma_wait3A_208, %dma_wait3A_209] : memref<10000x128xf32, #tpu.memory_space<vmem_shared>> -> memref<10000x128xf32, #tpu.memory_space<vmem_shared>>
        tpu.wait_indirect_dma semaphore(%run_scoped3A_198 : memref<!tpu.dma_semaphore, #tpu.memory_space<semaphore_mem>>) src(%arg11 : memref<80x128xf32, #tpu.memory_space<vmem>>) dst(%dma_wait3A_210 : memref<10000x128xf32, #tpu.memory_space<vmem_shared>>)
        tpu.yield
      }) : () -> ()
      %add3A_150 = arith.constant 3 : i32
      %add3A_151 = arith.addi %mul3A_90, %add3A_150 : i32
      %min3A_152 = arith.constant 124 : i32
      %min3A_153 = arith.minsi %add3A_151, %min3A_152 : i32
      %mul3A_154 = arith.constant 80 : i32
      %mul3A_155 = arith.muli %min3A_153, %mul3A_154 : i32
      %add3A_156 = arith.constant 0 : i32
      %add3A_157 = arith.addi %mul3A_155, %add3A_156 : i32
      %dma_start3A_158 = arith.constant 0 : i32
      %dma_start3A_159 = arith.constant 0 : i32
      %dma_start3A_160 = tpu.memref_slice %arg11[%dma_start3A_158, %dma_start3A_159] : memref<80x128xf32, #tpu.memory_space<vmem>> -> memref<24x128xf32, #tpu.memory_space<vmem>>
      %dma_start3A_161 = tpu.memref_slice %arg8[%add3A_157] : memref<10000xi32, #tpu.memory_space<vmem>> -> memref<24xi32, #tpu.memory_space<vmem>>
      %dma_start3A_162 = arith.constant 0 : i32
      %dma_start3A_163 = arith.constant 0 : i32
      %dma_start3A_164 = tpu.memref_slice %arg2[%dma_start3A_162, %dma_start3A_163] : memref<10000x128xf32, #tpu.memory_space<hbm>> -> memref<10000x128xf32, #tpu.memory_space<hbm>>
      tpu.enqueue_indirect_dma source(%dma_start3A_164 : memref<10000x128xf32, #tpu.memory_space<hbm>>) target(%dma_start3A_160 : memref<24x128xf32, #tpu.memory_space<vmem>>) offsets(%dma_start3A_161 : memref<24xi32, #tpu.memory_space<vmem>>) semaphore(%arg13 : memref<!tpu.dma_semaphore, #tpu.memory_space<semaphore_mem>>)
      %mul3A_165 = arith.constant 80 : i32
      %mul3A_166 = arith.muli %min3A_153, %mul3A_165 : i32
      %add3A_167 = arith.constant 24 : i32
      %add3A_168 = arith.addi %mul3A_166, %add3A_167 : i32
      %dma_start3A_169 = arith.constant 24 : i32
      %dma_start3A_170 = arith.constant 0 : i32
      %dma_start3A_171 = tpu.memref_slice %arg11[%dma_start3A_169, %dma_start3A_170] : memref<80x128xf32, #tpu.memory_space<vmem>> -> memref<16x128xf32, #tpu.memory_space<vmem>>
      %dma_start3A_172 = tpu.memref_slice %arg8[%add3A_168] : memref<10000xi32, #tpu.memory_space<vmem>> -> memref<16xi32, #tpu.memory_space<vmem>>
      %dma_start3A_173 = arith.constant 0 : i32
      %dma_start3A_174 = arith.constant 0 : i32
      %dma_start3A_175 = tpu.memref_slice %arg2[%dma_start3A_173, %dma_start3A_174] : memref<10000x128xf32, #tpu.memory_space<hbm>> -> memref<10000x128xf32, #tpu.memory_space<hbm>>
      tpu.enqueue_indirect_dma source(%dma_start3A_175 : memref<10000x128xf32, #tpu.memory_space<hbm>>) target(%dma_start3A_171 : memref<16x128xf32, #tpu.memory_space<vmem>>) offsets(%dma_start3A_172 : memref<16xi32, #tpu.memory_space<vmem>>) semaphore(%arg13 : memref<!tpu.dma_semaphore, #tpu.memory_space<semaphore_mem>>)
      %mul3A_176 = arith.constant 80 : i32
      %mul3A_177 = arith.muli %min3A_153, %mul3A_176 : i32
      %add3A_178 = arith.constant 40 : i32
      %add3A_179 = arith.addi %mul3A_177, %add3A_178 : i32
      %dma_start3A_180 = arith.constant 40 : i32
      %dma_start3A_181 = arith.constant 0 : i32
      %dma_start3A_182 = tpu.memref_slice %arg11[%dma_start3A_180, %dma_start3A_181] : memref<80x128xf32, #tpu.memory_space<vmem>> -> memref<24x128xf32, #tpu.memory_space<vmem>>
      %dma_start3A_183 = tpu.memref_slice %arg8[%add3A_179] : memref<10000xi32, #tpu.memory_space<vmem>> -> memref<24xi32, #tpu.memory_space<vmem>>
      %dma_start3A_184 = arith.constant 0 : i32
      %dma_start3A_185 = arith.constant 0 : i32
      %dma_start3A_186 = tpu.memref_slice %arg2[%dma_start3A_184, %dma_start3A_185] : memref<10000x128xf32, #tpu.memory_space<hbm>> -> memref<10000x128xf32, #tpu.memory_space<hbm>>
      tpu.enqueue_indirect_dma source(%dma_start3A_186 : memref<10000x128xf32, #tpu.memory_space<hbm>>) target(%dma_start3A_182 : memref<24x128xf32, #tpu.memory_space<vmem>>) offsets(%dma_start3A_183 : memref<24xi32, #tpu.memory_space<vmem>>) semaphore(%arg13 : memref<!tpu.dma_semaphore, #tpu.memory_space<semaphore_mem>>)
      %mul3A_187 = arith.constant 80 : i32
      %mul3A_188 = arith.muli %min3A_153, %mul3A_187 : i32
      %add3A_189 = arith.constant 64 : i32
      %add3A_190 = arith.addi %mul3A_188, %add3A_189 : i32
      %dma_start3A_191 = arith.constant 64 : i32
      %dma_start3A_192 = arith.constant 0 : i32
      %dma_start3A_193 = tpu.memref_slice %arg11[%dma_start3A_191, %dma_start3A_192] : memref<80x128xf32, #tpu.memory_space<vmem>> -> memref<16x128xf32, #tpu.memory_space<vmem>>
      %dma_start3A_194 = tpu.memref_slice %arg8[%add3A_190] : memref<10000xi32, #tpu.memory_space<vmem>> -> memref<16xi32, #tpu.memory_space<vmem>>
      %dma_start3A_195 = arith.constant 0 : i32
      %dma_start3A_196 = arith.constant 0 : i32
      %dma_start3A_197 = tpu.memref_slice %arg2[%dma_start3A_195, %dma_start3A_196] : memref<10000x128xf32, #tpu.memory_space<hbm>> -> memref<10000x128xf32, #tpu.memory_space<hbm>>
      tpu.enqueue_indirect_dma source(%dma_start3A_197 : memref<10000x128xf32, #tpu.memory_space<hbm>>) target(%dma_start3A_193 : memref<16x128xf32, #tpu.memory_space<vmem>>) offsets(%dma_start3A_194 : memref<16xi32, #tpu.memory_space<vmem>>) semaphore(%arg13 : memref<!tpu.dma_semaphore, #tpu.memory_space<semaphore_mem>>)
    }
    %scan3A_72 = arith.constant 62 : i32
    %dma_wait3A = arith.constant 0 : i32
    %dma_wait3A_73 = tpu.memref_slice %arg8[%dma_wait3A] : memref<10000xi32, #tpu.memory_space<vmem>> -> memref<80xi32, #tpu.memory_space<vmem>>
    %dma_wait3A_74 = arith.constant 0 : i32
    %dma_wait3A_75 = arith.constant 0 : i32
    %dma_wait3A_76 = tpu.memref_slice %arg2[%dma_wait3A_74, %dma_wait3A_75] : memref<10000x128xf32, #tpu.memory_space<hbm>> -> memref<10000x128xf32, #tpu.memory_space<hbm>>
    tpu.wait_indirect_dma semaphore(%arg12 : memref<!tpu.dma_semaphore, #tpu.memory_space<semaphore_mem>>) src(%dma_wait3A_76 : memref<10000x128xf32, #tpu.memory_space<hbm>>) dst(%arg10 : memref<80x128xf32, #tpu.memory_space<vmem>>)
    %run_scoped3A = arith.constant 124 : i32
    "tpu.region"() ({
      %run_scoped3A_88 = tpu.sem_alloc : memref<!tpu.dma_semaphore, #tpu.memory_space<semaphore_mem>>
      %dma_start3A_89 = arith.constant 0 : i32
      %dma_start3A_90 = tpu.memref_slice %arg9[%run_scoped3A, %dma_start3A_89] : memref<125x80xi32, #tpu.memory_space<vmem>> -> memref<1x80xi32, #tpu.memory_space<vmem>>
      %dma_start3A_91 = tpu.memref_squeeze %dma_start3A_90 : memref<1x80xi32, #tpu.memory_space<vmem>> -> memref<80xi32, #tpu.memory_space<vmem>>
      %dma_start3A_92 = arith.constant 0 : i32
      %dma_start3A_93 = arith.constant 0 : i32
      %dma_start3A_94 = tpu.memref_slice %arg7[%dma_start3A_92, %dma_start3A_93] : memref<10000x128xf32, #tpu.memory_space<vmem_shared>> -> memref<10000x128xf32, #tpu.memory_space<vmem_shared>>
      tpu.enqueue_indirect_dma source(%arg10 : memref<80x128xf32, #tpu.memory_space<vmem>>) target(%dma_start3A_94 : memref<10000x128xf32, #tpu.memory_space<vmem_shared>>) offsets(%dma_start3A_91 : memref<80xi32, #tpu.memory_space<vmem>>) semaphore(%run_scoped3A_88 : memref<!tpu.dma_semaphore, #tpu.memory_space<semaphore_mem>>) {add = true}
      %dma_wait3A_95 = arith.constant 0 : i32
      %dma_wait3A_96 = tpu.memref_slice %arg9[%run_scoped3A, %dma_wait3A_95] : memref<125x80xi32, #tpu.memory_space<vmem>> -> memref<1x80xi32, #tpu.memory_space<vmem>>
      %dma_wait3A_97 = tpu.memref_squeeze %dma_wait3A_96 : memref<1x80xi32, #tpu.memory_space<vmem>> -> memref<80xi32, #tpu.memory_space<vmem>>
      %dma_wait3A_98 = arith.constant 0 : i32
      %dma_wait3A_99 = arith.constant 0 : i32
      %dma_wait3A_100 = tpu.memref_slice %arg7[%dma_wait3A_98, %dma_wait3A_99] : memref<10000x128xf32, #tpu.memory_space<vmem_shared>> -> memref<10000x128xf32, #tpu.memory_space<vmem_shared>>
      tpu.wait_indirect_dma semaphore(%run_scoped3A_88 : memref<!tpu.dma_semaphore, #tpu.memory_space<semaphore_mem>>) src(%arg10 : memref<80x128xf32, #tpu.memory_space<vmem>>) dst(%dma_wait3A_100 : memref<10000x128xf32, #tpu.memory_space<vmem_shared>>)
      tpu.yield
    }) : () -> ()
    %dma_wait3A_77 = arith.constant 0 : i32
    %dma_wait3A_78 = tpu.memref_slice %arg8[%dma_wait3A_77] : memref<10000xi32, #tpu.memory_space<vmem>> -> memref<80xi32, #tpu.memory_space<vmem>>
    %dma_wait3A_79 = arith.constant 0 : i32
    %dma_wait3A_80 = arith.constant 0 : i32
    %dma_wait3A_81 = tpu.memref_slice %arg2[%dma_wait3A_79, %dma_wait3A_80] : memref<10000x128xf32, #tpu.memory_space<hbm>> -> memref<10000x128xf32, #tpu.memory_space<hbm>>
    tpu.wait_indirect_dma semaphore(%arg13 : memref<!tpu.dma_semaphore, #tpu.memory_space<semaphore_mem>>) src(%dma_wait3A_81 : memref<10000x128xf32, #tpu.memory_space<hbm>>) dst(%arg11 : memref<80x128xf32, #tpu.memory_space<vmem>>)
    %barrier3A_82 = arith.constant 0 : index
    tpu.barrier barrier_id(%barrier3A_82)
    "tpu.region"() ({
      %run_scoped3A_88 = tpu.sem_alloc : memref<!tpu.dma_semaphore, #tpu.memory_space<semaphore_mem>>
      %dma_start3A_89 = arith.constant 0 : i32
      %dma_start3A_90 = tpu.memref_slice %arg6[%arg0, %mul3A_2, %dma_start3A_89] : memref<2x10000x128xf32, #tpu.memory_space<hbm>> -> memref<1x624x128xf32, #tpu.memory_space<hbm>>
      %dma_start3A_91 = tpu.memref_squeeze %dma_start3A_90 : memref<1x624x128xf32, #tpu.memory_space<hbm>> -> memref<624x128xf32, #tpu.memory_space<hbm>>
      %dma_start3A_92 = arith.constant 0 : i32
      %dma_start3A_93 = tpu.memref_slice %arg7[%mul3A_2, %dma_start3A_92] : memref<10000x128xf32, #tpu.memory_space<vmem_shared>> -> memref<624x128xf32, #tpu.memory_space<vmem_shared>>
      tpu.enqueue_dma source(%dma_start3A_93 : memref<624x128xf32, #tpu.memory_space<vmem_shared>>) target(%dma_start3A_91 : memref<624x128xf32, #tpu.memory_space<hbm>>) target_semaphore(%run_scoped3A_88 : memref<!tpu.dma_semaphore, #tpu.memory_space<semaphore_mem>>)
      %dma_wait3A_94 = arith.constant 0 : i32
      %dma_wait3A_95 = tpu.memref_slice %arg6[%arg0, %mul3A_2, %dma_wait3A_94] : memref<2x10000x128xf32, #tpu.memory_space<hbm>> -> memref<1x624x128xf32, #tpu.memory_space<hbm>>
      %dma_wait3A_96 = tpu.memref_squeeze %dma_wait3A_95 : memref<1x624x128xf32, #tpu.memory_space<hbm>> -> memref<624x128xf32, #tpu.memory_space<hbm>>
      %dma_wait3A_97 = arith.constant 0 : i32
      %dma_wait3A_98 = tpu.memref_slice %arg7[%mul3A_2, %dma_wait3A_97] : memref<10000x128xf32, #tpu.memory_space<vmem_shared>> -> memref<624x128xf32, #tpu.memory_space<vmem_shared>>
      tpu.wait_dma2 semaphore(%run_scoped3A_88 : memref<!tpu.dma_semaphore, #tpu.memory_space<semaphore_mem>>) src(%dma_wait3A_98 : memref<624x128xf32, #tpu.memory_space<vmem_shared>>) dst(%dma_wait3A_96 : memref<624x128xf32, #tpu.memory_space<hbm>>)
      tpu.yield
    }) : () -> ()
    %eq3A_83 = arith.constant 15 : i32
    %eq3A_84 = arith.cmpi eq, %arg1, %eq3A_83 : i32
    %convert_element_type3A_85 = arith.extui %eq3A_84 : i1 to i32
    %cond3A_86 = arith.constant 0 : i32
    %cond3A_87 = arith.cmpi ne, %convert_element_type3A_85, %cond3A_86 : i32
    scf.if %cond3A_87 {
      "tpu.region"() ({
        %run_scoped3A_88 = tpu.sem_alloc : memref<!tpu.dma_semaphore, #tpu.memory_space<semaphore_mem>>
        %dma_start3A_89 = arith.constant 9984 : i32
        %dma_start3A_90 = arith.constant 0 : i32
        %dma_start3A_91 = tpu.memref_slice %arg6[%arg0, %dma_start3A_89, %dma_start3A_90] : memref<2x10000x128xf32, #tpu.memory_space<hbm>> -> memref<1x16x128xf32, #tpu.memory_space<hbm>>
        %dma_start3A_92 = tpu.memref_squeeze %dma_start3A_91 : memref<1x16x128xf32, #tpu.memory_space<hbm>> -> memref<16x128xf32, #tpu.memory_space<hbm>>
        %dma_start3A_93 = arith.constant 9984 : i32
        %dma_start3A_94 = arith.constant 0 : i32
        %dma_start3A_95 = tpu.memref_slice %arg7[%dma_start3A_93, %dma_start3A_94] : memref<10000x128xf32, #tpu.memory_space<vmem_shared>> -> memref<16x128xf32, #tpu.memory_space<vmem_shared>>
        tpu.enqueue_dma source(%dma_start3A_95 : memref<16x128xf32, #tpu.memory_space<vmem_shared>>) target(%dma_start3A_92 : memref<16x128xf32, #tpu.memory_space<hbm>>) target_semaphore(%run_scoped3A_88 : memref<!tpu.dma_semaphore, #tpu.memory_space<semaphore_mem>>)
        %dma_wait3A_96 = arith.constant 9984 : i32
        %dma_wait3A_97 = arith.constant 0 : i32
        %dma_wait3A_98 = tpu.memref_slice %arg6[%arg0, %dma_wait3A_96, %dma_wait3A_97] : memref<2x10000x128xf32, #tpu.memory_space<hbm>> -> memref<1x16x128xf32, #tpu.memory_space<hbm>>
        %dma_wait3A_99 = tpu.memref_squeeze %dma_wait3A_98 : memref<1x16x128xf32, #tpu.memory_space<hbm>> -> memref<16x128xf32, #tpu.memory_space<hbm>>
        %dma_wait3A_100 = arith.constant 9984 : i32
        %dma_wait3A_101 = arith.constant 0 : i32
        %dma_wait3A_102 = tpu.memref_slice %arg7[%dma_wait3A_100, %dma_wait3A_101] : memref<10000x128xf32, #tpu.memory_space<vmem_shared>> -> memref<16x128xf32, #tpu.memory_space<vmem_shared>>
        tpu.wait_dma2 semaphore(%run_scoped3A_88 : memref<!tpu.dma_semaphore, #tpu.memory_space<semaphore_mem>>) src(%dma_wait3A_102 : memref<16x128xf32, #tpu.memory_space<vmem_shared>>) dst(%dma_wait3A_99 : memref<16x128xf32, #tpu.memory_space<hbm>>)
        tpu.yield
      }) : () -> ()
    } else {
    }
    return
  }
}

#map = affine_map<(d0, d1) -> (0, 0)>
#map1 = affine_map<(d0, d1) -> (0, 0, 0)>
module attributes {stable_mosaic.version = 14 : i64} {
  func.func @edge_agg(%arg0: i32, %arg1: i32, %arg2: memref<10000x128xf32, #tpu.memory_space<hbm>>, %arg3: memref<32x10000xi32, #tpu.memory_space<hbm>>, %arg4: memref<32x125x80xi32, #tpu.memory_space<hbm>>, %arg5: memref<10000x128xf32, #tpu.memory_space<hbm>>, %arg6: memref<2x10000x128xf32, #tpu.memory_space<hbm>>, %arg7: memref<10000x128xf32, #tpu.memory_space<vmem_shared>>, %arg8: memref<10000xi32, #tpu.memory_space<vmem>>, %arg9: memref<125x80xi32, #tpu.memory_space<vmem>>, %arg10: memref<80x128xf32, #tpu.memory_space<vmem>>, %arg11: memref<80x128xf32, #tpu.memory_space<vmem>>, %arg12: memref<!tpu.dma_semaphore, #tpu.memory_space<semaphore_mem>>, %arg13: memref<!tpu.dma_semaphore, #tpu.memory_space<semaphore_mem>>) attributes {dimension_semantics = [#tpu.dimension_semantics<core_parallel>, #tpu.dimension_semantics<subcore_parallel>], iteration_bounds = array<i64: 2, 16>, scalar_prefetch = 0 : i64, scratch_operands = 7 : i64, tpu.core_type = #tpu.core_type<sc_vector_subcore>, window_params = [{transform_indices = #map}, {transform_indices = #map}, {transform_indices = #map1}, {transform_indices = #map}, {transform_indices = #map1}]} {
    %mul3A = arith.constant 16 : i32
    %mul3A_0 = arith.muli %arg0, %mul3A : i32
    %add3A = arith.addi %mul3A_0, %arg1 : i32
    %mul3A_1 = arith.constant 624 : i32
    %mul3A_2 = arith.muli %arg1, %mul3A_1 : i32
    "tpu.region"() ({
      %run_scoped3A_88 = tpu.sem_alloc : memref<!tpu.dma_semaphore, #tpu.memory_space<semaphore_mem>>
      %dma_start3A_89 = arith.constant 0 : i32
      %dma_start3A_90 = tpu.memref_slice %arg7[%mul3A_2, %dma_start3A_89] : memref<10000x128xf32, #tpu.memory_space<vmem_shared>> -> memref<624x128xf32, #tpu.memory_space<vmem_shared>>
      %dma_start3A_91 = arith.constant 0 : i32
      %dma_start3A_92 = tpu.memref_slice %arg5[%mul3A_2, %dma_start3A_91] : memref<10000x128xf32, #tpu.memory_space<hbm>> -> memref<624x128xf32, #tpu.memory_space<hbm>>
      tpu.enqueue_dma source(%dma_start3A_92 : memref<624x128xf32, #tpu.memory_space<hbm>>) target(%dma_start3A_90 : memref<624x128xf32, #tpu.memory_space<vmem_shared>>) target_semaphore(%run_scoped3A_88 : memref<!tpu.dma_semaphore, #tpu.memory_space<semaphore_mem>>)
      %dma_wait3A_93 = arith.constant 0 : i32
      %dma_wait3A_94 = tpu.memref_slice %arg7[%mul3A_2, %dma_wait3A_93] : memref<10000x128xf32, #tpu.memory_space<vmem_shared>> -> memref<624x128xf32, #tpu.memory_space<vmem_shared>>
      %dma_wait3A_95 = arith.constant 0 : i32
      %dma_wait3A_96 = tpu.memref_slice %arg5[%mul3A_2, %dma_wait3A_95] : memref<10000x128xf32, #tpu.memory_space<hbm>> -> memref<624x128xf32, #tpu.memory_space<hbm>>
      tpu.wait_dma2 semaphore(%run_scoped3A_88 : memref<!tpu.dma_semaphore, #tpu.memory_space<semaphore_mem>>) src(%dma_wait3A_96 : memref<624x128xf32, #tpu.memory_space<hbm>>) dst(%dma_wait3A_94 : memref<624x128xf32, #tpu.memory_space<vmem_shared>>)
      tpu.yield
    }) : () -> ()
    %eq3A = arith.constant 15 : i32
    %eq3A_3 = arith.cmpi eq, %arg1, %eq3A : i32
    %convert_element_type3A = arith.extui %eq3A_3 : i1 to i32
    %cond3A = arith.constant 0 : i32
    %cond3A_4 = arith.cmpi ne, %convert_element_type3A, %cond3A : i32
    scf.if %cond3A_4 {
      "tpu.region"() ({
        %run_scoped3A_88 = tpu.sem_alloc : memref<!tpu.dma_semaphore, #tpu.memory_space<semaphore_mem>>
        %dma_start3A_89 = arith.constant 9984 : i32
        %dma_start3A_90 = arith.constant 0 : i32
        %dma_start3A_91 = tpu.memref_slice %arg7[%dma_start3A_89, %dma_start3A_90] : memref<10000x128xf32, #tpu.memory_space<vmem_shared>> -> memref<16x128xf32, #tpu.memory_space<vmem_shared>>
        %dma_start3A_92 = arith.constant 9984 : i32
        %dma_start3A_93 = arith.constant 0 : i32
        %dma_start3A_94 = tpu.memref_slice %arg5[%dma_start3A_92, %dma_start3A_93] : memref<10000x128xf32, #tpu.memory_space<hbm>> -> memref<16x128xf32, #tpu.memory_space<hbm>>
        tpu.enqueue_dma source(%dma_start3A_94 : memref<16x128xf32, #tpu.memory_space<hbm>>) target(%dma_start3A_91 : memref<16x128xf32, #tpu.memory_space<vmem_shared>>) target_semaphore(%run_scoped3A_88 : memref<!tpu.dma_semaphore, #tpu.memory_space<semaphore_mem>>)
        %dma_wait3A_95 = arith.constant 9984 : i32
        %dma_wait3A_96 = arith.constant 0 : i32
        %dma_wait3A_97 = tpu.memref_slice %arg7[%dma_wait3A_95, %dma_wait3A_96] : memref<10000x128xf32, #tpu.memory_space<vmem_shared>> -> memref<16x128xf32, #tpu.memory_space<vmem_shared>>
        %dma_wait3A_98 = arith.constant 9984 : i32
        %dma_wait3A_99 = arith.constant 0 : i32
        %dma_wait3A_100 = tpu.memref_slice %arg5[%dma_wait3A_98, %dma_wait3A_99] : memref<10000x128xf32, #tpu.memory_space<hbm>> -> memref<16x128xf32, #tpu.memory_space<hbm>>
        tpu.wait_dma2 semaphore(%run_scoped3A_88 : memref<!tpu.dma_semaphore, #tpu.memory_space<semaphore_mem>>) src(%dma_wait3A_100 : memref<16x128xf32, #tpu.memory_space<hbm>>) dst(%dma_wait3A_97 : memref<16x128xf32, #tpu.memory_space<vmem_shared>>)
        tpu.yield
      }) : () -> ()
    } else {
    }
    "tpu.region"() ({
      %run_scoped3A_88 = tpu.sem_alloc : memref<!tpu.dma_semaphore, #tpu.memory_space<semaphore_mem>>
      %dma_start3A_89 = arith.constant 0 : i32
      %dma_start3A_90 = tpu.memref_slice %arg3[%add3A, %dma_start3A_89] : memref<32x10000xi32, #tpu.memory_space<hbm>> -> memref<1x10000xi32, #tpu.memory_space<hbm>>
      %dma_start3A_91 = tpu.memref_squeeze %dma_start3A_90 : memref<1x10000xi32, #tpu.memory_space<hbm>> -> memref<10000xi32, #tpu.memory_space<hbm>>
      %dma_start3A_92 = arith.constant 0 : i32
      %dma_start3A_93 = tpu.memref_slice %arg3[%add3A, %dma_start3A_92] : memref<32x10000xi32, #tpu.memory_space<hbm>> -> memref<1x10000xi32, #tpu.memory_space<hbm>>
      %dma_start3A_94 = tpu.memref_squeeze %dma_start3A_93 : memref<1x10000xi32, #tpu.memory_space<hbm>> -> memref<10000xi32, #tpu.memory_space<hbm>>
      tpu.enqueue_dma source(%dma_start3A_94 : memref<10000xi32, #tpu.memory_space<hbm>>) target(%arg8 : memref<10000xi32, #tpu.memory_space<vmem>>) target_semaphore(%run_scoped3A_88 : memref<!tpu.dma_semaphore, #tpu.memory_space<semaphore_mem>>)
      %dma_wait3A_95 = arith.constant 0 : i32
      %dma_wait3A_96 = tpu.memref_slice %arg3[%add3A, %dma_wait3A_95] : memref<32x10000xi32, #tpu.memory_space<hbm>> -> memref<1x10000xi32, #tpu.memory_space<hbm>>
      %dma_wait3A_97 = tpu.memref_squeeze %dma_wait3A_96 : memref<1x10000xi32, #tpu.memory_space<hbm>> -> memref<10000xi32, #tpu.memory_space<hbm>>
      %dma_wait3A_98 = arith.constant 0 : i32
      %dma_wait3A_99 = tpu.memref_slice %arg3[%add3A, %dma_wait3A_98] : memref<32x10000xi32, #tpu.memory_space<hbm>> -> memref<1x10000xi32, #tpu.memory_space<hbm>>
      %dma_wait3A_100 = tpu.memref_squeeze %dma_wait3A_99 : memref<1x10000xi32, #tpu.memory_space<hbm>> -> memref<10000xi32, #tpu.memory_space<hbm>>
      tpu.wait_dma2 semaphore(%run_scoped3A_88 : memref<!tpu.dma_semaphore, #tpu.memory_space<semaphore_mem>>) src(%dma_wait3A_100 : memref<10000xi32, #tpu.memory_space<hbm>>) dst(%arg8 : memref<10000xi32, #tpu.memory_space<vmem>>)
      tpu.yield
    }) : () -> ()
    "tpu.region"() ({
      %run_scoped3A_88 = tpu.sem_alloc : memref<!tpu.dma_semaphore, #tpu.memory_space<semaphore_mem>>
      %dma_start3A_89 = arith.constant 0 : i32
      %dma_start3A_90 = arith.constant 0 : i32
      %dma_start3A_91 = tpu.memref_slice %arg4[%add3A, %dma_start3A_89, %dma_start3A_90] : memref<32x125x80xi32, #tpu.memory_space<hbm>> -> memref<1x125x80xi32, #tpu.memory_space<hbm>>
      %dma_start3A_92 = tpu.memref_squeeze %dma_start3A_91 : memref<1x125x80xi32, #tpu.memory_space<hbm>> -> memref<125x80xi32, #tpu.memory_space<hbm>>
      %dma_start3A_93 = arith.constant 0 : i32
      %dma_start3A_94 = arith.constant 0 : i32
      %dma_start3A_95 = tpu.memref_slice %arg4[%add3A, %dma_start3A_93, %dma_start3A_94] : memref<32x125x80xi32, #tpu.memory_space<hbm>> -> memref<1x125x80xi32, #tpu.memory_space<hbm>>
      %dma_start3A_96 = tpu.memref_squeeze %dma_start3A_95 : memref<1x125x80xi32, #tpu.memory_space<hbm>> -> memref<125x80xi32, #tpu.memory_space<hbm>>
      tpu.enqueue_dma source(%dma_start3A_96 : memref<125x80xi32, #tpu.memory_space<hbm>>) target(%arg9 : memref<125x80xi32, #tpu.memory_space<vmem>>) target_semaphore(%run_scoped3A_88 : memref<!tpu.dma_semaphore, #tpu.memory_space<semaphore_mem>>)
      %dma_wait3A_97 = arith.constant 0 : i32
      %dma_wait3A_98 = arith.constant 0 : i32
      %dma_wait3A_99 = tpu.memref_slice %arg4[%add3A, %dma_wait3A_97, %dma_wait3A_98] : memref<32x125x80xi32, #tpu.memory_space<hbm>> -> memref<1x125x80xi32, #tpu.memory_space<hbm>>
      %dma_wait3A_100 = tpu.memref_squeeze %dma_wait3A_99 : memref<1x125x80xi32, #tpu.memory_space<hbm>> -> memref<125x80xi32, #tpu.memory_space<hbm>>
      %dma_wait3A_101 = arith.constant 0 : i32
      %dma_wait3A_102 = arith.constant 0 : i32
      %dma_wait3A_103 = tpu.memref_slice %arg4[%add3A, %dma_wait3A_101, %dma_wait3A_102] : memref<32x125x80xi32, #tpu.memory_space<hbm>> -> memref<1x125x80xi32, #tpu.memory_space<hbm>>
      %dma_wait3A_104 = tpu.memref_squeeze %dma_wait3A_103 : memref<1x125x80xi32, #tpu.memory_space<hbm>> -> memref<125x80xi32, #tpu.memory_space<hbm>>
      tpu.wait_dma2 semaphore(%run_scoped3A_88 : memref<!tpu.dma_semaphore, #tpu.memory_space<semaphore_mem>>) src(%dma_wait3A_104 : memref<125x80xi32, #tpu.memory_space<hbm>>) dst(%arg9 : memref<125x80xi32, #tpu.memory_space<vmem>>)
      tpu.yield
    }) : () -> ()
    %barrier3A = arith.constant 0 : index
    tpu.barrier barrier_id(%barrier3A)
    %dma_start3A = arith.constant 0 : i32
    %dma_start3A_5 = arith.constant 0 : i32
    %dma_start3A_6 = tpu.memref_slice %arg10[%dma_start3A, %dma_start3A_5] : memref<80x128xf32, #tpu.memory_space<vmem>> -> memref<24x128xf32, #tpu.memory_space<vmem>>
    %dma_start3A_7 = arith.constant 0 : i32
    %dma_start3A_8 = tpu.memref_slice %arg8[%dma_start3A_7] : memref<10000xi32, #tpu.memory_space<vmem>> -> memref<24xi32, #tpu.memory_space<vmem>>
    %dma_start3A_9 = arith.constant 0 : i32
    %dma_start3A_10 = arith.constant 0 : i32
    %dma_start3A_11 = tpu.memref_slice %arg2[%dma_start3A_9, %dma_start3A_10] : memref<10000x128xf32, #tpu.memory_space<hbm>> -> memref<10000x128xf32, #tpu.memory_space<hbm>>
    tpu.enqueue_indirect_dma source(%dma_start3A_11 : memref<10000x128xf32, #tpu.memory_space<hbm>>) target(%dma_start3A_6 : memref<24x128xf32, #tpu.memory_space<vmem>>) offsets(%dma_start3A_8 : memref<24xi32, #tpu.memory_space<vmem>>) semaphore(%arg12 : memref<!tpu.dma_semaphore, #tpu.memory_space<semaphore_mem>>)
    %dma_start3A_12 = arith.constant 24 : i32
    %dma_start3A_13 = arith.constant 0 : i32
    %dma_start3A_14 = tpu.memref_slice %arg10[%dma_start3A_12, %dma_start3A_13] : memref<80x128xf32, #tpu.memory_space<vmem>> -> memref<16x128xf32, #tpu.memory_space<vmem>>
    %dma_start3A_15 = arith.constant 24 : i32
    %dma_start3A_16 = tpu.memref_slice %arg8[%dma_start3A_15] : memref<10000xi32, #tpu.memory_space<vmem>> -> memref<16xi32, #tpu.memory_space<vmem>>
    %dma_start3A_17 = arith.constant 0 : i32
    %dma_start3A_18 = arith.constant 0 : i32
    %dma_start3A_19 = tpu.memref_slice %arg2[%dma_start3A_17, %dma_start3A_18] : memref<10000x128xf32, #tpu.memory_space<hbm>> -> memref<10000x128xf32, #tpu.memory_space<hbm>>
    tpu.enqueue_indirect_dma source(%dma_start3A_19 : memref<10000x128xf32, #tpu.memory_space<hbm>>) target(%dma_start3A_14 : memref<16x128xf32, #tpu.memory_space<vmem>>) offsets(%dma_start3A_16 : memref<16xi32, #tpu.memory_space<vmem>>) semaphore(%arg12 : memref<!tpu.dma_semaphore, #tpu.memory_space<semaphore_mem>>)
    %dma_start3A_20 = arith.constant 40 : i32
    %dma_start3A_21 = arith.constant 0 : i32
    %dma_start3A_22 = tpu.memref_slice %arg10[%dma_start3A_20, %dma_start3A_21] : memref<80x128xf32, #tpu.memory_space<vmem>> -> memref<24x128xf32, #tpu.memory_space<vmem>>
    %dma_start3A_23 = arith.constant 40 : i32
    %dma_start3A_24 = tpu.memref_slice %arg8[%dma_start3A_23] : memref<10000xi32, #tpu.memory_space<vmem>> -> memref<24xi32, #tpu.memory_space<vmem>>
    %dma_start3A_25 = arith.constant 0 : i32
    %dma_start3A_26 = arith.constant 0 : i32
    %dma_start3A_27 = tpu.memref_slice %arg2[%dma_start3A_25, %dma_start3A_26] : memref<10000x128xf32, #tpu.memory_space<hbm>> -> memref<10000x128xf32, #tpu.memory_space<hbm>>
    tpu.enqueue_indirect_dma source(%dma_start3A_27 : memref<10000x128xf32, #tpu.memory_space<hbm>>) target(%dma_start3A_22 : memref<24x128xf32, #tpu.memory_space<vmem>>) offsets(%dma_start3A_24 : memref<24xi32, #tpu.memory_space<vmem>>) semaphore(%arg12 : memref<!tpu.dma_semaphore, #tpu.memory_space<semaphore_mem>>)
    %dma_start3A_28 = arith.constant 64 : i32
    %dma_start3A_29 = arith.constant 0 : i32
    %dma_start3A_30 = tpu.memref_slice %arg10[%dma_start3A_28, %dma_start3A_29] : memref<80x128xf32, #tpu.memory_space<vmem>> -> memref<16x128xf32, #tpu.memory_space<vmem>>
    %dma_start3A_31 = arith.constant 64 : i32
    %dma_start3A_32 = tpu.memref_slice %arg8[%dma_start3A_31] : memref<10000xi32, #tpu.memory_space<vmem>> -> memref<16xi32, #tpu.memory_space<vmem>>
    %dma_start3A_33 = arith.constant 0 : i32
    %dma_start3A_34 = arith.constant 0 : i32
    %dma_start3A_35 = tpu.memref_slice %arg2[%dma_start3A_33, %dma_start3A_34] : memref<10000x128xf32, #tpu.memory_space<hbm>> -> memref<10000x128xf32, #tpu.memory_space<hbm>>
    tpu.enqueue_indirect_dma source(%dma_start3A_35 : memref<10000x128xf32, #tpu.memory_space<hbm>>) target(%dma_start3A_30 : memref<16x128xf32, #tpu.memory_space<vmem>>) offsets(%dma_start3A_32 : memref<16xi32, #tpu.memory_space<vmem>>) semaphore(%arg12 : memref<!tpu.dma_semaphore, #tpu.memory_space<semaphore_mem>>)
    %dma_start3A_36 = arith.constant 0 : i32
    %dma_start3A_37 = arith.constant 0 : i32
    %dma_start3A_38 = tpu.memref_slice %arg11[%dma_start3A_36, %dma_start3A_37] : memref<80x128xf32, #tpu.memory_space<vmem>> -> memref<24x128xf32, #tpu.memory_space<vmem>>
    %dma_start3A_39 = arith.constant 80 : i32
    %dma_start3A_40 = tpu.memref_slice %arg8[%dma_start3A_39] : memref<10000xi32, #tpu.memory_space<vmem>> -> memref<24xi32, #tpu.memory_space<vmem>>
    %dma_start3A_41 = arith.constant 0 : i32
    %dma_start3A_42 = arith.constant 0 : i32
    %dma_start3A_43 = tpu.memref_slice %arg2[%dma_start3A_41, %dma_start3A_42] : memref<10000x128xf32, #tpu.memory_space<hbm>> -> memref<10000x128xf32, #tpu.memory_space<hbm>>
    tpu.enqueue_indirect_dma source(%dma_start3A_43 : memref<10000x128xf32, #tpu.memory_space<hbm>>) target(%dma_start3A_38 : memref<24x128xf32, #tpu.memory_space<vmem>>) offsets(%dma_start3A_40 : memref<24xi32, #tpu.memory_space<vmem>>) semaphore(%arg13 : memref<!tpu.dma_semaphore, #tpu.memory_space<semaphore_mem>>)
    %dma_start3A_44 = arith.constant 24 : i32
    %dma_start3A_45 = arith.constant 0 : i32
    %dma_start3A_46 = tpu.memref_slice %arg11[%dma_start3A_44, %dma_start3A_45] : memref<80x128xf32, #tpu.memory_space<vmem>> -> memref<16x128xf32, #tpu.memory_space<vmem>>
    %dma_start3A_47 = arith.constant 104 : i32
    %dma_start3A_48 = tpu.memref_slice %arg8[%dma_start3A_47] : memref<10000xi32, #tpu.memory_space<vmem>> -> memref<16xi32, #tpu.memory_space<vmem>>
    %dma_start3A_49 = arith.constant 0 : i32
    %dma_start3A_50 = arith.constant 0 : i32
    %dma_start3A_51 = tpu.memref_slice %arg2[%dma_start3A_49, %dma_start3A_50] : memref<10000x128xf32, #tpu.memory_space<hbm>> -> memref<10000x128xf32, #tpu.memory_space<hbm>>
    tpu.enqueue_indirect_dma source(%dma_start3A_51 : memref<10000x128xf32, #tpu.memory_space<hbm>>) target(%dma_start3A_46 : memref<16x128xf32, #tpu.memory_space<vmem>>) offsets(%dma_start3A_48 : memref<16xi32, #tpu.memory_space<vmem>>) semaphore(%arg13 : memref<!tpu.dma_semaphore, #tpu.memory_space<semaphore_mem>>)
    %dma_start3A_52 = arith.constant 40 : i32
    %dma_start3A_53 = arith.constant 0 : i32
    %dma_start3A_54 = tpu.memref_slice %arg11[%dma_start3A_52, %dma_start3A_53] : memref<80x128xf32, #tpu.memory_space<vmem>> -> memref<24x128xf32, #tpu.memory_space<vmem>>
    %dma_start3A_55 = arith.constant 120 : i32
    %dma_start3A_56 = tpu.memref_slice %arg8[%dma_start3A_55] : memref<10000xi32, #tpu.memory_space<vmem>> -> memref<24xi32, #tpu.memory_space<vmem>>
    %dma_start3A_57 = arith.constant 0 : i32
    %dma_start3A_58 = arith.constant 0 : i32
    %dma_start3A_59 = tpu.memref_slice %arg2[%dma_start3A_57, %dma_start3A_58] : memref<10000x128xf32, #tpu.memory_space<hbm>> -> memref<10000x128xf32, #tpu.memory_space<hbm>>
    tpu.enqueue_indirect_dma source(%dma_start3A_59 : memref<10000x128xf32, #tpu.memory_space<hbm>>) target(%dma_start3A_54 : memref<24x128xf32, #tpu.memory_space<vmem>>) offsets(%dma_start3A_56 : memref<24xi32, #tpu.memory_space<vmem>>) semaphore(%arg13 : memref<!tpu.dma_semaphore, #tpu.memory_space<semaphore_mem>>)
    %dma_start3A_60 = arith.constant 64 : i32
    %dma_start3A_61 = arith.constant 0 : i32
    %dma_start3A_62 = tpu.memref_slice %arg11[%dma_start3A_60, %dma_start3A_61] : memref<80x128xf32, #tpu.memory_space<vmem>> -> memref<16x128xf32, #tpu.memory_space<vmem>>
    %dma_start3A_63 = arith.constant 144 : i32
    %dma_start3A_64 = tpu.memref_slice %arg8[%dma_start3A_63] : memref<10000xi32, #tpu.memory_space<vmem>> -> memref<16xi32, #tpu.memory_space<vmem>>
    %dma_start3A_65 = arith.constant 0 : i32
    %dma_start3A_66 = arith.constant 0 : i32
    %dma_start3A_67 = tpu.memref_slice %arg2[%dma_start3A_65, %dma_start3A_66] : memref<10000x128xf32, #tpu.memory_space<hbm>> -> memref<10000x128xf32, #tpu.memory_space<hbm>>
    tpu.enqueue_indirect_dma source(%dma_start3A_67 : memref<10000x128xf32, #tpu.memory_space<hbm>>) target(%dma_start3A_62 : memref<16x128xf32, #tpu.memory_space<vmem>>) offsets(%dma_start3A_64 : memref<16xi32, #tpu.memory_space<vmem>>) semaphore(%arg13 : memref<!tpu.dma_semaphore, #tpu.memory_space<semaphore_mem>>)
    %scan3A = arith.constant 0 : i32
    %scan3A_68 = arith.constant 0 : i32
    %scan3A_69 = arith.constant 62 : i32
    %scan3A_70 = arith.addi %scan3A_68, %scan3A_69 : i32
    %scan3A_71 = arith.constant 1 : i32
    scf.for %scan3A_88 = %scan3A_68 to %scan3A_70 step %scan3A_71  : i32 {
      %mul3A_89 = arith.constant 2 : i32
      %mul3A_90 = arith.muli %mul3A_89, %scan3A_88 : i32
      %dma_wait3A_91 = arith.constant 0 : i32
      %dma_wait3A_92 = tpu.memref_slice %arg8[%dma_wait3A_91] : memref<10000xi32, #tpu.memory_space<vmem>> -> memref<80xi32, #tpu.memory_space<vmem>>
      %dma_wait3A_93 = arith.constant 0 : i32
      %dma_wait3A_94 = arith.constant 0 : i32
      %dma_wait3A_95 = tpu.memref_slice %arg2[%dma_wait3A_93, %dma_wait3A_94] : memref<10000x128xf32, #tpu.memory_space<hbm>> -> memref<10000x128xf32, #tpu.memory_space<hbm>>
      tpu.wait_indirect_dma semaphore(%arg12 : memref<!tpu.dma_semaphore, #tpu.memory_space<semaphore_mem>>) src(%dma_wait3A_95 : memref<10000x128xf32, #tpu.memory_space<hbm>>) dst(%arg10 : memref<80x128xf32, #tpu.memory_space<vmem>>)
      "tpu.region"() ({
        %run_scoped3A_198 = tpu.sem_alloc : memref<!tpu.dma_semaphore, #tpu.memory_space<semaphore_mem>>
        %dma_start3A_199 = arith.constant 0 : i32
        %dma_start3A_200 = tpu.memref_slice %arg9[%mul3A_90, %dma_start3A_199] : memref<125x80xi32, #tpu.memory_space<vmem>> -> memref<1x80xi32, #tpu.memory_space<vmem>>
        %dma_start3A_201 = tpu.memref_squeeze %dma_start3A_200 : memref<1x80xi32, #tpu.memory_space<vmem>> -> memref<80xi32, #tpu.memory_space<vmem>>
        %dma_start3A_202 = arith.constant 0 : i32
        %dma_start3A_203 = arith.constant 0 : i32
        %dma_start3A_204 = tpu.memref_slice %arg7[%dma_start3A_202, %dma_start3A_203] : memref<10000x128xf32, #tpu.memory_space<vmem_shared>> -> memref<10000x128xf32, #tpu.memory_space<vmem_shared>>
        tpu.enqueue_indirect_dma source(%arg10 : memref<80x128xf32, #tpu.memory_space<vmem>>) target(%dma_start3A_204 : memref<10000x128xf32, #tpu.memory_space<vmem_shared>>) offsets(%dma_start3A_201 : memref<80xi32, #tpu.memory_space<vmem>>) semaphore(%run_scoped3A_198 : memref<!tpu.dma_semaphore, #tpu.memory_space<semaphore_mem>>) {add = true}
        %dma_wait3A_205 = arith.constant 0 : i32
        %dma_wait3A_206 = tpu.memref_slice %arg9[%mul3A_90, %dma_wait3A_205] : memref<125x80xi32, #tpu.memory_space<vmem>> -> memref<1x80xi32, #tpu.memory_space<vmem>>
        %dma_wait3A_207 = tpu.memref_squeeze %dma_wait3A_206 : memref<1x80xi32, #tpu.memory_space<vmem>> -> memref<80xi32, #tpu.memory_space<vmem>>
        %dma_wait3A_208 = arith.constant 0 : i32
        %dma_wait3A_209 = arith.constant 0 : i32
        %dma_wait3A_210 = tpu.memref_slice %arg7[%dma_wait3A_208, %dma_wait3A_209] : memref<10000x128xf32, #tpu.memory_space<vmem_shared>> -> memref<10000x128xf32, #tpu.memory_space<vmem_shared>>
        tpu.wait_indirect_dma semaphore(%run_scoped3A_198 : memref<!tpu.dma_semaphore, #tpu.memory_space<semaphore_mem>>) src(%arg10 : memref<80x128xf32, #tpu.memory_space<vmem>>) dst(%dma_wait3A_210 : memref<10000x128xf32, #tpu.memory_space<vmem_shared>>)
        tpu.yield
      }) : () -> ()
      %add3A_96 = arith.constant 2 : i32
      %add3A_97 = arith.addi %mul3A_90, %add3A_96 : i32
      %min3A = arith.constant 124 : i32
      %min3A_98 = arith.minsi %add3A_97, %min3A : i32
      %mul3A_99 = arith.constant 80 : i32
      %mul3A_100 = arith.muli %min3A_98, %mul3A_99 : i32
      %add3A_101 = arith.constant 0 : i32
      %add3A_102 = arith.addi %mul3A_100, %add3A_101 : i32
      %dma_start3A_103 = arith.constant 0 : i32
      %dma_start3A_104 = arith.constant 0 : i32
      %dma_start3A_105 = tpu.memref_slice %arg10[%dma_start3A_103, %dma_start3A_104] : memref<80x128xf32, #tpu.memory_space<vmem>> -> memref<24x128xf32, #tpu.memory_space<vmem>>
      %dma_start3A_106 = tpu.memref_slice %arg8[%add3A_102] : memref<10000xi32, #tpu.memory_space<vmem>> -> memref<24xi32, #tpu.memory_space<vmem>>
      %dma_start3A_107 = arith.constant 0 : i32
      %dma_start3A_108 = arith.constant 0 : i32
      %dma_start3A_109 = tpu.memref_slice %arg2[%dma_start3A_107, %dma_start3A_108] : memref<10000x128xf32, #tpu.memory_space<hbm>> -> memref<10000x128xf32, #tpu.memory_space<hbm>>
      tpu.enqueue_indirect_dma source(%dma_start3A_109 : memref<10000x128xf32, #tpu.memory_space<hbm>>) target(%dma_start3A_105 : memref<24x128xf32, #tpu.memory_space<vmem>>) offsets(%dma_start3A_106 : memref<24xi32, #tpu.memory_space<vmem>>) semaphore(%arg12 : memref<!tpu.dma_semaphore, #tpu.memory_space<semaphore_mem>>)
      %mul3A_110 = arith.constant 80 : i32
      %mul3A_111 = arith.muli %min3A_98, %mul3A_110 : i32
      %add3A_112 = arith.constant 24 : i32
      %add3A_113 = arith.addi %mul3A_111, %add3A_112 : i32
      %dma_start3A_114 = arith.constant 24 : i32
      %dma_start3A_115 = arith.constant 0 : i32
      %dma_start3A_116 = tpu.memref_slice %arg10[%dma_start3A_114, %dma_start3A_115] : memref<80x128xf32, #tpu.memory_space<vmem>> -> memref<16x128xf32, #tpu.memory_space<vmem>>
      %dma_start3A_117 = tpu.memref_slice %arg8[%add3A_113] : memref<10000xi32, #tpu.memory_space<vmem>> -> memref<16xi32, #tpu.memory_space<vmem>>
      %dma_start3A_118 = arith.constant 0 : i32
      %dma_start3A_119 = arith.constant 0 : i32
      %dma_start3A_120 = tpu.memref_slice %arg2[%dma_start3A_118, %dma_start3A_119] : memref<10000x128xf32, #tpu.memory_space<hbm>> -> memref<10000x128xf32, #tpu.memory_space<hbm>>
      tpu.enqueue_indirect_dma source(%dma_start3A_120 : memref<10000x128xf32, #tpu.memory_space<hbm>>) target(%dma_start3A_116 : memref<16x128xf32, #tpu.memory_space<vmem>>) offsets(%dma_start3A_117 : memref<16xi32, #tpu.memory_space<vmem>>) semaphore(%arg12 : memref<!tpu.dma_semaphore, #tpu.memory_space<semaphore_mem>>)
      %mul3A_121 = arith.constant 80 : i32
      %mul3A_122 = arith.muli %min3A_98, %mul3A_121 : i32
      %add3A_123 = arith.constant 40 : i32
      %add3A_124 = arith.addi %mul3A_122, %add3A_123 : i32
      %dma_start3A_125 = arith.constant 40 : i32
      %dma_start3A_126 = arith.constant 0 : i32
      %dma_start3A_127 = tpu.memref_slice %arg10[%dma_start3A_125, %dma_start3A_126] : memref<80x128xf32, #tpu.memory_space<vmem>> -> memref<24x128xf32, #tpu.memory_space<vmem>>
      %dma_start3A_128 = tpu.memref_slice %arg8[%add3A_124] : memref<10000xi32, #tpu.memory_space<vmem>> -> memref<24xi32, #tpu.memory_space<vmem>>
      %dma_start3A_129 = arith.constant 0 : i32
      %dma_start3A_130 = arith.constant 0 : i32
      %dma_start3A_131 = tpu.memref_slice %arg2[%dma_start3A_129, %dma_start3A_130] : memref<10000x128xf32, #tpu.memory_space<hbm>> -> memref<10000x128xf32, #tpu.memory_space<hbm>>
      tpu.enqueue_indirect_dma source(%dma_start3A_131 : memref<10000x128xf32, #tpu.memory_space<hbm>>) target(%dma_start3A_127 : memref<24x128xf32, #tpu.memory_space<vmem>>) offsets(%dma_start3A_128 : memref<24xi32, #tpu.memory_space<vmem>>) semaphore(%arg12 : memref<!tpu.dma_semaphore, #tpu.memory_space<semaphore_mem>>)
      %mul3A_132 = arith.constant 80 : i32
      %mul3A_133 = arith.muli %min3A_98, %mul3A_132 : i32
      %add3A_134 = arith.constant 64 : i32
      %add3A_135 = arith.addi %mul3A_133, %add3A_134 : i32
      %dma_start3A_136 = arith.constant 64 : i32
      %dma_start3A_137 = arith.constant 0 : i32
      %dma_start3A_138 = tpu.memref_slice %arg10[%dma_start3A_136, %dma_start3A_137] : memref<80x128xf32, #tpu.memory_space<vmem>> -> memref<16x128xf32, #tpu.memory_space<vmem>>
      %dma_start3A_139 = tpu.memref_slice %arg8[%add3A_135] : memref<10000xi32, #tpu.memory_space<vmem>> -> memref<16xi32, #tpu.memory_space<vmem>>
      %dma_start3A_140 = arith.constant 0 : i32
      %dma_start3A_141 = arith.constant 0 : i32
      %dma_start3A_142 = tpu.memref_slice %arg2[%dma_start3A_140, %dma_start3A_141] : memref<10000x128xf32, #tpu.memory_space<hbm>> -> memref<10000x128xf32, #tpu.memory_space<hbm>>
      tpu.enqueue_indirect_dma source(%dma_start3A_142 : memref<10000x128xf32, #tpu.memory_space<hbm>>) target(%dma_start3A_138 : memref<16x128xf32, #tpu.memory_space<vmem>>) offsets(%dma_start3A_139 : memref<16xi32, #tpu.memory_space<vmem>>) semaphore(%arg12 : memref<!tpu.dma_semaphore, #tpu.memory_space<semaphore_mem>>)
      %dma_wait3A_143 = arith.constant 0 : i32
      %dma_wait3A_144 = tpu.memref_slice %arg8[%dma_wait3A_143] : memref<10000xi32, #tpu.memory_space<vmem>> -> memref<80xi32, #tpu.memory_space<vmem>>
      %dma_wait3A_145 = arith.constant 0 : i32
      %dma_wait3A_146 = arith.constant 0 : i32
      %dma_wait3A_147 = tpu.memref_slice %arg2[%dma_wait3A_145, %dma_wait3A_146] : memref<10000x128xf32, #tpu.memory_space<hbm>> -> memref<10000x128xf32, #tpu.memory_space<hbm>>
      tpu.wait_indirect_dma semaphore(%arg13 : memref<!tpu.dma_semaphore, #tpu.memory_space<semaphore_mem>>) src(%dma_wait3A_147 : memref<10000x128xf32, #tpu.memory_space<hbm>>) dst(%arg11 : memref<80x128xf32, #tpu.memory_space<vmem>>)
      %add3A_148 = arith.constant 1 : i32
      %add3A_149 = arith.addi %mul3A_90, %add3A_148 : i32
      "tpu.region"() ({
        %run_scoped3A_198 = tpu.sem_alloc : memref<!tpu.dma_semaphore, #tpu.memory_space<semaphore_mem>>
        %dma_start3A_199 = arith.constant 0 : i32
        %dma_start3A_200 = tpu.memref_slice %arg9[%add3A_149, %dma_start3A_199] : memref<125x80xi32, #tpu.memory_space<vmem>> -> memref<1x80xi32, #tpu.memory_space<vmem>>
        %dma_start3A_201 = tpu.memref_squeeze %dma_start3A_200 : memref<1x80xi32, #tpu.memory_space<vmem>> -> memref<80xi32, #tpu.memory_space<vmem>>
        %dma_start3A_202 = arith.constant 0 : i32
        %dma_start3A_203 = arith.constant 0 : i32
        %dma_start3A_204 = tpu.memref_slice %arg7[%dma_start3A_202, %dma_start3A_203] : memref<10000x128xf32, #tpu.memory_space<vmem_shared>> -> memref<10000x128xf32, #tpu.memory_space<vmem_shared>>
        tpu.enqueue_indirect_dma source(%arg11 : memref<80x128xf32, #tpu.memory_space<vmem>>) target(%dma_start3A_204 : memref<10000x128xf32, #tpu.memory_space<vmem_shared>>) offsets(%dma_start3A_201 : memref<80xi32, #tpu.memory_space<vmem>>) semaphore(%run_scoped3A_198 : memref<!tpu.dma_semaphore, #tpu.memory_space<semaphore_mem>>) {add = true}
        %dma_wait3A_205 = arith.constant 0 : i32
        %dma_wait3A_206 = tpu.memref_slice %arg9[%add3A_149, %dma_wait3A_205] : memref<125x80xi32, #tpu.memory_space<vmem>> -> memref<1x80xi32, #tpu.memory_space<vmem>>
        %dma_wait3A_207 = tpu.memref_squeeze %dma_wait3A_206 : memref<1x80xi32, #tpu.memory_space<vmem>> -> memref<80xi32, #tpu.memory_space<vmem>>
        %dma_wait3A_208 = arith.constant 0 : i32
        %dma_wait3A_209 = arith.constant 0 : i32
        %dma_wait3A_210 = tpu.memref_slice %arg7[%dma_wait3A_208, %dma_wait3A_209] : memref<10000x128xf32, #tpu.memory_space<vmem_shared>> -> memref<10000x128xf32, #tpu.memory_space<vmem_shared>>
        tpu.wait_indirect_dma semaphore(%run_scoped3A_198 : memref<!tpu.dma_semaphore, #tpu.memory_space<semaphore_mem>>) src(%arg11 : memref<80x128xf32, #tpu.memory_space<vmem>>) dst(%dma_wait3A_210 : memref<10000x128xf32, #tpu.memory_space<vmem_shared>>)
        tpu.yield
      }) : () -> ()
      %add3A_150 = arith.constant 3 : i32
      %add3A_151 = arith.addi %mul3A_90, %add3A_150 : i32
      %min3A_152 = arith.constant 124 : i32
      %min3A_153 = arith.minsi %add3A_151, %min3A_152 : i32
      %mul3A_154 = arith.constant 80 : i32
      %mul3A_155 = arith.muli %min3A_153, %mul3A_154 : i32
      %add3A_156 = arith.constant 0 : i32
      %add3A_157 = arith.addi %mul3A_155, %add3A_156 : i32
      %dma_start3A_158 = arith.constant 0 : i32
      %dma_start3A_159 = arith.constant 0 : i32
      %dma_start3A_160 = tpu.memref_slice %arg11[%dma_start3A_158, %dma_start3A_159] : memref<80x128xf32, #tpu.memory_space<vmem>> -> memref<24x128xf32, #tpu.memory_space<vmem>>
      %dma_start3A_161 = tpu.memref_slice %arg8[%add3A_157] : memref<10000xi32, #tpu.memory_space<vmem>> -> memref<24xi32, #tpu.memory_space<vmem>>
      %dma_start3A_162 = arith.constant 0 : i32
      %dma_start3A_163 = arith.constant 0 : i32
      %dma_start3A_164 = tpu.memref_slice %arg2[%dma_start3A_162, %dma_start3A_163] : memref<10000x128xf32, #tpu.memory_space<hbm>> -> memref<10000x128xf32, #tpu.memory_space<hbm>>
      tpu.enqueue_indirect_dma source(%dma_start3A_164 : memref<10000x128xf32, #tpu.memory_space<hbm>>) target(%dma_start3A_160 : memref<24x128xf32, #tpu.memory_space<vmem>>) offsets(%dma_start3A_161 : memref<24xi32, #tpu.memory_space<vmem>>) semaphore(%arg13 : memref<!tpu.dma_semaphore, #tpu.memory_space<semaphore_mem>>)
      %mul3A_165 = arith.constant 80 : i32
      %mul3A_166 = arith.muli %min3A_153, %mul3A_165 : i32
      %add3A_167 = arith.constant 24 : i32
      %add3A_168 = arith.addi %mul3A_166, %add3A_167 : i32
      %dma_start3A_169 = arith.constant 24 : i32
      %dma_start3A_170 = arith.constant 0 : i32
      %dma_start3A_171 = tpu.memref_slice %arg11[%dma_start3A_169, %dma_start3A_170] : memref<80x128xf32, #tpu.memory_space<vmem>> -> memref<16x128xf32, #tpu.memory_space<vmem>>
      %dma_start3A_172 = tpu.memref_slice %arg8[%add3A_168] : memref<10000xi32, #tpu.memory_space<vmem>> -> memref<16xi32, #tpu.memory_space<vmem>>
      %dma_start3A_173 = arith.constant 0 : i32
      %dma_start3A_174 = arith.constant 0 : i32
      %dma_start3A_175 = tpu.memref_slice %arg2[%dma_start3A_173, %dma_start3A_174] : memref<10000x128xf32, #tpu.memory_space<hbm>> -> memref<10000x128xf32, #tpu.memory_space<hbm>>
      tpu.enqueue_indirect_dma source(%dma_start3A_175 : memref<10000x128xf32, #tpu.memory_space<hbm>>) target(%dma_start3A_171 : memref<16x128xf32, #tpu.memory_space<vmem>>) offsets(%dma_start3A_172 : memref<16xi32, #tpu.memory_space<vmem>>) semaphore(%arg13 : memref<!tpu.dma_semaphore, #tpu.memory_space<semaphore_mem>>)
      %mul3A_176 = arith.constant 80 : i32
      %mul3A_177 = arith.muli %min3A_153, %mul3A_176 : i32
      %add3A_178 = arith.constant 40 : i32
      %add3A_179 = arith.addi %mul3A_177, %add3A_178 : i32
      %dma_start3A_180 = arith.constant 40 : i32
      %dma_start3A_181 = arith.constant 0 : i32
      %dma_start3A_182 = tpu.memref_slice %arg11[%dma_start3A_180, %dma_start3A_181] : memref<80x128xf32, #tpu.memory_space<vmem>> -> memref<24x128xf32, #tpu.memory_space<vmem>>
      %dma_start3A_183 = tpu.memref_slice %arg8[%add3A_179] : memref<10000xi32, #tpu.memory_space<vmem>> -> memref<24xi32, #tpu.memory_space<vmem>>
      %dma_start3A_184 = arith.constant 0 : i32
      %dma_start3A_185 = arith.constant 0 : i32
      %dma_start3A_186 = tpu.memref_slice %arg2[%dma_start3A_184, %dma_start3A_185] : memref<10000x128xf32, #tpu.memory_space<hbm>> -> memref<10000x128xf32, #tpu.memory_space<hbm>>
      tpu.enqueue_indirect_dma source(%dma_start3A_186 : memref<10000x128xf32, #tpu.memory_space<hbm>>) target(%dma_start3A_182 : memref<24x128xf32, #tpu.memory_space<vmem>>) offsets(%dma_start3A_183 : memref<24xi32, #tpu.memory_space<vmem>>) semaphore(%arg13 : memref<!tpu.dma_semaphore, #tpu.memory_space<semaphore_mem>>)
      %mul3A_187 = arith.constant 80 : i32
      %mul3A_188 = arith.muli %min3A_153, %mul3A_187 : i32
      %add3A_189 = arith.constant 64 : i32
      %add3A_190 = arith.addi %mul3A_188, %add3A_189 : i32
      %dma_start3A_191 = arith.constant 64 : i32
      %dma_start3A_192 = arith.constant 0 : i32
      %dma_start3A_193 = tpu.memref_slice %arg11[%dma_start3A_191, %dma_start3A_192] : memref<80x128xf32, #tpu.memory_space<vmem>> -> memref<16x128xf32, #tpu.memory_space<vmem>>
      %dma_start3A_194 = tpu.memref_slice %arg8[%add3A_190] : memref<10000xi32, #tpu.memory_space<vmem>> -> memref<16xi32, #tpu.memory_space<vmem>>
      %dma_start3A_195 = arith.constant 0 : i32
      %dma_start3A_196 = arith.constant 0 : i32
      %dma_start3A_197 = tpu.memref_slice %arg2[%dma_start3A_195, %dma_start3A_196] : memref<10000x128xf32, #tpu.memory_space<hbm>> -> memref<10000x128xf32, #tpu.memory_space<hbm>>
      tpu.enqueue_indirect_dma source(%dma_start3A_197 : memref<10000x128xf32, #tpu.memory_space<hbm>>) target(%dma_start3A_193 : memref<16x128xf32, #tpu.memory_space<vmem>>) offsets(%dma_start3A_194 : memref<16xi32, #tpu.memory_space<vmem>>) semaphore(%arg13 : memref<!tpu.dma_semaphore, #tpu.memory_space<semaphore_mem>>)
    }
    %scan3A_72 = arith.constant 62 : i32
    %dma_wait3A = arith.constant 0 : i32
    %dma_wait3A_73 = tpu.memref_slice %arg8[%dma_wait3A] : memref<10000xi32, #tpu.memory_space<vmem>> -> memref<80xi32, #tpu.memory_space<vmem>>
    %dma_wait3A_74 = arith.constant 0 : i32
    %dma_wait3A_75 = arith.constant 0 : i32
    %dma_wait3A_76 = tpu.memref_slice %arg2[%dma_wait3A_74, %dma_wait3A_75] : memref<10000x128xf32, #tpu.memory_space<hbm>> -> memref<10000x128xf32, #tpu.memory_space<hbm>>
    tpu.wait_indirect_dma semaphore(%arg12 : memref<!tpu.dma_semaphore, #tpu.memory_space<semaphore_mem>>) src(%dma_wait3A_76 : memref<10000x128xf32, #tpu.memory_space<hbm>>) dst(%arg10 : memref<80x128xf32, #tpu.memory_space<vmem>>)
    %run_scoped3A = arith.constant 124 : i32
    "tpu.region"() ({
      %run_scoped3A_88 = tpu.sem_alloc : memref<!tpu.dma_semaphore, #tpu.memory_space<semaphore_mem>>
      %dma_start3A_89 = arith.constant 0 : i32
      %dma_start3A_90 = tpu.memref_slice %arg9[%run_scoped3A, %dma_start3A_89] : memref<125x80xi32, #tpu.memory_space<vmem>> -> memref<1x80xi32, #tpu.memory_space<vmem>>
      %dma_start3A_91 = tpu.memref_squeeze %dma_start3A_90 : memref<1x80xi32, #tpu.memory_space<vmem>> -> memref<80xi32, #tpu.memory_space<vmem>>
      %dma_start3A_92 = arith.constant 0 : i32
      %dma_start3A_93 = arith.constant 0 : i32
      %dma_start3A_94 = tpu.memref_slice %arg7[%dma_start3A_92, %dma_start3A_93] : memref<10000x128xf32, #tpu.memory_space<vmem_shared>> -> memref<10000x128xf32, #tpu.memory_space<vmem_shared>>
      tpu.enqueue_indirect_dma source(%arg10 : memref<80x128xf32, #tpu.memory_space<vmem>>) target(%dma_start3A_94 : memref<10000x128xf32, #tpu.memory_space<vmem_shared>>) offsets(%dma_start3A_91 : memref<80xi32, #tpu.memory_space<vmem>>) semaphore(%run_scoped3A_88 : memref<!tpu.dma_semaphore, #tpu.memory_space<semaphore_mem>>) {add = true}
      %dma_wait3A_95 = arith.constant 0 : i32
      %dma_wait3A_96 = tpu.memref_slice %arg9[%run_scoped3A, %dma_wait3A_95] : memref<125x80xi32, #tpu.memory_space<vmem>> -> memref<1x80xi32, #tpu.memory_space<vmem>>
      %dma_wait3A_97 = tpu.memref_squeeze %dma_wait3A_96 : memref<1x80xi32, #tpu.memory_space<vmem>> -> memref<80xi32, #tpu.memory_space<vmem>>
      %dma_wait3A_98 = arith.constant 0 : i32
      %dma_wait3A_99 = arith.constant 0 : i32
      %dma_wait3A_100 = tpu.memref_slice %arg7[%dma_wait3A_98, %dma_wait3A_99] : memref<10000x128xf32, #tpu.memory_space<vmem_shared>> -> memref<10000x128xf32, #tpu.memory_space<vmem_shared>>
      tpu.wait_indirect_dma semaphore(%run_scoped3A_88 : memref<!tpu.dma_semaphore, #tpu.memory_space<semaphore_mem>>) src(%arg10 : memref<80x128xf32, #tpu.memory_space<vmem>>) dst(%dma_wait3A_100 : memref<10000x128xf32, #tpu.memory_space<vmem_shared>>)
      tpu.yield
    }) : () -> ()
    %dma_wait3A_77 = arith.constant 0 : i32
    %dma_wait3A_78 = tpu.memref_slice %arg8[%dma_wait3A_77] : memref<10000xi32, #tpu.memory_space<vmem>> -> memref<80xi32, #tpu.memory_space<vmem>>
    %dma_wait3A_79 = arith.constant 0 : i32
    %dma_wait3A_80 = arith.constant 0 : i32
    %dma_wait3A_81 = tpu.memref_slice %arg2[%dma_wait3A_79, %dma_wait3A_80] : memref<10000x128xf32, #tpu.memory_space<hbm>> -> memref<10000x128xf32, #tpu.memory_space<hbm>>
    tpu.wait_indirect_dma semaphore(%arg13 : memref<!tpu.dma_semaphore, #tpu.memory_space<semaphore_mem>>) src(%dma_wait3A_81 : memref<10000x128xf32, #tpu.memory_space<hbm>>) dst(%arg11 : memref<80x128xf32, #tpu.memory_space<vmem>>)
    %barrier3A_82 = arith.constant 0 : index
    tpu.barrier barrier_id(%barrier3A_82)
    "tpu.region"() ({
      %run_scoped3A_88 = tpu.sem_alloc : memref<!tpu.dma_semaphore, #tpu.memory_space<semaphore_mem>>
      %dma_start3A_89 = arith.constant 0 : i32
      %dma_start3A_90 = tpu.memref_slice %arg6[%arg0, %mul3A_2, %dma_start3A_89] : memref<2x10000x128xf32, #tpu.memory_space<hbm>> -> memref<1x624x128xf32, #tpu.memory_space<hbm>>
      %dma_start3A_91 = tpu.memref_squeeze %dma_start3A_90 : memref<1x624x128xf32, #tpu.memory_space<hbm>> -> memref<624x128xf32, #tpu.memory_space<hbm>>
      %dma_start3A_92 = arith.constant 0 : i32
      %dma_start3A_93 = tpu.memref_slice %arg7[%mul3A_2, %dma_start3A_92] : memref<10000x128xf32, #tpu.memory_space<vmem_shared>> -> memref<624x128xf32, #tpu.memory_space<vmem_shared>>
      tpu.enqueue_dma source(%dma_start3A_93 : memref<624x128xf32, #tpu.memory_space<vmem_shared>>) target(%dma_start3A_91 : memref<624x128xf32, #tpu.memory_space<hbm>>) target_semaphore(%run_scoped3A_88 : memref<!tpu.dma_semaphore, #tpu.memory_space<semaphore_mem>>)
      %dma_wait3A_94 = arith.constant 0 : i32
      %dma_wait3A_95 = tpu.memref_slice %arg6[%arg0, %mul3A_2, %dma_wait3A_94] : memref<2x10000x128xf32, #tpu.memory_space<hbm>> -> memref<1x624x128xf32, #tpu.memory_space<hbm>>
      %dma_wait3A_96 = tpu.memref_squeeze %dma_wait3A_95 : memref<1x624x128xf32, #tpu.memory_space<hbm>> -> memref<624x128xf32, #tpu.memory_space<hbm>>
      %dma_wait3A_97 = arith.constant 0 : i32
      %dma_wait3A_98 = tpu.memref_slice %arg7[%mul3A_2, %dma_wait3A_97] : memref<10000x128xf32, #tpu.memory_space<vmem_shared>> -> memref<624x128xf32, #tpu.memory_space<vmem_shared>>
      tpu.wait_dma2 semaphore(%run_scoped3A_88 : memref<!tpu.dma_semaphore, #tpu.memory_space<semaphore_mem>>) src(%dma_wait3A_98 : memref<624x128xf32, #tpu.memory_space<vmem_shared>>) dst(%dma_wait3A_96 : memref<624x128xf32, #tpu.memory_space<hbm>>)
      tpu.yield
    }) : () -> ()
    %eq3A_83 = arith.constant 15 : i32
    %eq3A_84 = arith.cmpi eq, %arg1, %eq3A_83 : i32
    %convert_element_type3A_85 = arith.extui %eq3A_84 : i1 to i32
    %cond3A_86 = arith.constant 0 : i32
    %cond3A_87 = arith.cmpi ne, %convert_element_type3A_85, %cond3A_86 : i32
    scf.if %cond3A_87 {
      "tpu.region"() ({
        %run_scoped3A_88 = tpu.sem_alloc : memref<!tpu.dma_semaphore, #tpu.memory_space<semaphore_mem>>
        %dma_start3A_89 = arith.constant 9984 : i32
        %dma_start3A_90 = arith.constant 0 : i32
        %dma_start3A_91 = tpu.memref_slice %arg6[%arg0, %dma_start3A_89, %dma_start3A_90] : memref<2x10000x128xf32, #tpu.memory_space<hbm>> -> memref<1x16x128xf32, #tpu.memory_space<hbm>>
        %dma_start3A_92 = tpu.memref_squeeze %dma_start3A_91 : memref<1x16x128xf32, #tpu.memory_space<hbm>> -> memref<16x128xf32, #tpu.memory_space<hbm>>
        %dma_start3A_93 = arith.constant 9984 : i32
        %dma_start3A_94 = arith.constant 0 : i32
        %dma_start3A_95 = tpu.memref_slice %arg7[%dma_start3A_93, %dma_start3A_94] : memref<10000x128xf32, #tpu.memory_space<vmem_shared>> -> memref<16x128xf32, #tpu.memory_space<vmem_shared>>
        tpu.enqueue_dma source(%dma_start3A_95 : memref<16x128xf32, #tpu.memory_space<vmem_shared>>) target(%dma_start3A_92 : memref<16x128xf32, #tpu.memory_space<hbm>>) target_semaphore(%run_scoped3A_88 : memref<!tpu.dma_semaphore, #tpu.memory_space<semaphore_mem>>)
        %dma_wait3A_96 = arith.constant 9984 : i32
        %dma_wait3A_97 = arith.constant 0 : i32
        %dma_wait3A_98 = tpu.memref_slice %arg6[%arg0, %dma_wait3A_96, %dma_wait3A_97] : memref<2x10000x128xf32, #tpu.memory_space<hbm>> -> memref<1x16x128xf32, #tpu.memory_space<hbm>>
        %dma_wait3A_99 = tpu.memref_squeeze %dma_wait3A_98 : memref<1x16x128xf32, #tpu.memory_space<hbm>> -> memref<16x128xf32, #tpu.memory_space<hbm>>
        %dma_wait3A_100 = arith.constant 9984 : i32
        %dma_wait3A_101 = arith.constant 0 : i32
        %dma_wait3A_102 = tpu.memref_slice %arg7[%dma_wait3A_100, %dma_wait3A_101] : memref<10000x128xf32, #tpu.memory_space<vmem_shared>> -> memref<16x128xf32, #tpu.memory_space<vmem_shared>>
        tpu.wait_dma2 semaphore(%run_scoped3A_88 : memref<!tpu.dma_semaphore, #tpu.memory_space<semaphore_mem>>) src(%dma_wait3A_102 : memref<16x128xf32, #tpu.memory_space<vmem_shared>>) dst(%dma_wait3A_99 : memref<16x128xf32, #tpu.memory_space<hbm>>)
        tpu.yield
      }) : () -> ()
    } else {
    }
    return
  }
}

#map = affine_map<(d0, d1) -> (0, 0)>
#map1 = affine_map<(d0, d1) -> (0, 0, 0)>
module attributes {stable_mosaic.version = 14 : i64} {
  func.func @edge_agg(%arg0: i32, %arg1: i32, %arg2: memref<10000x128xf32, #tpu.memory_space<hbm>>, %arg3: memref<32x10000xi32, #tpu.memory_space<hbm>>, %arg4: memref<32x125x80xi32, #tpu.memory_space<hbm>>, %arg5: memref<10000x128xf32, #tpu.memory_space<hbm>>, %arg6: memref<2x10000x128xf32, #tpu.memory_space<hbm>>, %arg7: memref<10000x128xf32, #tpu.memory_space<vmem_shared>>, %arg8: memref<10000xi32, #tpu.memory_space<vmem>>, %arg9: memref<125x80xi32, #tpu.memory_space<vmem>>, %arg10: memref<80x128xf32, #tpu.memory_space<vmem>>, %arg11: memref<80x128xf32, #tpu.memory_space<vmem>>, %arg12: memref<!tpu.dma_semaphore, #tpu.memory_space<semaphore_mem>>, %arg13: memref<!tpu.dma_semaphore, #tpu.memory_space<semaphore_mem>>) attributes {dimension_semantics = [#tpu.dimension_semantics<core_parallel>, #tpu.dimension_semantics<subcore_parallel>], iteration_bounds = array<i64: 2, 16>, scalar_prefetch = 0 : i64, scratch_operands = 7 : i64, tpu.core_type = #tpu.core_type<sc_vector_subcore>, window_params = [{transform_indices = #map}, {transform_indices = #map}, {transform_indices = #map1}, {transform_indices = #map}, {transform_indices = #map1}]} {
    %mul3A = arith.constant 16 : i32
    %mul3A_0 = arith.muli %arg0, %mul3A : i32
    %add3A = arith.addi %mul3A_0, %arg1 : i32
    %mul3A_1 = arith.constant 624 : i32
    %mul3A_2 = arith.muli %arg1, %mul3A_1 : i32
    "tpu.region"() ({
      %run_scoped3A_88 = tpu.sem_alloc : memref<!tpu.dma_semaphore, #tpu.memory_space<semaphore_mem>>
      %dma_start3A_89 = arith.constant 0 : i32
      %dma_start3A_90 = tpu.memref_slice %arg7[%mul3A_2, %dma_start3A_89] : memref<10000x128xf32, #tpu.memory_space<vmem_shared>> -> memref<624x128xf32, #tpu.memory_space<vmem_shared>>
      %dma_start3A_91 = arith.constant 0 : i32
      %dma_start3A_92 = tpu.memref_slice %arg5[%mul3A_2, %dma_start3A_91] : memref<10000x128xf32, #tpu.memory_space<hbm>> -> memref<624x128xf32, #tpu.memory_space<hbm>>
      tpu.enqueue_dma source(%dma_start3A_92 : memref<624x128xf32, #tpu.memory_space<hbm>>) target(%dma_start3A_90 : memref<624x128xf32, #tpu.memory_space<vmem_shared>>) target_semaphore(%run_scoped3A_88 : memref<!tpu.dma_semaphore, #tpu.memory_space<semaphore_mem>>)
      %dma_wait3A_93 = arith.constant 0 : i32
      %dma_wait3A_94 = tpu.memref_slice %arg7[%mul3A_2, %dma_wait3A_93] : memref<10000x128xf32, #tpu.memory_space<vmem_shared>> -> memref<624x128xf32, #tpu.memory_space<vmem_shared>>
      %dma_wait3A_95 = arith.constant 0 : i32
      %dma_wait3A_96 = tpu.memref_slice %arg5[%mul3A_2, %dma_wait3A_95] : memref<10000x128xf32, #tpu.memory_space<hbm>> -> memref<624x128xf32, #tpu.memory_space<hbm>>
      tpu.wait_dma2 semaphore(%run_scoped3A_88 : memref<!tpu.dma_semaphore, #tpu.memory_space<semaphore_mem>>) src(%dma_wait3A_96 : memref<624x128xf32, #tpu.memory_space<hbm>>) dst(%dma_wait3A_94 : memref<624x128xf32, #tpu.memory_space<vmem_shared>>)
      tpu.yield
    }) : () -> ()
    %eq3A = arith.constant 15 : i32
    %eq3A_3 = arith.cmpi eq, %arg1, %eq3A : i32
    %convert_element_type3A = arith.extui %eq3A_3 : i1 to i32
    %cond3A = arith.constant 0 : i32
    %cond3A_4 = arith.cmpi ne, %convert_element_type3A, %cond3A : i32
    scf.if %cond3A_4 {
      "tpu.region"() ({
        %run_scoped3A_88 = tpu.sem_alloc : memref<!tpu.dma_semaphore, #tpu.memory_space<semaphore_mem>>
        %dma_start3A_89 = arith.constant 9984 : i32
        %dma_start3A_90 = arith.constant 0 : i32
        %dma_start3A_91 = tpu.memref_slice %arg7[%dma_start3A_89, %dma_start3A_90] : memref<10000x128xf32, #tpu.memory_space<vmem_shared>> -> memref<16x128xf32, #tpu.memory_space<vmem_shared>>
        %dma_start3A_92 = arith.constant 9984 : i32
        %dma_start3A_93 = arith.constant 0 : i32
        %dma_start3A_94 = tpu.memref_slice %arg5[%dma_start3A_92, %dma_start3A_93] : memref<10000x128xf32, #tpu.memory_space<hbm>> -> memref<16x128xf32, #tpu.memory_space<hbm>>
        tpu.enqueue_dma source(%dma_start3A_94 : memref<16x128xf32, #tpu.memory_space<hbm>>) target(%dma_start3A_91 : memref<16x128xf32, #tpu.memory_space<vmem_shared>>) target_semaphore(%run_scoped3A_88 : memref<!tpu.dma_semaphore, #tpu.memory_space<semaphore_mem>>)
        %dma_wait3A_95 = arith.constant 9984 : i32
        %dma_wait3A_96 = arith.constant 0 : i32
        %dma_wait3A_97 = tpu.memref_slice %arg7[%dma_wait3A_95, %dma_wait3A_96] : memref<10000x128xf32, #tpu.memory_space<vmem_shared>> -> memref<16x128xf32, #tpu.memory_space<vmem_shared>>
        %dma_wait3A_98 = arith.constant 9984 : i32
        %dma_wait3A_99 = arith.constant 0 : i32
        %dma_wait3A_100 = tpu.memref_slice %arg5[%dma_wait3A_98, %dma_wait3A_99] : memref<10000x128xf32, #tpu.memory_space<hbm>> -> memref<16x128xf32, #tpu.memory_space<hbm>>
        tpu.wait_dma2 semaphore(%run_scoped3A_88 : memref<!tpu.dma_semaphore, #tpu.memory_space<semaphore_mem>>) src(%dma_wait3A_100 : memref<16x128xf32, #tpu.memory_space<hbm>>) dst(%dma_wait3A_97 : memref<16x128xf32, #tpu.memory_space<vmem_shared>>)
        tpu.yield
      }) : () -> ()
    } else {
    }
    "tpu.region"() ({
      %run_scoped3A_88 = tpu.sem_alloc : memref<!tpu.dma_semaphore, #tpu.memory_space<semaphore_mem>>
      %dma_start3A_89 = arith.constant 0 : i32
      %dma_start3A_90 = tpu.memref_slice %arg3[%add3A, %dma_start3A_89] : memref<32x10000xi32, #tpu.memory_space<hbm>> -> memref<1x10000xi32, #tpu.memory_space<hbm>>
      %dma_start3A_91 = tpu.memref_squeeze %dma_start3A_90 : memref<1x10000xi32, #tpu.memory_space<hbm>> -> memref<10000xi32, #tpu.memory_space<hbm>>
      %dma_start3A_92 = arith.constant 0 : i32
      %dma_start3A_93 = tpu.memref_slice %arg3[%add3A, %dma_start3A_92] : memref<32x10000xi32, #tpu.memory_space<hbm>> -> memref<1x10000xi32, #tpu.memory_space<hbm>>
      %dma_start3A_94 = tpu.memref_squeeze %dma_start3A_93 : memref<1x10000xi32, #tpu.memory_space<hbm>> -> memref<10000xi32, #tpu.memory_space<hbm>>
      tpu.enqueue_dma source(%dma_start3A_94 : memref<10000xi32, #tpu.memory_space<hbm>>) target(%arg8 : memref<10000xi32, #tpu.memory_space<vmem>>) target_semaphore(%run_scoped3A_88 : memref<!tpu.dma_semaphore, #tpu.memory_space<semaphore_mem>>)
      %dma_wait3A_95 = arith.constant 0 : i32
      %dma_wait3A_96 = tpu.memref_slice %arg3[%add3A, %dma_wait3A_95] : memref<32x10000xi32, #tpu.memory_space<hbm>> -> memref<1x10000xi32, #tpu.memory_space<hbm>>
      %dma_wait3A_97 = tpu.memref_squeeze %dma_wait3A_96 : memref<1x10000xi32, #tpu.memory_space<hbm>> -> memref<10000xi32, #tpu.memory_space<hbm>>
      %dma_wait3A_98 = arith.constant 0 : i32
      %dma_wait3A_99 = tpu.memref_slice %arg3[%add3A, %dma_wait3A_98] : memref<32x10000xi32, #tpu.memory_space<hbm>> -> memref<1x10000xi32, #tpu.memory_space<hbm>>
      %dma_wait3A_100 = tpu.memref_squeeze %dma_wait3A_99 : memref<1x10000xi32, #tpu.memory_space<hbm>> -> memref<10000xi32, #tpu.memory_space<hbm>>
      tpu.wait_dma2 semaphore(%run_scoped3A_88 : memref<!tpu.dma_semaphore, #tpu.memory_space<semaphore_mem>>) src(%dma_wait3A_100 : memref<10000xi32, #tpu.memory_space<hbm>>) dst(%arg8 : memref<10000xi32, #tpu.memory_space<vmem>>)
      tpu.yield
    }) : () -> ()
    "tpu.region"() ({
      %run_scoped3A_88 = tpu.sem_alloc : memref<!tpu.dma_semaphore, #tpu.memory_space<semaphore_mem>>
      %dma_start3A_89 = arith.constant 0 : i32
      %dma_start3A_90 = arith.constant 0 : i32
      %dma_start3A_91 = tpu.memref_slice %arg4[%add3A, %dma_start3A_89, %dma_start3A_90] : memref<32x125x80xi32, #tpu.memory_space<hbm>> -> memref<1x125x80xi32, #tpu.memory_space<hbm>>
      %dma_start3A_92 = tpu.memref_squeeze %dma_start3A_91 : memref<1x125x80xi32, #tpu.memory_space<hbm>> -> memref<125x80xi32, #tpu.memory_space<hbm>>
      %dma_start3A_93 = arith.constant 0 : i32
      %dma_start3A_94 = arith.constant 0 : i32
      %dma_start3A_95 = tpu.memref_slice %arg4[%add3A, %dma_start3A_93, %dma_start3A_94] : memref<32x125x80xi32, #tpu.memory_space<hbm>> -> memref<1x125x80xi32, #tpu.memory_space<hbm>>
      %dma_start3A_96 = tpu.memref_squeeze %dma_start3A_95 : memref<1x125x80xi32, #tpu.memory_space<hbm>> -> memref<125x80xi32, #tpu.memory_space<hbm>>
      tpu.enqueue_dma source(%dma_start3A_96 : memref<125x80xi32, #tpu.memory_space<hbm>>) target(%arg9 : memref<125x80xi32, #tpu.memory_space<vmem>>) target_semaphore(%run_scoped3A_88 : memref<!tpu.dma_semaphore, #tpu.memory_space<semaphore_mem>>)
      %dma_wait3A_97 = arith.constant 0 : i32
      %dma_wait3A_98 = arith.constant 0 : i32
      %dma_wait3A_99 = tpu.memref_slice %arg4[%add3A, %dma_wait3A_97, %dma_wait3A_98] : memref<32x125x80xi32, #tpu.memory_space<hbm>> -> memref<1x125x80xi32, #tpu.memory_space<hbm>>
      %dma_wait3A_100 = tpu.memref_squeeze %dma_wait3A_99 : memref<1x125x80xi32, #tpu.memory_space<hbm>> -> memref<125x80xi32, #tpu.memory_space<hbm>>
      %dma_wait3A_101 = arith.constant 0 : i32
      %dma_wait3A_102 = arith.constant 0 : i32
      %dma_wait3A_103 = tpu.memref_slice %arg4[%add3A, %dma_wait3A_101, %dma_wait3A_102] : memref<32x125x80xi32, #tpu.memory_space<hbm>> -> memref<1x125x80xi32, #tpu.memory_space<hbm>>
      %dma_wait3A_104 = tpu.memref_squeeze %dma_wait3A_103 : memref<1x125x80xi32, #tpu.memory_space<hbm>> -> memref<125x80xi32, #tpu.memory_space<hbm>>
      tpu.wait_dma2 semaphore(%run_scoped3A_88 : memref<!tpu.dma_semaphore, #tpu.memory_space<semaphore_mem>>) src(%dma_wait3A_104 : memref<125x80xi32, #tpu.memory_space<hbm>>) dst(%arg9 : memref<125x80xi32, #tpu.memory_space<vmem>>)
      tpu.yield
    }) : () -> ()
    %barrier3A = arith.constant 0 : index
    tpu.barrier barrier_id(%barrier3A)
    %dma_start3A = arith.constant 0 : i32
    %dma_start3A_5 = arith.constant 0 : i32
    %dma_start3A_6 = tpu.memref_slice %arg10[%dma_start3A, %dma_start3A_5] : memref<80x128xf32, #tpu.memory_space<vmem>> -> memref<24x128xf32, #tpu.memory_space<vmem>>
    %dma_start3A_7 = arith.constant 0 : i32
    %dma_start3A_8 = tpu.memref_slice %arg8[%dma_start3A_7] : memref<10000xi32, #tpu.memory_space<vmem>> -> memref<24xi32, #tpu.memory_space<vmem>>
    %dma_start3A_9 = arith.constant 0 : i32
    %dma_start3A_10 = arith.constant 0 : i32
    %dma_start3A_11 = tpu.memref_slice %arg2[%dma_start3A_9, %dma_start3A_10] : memref<10000x128xf32, #tpu.memory_space<hbm>> -> memref<10000x128xf32, #tpu.memory_space<hbm>>
    tpu.enqueue_indirect_dma source(%dma_start3A_11 : memref<10000x128xf32, #tpu.memory_space<hbm>>) target(%dma_start3A_6 : memref<24x128xf32, #tpu.memory_space<vmem>>) offsets(%dma_start3A_8 : memref<24xi32, #tpu.memory_space<vmem>>) semaphore(%arg12 : memref<!tpu.dma_semaphore, #tpu.memory_space<semaphore_mem>>)
    %dma_start3A_12 = arith.constant 24 : i32
    %dma_start3A_13 = arith.constant 0 : i32
    %dma_start3A_14 = tpu.memref_slice %arg10[%dma_start3A_12, %dma_start3A_13] : memref<80x128xf32, #tpu.memory_space<vmem>> -> memref<16x128xf32, #tpu.memory_space<vmem>>
    %dma_start3A_15 = arith.constant 24 : i32
    %dma_start3A_16 = tpu.memref_slice %arg8[%dma_start3A_15] : memref<10000xi32, #tpu.memory_space<vmem>> -> memref<16xi32, #tpu.memory_space<vmem>>
    %dma_start3A_17 = arith.constant 0 : i32
    %dma_start3A_18 = arith.constant 0 : i32
    %dma_start3A_19 = tpu.memref_slice %arg2[%dma_start3A_17, %dma_start3A_18] : memref<10000x128xf32, #tpu.memory_space<hbm>> -> memref<10000x128xf32, #tpu.memory_space<hbm>>
    tpu.enqueue_indirect_dma source(%dma_start3A_19 : memref<10000x128xf32, #tpu.memory_space<hbm>>) target(%dma_start3A_14 : memref<16x128xf32, #tpu.memory_space<vmem>>) offsets(%dma_start3A_16 : memref<16xi32, #tpu.memory_space<vmem>>) semaphore(%arg12 : memref<!tpu.dma_semaphore, #tpu.memory_space<semaphore_mem>>)
    %dma_start3A_20 = arith.constant 40 : i32
    %dma_start3A_21 = arith.constant 0 : i32
    %dma_start3A_22 = tpu.memref_slice %arg10[%dma_start3A_20, %dma_start3A_21] : memref<80x128xf32, #tpu.memory_space<vmem>> -> memref<24x128xf32, #tpu.memory_space<vmem>>
    %dma_start3A_23 = arith.constant 40 : i32
    %dma_start3A_24 = tpu.memref_slice %arg8[%dma_start3A_23] : memref<10000xi32, #tpu.memory_space<vmem>> -> memref<24xi32, #tpu.memory_space<vmem>>
    %dma_start3A_25 = arith.constant 0 : i32
    %dma_start3A_26 = arith.constant 0 : i32
    %dma_start3A_27 = tpu.memref_slice %arg2[%dma_start3A_25, %dma_start3A_26] : memref<10000x128xf32, #tpu.memory_space<hbm>> -> memref<10000x128xf32, #tpu.memory_space<hbm>>
    tpu.enqueue_indirect_dma source(%dma_start3A_27 : memref<10000x128xf32, #tpu.memory_space<hbm>>) target(%dma_start3A_22 : memref<24x128xf32, #tpu.memory_space<vmem>>) offsets(%dma_start3A_24 : memref<24xi32, #tpu.memory_space<vmem>>) semaphore(%arg12 : memref<!tpu.dma_semaphore, #tpu.memory_space<semaphore_mem>>)
    %dma_start3A_28 = arith.constant 64 : i32
    %dma_start3A_29 = arith.constant 0 : i32
    %dma_start3A_30 = tpu.memref_slice %arg10[%dma_start3A_28, %dma_start3A_29] : memref<80x128xf32, #tpu.memory_space<vmem>> -> memref<16x128xf32, #tpu.memory_space<vmem>>
    %dma_start3A_31 = arith.constant 64 : i32
    %dma_start3A_32 = tpu.memref_slice %arg8[%dma_start3A_31] : memref<10000xi32, #tpu.memory_space<vmem>> -> memref<16xi32, #tpu.memory_space<vmem>>
    %dma_start3A_33 = arith.constant 0 : i32
    %dma_start3A_34 = arith.constant 0 : i32
    %dma_start3A_35 = tpu.memref_slice %arg2[%dma_start3A_33, %dma_start3A_34] : memref<10000x128xf32, #tpu.memory_space<hbm>> -> memref<10000x128xf32, #tpu.memory_space<hbm>>
    tpu.enqueue_indirect_dma source(%dma_start3A_35 : memref<10000x128xf32, #tpu.memory_space<hbm>>) target(%dma_start3A_30 : memref<16x128xf32, #tpu.memory_space<vmem>>) offsets(%dma_start3A_32 : memref<16xi32, #tpu.memory_space<vmem>>) semaphore(%arg12 : memref<!tpu.dma_semaphore, #tpu.memory_space<semaphore_mem>>)
    %dma_start3A_36 = arith.constant 0 : i32
    %dma_start3A_37 = arith.constant 0 : i32
    %dma_start3A_38 = tpu.memref_slice %arg11[%dma_start3A_36, %dma_start3A_37] : memref<80x128xf32, #tpu.memory_space<vmem>> -> memref<24x128xf32, #tpu.memory_space<vmem>>
    %dma_start3A_39 = arith.constant 80 : i32
    %dma_start3A_40 = tpu.memref_slice %arg8[%dma_start3A_39] : memref<10000xi32, #tpu.memory_space<vmem>> -> memref<24xi32, #tpu.memory_space<vmem>>
    %dma_start3A_41 = arith.constant 0 : i32
    %dma_start3A_42 = arith.constant 0 : i32
    %dma_start3A_43 = tpu.memref_slice %arg2[%dma_start3A_41, %dma_start3A_42] : memref<10000x128xf32, #tpu.memory_space<hbm>> -> memref<10000x128xf32, #tpu.memory_space<hbm>>
    tpu.enqueue_indirect_dma source(%dma_start3A_43 : memref<10000x128xf32, #tpu.memory_space<hbm>>) target(%dma_start3A_38 : memref<24x128xf32, #tpu.memory_space<vmem>>) offsets(%dma_start3A_40 : memref<24xi32, #tpu.memory_space<vmem>>) semaphore(%arg13 : memref<!tpu.dma_semaphore, #tpu.memory_space<semaphore_mem>>)
    %dma_start3A_44 = arith.constant 24 : i32
    %dma_start3A_45 = arith.constant 0 : i32
    %dma_start3A_46 = tpu.memref_slice %arg11[%dma_start3A_44, %dma_start3A_45] : memref<80x128xf32, #tpu.memory_space<vmem>> -> memref<16x128xf32, #tpu.memory_space<vmem>>
    %dma_start3A_47 = arith.constant 104 : i32
    %dma_start3A_48 = tpu.memref_slice %arg8[%dma_start3A_47] : memref<10000xi32, #tpu.memory_space<vmem>> -> memref<16xi32, #tpu.memory_space<vmem>>
    %dma_start3A_49 = arith.constant 0 : i32
    %dma_start3A_50 = arith.constant 0 : i32
    %dma_start3A_51 = tpu.memref_slice %arg2[%dma_start3A_49, %dma_start3A_50] : memref<10000x128xf32, #tpu.memory_space<hbm>> -> memref<10000x128xf32, #tpu.memory_space<hbm>>
    tpu.enqueue_indirect_dma source(%dma_start3A_51 : memref<10000x128xf32, #tpu.memory_space<hbm>>) target(%dma_start3A_46 : memref<16x128xf32, #tpu.memory_space<vmem>>) offsets(%dma_start3A_48 : memref<16xi32, #tpu.memory_space<vmem>>) semaphore(%arg13 : memref<!tpu.dma_semaphore, #tpu.memory_space<semaphore_mem>>)
    %dma_start3A_52 = arith.constant 40 : i32
    %dma_start3A_53 = arith.constant 0 : i32
    %dma_start3A_54 = tpu.memref_slice %arg11[%dma_start3A_52, %dma_start3A_53] : memref<80x128xf32, #tpu.memory_space<vmem>> -> memref<24x128xf32, #tpu.memory_space<vmem>>
    %dma_start3A_55 = arith.constant 120 : i32
    %dma_start3A_56 = tpu.memref_slice %arg8[%dma_start3A_55] : memref<10000xi32, #tpu.memory_space<vmem>> -> memref<24xi32, #tpu.memory_space<vmem>>
    %dma_start3A_57 = arith.constant 0 : i32
    %dma_start3A_58 = arith.constant 0 : i32
    %dma_start3A_59 = tpu.memref_slice %arg2[%dma_start3A_57, %dma_start3A_58] : memref<10000x128xf32, #tpu.memory_space<hbm>> -> memref<10000x128xf32, #tpu.memory_space<hbm>>
    tpu.enqueue_indirect_dma source(%dma_start3A_59 : memref<10000x128xf32, #tpu.memory_space<hbm>>) target(%dma_start3A_54 : memref<24x128xf32, #tpu.memory_space<vmem>>) offsets(%dma_start3A_56 : memref<24xi32, #tpu.memory_space<vmem>>) semaphore(%arg13 : memref<!tpu.dma_semaphore, #tpu.memory_space<semaphore_mem>>)
    %dma_start3A_60 = arith.constant 64 : i32
    %dma_start3A_61 = arith.constant 0 : i32
    %dma_start3A_62 = tpu.memref_slice %arg11[%dma_start3A_60, %dma_start3A_61] : memref<80x128xf32, #tpu.memory_space<vmem>> -> memref<16x128xf32, #tpu.memory_space<vmem>>
    %dma_start3A_63 = arith.constant 144 : i32
    %dma_start3A_64 = tpu.memref_slice %arg8[%dma_start3A_63] : memref<10000xi32, #tpu.memory_space<vmem>> -> memref<16xi32, #tpu.memory_space<vmem>>
    %dma_start3A_65 = arith.constant 0 : i32
    %dma_start3A_66 = arith.constant 0 : i32
    %dma_start3A_67 = tpu.memref_slice %arg2[%dma_start3A_65, %dma_start3A_66] : memref<10000x128xf32, #tpu.memory_space<hbm>> -> memref<10000x128xf32, #tpu.memory_space<hbm>>
    tpu.enqueue_indirect_dma source(%dma_start3A_67 : memref<10000x128xf32, #tpu.memory_space<hbm>>) target(%dma_start3A_62 : memref<16x128xf32, #tpu.memory_space<vmem>>) offsets(%dma_start3A_64 : memref<16xi32, #tpu.memory_space<vmem>>) semaphore(%arg13 : memref<!tpu.dma_semaphore, #tpu.memory_space<semaphore_mem>>)
    %scan3A = arith.constant 0 : i32
    %scan3A_68 = arith.constant 0 : i32
    %scan3A_69 = arith.constant 62 : i32
    %scan3A_70 = arith.addi %scan3A_68, %scan3A_69 : i32
    %scan3A_71 = arith.constant 1 : i32
    scf.for %scan3A_88 = %scan3A_68 to %scan3A_70 step %scan3A_71  : i32 {
      %mul3A_89 = arith.constant 2 : i32
      %mul3A_90 = arith.muli %mul3A_89, %scan3A_88 : i32
      %dma_wait3A_91 = arith.constant 0 : i32
      %dma_wait3A_92 = tpu.memref_slice %arg8[%dma_wait3A_91] : memref<10000xi32, #tpu.memory_space<vmem>> -> memref<80xi32, #tpu.memory_space<vmem>>
      %dma_wait3A_93 = arith.constant 0 : i32
      %dma_wait3A_94 = arith.constant 0 : i32
      %dma_wait3A_95 = tpu.memref_slice %arg2[%dma_wait3A_93, %dma_wait3A_94] : memref<10000x128xf32, #tpu.memory_space<hbm>> -> memref<10000x128xf32, #tpu.memory_space<hbm>>
      tpu.wait_indirect_dma semaphore(%arg12 : memref<!tpu.dma_semaphore, #tpu.memory_space<semaphore_mem>>) src(%dma_wait3A_95 : memref<10000x128xf32, #tpu.memory_space<hbm>>) dst(%arg10 : memref<80x128xf32, #tpu.memory_space<vmem>>)
      "tpu.region"() ({
        %run_scoped3A_198 = tpu.sem_alloc : memref<!tpu.dma_semaphore, #tpu.memory_space<semaphore_mem>>
        %dma_start3A_199 = arith.constant 0 : i32
        %dma_start3A_200 = tpu.memref_slice %arg9[%mul3A_90, %dma_start3A_199] : memref<125x80xi32, #tpu.memory_space<vmem>> -> memref<1x80xi32, #tpu.memory_space<vmem>>
        %dma_start3A_201 = tpu.memref_squeeze %dma_start3A_200 : memref<1x80xi32, #tpu.memory_space<vmem>> -> memref<80xi32, #tpu.memory_space<vmem>>
        %dma_start3A_202 = arith.constant 0 : i32
        %dma_start3A_203 = arith.constant 0 : i32
        %dma_start3A_204 = tpu.memref_slice %arg7[%dma_start3A_202, %dma_start3A_203] : memref<10000x128xf32, #tpu.memory_space<vmem_shared>> -> memref<10000x128xf32, #tpu.memory_space<vmem_shared>>
        tpu.enqueue_indirect_dma source(%arg10 : memref<80x128xf32, #tpu.memory_space<vmem>>) target(%dma_start3A_204 : memref<10000x128xf32, #tpu.memory_space<vmem_shared>>) offsets(%dma_start3A_201 : memref<80xi32, #tpu.memory_space<vmem>>) semaphore(%run_scoped3A_198 : memref<!tpu.dma_semaphore, #tpu.memory_space<semaphore_mem>>) {add = true}
        %dma_wait3A_205 = arith.constant 0 : i32
        %dma_wait3A_206 = tpu.memref_slice %arg9[%mul3A_90, %dma_wait3A_205] : memref<125x80xi32, #tpu.memory_space<vmem>> -> memref<1x80xi32, #tpu.memory_space<vmem>>
        %dma_wait3A_207 = tpu.memref_squeeze %dma_wait3A_206 : memref<1x80xi32, #tpu.memory_space<vmem>> -> memref<80xi32, #tpu.memory_space<vmem>>
        %dma_wait3A_208 = arith.constant 0 : i32
        %dma_wait3A_209 = arith.constant 0 : i32
        %dma_wait3A_210 = tpu.memref_slice %arg7[%dma_wait3A_208, %dma_wait3A_209] : memref<10000x128xf32, #tpu.memory_space<vmem_shared>> -> memref<10000x128xf32, #tpu.memory_space<vmem_shared>>
        tpu.wait_indirect_dma semaphore(%run_scoped3A_198 : memref<!tpu.dma_semaphore, #tpu.memory_space<semaphore_mem>>) src(%arg10 : memref<80x128xf32, #tpu.memory_space<vmem>>) dst(%dma_wait3A_210 : memref<10000x128xf32, #tpu.memory_space<vmem_shared>>)
        tpu.yield
      }) : () -> ()
      %add3A_96 = arith.constant 2 : i32
      %add3A_97 = arith.addi %mul3A_90, %add3A_96 : i32
      %min3A = arith.constant 124 : i32
      %min3A_98 = arith.minsi %add3A_97, %min3A : i32
      %mul3A_99 = arith.constant 80 : i32
      %mul3A_100 = arith.muli %min3A_98, %mul3A_99 : i32
      %add3A_101 = arith.constant 0 : i32
      %add3A_102 = arith.addi %mul3A_100, %add3A_101 : i32
      %dma_start3A_103 = arith.constant 0 : i32
      %dma_start3A_104 = arith.constant 0 : i32
      %dma_start3A_105 = tpu.memref_slice %arg10[%dma_start3A_103, %dma_start3A_104] : memref<80x128xf32, #tpu.memory_space<vmem>> -> memref<24x128xf32, #tpu.memory_space<vmem>>
      %dma_start3A_106 = tpu.memref_slice %arg8[%add3A_102] : memref<10000xi32, #tpu.memory_space<vmem>> -> memref<24xi32, #tpu.memory_space<vmem>>
      %dma_start3A_107 = arith.constant 0 : i32
      %dma_start3A_108 = arith.constant 0 : i32
      %dma_start3A_109 = tpu.memref_slice %arg2[%dma_start3A_107, %dma_start3A_108] : memref<10000x128xf32, #tpu.memory_space<hbm>> -> memref<10000x128xf32, #tpu.memory_space<hbm>>
      tpu.enqueue_indirect_dma source(%dma_start3A_109 : memref<10000x128xf32, #tpu.memory_space<hbm>>) target(%dma_start3A_105 : memref<24x128xf32, #tpu.memory_space<vmem>>) offsets(%dma_start3A_106 : memref<24xi32, #tpu.memory_space<vmem>>) semaphore(%arg12 : memref<!tpu.dma_semaphore, #tpu.memory_space<semaphore_mem>>)
      %mul3A_110 = arith.constant 80 : i32
      %mul3A_111 = arith.muli %min3A_98, %mul3A_110 : i32
      %add3A_112 = arith.constant 24 : i32
      %add3A_113 = arith.addi %mul3A_111, %add3A_112 : i32
      %dma_start3A_114 = arith.constant 24 : i32
      %dma_start3A_115 = arith.constant 0 : i32
      %dma_start3A_116 = tpu.memref_slice %arg10[%dma_start3A_114, %dma_start3A_115] : memref<80x128xf32, #tpu.memory_space<vmem>> -> memref<16x128xf32, #tpu.memory_space<vmem>>
      %dma_start3A_117 = tpu.memref_slice %arg8[%add3A_113] : memref<10000xi32, #tpu.memory_space<vmem>> -> memref<16xi32, #tpu.memory_space<vmem>>
      %dma_start3A_118 = arith.constant 0 : i32
      %dma_start3A_119 = arith.constant 0 : i32
      %dma_start3A_120 = tpu.memref_slice %arg2[%dma_start3A_118, %dma_start3A_119] : memref<10000x128xf32, #tpu.memory_space<hbm>> -> memref<10000x128xf32, #tpu.memory_space<hbm>>
      tpu.enqueue_indirect_dma source(%dma_start3A_120 : memref<10000x128xf32, #tpu.memory_space<hbm>>) target(%dma_start3A_116 : memref<16x128xf32, #tpu.memory_space<vmem>>) offsets(%dma_start3A_117 : memref<16xi32, #tpu.memory_space<vmem>>) semaphore(%arg12 : memref<!tpu.dma_semaphore, #tpu.memory_space<semaphore_mem>>)
      %mul3A_121 = arith.constant 80 : i32
      %mul3A_122 = arith.muli %min3A_98, %mul3A_121 : i32
      %add3A_123 = arith.constant 40 : i32
      %add3A_124 = arith.addi %mul3A_122, %add3A_123 : i32
      %dma_start3A_125 = arith.constant 40 : i32
      %dma_start3A_126 = arith.constant 0 : i32
      %dma_start3A_127 = tpu.memref_slice %arg10[%dma_start3A_125, %dma_start3A_126] : memref<80x128xf32, #tpu.memory_space<vmem>> -> memref<24x128xf32, #tpu.memory_space<vmem>>
      %dma_start3A_128 = tpu.memref_slice %arg8[%add3A_124] : memref<10000xi32, #tpu.memory_space<vmem>> -> memref<24xi32, #tpu.memory_space<vmem>>
      %dma_start3A_129 = arith.constant 0 : i32
      %dma_start3A_130 = arith.constant 0 : i32
      %dma_start3A_131 = tpu.memref_slice %arg2[%dma_start3A_129, %dma_start3A_130] : memref<10000x128xf32, #tpu.memory_space<hbm>> -> memref<10000x128xf32, #tpu.memory_space<hbm>>
      tpu.enqueue_indirect_dma source(%dma_start3A_131 : memref<10000x128xf32, #tpu.memory_space<hbm>>) target(%dma_start3A_127 : memref<24x128xf32, #tpu.memory_space<vmem>>) offsets(%dma_start3A_128 : memref<24xi32, #tpu.memory_space<vmem>>) semaphore(%arg12 : memref<!tpu.dma_semaphore, #tpu.memory_space<semaphore_mem>>)
      %mul3A_132 = arith.constant 80 : i32
      %mul3A_133 = arith.muli %min3A_98, %mul3A_132 : i32
      %add3A_134 = arith.constant 64 : i32
      %add3A_135 = arith.addi %mul3A_133, %add3A_134 : i32
      %dma_start3A_136 = arith.constant 64 : i32
      %dma_start3A_137 = arith.constant 0 : i32
      %dma_start3A_138 = tpu.memref_slice %arg10[%dma_start3A_136, %dma_start3A_137] : memref<80x128xf32, #tpu.memory_space<vmem>> -> memref<16x128xf32, #tpu.memory_space<vmem>>
      %dma_start3A_139 = tpu.memref_slice %arg8[%add3A_135] : memref<10000xi32, #tpu.memory_space<vmem>> -> memref<16xi32, #tpu.memory_space<vmem>>
      %dma_start3A_140 = arith.constant 0 : i32
      %dma_start3A_141 = arith.constant 0 : i32
      %dma_start3A_142 = tpu.memref_slice %arg2[%dma_start3A_140, %dma_start3A_141] : memref<10000x128xf32, #tpu.memory_space<hbm>> -> memref<10000x128xf32, #tpu.memory_space<hbm>>
      tpu.enqueue_indirect_dma source(%dma_start3A_142 : memref<10000x128xf32, #tpu.memory_space<hbm>>) target(%dma_start3A_138 : memref<16x128xf32, #tpu.memory_space<vmem>>) offsets(%dma_start3A_139 : memref<16xi32, #tpu.memory_space<vmem>>) semaphore(%arg12 : memref<!tpu.dma_semaphore, #tpu.memory_space<semaphore_mem>>)
      %dma_wait3A_143 = arith.constant 0 : i32
      %dma_wait3A_144 = tpu.memref_slice %arg8[%dma_wait3A_143] : memref<10000xi32, #tpu.memory_space<vmem>> -> memref<80xi32, #tpu.memory_space<vmem>>
      %dma_wait3A_145 = arith.constant 0 : i32
      %dma_wait3A_146 = arith.constant 0 : i32
      %dma_wait3A_147 = tpu.memref_slice %arg2[%dma_wait3A_145, %dma_wait3A_146] : memref<10000x128xf32, #tpu.memory_space<hbm>> -> memref<10000x128xf32, #tpu.memory_space<hbm>>
      tpu.wait_indirect_dma semaphore(%arg13 : memref<!tpu.dma_semaphore, #tpu.memory_space<semaphore_mem>>) src(%dma_wait3A_147 : memref<10000x128xf32, #tpu.memory_space<hbm>>) dst(%arg11 : memref<80x128xf32, #tpu.memory_space<vmem>>)
      %add3A_148 = arith.constant 1 : i32
      %add3A_149 = arith.addi %mul3A_90, %add3A_148 : i32
      "tpu.region"() ({
        %run_scoped3A_198 = tpu.sem_alloc : memref<!tpu.dma_semaphore, #tpu.memory_space<semaphore_mem>>
        %dma_start3A_199 = arith.constant 0 : i32
        %dma_start3A_200 = tpu.memref_slice %arg9[%add3A_149, %dma_start3A_199] : memref<125x80xi32, #tpu.memory_space<vmem>> -> memref<1x80xi32, #tpu.memory_space<vmem>>
        %dma_start3A_201 = tpu.memref_squeeze %dma_start3A_200 : memref<1x80xi32, #tpu.memory_space<vmem>> -> memref<80xi32, #tpu.memory_space<vmem>>
        %dma_start3A_202 = arith.constant 0 : i32
        %dma_start3A_203 = arith.constant 0 : i32
        %dma_start3A_204 = tpu.memref_slice %arg7[%dma_start3A_202, %dma_start3A_203] : memref<10000x128xf32, #tpu.memory_space<vmem_shared>> -> memref<10000x128xf32, #tpu.memory_space<vmem_shared>>
        tpu.enqueue_indirect_dma source(%arg11 : memref<80x128xf32, #tpu.memory_space<vmem>>) target(%dma_start3A_204 : memref<10000x128xf32, #tpu.memory_space<vmem_shared>>) offsets(%dma_start3A_201 : memref<80xi32, #tpu.memory_space<vmem>>) semaphore(%run_scoped3A_198 : memref<!tpu.dma_semaphore, #tpu.memory_space<semaphore_mem>>) {add = true}
        %dma_wait3A_205 = arith.constant 0 : i32
        %dma_wait3A_206 = tpu.memref_slice %arg9[%add3A_149, %dma_wait3A_205] : memref<125x80xi32, #tpu.memory_space<vmem>> -> memref<1x80xi32, #tpu.memory_space<vmem>>
        %dma_wait3A_207 = tpu.memref_squeeze %dma_wait3A_206 : memref<1x80xi32, #tpu.memory_space<vmem>> -> memref<80xi32, #tpu.memory_space<vmem>>
        %dma_wait3A_208 = arith.constant 0 : i32
        %dma_wait3A_209 = arith.constant 0 : i32
        %dma_wait3A_210 = tpu.memref_slice %arg7[%dma_wait3A_208, %dma_wait3A_209] : memref<10000x128xf32, #tpu.memory_space<vmem_shared>> -> memref<10000x128xf32, #tpu.memory_space<vmem_shared>>
        tpu.wait_indirect_dma semaphore(%run_scoped3A_198 : memref<!tpu.dma_semaphore, #tpu.memory_space<semaphore_mem>>) src(%arg11 : memref<80x128xf32, #tpu.memory_space<vmem>>) dst(%dma_wait3A_210 : memref<10000x128xf32, #tpu.memory_space<vmem_shared>>)
        tpu.yield
      }) : () -> ()
      %add3A_150 = arith.constant 3 : i32
      %add3A_151 = arith.addi %mul3A_90, %add3A_150 : i32
      %min3A_152 = arith.constant 124 : i32
      %min3A_153 = arith.minsi %add3A_151, %min3A_152 : i32
      %mul3A_154 = arith.constant 80 : i32
      %mul3A_155 = arith.muli %min3A_153, %mul3A_154 : i32
      %add3A_156 = arith.constant 0 : i32
      %add3A_157 = arith.addi %mul3A_155, %add3A_156 : i32
      %dma_start3A_158 = arith.constant 0 : i32
      %dma_start3A_159 = arith.constant 0 : i32
      %dma_start3A_160 = tpu.memref_slice %arg11[%dma_start3A_158, %dma_start3A_159] : memref<80x128xf32, #tpu.memory_space<vmem>> -> memref<24x128xf32, #tpu.memory_space<vmem>>
      %dma_start3A_161 = tpu.memref_slice %arg8[%add3A_157] : memref<10000xi32, #tpu.memory_space<vmem>> -> memref<24xi32, #tpu.memory_space<vmem>>
      %dma_start3A_162 = arith.constant 0 : i32
      %dma_start3A_163 = arith.constant 0 : i32
      %dma_start3A_164 = tpu.memref_slice %arg2[%dma_start3A_162, %dma_start3A_163] : memref<10000x128xf32, #tpu.memory_space<hbm>> -> memref<10000x128xf32, #tpu.memory_space<hbm>>
      tpu.enqueue_indirect_dma source(%dma_start3A_164 : memref<10000x128xf32, #tpu.memory_space<hbm>>) target(%dma_start3A_160 : memref<24x128xf32, #tpu.memory_space<vmem>>) offsets(%dma_start3A_161 : memref<24xi32, #tpu.memory_space<vmem>>) semaphore(%arg13 : memref<!tpu.dma_semaphore, #tpu.memory_space<semaphore_mem>>)
      %mul3A_165 = arith.constant 80 : i32
      %mul3A_166 = arith.muli %min3A_153, %mul3A_165 : i32
      %add3A_167 = arith.constant 24 : i32
      %add3A_168 = arith.addi %mul3A_166, %add3A_167 : i32
      %dma_start3A_169 = arith.constant 24 : i32
      %dma_start3A_170 = arith.constant 0 : i32
      %dma_start3A_171 = tpu.memref_slice %arg11[%dma_start3A_169, %dma_start3A_170] : memref<80x128xf32, #tpu.memory_space<vmem>> -> memref<16x128xf32, #tpu.memory_space<vmem>>
      %dma_start3A_172 = tpu.memref_slice %arg8[%add3A_168] : memref<10000xi32, #tpu.memory_space<vmem>> -> memref<16xi32, #tpu.memory_space<vmem>>
      %dma_start3A_173 = arith.constant 0 : i32
      %dma_start3A_174 = arith.constant 0 : i32
      %dma_start3A_175 = tpu.memref_slice %arg2[%dma_start3A_173, %dma_start3A_174] : memref<10000x128xf32, #tpu.memory_space<hbm>> -> memref<10000x128xf32, #tpu.memory_space<hbm>>
      tpu.enqueue_indirect_dma source(%dma_start3A_175 : memref<10000x128xf32, #tpu.memory_space<hbm>>) target(%dma_start3A_171 : memref<16x128xf32, #tpu.memory_space<vmem>>) offsets(%dma_start3A_172 : memref<16xi32, #tpu.memory_space<vmem>>) semaphore(%arg13 : memref<!tpu.dma_semaphore, #tpu.memory_space<semaphore_mem>>)
      %mul3A_176 = arith.constant 80 : i32
      %mul3A_177 = arith.muli %min3A_153, %mul3A_176 : i32
      %add3A_178 = arith.constant 40 : i32
      %add3A_179 = arith.addi %mul3A_177, %add3A_178 : i32
      %dma_start3A_180 = arith.constant 40 : i32
      %dma_start3A_181 = arith.constant 0 : i32
      %dma_start3A_182 = tpu.memref_slice %arg11[%dma_start3A_180, %dma_start3A_181] : memref<80x128xf32, #tpu.memory_space<vmem>> -> memref<24x128xf32, #tpu.memory_space<vmem>>
      %dma_start3A_183 = tpu.memref_slice %arg8[%add3A_179] : memref<10000xi32, #tpu.memory_space<vmem>> -> memref<24xi32, #tpu.memory_space<vmem>>
      %dma_start3A_184 = arith.constant 0 : i32
      %dma_start3A_185 = arith.constant 0 : i32
      %dma_start3A_186 = tpu.memref_slice %arg2[%dma_start3A_184, %dma_start3A_185] : memref<10000x128xf32, #tpu.memory_space<hbm>> -> memref<10000x128xf32, #tpu.memory_space<hbm>>
      tpu.enqueue_indirect_dma source(%dma_start3A_186 : memref<10000x128xf32, #tpu.memory_space<hbm>>) target(%dma_start3A_182 : memref<24x128xf32, #tpu.memory_space<vmem>>) offsets(%dma_start3A_183 : memref<24xi32, #tpu.memory_space<vmem>>) semaphore(%arg13 : memref<!tpu.dma_semaphore, #tpu.memory_space<semaphore_mem>>)
      %mul3A_187 = arith.constant 80 : i32
      %mul3A_188 = arith.muli %min3A_153, %mul3A_187 : i32
      %add3A_189 = arith.constant 64 : i32
      %add3A_190 = arith.addi %mul3A_188, %add3A_189 : i32
      %dma_start3A_191 = arith.constant 64 : i32
      %dma_start3A_192 = arith.constant 0 : i32
      %dma_start3A_193 = tpu.memref_slice %arg11[%dma_start3A_191, %dma_start3A_192] : memref<80x128xf32, #tpu.memory_space<vmem>> -> memref<16x128xf32, #tpu.memory_space<vmem>>
      %dma_start3A_194 = tpu.memref_slice %arg8[%add3A_190] : memref<10000xi32, #tpu.memory_space<vmem>> -> memref<16xi32, #tpu.memory_space<vmem>>
      %dma_start3A_195 = arith.constant 0 : i32
      %dma_start3A_196 = arith.constant 0 : i32
      %dma_start3A_197 = tpu.memref_slice %arg2[%dma_start3A_195, %dma_start3A_196] : memref<10000x128xf32, #tpu.memory_space<hbm>> -> memref<10000x128xf32, #tpu.memory_space<hbm>>
      tpu.enqueue_indirect_dma source(%dma_start3A_197 : memref<10000x128xf32, #tpu.memory_space<hbm>>) target(%dma_start3A_193 : memref<16x128xf32, #tpu.memory_space<vmem>>) offsets(%dma_start3A_194 : memref<16xi32, #tpu.memory_space<vmem>>) semaphore(%arg13 : memref<!tpu.dma_semaphore, #tpu.memory_space<semaphore_mem>>)
    }
    %scan3A_72 = arith.constant 62 : i32
    %dma_wait3A = arith.constant 0 : i32
    %dma_wait3A_73 = tpu.memref_slice %arg8[%dma_wait3A] : memref<10000xi32, #tpu.memory_space<vmem>> -> memref<80xi32, #tpu.memory_space<vmem>>
    %dma_wait3A_74 = arith.constant 0 : i32
    %dma_wait3A_75 = arith.constant 0 : i32
    %dma_wait3A_76 = tpu.memref_slice %arg2[%dma_wait3A_74, %dma_wait3A_75] : memref<10000x128xf32, #tpu.memory_space<hbm>> -> memref<10000x128xf32, #tpu.memory_space<hbm>>
    tpu.wait_indirect_dma semaphore(%arg12 : memref<!tpu.dma_semaphore, #tpu.memory_space<semaphore_mem>>) src(%dma_wait3A_76 : memref<10000x128xf32, #tpu.memory_space<hbm>>) dst(%arg10 : memref<80x128xf32, #tpu.memory_space<vmem>>)
    %run_scoped3A = arith.constant 124 : i32
    "tpu.region"() ({
      %run_scoped3A_88 = tpu.sem_alloc : memref<!tpu.dma_semaphore, #tpu.memory_space<semaphore_mem>>
      %dma_start3A_89 = arith.constant 0 : i32
      %dma_start3A_90 = tpu.memref_slice %arg9[%run_scoped3A, %dma_start3A_89] : memref<125x80xi32, #tpu.memory_space<vmem>> -> memref<1x80xi32, #tpu.memory_space<vmem>>
      %dma_start3A_91 = tpu.memref_squeeze %dma_start3A_90 : memref<1x80xi32, #tpu.memory_space<vmem>> -> memref<80xi32, #tpu.memory_space<vmem>>
      %dma_start3A_92 = arith.constant 0 : i32
      %dma_start3A_93 = arith.constant 0 : i32
      %dma_start3A_94 = tpu.memref_slice %arg7[%dma_start3A_92, %dma_start3A_93] : memref<10000x128xf32, #tpu.memory_space<vmem_shared>> -> memref<10000x128xf32, #tpu.memory_space<vmem_shared>>
      tpu.enqueue_indirect_dma source(%arg10 : memref<80x128xf32, #tpu.memory_space<vmem>>) target(%dma_start3A_94 : memref<10000x128xf32, #tpu.memory_space<vmem_shared>>) offsets(%dma_start3A_91 : memref<80xi32, #tpu.memory_space<vmem>>) semaphore(%run_scoped3A_88 : memref<!tpu.dma_semaphore, #tpu.memory_space<semaphore_mem>>) {add = true}
      %dma_wait3A_95 = arith.constant 0 : i32
      %dma_wait3A_96 = tpu.memref_slice %arg9[%run_scoped3A, %dma_wait3A_95] : memref<125x80xi32, #tpu.memory_space<vmem>> -> memref<1x80xi32, #tpu.memory_space<vmem>>
      %dma_wait3A_97 = tpu.memref_squeeze %dma_wait3A_96 : memref<1x80xi32, #tpu.memory_space<vmem>> -> memref<80xi32, #tpu.memory_space<vmem>>
      %dma_wait3A_98 = arith.constant 0 : i32
      %dma_wait3A_99 = arith.constant 0 : i32
      %dma_wait3A_100 = tpu.memref_slice %arg7[%dma_wait3A_98, %dma_wait3A_99] : memref<10000x128xf32, #tpu.memory_space<vmem_shared>> -> memref<10000x128xf32, #tpu.memory_space<vmem_shared>>
      tpu.wait_indirect_dma semaphore(%run_scoped3A_88 : memref<!tpu.dma_semaphore, #tpu.memory_space<semaphore_mem>>) src(%arg10 : memref<80x128xf32, #tpu.memory_space<vmem>>) dst(%dma_wait3A_100 : memref<10000x128xf32, #tpu.memory_space<vmem_shared>>)
      tpu.yield
    }) : () -> ()
    %dma_wait3A_77 = arith.constant 0 : i32
    %dma_wait3A_78 = tpu.memref_slice %arg8[%dma_wait3A_77] : memref<10000xi32, #tpu.memory_space<vmem>> -> memref<80xi32, #tpu.memory_space<vmem>>
    %dma_wait3A_79 = arith.constant 0 : i32
    %dma_wait3A_80 = arith.constant 0 : i32
    %dma_wait3A_81 = tpu.memref_slice %arg2[%dma_wait3A_79, %dma_wait3A_80] : memref<10000x128xf32, #tpu.memory_space<hbm>> -> memref<10000x128xf32, #tpu.memory_space<hbm>>
    tpu.wait_indirect_dma semaphore(%arg13 : memref<!tpu.dma_semaphore, #tpu.memory_space<semaphore_mem>>) src(%dma_wait3A_81 : memref<10000x128xf32, #tpu.memory_space<hbm>>) dst(%arg11 : memref<80x128xf32, #tpu.memory_space<vmem>>)
    %barrier3A_82 = arith.constant 0 : index
    tpu.barrier barrier_id(%barrier3A_82)
    "tpu.region"() ({
      %run_scoped3A_88 = tpu.sem_alloc : memref<!tpu.dma_semaphore, #tpu.memory_space<semaphore_mem>>
      %dma_start3A_89 = arith.constant 0 : i32
      %dma_start3A_90 = tpu.memref_slice %arg6[%arg0, %mul3A_2, %dma_start3A_89] : memref<2x10000x128xf32, #tpu.memory_space<hbm>> -> memref<1x624x128xf32, #tpu.memory_space<hbm>>
      %dma_start3A_91 = tpu.memref_squeeze %dma_start3A_90 : memref<1x624x128xf32, #tpu.memory_space<hbm>> -> memref<624x128xf32, #tpu.memory_space<hbm>>
      %dma_start3A_92 = arith.constant 0 : i32
      %dma_start3A_93 = tpu.memref_slice %arg7[%mul3A_2, %dma_start3A_92] : memref<10000x128xf32, #tpu.memory_space<vmem_shared>> -> memref<624x128xf32, #tpu.memory_space<vmem_shared>>
      tpu.enqueue_dma source(%dma_start3A_93 : memref<624x128xf32, #tpu.memory_space<vmem_shared>>) target(%dma_start3A_91 : memref<624x128xf32, #tpu.memory_space<hbm>>) target_semaphore(%run_scoped3A_88 : memref<!tpu.dma_semaphore, #tpu.memory_space<semaphore_mem>>)
      %dma_wait3A_94 = arith.constant 0 : i32
      %dma_wait3A_95 = tpu.memref_slice %arg6[%arg0, %mul3A_2, %dma_wait3A_94] : memref<2x10000x128xf32, #tpu.memory_space<hbm>> -> memref<1x624x128xf32, #tpu.memory_space<hbm>>
      %dma_wait3A_96 = tpu.memref_squeeze %dma_wait3A_95 : memref<1x624x128xf32, #tpu.memory_space<hbm>> -> memref<624x128xf32, #tpu.memory_space<hbm>>
      %dma_wait3A_97 = arith.constant 0 : i32
      %dma_wait3A_98 = tpu.memref_slice %arg7[%mul3A_2, %dma_wait3A_97] : memref<10000x128xf32, #tpu.memory_space<vmem_shared>> -> memref<624x128xf32, #tpu.memory_space<vmem_shared>>
      tpu.wait_dma2 semaphore(%run_scoped3A_88 : memref<!tpu.dma_semaphore, #tpu.memory_space<semaphore_mem>>) src(%dma_wait3A_98 : memref<624x128xf32, #tpu.memory_space<vmem_shared>>) dst(%dma_wait3A_96 : memref<624x128xf32, #tpu.memory_space<hbm>>)
      tpu.yield
    }) : () -> ()
    %eq3A_83 = arith.constant 15 : i32
    %eq3A_84 = arith.cmpi eq, %arg1, %eq3A_83 : i32
    %convert_element_type3A_85 = arith.extui %eq3A_84 : i1 to i32
    %cond3A_86 = arith.constant 0 : i32
    %cond3A_87 = arith.cmpi ne, %convert_element_type3A_85, %cond3A_86 : i32
    scf.if %cond3A_87 {
      "tpu.region"() ({
        %run_scoped3A_88 = tpu.sem_alloc : memref<!tpu.dma_semaphore, #tpu.memory_space<semaphore_mem>>
        %dma_start3A_89 = arith.constant 9984 : i32
        %dma_start3A_90 = arith.constant 0 : i32
        %dma_start3A_91 = tpu.memref_slice %arg6[%arg0, %dma_start3A_89, %dma_start3A_90] : memref<2x10000x128xf32, #tpu.memory_space<hbm>> -> memref<1x16x128xf32, #tpu.memory_space<hbm>>
        %dma_start3A_92 = tpu.memref_squeeze %dma_start3A_91 : memref<1x16x128xf32, #tpu.memory_space<hbm>> -> memref<16x128xf32, #tpu.memory_space<hbm>>
        %dma_start3A_93 = arith.constant 9984 : i32
        %dma_start3A_94 = arith.constant 0 : i32
        %dma_start3A_95 = tpu.memref_slice %arg7[%dma_start3A_93, %dma_start3A_94] : memref<10000x128xf32, #tpu.memory_space<vmem_shared>> -> memref<16x128xf32, #tpu.memory_space<vmem_shared>>
        tpu.enqueue_dma source(%dma_start3A_95 : memref<16x128xf32, #tpu.memory_space<vmem_shared>>) target(%dma_start3A_92 : memref<16x128xf32, #tpu.memory_space<hbm>>) target_semaphore(%run_scoped3A_88 : memref<!tpu.dma_semaphore, #tpu.memory_space<semaphore_mem>>)
        %dma_wait3A_96 = arith.constant 9984 : i32
        %dma_wait3A_97 = arith.constant 0 : i32
        %dma_wait3A_98 = tpu.memref_slice %arg6[%arg0, %dma_wait3A_96, %dma_wait3A_97] : memref<2x10000x128xf32, #tpu.memory_space<hbm>> -> memref<1x16x128xf32, #tpu.memory_space<hbm>>
        %dma_wait3A_99 = tpu.memref_squeeze %dma_wait3A_98 : memref<1x16x128xf32, #tpu.memory_space<hbm>> -> memref<16x128xf32, #tpu.memory_space<hbm>>
        %dma_wait3A_100 = arith.constant 9984 : i32
        %dma_wait3A_101 = arith.constant 0 : i32
        %dma_wait3A_102 = tpu.memref_slice %arg7[%dma_wait3A_100, %dma_wait3A_101] : memref<10000x128xf32, #tpu.memory_space<vmem_shared>> -> memref<16x128xf32, #tpu.memory_space<vmem_shared>>
        tpu.wait_dma2 semaphore(%run_scoped3A_88 : memref<!tpu.dma_semaphore, #tpu.memory_space<semaphore_mem>>) src(%dma_wait3A_102 : memref<16x128xf32, #tpu.memory_space<vmem_shared>>) dst(%dma_wait3A_99 : memref<16x128xf32, #tpu.memory_space<hbm>>)
        tpu.yield
      }) : () -> ()
    } else {
    }
    return
  }
}

module attributes {stable_mosaic.version = 14 : i64} {
  func.func @_embed_body(%arg0: i32, %arg1: memref<1x1x1000xi32, #tpu.memory_space<vmem>>, %arg2: memref<128x128xf32, #tpu.memory_space<vmem>>, %arg3: memref<1000x128xf32, #tpu.memory_space<vmem>>) attributes {dimension_semantics = [#tpu.dimension_semantics<arbitrary>], iteration_bounds = array<i64: 10>, scalar_prefetch = 0 : i64, scratch_operands = 0 : i64, tpu.core_type = #tpu.core_type<tc>, window_params = [{transform_indices = @transform_0, window_bounds = array<i64: 1, 1, 1000>}, {pipeline_mode = #tpu.pipeline_mode<synchronous>, transform_indices = @transform_1, window_bounds = array<i64: 128, 128>}, {transform_indices = @transform_2, window_bounds = array<i64: 1000, 128>}]} {
    %get3A = arith.constant 0 : index
    %get3A_0 = arith.constant 0 : index
    %get3A_1 = arith.constant 0 : index
    %get3A_2 = vector.load %arg1[%get3A, %get3A_0, %get3A_1] : memref<1x1x1000xi32, #tpu.memory_space<vmem>>, vector<1x1x1000xi32>
    %get3A_3 = vector.shape_cast %get3A_2 : vector<1x1x1000xi32> to vector<1000xi32>
    %broadcast_in_dim3A = vector.shape_cast %get3A_3 : vector<1000xi32> to vector<1000x1xi32>
    %iota3A = tpu.iota {dimensions = array<i32: 1>} : vector<1000x128xi32>
    %eq3A = vector.broadcast %broadcast_in_dim3A : vector<1000x1xi32> to vector<1000x128xi32>
    %eq3A_4 = arith.cmpi eq, %eq3A, %iota3A : vector<1000x128xi32>
    %convert_element_type3A = arith.extui %eq3A_4 : vector<1000x128xi1> to vector<1000x128xi32>
    %convert_element_type3A_5 = arith.sitofp %convert_element_type3A : vector<1000x128xi32> to vector<1000x128xf32>
    %get3A_6 = arith.constant 0 : index
    %get3A_7 = arith.constant 0 : index
    %get3A_8 = vector.load %arg2[%get3A_6, %get3A_7] : memref<128x128xf32, #tpu.memory_space<vmem>>, vector<128x128xf32>
    %dot_general3A = arith.constant dense<0.000000e+00> : vector<1000x128xf32>
    %dot_general3A_9 = tpu.matmul %convert_element_type3A_5, %get3A_8, %dot_general3A {dimension_numbers = #tpu.dot_dimension_numbers<[1], [0], [0], [1], [0, 0, 1, 1], [], []>, transpose_lhs_hint = false} : vector<1000x128xf32>, vector<128x128xf32>, vector<1000x128xf32> -> vector<1000x128xf32>
    %swap3A = arith.constant 0 : index
    %swap3A_10 = arith.constant 0 : index
    %swap3A_11 = vector.load %arg3[%swap3A, %swap3A_10] : memref<1000x128xf32, #tpu.memory_space<vmem>>, vector<1000x128xf32>
    tpu.vector_store %arg3[%swap3A, %swap3A_10], %dot_general3A_9 {strides = array<i32>} : memref<1000x128xf32, #tpu.memory_space<vmem>>, vector<1000x128xf32>,
    return
  }
  func.func @transform_0(%arg0: i32) -> (i32, i32, i32) {
    %c0_i32 = arith.constant 0 : i32
    %c0_i32_0 = arith.constant 0 : i32
    %c0_i32_1 = arith.constant 0 : i32
    return %arg0, %c0_i32, %c0_i32_0 : i32, i32, i32
  }
  func.func @transform_1(%arg0: i32) -> (i32, i32) {
    %c0_i32 = arith.constant 0 : i32
    %c0_i32_0 = arith.constant 0 : i32
    %c0_i32_1 = arith.constant 0 : i32
    return %c0_i32, %c0_i32_0 : i32, i32
  }
  func.func @transform_2(%arg0: i32) -> (i32, i32) {
    %c0_i32 = arith.constant 0 : i32
    %c0_i32_0 = arith.constant 0 : i32
    return %arg0, %c0_i32 : i32, i32
  }
}

module attributes {stable_mosaic.version = 14 : i64} {
  func.func @_layer_body(%arg0: i32, %arg1: i32, %arg2: memref<1x1xf32, #tpu.memory_space<smem>>, %arg3: memref<1000x128xf32, #tpu.memory_space<vmem>>, %arg4: memref<2x1000x128xf32, #tpu.memory_space<vmem>>, %arg5: memref<128x128xf32, #tpu.memory_space<vmem>>, %arg6: memref<1x128xf32, #tpu.memory_space<vmem>>, %arg7: memref<128x128xf32, #tpu.memory_space<vmem>>, %arg8: memref<1x128xf32, #tpu.memory_space<vmem>>, %arg9: memref<1x128xf32, #tpu.memory_space<vmem>>, %arg10: memref<1x128xf32, #tpu.memory_space<vmem>>, %arg11: memref<1000x128xf32, #tpu.memory_space<vmem>>, %arg12: memref<10000x128xf32, #tpu.memory_space<vmem>>, %arg13: memref<8x128xf32, #tpu.memory_space<vmem>>) attributes {dimension_semantics = [#tpu.dimension_semantics<arbitrary>, #tpu.dimension_semantics<arbitrary>], iteration_bounds = array<i64: 2, 10>, scalar_prefetch = 0 : i64, scratch_operands = 2 : i64, tpu.core_type = #tpu.core_type<tc>, window_params = [{transform_indices = @transform_0, window_bounds = array<i64: 1, 1>}, {transform_indices = @transform_1, window_bounds = array<i64: 1000, 128>}, {transform_indices = @transform_2, window_bounds = array<i64: 2, 1000, 128>}, {pipeline_mode = #tpu.pipeline_mode<synchronous>, transform_indices = @transform_3, window_bounds = array<i64: 128, 128>}, {pipeline_mode = #tpu.pipeline_mode<synchronous>, transform_indices = @transform_4, window_bounds = array<i64: 1, 128>}, {pipeline_mode = #tpu.pipeline_mode<synchronous>, transform_indices = @transform_5, window_bounds = array<i64: 128, 128>}, {pipeline_mode = #tpu.pipeline_mode<synchronous>, transform_indices = @transform_6, window_bounds = array<i64: 1, 128>}, {pipeline_mode = #tpu.pipeline_mode<synchronous>, transform_indices = @transform_7, window_bounds = array<i64: 1, 128>}, {pipeline_mode = #tpu.pipeline_mode<synchronous>, transform_indices = @transform_8, window_bounds = array<i64: 1, 128>}, {transform_indices = @transform_9, window_bounds = array<i64: 1000, 128>}]} {
    %eq3A = arith.constant 0 : i32
    %eq3A_0 = arith.cmpi eq, %arg0, %eq3A : i32
    %convert_element_type3A = arith.extui %eq3A_0 : i1 to i32
    %cond3A = arith.constant 0 : i32
    %cond3A_1 = arith.cmpi ne, %convert_element_type3A, %cond3A : i32
    scf.if %cond3A_1 {
      %get3A = arith.constant 0 : index
      %get3A_7 = arith.constant 0 : index
      %get3A_8 = memref.load %arg2[%get3A, %get3A_7] : memref<1x1xf32, #tpu.memory_space<smem>>
      %add3A = arith.constant 1.000000e+00 : f32
      %add3A_9 = arith.addf %add3A, %get3A_8 : f32
      %get3A_10 = arith.constant 0 : index
      %get3A_11 = arith.constant 0 : index
      %get3A_12 = vector.load %arg3[%get3A_10, %get3A_11] : memref<1000x128xf32, #tpu.memory_space<vmem>>, vector<1000x128xf32>
      %mul3A = vector.broadcast %add3A_9 : f32 to vector<1000x128xf32>
      %mul3A_13 = arith.mulf %mul3A, %get3A_12 : vector<1000x128xf32>
      %get3A_14 = arith.constant 0 : index
      %get3A_15 = arith.constant 0 : index
      %get3A_16 = arith.constant 0 : index
      %get3A_17 = vector.load %arg4[%get3A_14, %get3A_15, %get3A_16] : memref<2x1000x128xf32, #tpu.memory_space<vmem>>, vector<1x1000x128xf32>
      %get3A_18 = vector.shape_cast %get3A_17 : vector<1x1000x128xf32> to vector<1000x128xf32>
      %add3A_19 = arith.addf %mul3A_13, %get3A_18 : vector<1000x128xf32>
      %get3A_20 = arith.constant 1 : index
      %get3A_21 = arith.constant 0 : index
      %get3A_22 = arith.constant 0 : index
      %get3A_23 = vector.load %arg4[%get3A_20, %get3A_21, %get3A_22] : memref<2x1000x128xf32, #tpu.memory_space<vmem>>, vector<1x1000x128xf32>
      %get3A_24 = vector.shape_cast %get3A_23 : vector<1x1000x128xf32> to vector<1000x128xf32>
      %add3A_25 = arith.addf %add3A_19, %get3A_24 : vector<1000x128xf32>
      %get3A_26 = arith.constant 0 : index
      %get3A_27 = arith.constant 0 : index
      %get3A_28 = vector.load %arg5[%get3A_26, %get3A_27] : memref<128x128xf32, #tpu.memory_space<vmem>>, vector<128x128xf32>
      %dot_general3A = arith.constant dense<0.000000e+00> : vector<1000x128xf32>
      %dot_general3A_29 = tpu.matmul %add3A_25, %get3A_28, %dot_general3A {dimension_numbers = #tpu.dot_dimension_numbers<[1], [0], [0], [1], [0, 0, 1, 1], [], []>, transpose_lhs_hint = false} : vector<1000x128xf32>, vector<128x128xf32>, vector<1000x128xf32> -> vector<1000x128xf32>
      %get3A_30 = arith.constant 0 : index
      %get3A_31 = arith.constant 0 : index
      %get3A_32 = vector.load %arg6[%get3A_30, %get3A_31] : memref<1x128xf32, #tpu.memory_space<vmem>>, vector<1x128xf32>
      %add3A_33 = vector.broadcast %get3A_32 : vector<1x128xf32> to vector<1000x128xf32>
      %add3A_34 = arith.addf %dot_general3A_29, %add3A_33 : vector<1000x128xf32>
      %max3A = arith.constant 0.000000e+00 : f32
      %max3A_35 = vector.broadcast %max3A : f32 to vector<1000x128xf32>
      %max3A_36 = arith.maximumf %add3A_34, %max3A_35 : vector<1000x128xf32>
      %get3A_37 = arith.constant 0 : index
      %get3A_38 = arith.constant 0 : index
      %get3A_39 = vector.load %arg7[%get3A_37, %get3A_38] : memref<128x128xf32, #tpu.memory_space<vmem>>, vector<128x128xf32>
      %dot_general3A_40 = arith.constant dense<0.000000e+00> : vector<1000x128xf32>
      %dot_general3A_41 = tpu.matmul %max3A_36, %get3A_39, %dot_general3A_40 {dimension_numbers = #tpu.dot_dimension_numbers<[1], [0], [0], [1], [0, 0, 1, 1], [], []>, transpose_lhs_hint = false} : vector<1000x128xf32>, vector<128x128xf32>, vector<1000x128xf32> -> vector<1000x128xf32>
      %get3A_42 = arith.constant 0 : index
      %get3A_43 = arith.constant 0 : index
      %get3A_44 = vector.load %arg8[%get3A_42, %get3A_43] : memref<1x128xf32, #tpu.memory_space<vmem>>, vector<1x128xf32>
      %add3A_45 = vector.broadcast %get3A_44 : vector<1x128xf32> to vector<1000x128xf32>
      %add3A_46 = arith.addf %dot_general3A_41, %add3A_45 : vector<1000x128xf32>
      %mul3A_47 = arith.constant 1000 : i32
      %mul3A_48 = arith.muli %arg1, %mul3A_47 : i32
      %swap3A = arith.index_cast %mul3A_48 : i32 to index
      %swap3A_49 = arith.constant 0 : index
      %swap3A_50 = vector.load %arg12[%swap3A, %swap3A_49] : memref<10000x128xf32, #tpu.memory_space<vmem>>, vector<1000x128xf32>
      tpu.vector_store %arg12[%swap3A, %swap3A_49], %add3A_46 {strides = array<i32>} : memref<10000x128xf32, #tpu.memory_space<vmem>>, vector<1000x128xf32>,
      %eq3A_51 = arith.constant 0 : i32
      %eq3A_52 = arith.cmpi eq, %arg1, %eq3A_51 : i32
      %convert_element_type3A_53 = arith.extui %eq3A_52 : i1 to i32
      %cond3A_54 = arith.constant 0 : i32
      %cond3A_55 = arith.cmpi ne, %convert_element_type3A_53, %cond3A_54 : i32
      scf.if %cond3A_55 {
        %broadcast_in_dim3A_75 = arith.constant 0.000000e+00 : f32
        %broadcast_in_dim3A_76 = vector.broadcast %broadcast_in_dim3A_75 : f32 to vector<8x128xf32>
        %swap3A_77 = arith.constant 0 : index
        %swap3A_78 = arith.constant 0 : index
        %swap3A_79 = vector.load %arg13[%swap3A_77, %swap3A_78] : memref<8x128xf32, #tpu.memory_space<vmem>>, vector<8x128xf32>
        tpu.vector_store %arg13[%swap3A_77, %swap3A_78], %broadcast_in_dim3A_76 {strides = array<i32>} : memref<8x128xf32, #tpu.memory_space<vmem>>, vector<8x128xf32>,
      } else {
      }
      %get3A_56 = arith.constant 0 : index
      %get3A_57 = arith.constant 0 : index
      %get3A_58 = vector.load %arg13[%get3A_56, %get3A_57] : memref<8x128xf32, #tpu.memory_space<vmem>>, vector<1x128xf32>
      %reduce_sum3A = arith.constant dense<0.000000e+00> : vector<128xf32>
      %reduce_sum3A_59 = vector.multi_reduction <add>, %add3A_46, %reduce_sum3A [0] : vector<1000x128xf32> to vector<128xf32>
      %broadcast_in_dim3A = vector.shape_cast %reduce_sum3A_59 : vector<128xf32> to vector<1x128xf32>
      %add3A_60 = arith.addf %get3A_58, %broadcast_in_dim3A : vector<1x128xf32>
      %swap3A_61 = arith.constant 0 : index
      %swap3A_62 = arith.constant 0 : index
      %swap3A_63 = vector.load %arg13[%swap3A_61, %swap3A_62] : memref<8x128xf32, #tpu.memory_space<vmem>>, vector<1x128xf32>
      tpu.vector_store %arg13[%swap3A_61, %swap3A_62], %add3A_60 {strides = array<i32>} : memref<8x128xf32, #tpu.memory_space<vmem>>, vector<1x128xf32>,
      %get3A_64 = arith.constant 1 : index
      %get3A_65 = arith.constant 0 : index
      %get3A_66 = vector.load %arg13[%get3A_64, %get3A_65] : memref<8x128xf32, #tpu.memory_space<vmem>>, vector<1x128xf32>
      %mul3A_67 = arith.mulf %add3A_46, %add3A_46 : vector<1000x128xf32>
      %reduce_sum3A_68 = arith.constant dense<0.000000e+00> : vector<128xf32>
      %reduce_sum3A_69 = vector.multi_reduction <add>, %mul3A_67, %reduce_sum3A_68 [0] : vector<1000x128xf32> to vector<128xf32>
      %broadcast_in_dim3A_70 = vector.shape_cast %reduce_sum3A_69 : vector<128xf32> to vector<1x128xf32>
      %add3A_71 = arith.addf %get3A_66, %broadcast_in_dim3A_70 : vector<1x128xf32>
      %swap3A_72 = arith.constant 1 : index
      %swap3A_73 = arith.constant 0 : index
      %swap3A_74 = vector.load %arg13[%swap3A_72, %swap3A_73] : memref<8x128xf32, #tpu.memory_space<vmem>>, vector<1x128xf32>
      tpu.vector_store %arg13[%swap3A_72, %swap3A_73], %add3A_71 {strides = array<i32>} : memref<8x128xf32, #tpu.memory_space<vmem>>, vector<1x128xf32>,
    } else {
    }
    %eq3A_2 = arith.constant 1 : i32
    %eq3A_3 = arith.cmpi eq, %arg0, %eq3A_2 : i32
    %convert_element_type3A_4 = arith.extui %eq3A_3 : i1 to i32
    %cond3A_5 = arith.constant 0 : i32
    %cond3A_6 = arith.cmpi ne, %convert_element_type3A_4, %cond3A_5 : i32
    scf.if %cond3A_6 {
      %get3A = arith.constant 0 : index
      %get3A_7 = arith.constant 0 : index
      %get3A_8 = vector.load %arg13[%get3A, %get3A_7] : memref<8x128xf32, #tpu.memory_space<vmem>>, vector<1x128xf32>
      %mul3A = arith.constant 9.99999974E-5 : f32
      %mul3A_9 = vector.broadcast %mul3A : f32 to vector<1x128xf32>
      %mul3A_10 = arith.mulf %get3A_8, %mul3A_9 : vector<1x128xf32>
      %get3A_11 = arith.constant 1 : index
      %get3A_12 = arith.constant 0 : index
      %get3A_13 = vector.load %arg13[%get3A_11, %get3A_12] : memref<8x128xf32, #tpu.memory_space<vmem>>, vector<1x128xf32>
      %mul3A_14 = arith.constant 9.99999974E-5 : f32
      %mul3A_15 = vector.broadcast %mul3A_14 : f32 to vector<1x128xf32>
      %mul3A_16 = arith.mulf %get3A_13, %mul3A_15 : vector<1x128xf32>
      %mul3A_17 = arith.mulf %mul3A_10, %mul3A_10 : vector<1x128xf32>
      %sub3A = arith.subf %mul3A_16, %mul3A_17 : vector<1x128xf32>
      %add3A = arith.constant 9.99999974E-6 : f32
      %add3A_18 = vector.broadcast %add3A : f32 to vector<1x128xf32>
      %add3A_19 = arith.addf %sub3A, %add3A_18 : vector<1x128xf32>
      %rsqrt3A = math.rsqrt %add3A_19 : vector<1x128xf32>
      %mul3A_20 = arith.constant 1000 : i32
      %mul3A_21 = arith.muli %arg1, %mul3A_20 : i32
      %get3A_22 = arith.index_cast %mul3A_21 : i32 to index
      %get3A_23 = arith.constant 0 : index
      %get3A_24 = vector.load %arg12[%get3A_22, %get3A_23] : memref<10000x128xf32, #tpu.memory_space<vmem>>, vector<1000x128xf32>
      %sub3A_25 = vector.broadcast %mul3A_10 : vector<1x128xf32> to vector<1000x128xf32>
      %sub3A_26 = arith.subf %get3A_24, %sub3A_25 : vector<1000x128xf32>
      %get3A_27 = arith.constant 0 : index
      %get3A_28 = arith.constant 0 : index
      %get3A_29 = vector.load %arg9[%get3A_27, %get3A_28] : memref<1x128xf32, #tpu.memory_space<vmem>>, vector<1x128xf32>
      %mul3A_30 = arith.mulf %rsqrt3A, %get3A_29 : vector<1x128xf32>
      %mul3A_31 = vector.broadcast %mul3A_30 : vector<1x128xf32> to vector<1000x128xf32>
      %mul3A_32 = arith.mulf %sub3A_26, %mul3A_31 : vector<1000x128xf32>
      %get3A_33 = arith.constant 0 : index
      %get3A_34 = arith.constant 0 : index
      %get3A_35 = vector.load %arg10[%get3A_33, %get3A_34] : memref<1x128xf32, #tpu.memory_space<vmem>>, vector<1x128xf32>
      %add3A_36 = vector.broadcast %get3A_35 : vector<1x128xf32> to vector<1000x128xf32>
      %add3A_37 = arith.addf %mul3A_32, %add3A_36 : vector<1000x128xf32>
      %get3A_38 = arith.constant 0 : index
      %get3A_39 = arith.constant 0 : index
      %get3A_40 = vector.load %arg3[%get3A_38, %get3A_39] : memref<1000x128xf32, #tpu.memory_space<vmem>>, vector<1000x128xf32>
      %add3A_41 = arith.addf %add3A_37, %get3A_40 : vector<1000x128xf32>
      %swap3A = arith.constant 0 : index
      %swap3A_42 = arith.constant 0 : index
      %swap3A_43 = vector.load %arg11[%swap3A, %swap3A_42] : memref<1000x128xf32, #tpu.memory_space<vmem>>, vector<1000x128xf32>
      tpu.vector_store %arg11[%swap3A, %swap3A_42], %add3A_41 {strides = array<i32>} : memref<1000x128xf32, #tpu.memory_space<vmem>>, vector<1000x128xf32>,
    } else {
    }
    return
  }
  func.func @transform_0(%arg0: i32, %arg1: i32) -> (i32, i32) {
    %c0_i32 = arith.constant 0 : i32
    %c0_i32_0 = arith.constant 0 : i32
    %c0_i32_1 = arith.constant 0 : i32
    return %c0_i32, %c0_i32_0 : i32, i32
  }
  func.func @transform_1(%arg0: i32, %arg1: i32) -> (i32, i32) {
    %c0_i32 = arith.constant 0 : i32
    %c0_i32_0 = arith.constant 0 : i32
    return %arg1, %c0_i32 : i32, i32
  }
  func.func @transform_2(%arg0: i32, %arg1: i32) -> (i32, i32, i32) {
    %eq3A = arith.constant 0 : i32
    %eq3A_0 = arith.cmpi eq, %arg0, %eq3A : i32
    %jit3A = arith.constant 0 : i32
    %select_n3A = arith.select %eq3A_0, %arg1, %jit3A : i32
    %c0_i32 = arith.constant 0 : i32
    %c0_i32_1 = arith.constant 0 : i32
    %c0_i32_2 = arith.constant 0 : i32
    return %c0_i32, %select_n3A, %c0_i32_1 : i32, i32, i32
  }
  func.func @transform_3(%arg0: i32, %arg1: i32) -> (i32, i32) {
    %c0_i32 = arith.constant 0 : i32
    %c0_i32_0 = arith.constant 0 : i32
    %c0_i32_1 = arith.constant 0 : i32
    return %c0_i32, %c0_i32_0 : i32, i32
  }
  func.func @transform_4(%arg0: i32, %arg1: i32) -> (i32, i32) {
    %c0_i32 = arith.constant 0 : i32
    %c0_i32_0 = arith.constant 0 : i32
    %c0_i32_1 = arith.constant 0 : i32
    return %c0_i32, %c0_i32_0 : i32, i32
  }
  func.func @transform_5(%arg0: i32, %arg1: i32) -> (i32, i32) {
    %c0_i32 = arith.constant 0 : i32
    %c0_i32_0 = arith.constant 0 : i32
    %c0_i32_1 = arith.constant 0 : i32
    return %c0_i32, %c0_i32_0 : i32, i32
  }
  func.func @transform_6(%arg0: i32, %arg1: i32) -> (i32, i32) {
    %c0_i32 = arith.constant 0 : i32
    %c0_i32_0 = arith.constant 0 : i32
    %c0_i32_1 = arith.constant 0 : i32
    return %c0_i32, %c0_i32_0 : i32, i32
  }
  func.func @transform_7(%arg0: i32, %arg1: i32) -> (i32, i32) {
    %c0_i32 = arith.constant 0 : i32
    %c0_i32_0 = arith.constant 0 : i32
    %c0_i32_1 = arith.constant 0 : i32
    return %c0_i32, %c0_i32_0 : i32, i32
  }
  func.func @transform_8(%arg0: i32, %arg1: i32) -> (i32, i32) {
    %c0_i32 = arith.constant 0 : i32
    %c0_i32_0 = arith.constant 0 : i32
    %c0_i32_1 = arith.constant 0 : i32
    return %c0_i32, %c0_i32_0 : i32, i32
  }
  func.func @transform_9(%arg0: i32, %arg1: i32) -> (i32, i32) {
    %eq3A = arith.constant 1 : i32
    %eq3A_0 = arith.cmpi eq, %arg0, %eq3A : i32
    %jit3A = arith.constant 0 : i32
    %select_n3A = arith.select %eq3A_0, %arg1, %jit3A : i32
    %c0_i32 = arith.constant 0 : i32
    %c0_i32_1 = arith.constant 0 : i32
    return %select_n3A, %c0_i32 : i32, i32
  }
}

module attributes {stable_mosaic.version = 14 : i64} {
  func.func @_last_layer_body(%arg0: i32, %arg1: i32, %arg2: memref<1x1xf32, #tpu.memory_space<smem>>, %arg3: memref<1000x128xf32, #tpu.memory_space<vmem>>, %arg4: memref<2x1000x128xf32, #tpu.memory_space<vmem>>, %arg5: memref<128x128xf32, #tpu.memory_space<vmem>>, %arg6: memref<1x128xf32, #tpu.memory_space<vmem>>, %arg7: memref<128x128xf32, #tpu.memory_space<vmem>>, %arg8: memref<1x128xf32, #tpu.memory_space<vmem>>, %arg9: memref<1x128xf32, #tpu.memory_space<vmem>>, %arg10: memref<1x128xf32, #tpu.memory_space<vmem>>, %arg11: memref<1x1x1000xi32, #tpu.memory_space<vmem>>, %arg12: memref<256x128xf32, #tpu.memory_space<vmem>>, %arg13: memref<10000x128xf32, #tpu.memory_space<vmem>>, %arg14: memref<8x128xf32, #tpu.memory_space<vmem>>, %arg15: memref<256x128xf32, #tpu.memory_space<vmem>>) attributes {dimension_semantics = [#tpu.dimension_semantics<arbitrary>, #tpu.dimension_semantics<arbitrary>], iteration_bounds = array<i64: 3, 10>, scalar_prefetch = 0 : i64, scratch_operands = 3 : i64, tpu.core_type = #tpu.core_type<tc>, window_params = [{transform_indices = @transform_0, window_bounds = array<i64: 1, 1>}, {transform_indices = @transform_1, window_bounds = array<i64: 1000, 128>}, {transform_indices = @transform_2, window_bounds = array<i64: 2, 1000, 128>}, {pipeline_mode = #tpu.pipeline_mode<synchronous>, transform_indices = @transform_3, window_bounds = array<i64: 128, 128>}, {pipeline_mode = #tpu.pipeline_mode<synchronous>, transform_indices = @transform_4, window_bounds = array<i64: 1, 128>}, {pipeline_mode = #tpu.pipeline_mode<synchronous>, transform_indices = @transform_5, window_bounds = array<i64: 128, 128>}, {pipeline_mode = #tpu.pipeline_mode<synchronous>, transform_indices = @transform_6, window_bounds = array<i64: 1, 128>}, {pipeline_mode = #tpu.pipeline_mode<synchronous>, transform_indices = @transform_7, window_bounds = array<i64: 1, 128>}, {pipeline_mode = #tpu.pipeline_mode<synchronous>, transform_indices = @transform_8, window_bounds = array<i64: 1, 128>}, {transform_indices = @transform_9, window_bounds = array<i64: 1, 1, 1000>}, {pipeline_mode = #tpu.pipeline_mode<synchronous>, transform_indices = @transform_10, window_bounds = array<i64: 256, 128>}]} {
    %eq3A = arith.constant 0 : i32
    %eq3A_0 = arith.cmpi eq, %arg0, %eq3A : i32
    %convert_element_type3A = arith.extui %eq3A_0 : i1 to i32
    %cond3A = arith.constant 0 : i32
    %cond3A_1 = arith.cmpi ne, %convert_element_type3A, %cond3A : i32
    scf.if %cond3A_1 {
      %get3A = arith.constant 0 : index
      %get3A_12 = arith.constant 0 : index
      %get3A_13 = memref.load %arg2[%get3A, %get3A_12] : memref<1x1xf32, #tpu.memory_space<smem>>
      %add3A = arith.constant 1.000000e+00 : f32
      %add3A_14 = arith.addf %add3A, %get3A_13 : f32
      %get3A_15 = arith.constant 0 : index
      %get3A_16 = arith.constant 0 : index
      %get3A_17 = vector.load %arg3[%get3A_15, %get3A_16] : memref<1000x128xf32, #tpu.memory_space<vmem>>, vector<1000x128xf32>
      %mul3A = vector.broadcast %add3A_14 : f32 to vector<1000x128xf32>
      %mul3A_18 = arith.mulf %mul3A, %get3A_17 : vector<1000x128xf32>
      %get3A_19 = arith.constant 0 : index
      %get3A_20 = arith.constant 0 : index
      %get3A_21 = arith.constant 0 : index
      %get3A_22 = vector.load %arg4[%get3A_19, %get3A_20, %get3A_21] : memref<2x1000x128xf32, #tpu.memory_space<vmem>>, vector<1x1000x128xf32>
      %get3A_23 = vector.shape_cast %get3A_22 : vector<1x1000x128xf32> to vector<1000x128xf32>
      %add3A_24 = arith.addf %mul3A_18, %get3A_23 : vector<1000x128xf32>
      %get3A_25 = arith.constant 1 : index
      %get3A_26 = arith.constant 0 : index
      %get3A_27 = arith.constant 0 : index
      %get3A_28 = vector.load %arg4[%get3A_25, %get3A_26, %get3A_27] : memref<2x1000x128xf32, #tpu.memory_space<vmem>>, vector<1x1000x128xf32>
      %get3A_29 = vector.shape_cast %get3A_28 : vector<1x1000x128xf32> to vector<1000x128xf32>
      %add3A_30 = arith.addf %add3A_24, %get3A_29 : vector<1000x128xf32>
      %get3A_31 = arith.constant 0 : index
      %get3A_32 = arith.constant 0 : index
      %get3A_33 = vector.load %arg5[%get3A_31, %get3A_32] : memref<128x128xf32, #tpu.memory_space<vmem>>, vector<128x128xf32>
      %dot_general3A = arith.constant dense<0.000000e+00> : vector<1000x128xf32>
      %dot_general3A_34 = tpu.matmul %add3A_30, %get3A_33, %dot_general3A {dimension_numbers = #tpu.dot_dimension_numbers<[1], [0], [0], [1], [0, 0, 1, 1], [], []>, transpose_lhs_hint = false} : vector<1000x128xf32>, vector<128x128xf32>, vector<1000x128xf32> -> vector<1000x128xf32>
      %get3A_35 = arith.constant 0 : index
      %get3A_36 = arith.constant 0 : index
      %get3A_37 = vector.load %arg6[%get3A_35, %get3A_36] : memref<1x128xf32, #tpu.memory_space<vmem>>, vector<1x128xf32>
      %add3A_38 = vector.broadcast %get3A_37 : vector<1x128xf32> to vector<1000x128xf32>
      %add3A_39 = arith.addf %dot_general3A_34, %add3A_38 : vector<1000x128xf32>
      %max3A = arith.constant 0.000000e+00 : f32
      %max3A_40 = vector.broadcast %max3A : f32 to vector<1000x128xf32>
      %max3A_41 = arith.maximumf %add3A_39, %max3A_40 : vector<1000x128xf32>
      %get3A_42 = arith.constant 0 : index
      %get3A_43 = arith.constant 0 : index
      %get3A_44 = vector.load %arg7[%get3A_42, %get3A_43] : memref<128x128xf32, #tpu.memory_space<vmem>>, vector<128x128xf32>
      %dot_general3A_45 = arith.constant dense<0.000000e+00> : vector<1000x128xf32>
      %dot_general3A_46 = tpu.matmul %max3A_41, %get3A_44, %dot_general3A_45 {dimension_numbers = #tpu.dot_dimension_numbers<[1], [0], [0], [1], [0, 0, 1, 1], [], []>, transpose_lhs_hint = false} : vector<1000x128xf32>, vector<128x128xf32>, vector<1000x128xf32> -> vector<1000x128xf32>
      %get3A_47 = arith.constant 0 : index
      %get3A_48 = arith.constant 0 : index
      %get3A_49 = vector.load %arg8[%get3A_47, %get3A_48] : memref<1x128xf32, #tpu.memory_space<vmem>>, vector<1x128xf32>
      %add3A_50 = vector.broadcast %get3A_49 : vector<1x128xf32> to vector<1000x128xf32>
      %add3A_51 = arith.addf %dot_general3A_46, %add3A_50 : vector<1000x128xf32>
      %mul3A_52 = arith.constant 1000 : i32
      %mul3A_53 = arith.muli %arg1, %mul3A_52 : i32
      %swap3A = arith.index_cast %mul3A_53 : i32 to index
      %swap3A_54 = arith.constant 0 : index
      %swap3A_55 = vector.load %arg13[%swap3A, %swap3A_54] : memref<10000x128xf32, #tpu.memory_space<vmem>>, vector<1000x128xf32>
      tpu.vector_store %arg13[%swap3A, %swap3A_54], %add3A_51 {strides = array<i32>} : memref<10000x128xf32, #tpu.memory_space<vmem>>, vector<1000x128xf32>,
      %eq3A_56 = arith.constant 0 : i32
      %eq3A_57 = arith.cmpi eq, %arg1, %eq3A_56 : i32
      %convert_element_type3A_58 = arith.extui %eq3A_57 : i1 to i32
      %cond3A_59 = arith.constant 0 : i32
      %cond3A_60 = arith.cmpi ne, %convert_element_type3A_58, %cond3A_59 : i32
      scf.if %cond3A_60 {
        %broadcast_in_dim3A_80 = arith.constant 0.000000e+00 : f32
        %broadcast_in_dim3A_81 = vector.broadcast %broadcast_in_dim3A_80 : f32 to vector<8x128xf32>
        %swap3A_82 = arith.constant 0 : index
        %swap3A_83 = arith.constant 0 : index
        %swap3A_84 = vector.load %arg14[%swap3A_82, %swap3A_83] : memref<8x128xf32, #tpu.memory_space<vmem>>, vector<8x128xf32>
        tpu.vector_store %arg14[%swap3A_82, %swap3A_83], %broadcast_in_dim3A_81 {strides = array<i32>} : memref<8x128xf32, #tpu.memory_space<vmem>>, vector<8x128xf32>,
      } else {
      }
      %get3A_61 = arith.constant 0 : index
      %get3A_62 = arith.constant 0 : index
      %get3A_63 = vector.load %arg14[%get3A_61, %get3A_62] : memref<8x128xf32, #tpu.memory_space<vmem>>, vector<1x128xf32>
      %reduce_sum3A = arith.constant dense<0.000000e+00> : vector<128xf32>
      %reduce_sum3A_64 = vector.multi_reduction <add>, %add3A_51, %reduce_sum3A [0] : vector<1000x128xf32> to vector<128xf32>
      %broadcast_in_dim3A = vector.shape_cast %reduce_sum3A_64 : vector<128xf32> to vector<1x128xf32>
      %add3A_65 = arith.addf %get3A_63, %broadcast_in_dim3A : vector<1x128xf32>
      %swap3A_66 = arith.constant 0 : index
      %swap3A_67 = arith.constant 0 : index
      %swap3A_68 = vector.load %arg14[%swap3A_66, %swap3A_67] : memref<8x128xf32, #tpu.memory_space<vmem>>, vector<1x128xf32>
      tpu.vector_store %arg14[%swap3A_66, %swap3A_67], %add3A_65 {strides = array<i32>} : memref<8x128xf32, #tpu.memory_space<vmem>>, vector<1x128xf32>,
      %get3A_69 = arith.constant 1 : index
      %get3A_70 = arith.constant 0 : index
      %get3A_71 = vector.load %arg14[%get3A_69, %get3A_70] : memref<8x128xf32, #tpu.memory_space<vmem>>, vector<1x128xf32>
      %mul3A_72 = arith.mulf %add3A_51, %add3A_51 : vector<1000x128xf32>
      %reduce_sum3A_73 = arith.constant dense<0.000000e+00> : vector<128xf32>
      %reduce_sum3A_74 = vector.multi_reduction <add>, %mul3A_72, %reduce_sum3A_73 [0] : vector<1000x128xf32> to vector<128xf32>
      %broadcast_in_dim3A_75 = vector.shape_cast %reduce_sum3A_74 : vector<128xf32> to vector<1x128xf32>
      %add3A_76 = arith.addf %get3A_71, %broadcast_in_dim3A_75 : vector<1x128xf32>
      %swap3A_77 = arith.constant 1 : index
      %swap3A_78 = arith.constant 0 : index
      %swap3A_79 = vector.load %arg14[%swap3A_77, %swap3A_78] : memref<8x128xf32, #tpu.memory_space<vmem>>, vector<1x128xf32>
      tpu.vector_store %arg14[%swap3A_77, %swap3A_78], %add3A_76 {strides = array<i32>} : memref<8x128xf32, #tpu.memory_space<vmem>>, vector<1x128xf32>,
    } else {
    }
    %eq3A_2 = arith.constant 1 : i32
    %eq3A_3 = arith.cmpi eq, %arg0, %eq3A_2 : i32
    %convert_element_type3A_4 = arith.extui %eq3A_3 : i1 to i32
    %cond3A_5 = arith.constant 0 : i32
    %cond3A_6 = arith.cmpi ne, %convert_element_type3A_4, %cond3A_5 : i32
    scf.if %cond3A_6 {
      %get3A = arith.constant 0 : index
      %get3A_12 = arith.constant 0 : index
      %get3A_13 = vector.load %arg14[%get3A, %get3A_12] : memref<8x128xf32, #tpu.memory_space<vmem>>, vector<1x128xf32>
      %mul3A = arith.constant 9.99999974E-5 : f32
      %mul3A_14 = vector.broadcast %mul3A : f32 to vector<1x128xf32>
      %mul3A_15 = arith.mulf %get3A_13, %mul3A_14 : vector<1x128xf32>
      %get3A_16 = arith.constant 1 : index
      %get3A_17 = arith.constant 0 : index
      %get3A_18 = vector.load %arg14[%get3A_16, %get3A_17] : memref<8x128xf32, #tpu.memory_space<vmem>>, vector<1x128xf32>
      %mul3A_19 = arith.constant 9.99999974E-5 : f32
      %mul3A_20 = vector.broadcast %mul3A_19 : f32 to vector<1x128xf32>
      %mul3A_21 = arith.mulf %get3A_18, %mul3A_20 : vector<1x128xf32>
      %mul3A_22 = arith.mulf %mul3A_15, %mul3A_15 : vector<1x128xf32>
      %sub3A = arith.subf %mul3A_21, %mul3A_22 : vector<1x128xf32>
      %add3A = arith.constant 9.99999974E-6 : f32
      %add3A_23 = vector.broadcast %add3A : f32 to vector<1x128xf32>
      %add3A_24 = arith.addf %sub3A, %add3A_23 : vector<1x128xf32>
      %rsqrt3A = math.rsqrt %add3A_24 : vector<1x128xf32>
      %mul3A_25 = arith.constant 1000 : i32
      %mul3A_26 = arith.muli %arg1, %mul3A_25 : i32
      %get3A_27 = arith.index_cast %mul3A_26 : i32 to index
      %get3A_28 = arith.constant 0 : index
      %get3A_29 = vector.load %arg13[%get3A_27, %get3A_28] : memref<10000x128xf32, #tpu.memory_space<vmem>>, vector<1000x128xf32>
      %sub3A_30 = vector.broadcast %mul3A_15 : vector<1x128xf32> to vector<1000x128xf32>
      %sub3A_31 = arith.subf %get3A_29, %sub3A_30 : vector<1000x128xf32>
      %get3A_32 = arith.constant 0 : index
      %get3A_33 = arith.constant 0 : index
      %get3A_34 = vector.load %arg9[%get3A_32, %get3A_33] : memref<1x128xf32, #tpu.memory_space<vmem>>, vector<1x128xf32>
      %mul3A_35 = arith.mulf %rsqrt3A, %get3A_34 : vector<1x128xf32>
      %mul3A_36 = vector.broadcast %mul3A_35 : vector<1x128xf32> to vector<1000x128xf32>
      %mul3A_37 = arith.mulf %sub3A_31, %mul3A_36 : vector<1000x128xf32>
      %get3A_38 = arith.constant 0 : index
      %get3A_39 = arith.constant 0 : index
      %get3A_40 = vector.load %arg10[%get3A_38, %get3A_39] : memref<1x128xf32, #tpu.memory_space<vmem>>, vector<1x128xf32>
      %add3A_41 = vector.broadcast %get3A_40 : vector<1x128xf32> to vector<1000x128xf32>
      %add3A_42 = arith.addf %mul3A_37, %add3A_41 : vector<1000x128xf32>
      %get3A_43 = arith.constant 0 : index
      %get3A_44 = arith.constant 0 : index
      %get3A_45 = vector.load %arg3[%get3A_43, %get3A_44] : memref<1000x128xf32, #tpu.memory_space<vmem>>, vector<1000x128xf32>
      %add3A_46 = arith.addf %add3A_42, %get3A_45 : vector<1000x128xf32>
      %mul3A_47 = arith.constant 1000 : i32
      %mul3A_48 = arith.muli %arg1, %mul3A_47 : i32
      %swap3A = arith.index_cast %mul3A_48 : i32 to index
      %swap3A_49 = arith.constant 0 : index
      %swap3A_50 = vector.load %arg13[%swap3A, %swap3A_49] : memref<10000x128xf32, #tpu.memory_space<vmem>>, vector<1000x128xf32>
      tpu.vector_store %arg13[%swap3A, %swap3A_49], %add3A_46 {strides = array<i32>} : memref<10000x128xf32, #tpu.memory_space<vmem>>, vector<1000x128xf32>,
    } else {
    }
    %eq3A_7 = arith.constant 2 : i32
    %eq3A_8 = arith.cmpi eq, %arg0, %eq3A_7 : i32
    %convert_element_type3A_9 = arith.extui %eq3A_8 : i1 to i32
    %cond3A_10 = arith.constant 0 : i32
    %cond3A_11 = arith.cmpi ne, %convert_element_type3A_9, %cond3A_10 : i32
    scf.if %cond3A_11 {
      %get3A = arith.constant 0 : index
      %get3A_12 = arith.constant 0 : index
      %get3A_13 = arith.constant 0 : index
      %get3A_14 = vector.load %arg11[%get3A, %get3A_12, %get3A_13] : memref<1x1x1000xi32, #tpu.memory_space<vmem>>, vector<1x1x1000xi32>
      %get3A_15 = vector.shape_cast %get3A_14 : vector<1x1x1000xi32> to vector<1000xi32>
      %iota3A = tpu.iota {dimensions = array<i32: 0>} : vector<256x1000xi32>
      %broadcast_in_dim3A = vector.shape_cast %get3A_15 : vector<1000xi32> to vector<1x1000xi32>
      %eq3A_16 = vector.broadcast %broadcast_in_dim3A : vector<1x1000xi32> to vector<256x1000xi32>
      %eq3A_17 = arith.cmpi eq, %iota3A, %eq3A_16 : vector<256x1000xi32>
      %convert_element_type3A_18 = arith.extui %eq3A_17 : vector<256x1000xi1> to vector<256x1000xi32>
      %convert_element_type3A_19 = arith.sitofp %convert_element_type3A_18 : vector<256x1000xi32> to vector<256x1000xf32>
      %mul3A = arith.constant 1000 : i32
      %mul3A_20 = arith.muli %arg1, %mul3A : i32
      %get3A_21 = arith.index_cast %mul3A_20 : i32 to index
      %get3A_22 = arith.constant 0 : index
      %get3A_23 = vector.load %arg13[%get3A_21, %get3A_22] : memref<10000x128xf32, #tpu.memory_space<vmem>>, vector<1000x128xf32>
      %dot_general3A = arith.constant dense<0.000000e+00> : vector<256x128xf32>
      %dot_general3A_24 = tpu.matmul %convert_element_type3A_19, %get3A_23, %dot_general3A {dimension_numbers = #tpu.dot_dimension_numbers<[1], [0], [0], [1], [0, 0, 1, 1], [], []>, transpose_lhs_hint = false} : vector<256x1000xf32>, vector<1000x128xf32>, vector<256x128xf32> -> vector<256x128xf32>
      %eq3A_25 = arith.constant 0 : i32
      %eq3A_26 = arith.cmpi eq, %arg1, %eq3A_25 : i32
      %convert_element_type3A_27 = arith.extui %eq3A_26 : i1 to i32
      %cond3A_28 = arith.constant 0 : i32
      %cond3A_29 = arith.cmpi ne, %convert_element_type3A_27, %cond3A_28 : i32
      scf.if %cond3A_29 {
        %broadcast_in_dim3A_40 = arith.constant 0.000000e+00 : f32
        %broadcast_in_dim3A_41 = vector.broadcast %broadcast_in_dim3A_40 : f32 to vector<256x128xf32>
        %swap3A_42 = arith.constant 0 : index
        %swap3A_43 = arith.constant 0 : index
        %swap3A_44 = vector.load %arg15[%swap3A_42, %swap3A_43] : memref<256x128xf32, #tpu.memory_space<vmem>>, vector<256x128xf32>
        tpu.vector_store %arg15[%swap3A_42, %swap3A_43], %broadcast_in_dim3A_41 {strides = array<i32>} : memref<256x128xf32, #tpu.memory_space<vmem>>, vector<256x128xf32>,
      } else {
      }
      %get3A_30 = arith.constant 0 : index
      %get3A_31 = arith.constant 0 : index
      %get3A_32 = vector.load %arg15[%get3A_30, %get3A_31] : memref<256x128xf32, #tpu.memory_space<vmem>>, vector<256x128xf32>
      %add3A = arith.addf %get3A_32, %dot_general3A_24 : vector<256x128xf32>
      %swap3A = arith.constant 0 : index
      %swap3A_33 = arith.constant 0 : index
      %swap3A_34 = vector.load %arg15[%swap3A, %swap3A_33] : memref<256x128xf32, #tpu.memory_space<vmem>>, vector<256x128xf32>
      tpu.vector_store %arg15[%swap3A, %swap3A_33], %add3A {strides = array<i32>} : memref<256x128xf32, #tpu.memory_space<vmem>>, vector<256x128xf32>,
      %eq3A_35 = arith.constant 9 : i32
      %eq3A_36 = arith.cmpi eq, %arg1, %eq3A_35 : i32
      %convert_element_type3A_37 = arith.extui %eq3A_36 : i1 to i32
      %cond3A_38 = arith.constant 0 : i32
      %cond3A_39 = arith.cmpi ne, %convert_element_type3A_37, %cond3A_38 : i32
      scf.if %cond3A_39 {
        %get3A_40 = arith.constant 0 : index
        %get3A_41 = arith.constant 0 : index
        %get3A_42 = vector.load %arg15[%get3A_40, %get3A_41] : memref<256x128xf32, #tpu.memory_space<vmem>>, vector<256x128xf32>
        %swap3A_43 = arith.constant 0 : index
        %swap3A_44 = arith.constant 0 : index
        %swap3A_45 = vector.load %arg12[%swap3A_43, %swap3A_44] : memref<256x128xf32, #tpu.memory_space<vmem>>, vector<256x128xf32>
        tpu.vector_store %arg12[%swap3A_43, %swap3A_44], %get3A_42 {strides = array<i32>} : memref<256x128xf32, #tpu.memory_space<vmem>>, vector<256x128xf32>,
      } else {
      }
    } else {
    }
    return
  }
  func.func @transform_0(%arg0: i32, %arg1: i32) -> (i32, i32) {
    %c0_i32 = arith.constant 0 : i32
    %c0_i32_0 = arith.constant 0 : i32
    %c0_i32_1 = arith.constant 0 : i32
    return %c0_i32, %c0_i32_0 : i32, i32
  }
  func.func @transform_1(%arg0: i32, %arg1: i32) -> (i32, i32) {
    %eq3A = arith.constant 2 : i32
    %eq3A_0 = arith.cmpi eq, %arg0, %eq3A : i32
    %jit3A = arith.constant 0 : i32
    %select_n3A = arith.select %eq3A_0, %jit3A, %arg1 : i32
    %c0_i32 = arith.constant 0 : i32
    %c0_i32_1 = arith.constant 0 : i32
    return %select_n3A, %c0_i32 : i32, i32
  }
  func.func @transform_2(%arg0: i32, %arg1: i32) -> (i32, i32, i32) {
    %eq3A = arith.constant 0 : i32
    %eq3A_0 = arith.cmpi eq, %arg0, %eq3A : i32
    %jit3A = arith.constant 0 : i32
    %select_n3A = arith.select %eq3A_0, %arg1, %jit3A : i32
    %c0_i32 = arith.constant 0 : i32
    %c0_i32_1 = arith.constant 0 : i32
    %c0_i32_2 = arith.constant 0 : i32
    return %c0_i32, %select_n3A, %c0_i32_1 : i32, i32, i32
  }
  func.func @transform_3(%arg0: i32, %arg1: i32) -> (i32, i32) {
    %c0_i32 = arith.constant 0 : i32
    %c0_i32_0 = arith.constant 0 : i32
    %c0_i32_1 = arith.constant 0 : i32
    return %c0_i32, %c0_i32_0 : i32, i32
  }
  func.func @transform_4(%arg0: i32, %arg1: i32) -> (i32, i32) {
    %c0_i32 = arith.constant 0 : i32
    %c0_i32_0 = arith.constant 0 : i32
    %c0_i32_1 = arith.constant 0 : i32
    return %c0_i32, %c0_i32_0 : i32, i32
  }
  func.func @transform_5(%arg0: i32, %arg1: i32) -> (i32, i32) {
    %c0_i32 = arith.constant 0 : i32
    %c0_i32_0 = arith.constant 0 : i32
    %c0_i32_1 = arith.constant 0 : i32
    return %c0_i32, %c0_i32_0 : i32, i32
  }
  func.func @transform_6(%arg0: i32, %arg1: i32) -> (i32, i32) {
    %c0_i32 = arith.constant 0 : i32
    %c0_i32_0 = arith.constant 0 : i32
    %c0_i32_1 = arith.constant 0 : i32
    return %c0_i32, %c0_i32_0 : i32, i32
  }
  func.func @transform_7(%arg0: i32, %arg1: i32) -> (i32, i32) {
    %c0_i32 = arith.constant 0 : i32
    %c0_i32_0 = arith.constant 0 : i32
    %c0_i32_1 = arith.constant 0 : i32
    return %c0_i32, %c0_i32_0 : i32, i32
  }
  func.func @transform_8(%arg0: i32, %arg1: i32) -> (i32, i32) {
    %c0_i32 = arith.constant 0 : i32
    %c0_i32_0 = arith.constant 0 : i32
    %c0_i32_1 = arith.constant 0 : i32
    return %c0_i32, %c0_i32_0 : i32, i32
  }
  func.func @transform_9(%arg0: i32, %arg1: i32) -> (i32, i32, i32) {
    %eq3A = arith.constant 2 : i32
    %eq3A_0 = arith.cmpi eq, %arg0, %eq3A : i32
    %jit3A = arith.constant 0 : i32
    %select_n3A = arith.select %eq3A_0, %arg1, %jit3A : i32
    %c0_i32 = arith.constant 0 : i32
    %c0_i32_1 = arith.constant 0 : i32
    %c0_i32_2 = arith.constant 0 : i32
    return %select_n3A, %c0_i32, %c0_i32_1 : i32, i32, i32
  }
  func.func @transform_10(%arg0: i32, %arg1: i32) -> (i32, i32) {
    %c0_i32 = arith.constant 0 : i32
    %c0_i32_0 = arith.constant 0 : i32
    %c0_i32_1 = arith.constant 0 : i32
    return %c0_i32, %c0_i32_0 : i32, i32
  }
}

</mosaic_0001>

<sc_bundles>
// kernel: kernel.11.cloned.1.call-start
scs
__scs_entry_jumppad:
0x0: {  	(pc) =	sbr.rel $0x88, $3  }
0x1: {  	(tag) =	ssettag $0x0;
	lr =	simm.s32 $0x1  }
0x2: {  	[smem:$0x3F81] =	sst lr;
	_ =	strace $0xD0000000  }
0x3: {  	_ = 	snop  }
0x4: {  	_ = 	snop  }
0x5: {  	_ = 	snop  }
0x6: {  	_ = 	snop  }
0x7: {  	_ = 	snop  }
__scs_overlays_trampoline_lowered:
0x8: {  	[smem:$0x3F90] =	sst s0  }
0x9: {  	[smem:$0x3F91] =	sst s1  }
0xa: {  	[smem:$0x3F92] =	sst s2  }
0xb: {  	[smem:$0x3F93] =	sst s3  }
0xc: {  	[smem:$0x3F94] =	sst s4  }
0xd: {  	[smem:$0x3F95] =	sst s5  }
0xe: {  	[smem:$0x3F96] =	sst s6  }
0xf: {  	[smem:$0x3F97] =	sst s7  }
0x10: {  	[smem:$0x3F98] =	sst s8  }
0x11: {  	[smem:$0x3F99] =	sst s9;
	s0 =	simm.s32 @!p0 $0x0  }
0x12: {  	s1 =	sld [smem:$0x3F7F];
	s0 =	simm.s32 @p0 $0x1  }
0x13: {  	[smem:$0x3F9A] =	sst s0;
	s0 =	simm.s32 @!p1 $0x0  }
0x14: {  	s2 =	sld [smem:$0x3F7E];
	s0 =	simm.s32 @p1 $0x1  }
0x15: {  	[smem:$0x3F9B] =	sst s0;
	s0 =	simm.s32 @!p2 $0x0  }
0x16: {  	s3 =	sld [smem:$0x3FDB];
	s0 =	simm.s32 @p2 $0x1  }
0x17: {  	s4 =	simm.s32 $0x1BF5;
	[smem:$0x3F9D] =	sst s0  }
0x18: {  	s0 =	sld [smem:$0x3F80];
	_ =	swait.ge [sflag:s4], $0x0  }
0x19: {  	s7 =	sld [smem:$0x3F81]  }
0x1a: {  	s8 =	sadd.s32 $0xFFFFE003, lr  }
0x1b: {  	s9 =	sadd.s32 $0xFFFFFEF7, lr;
	s5 =	simm.s32 $0xFFFFFFFF;
	p2 =	slt.u32 s8, $0xFFFFF086  }
0x1c: {  	p1 =	slt.u32 s9, $0xF7A;
	s5 =	simm.s32 @!p2 $0x0  }
0x1d: {  	s5 =	simm.s32 @p1 $0x1;
	p0 =	seq.s32 s7, s2  }
0x1e: {  	s7 =	smul.u32 @!p0 $0xF7A, s2;
	p2 =	seq.s32 @!p0 s5, $0x0  }
0x1f: {  	s9 =	smul.u32 $0xF7A, s1;
	s8 =	simm.s32 @!p0 $0x1BF5;
	p2 =	por !p2, p0  }
0x20: {  	[sflag:s8] =	ssyncset.s32 @!p0 $0xFFFFF086;
	s6 =	sadd.s32 @!p0 s3, s7;
	s7 =	simm.s32 @!p0 $0x108  }
0x21: {  	s3 =	sadd.s32 s3, s9;
	s6 =	sadd.s32 @!p0 $0x88, s6;
	s7 =	simm.s32 @p2 $0x1082  }
0x22: {  	[simem:s7], [sflag:s8] =	dma.local @!p0 [hbm:s6], $0xF7A  }
0x23: {  	s9 =	sor.u32 $0xD0000000, s2;
	s6 =	simm.s32 $0x108;
	_ =	swait.ge @!p0 [sflag:s8], $0x0  }
0x24: {  	s3 =	sadd.s32 $0x88, s3;
	s6 =	simm.s32 @!p1 $0x1082;
	[sflag:s4] =	ssyncset.s32 $0xFFFFF086  }
0x25: {  	[simem:s6], [sflag:s4] =	dma.local [hbm:s3], $0xF7A  }
0x26: {  	[smem:$0x3F81] =	sst s1;
	(tag) =	ssettag s2;
	_ =	strace s9  }
0x27: {  	s1 =	sld [smem:$0x3F91]  }
0x28: {  	s2 =	sld [smem:$0x3F92]  }
0x29: {  	s4 =	sld [smem:$0x3F94]  }
0x2a: {  	p0 =	seq.s32 s5, $0x0;
	s5 =	sld [smem:$0x3F95]  }
0x2b: {  	s6 =	sld [smem:$0x3F96]  }
0x2c: {  	s7 =	sld [smem:$0x3F97]  }
0x2d: {  	s3 =	simm.s32 $0x108;
	s8 =	sld [smem:$0x3F98]  }
0x2e: {  	s3 =	simm.s32 @!p0 $0x1082;
	s9 =	sld [smem:$0x3F99]  }
0x2f: {  	lr =	sadd.s32 s0, s3;
	s0 =	sld [smem:$0x3F90]  }
0x30: {  	s3 =	sld [smem:$0x3F93]  }
0x31: {  	[smem:$0x3F9C] =	sst s10  }
0x32: {  	s10 =	sld [smem:$0x3F9A];
	_ =	sdelay $0x3  }
0x33: {  	p0 =	seq.s32 s10, $0x1;
	s10 =	sld [smem:$0x3F9C];
	_ =	sdelay $0x3  }
0x34: {  	[smem:$0x3F9C] =	sst s10  }
0x35: {  	s10 =	sld [smem:$0x3F9B];
	_ =	sdelay $0x3  }
0x36: {  	p1 =	seq.s32 s10, $0x1;
	s10 =	sld [smem:$0x3F9C];
	_ =	sdelay $0x3  }
0x37: {  	[smem:$0x3F9C] =	sst s10  }
0x38: {  	s10 =	sld [smem:$0x3F9D]  }
0x39: {  	_ = 	snop;
	(pc) =	sbr.ind lr, $3  }
0x3a: {  	_ = 	snop  }
0x3b: {  	_ = 	snop  }
0x3c: {  	p2 =	seq.s32 s10, $0x1;
	s10 =	sld [smem:$0x3F9C]  }
0x3d: {  	_ =	shalt  }
0x3e: {  	_ =	shalt  }
0x3f: {  	_ =	shalt  }
0x40: {  	_ =	shalt  }
0x41: {  	_ =	shalt  }
0x42: {  	_ =	shalt  }
0x43: {  	_ =	shalt  }
0x44: {  	_ =	shalt  }
0x45: {  	_ =	shalt  }
0x46: {  	_ =	shalt  }
0x47: {  	_ =	shalt  }
0x48: {  	_ =	shalt  }
0x49: {  	_ =	shalt  }
0x4a: {  	_ =	shalt  }
0x4b: {  	_ =	shalt  }
0x4c: {  	_ =	shalt  }
0x4d: {  	_ =	shalt  }
0x4e: {  	_ =	shalt  }
0x4f: {  	_ =	shalt  }
0x50: {  	_ =	shalt  }
0x51: {  	_ =	shalt  }
0x52: {  	_ =	shalt  }
0x53: {  	_ =	shalt  }
0x54: {  	_ =	shalt  }
0x55: {  	_ =	shalt  }
0x56: {  	_ =	shalt  }
0x57: {  	_ =	shalt  }
0x58: {  	_ =	shalt  }
0x59: {  	_ =	shalt  }
0x5a: {  	_ =	shalt  }
0x5b: {  	_ =	shalt  }
0x5c: {  	_ =	shalt  }
0x5d: {  	_ =	shalt  }
0x5e: {  	_ =	shalt  }
0x5f: {  	_ =	shalt  }
0x60: {  	_ =	shalt  }
0x61: {  	_ =	shalt  }
0x62: {  	_ =	shalt  }
0x63: {  	_ =	shalt  }
0x64: {  	_ =	shalt  }
0x65: {  	_ =	shalt  }
0x66: {  	_ =	shalt  }
0x67: {  	_ =	shalt  }
0x68: {  	_ =	shalt  }
0x69: {  	_ =	shalt  }
0x6a: {  	_ =	shalt  }
0x6b: {  	_ =	shalt  }
0x6c: {  	_ =	shalt  }
0x6d: {  	_ =	shalt  }
0x6e: {  	_ =	shalt  }
0x6f: {  	_ =	shalt  }
0x70: {  	_ =	shalt  }
0x71: {  	_ =	shalt  }
0x72: {  	_ =	shalt  }
0x73: {  	_ =	shalt  }
0x74: {  	_ =	shalt  }
0x75: {  	_ =	shalt  }
0x76: {  	_ =	shalt  }
0x77: {  	_ =	shalt  }
0x78: {  	_ =	shalt  }
0x79: {  	_ =	shalt  }
0x7a: {  	_ =	shalt  }
0x7b: {  	_ =	shalt  }
0x7c: {  	_ =	shalt  }
0x7d: {  	_ =	shalt  }
0x7e: {  	_ =	shalt  }
0x7f: {  	_ =	shalt  }
0x80: {  	_ =	shalt  }
0x81: {  	_ =	shalt  }
0x82: {  	_ =	shalt  }
0x83: {  	_ =	shalt  }
0x84: {  	_ =	shalt  }
0x85: {  	_ =	shalt  }
0x86: {  	_ =	shalt  }
0x87: {  	_ =	shalt  }
.Lfunc_end0:
.L_simem_size_0:
called_computation_lowered:
.L_overlay_start_0:
0x88: {  	s2 =	sld [smem:$0x3FD9]  }
0x89: {  	s3 =	sld [smem:$0x3FFE];
	_ =	sdelay $0x1  }
0x8a: {  	s1 =	srdreg.scid  }
0x8b: {  	s0 =	sand.u32 $0x1, s1  }
0x8c: {  	s16 =	sshll.u32 s0, $0xA;
	s2 =	sadd.s32 s3, s2  }
0x8d: {  	s2 =	sadd.s32 s2, s16  }
0x8e: {  	[smem:$0x3FA8] =	sst s2  }
0x8f: {  	_ = 	snop  }
0x90: {  	(tm) =	ssettm $0x1  }
0x91: {  	s17 =	sld [smem:$0x3FFB];
	_ =	sdelay $0x3  }
0x92: {  	_ =	strace s17  }
0x93: {  	s2 =	sld [smem:$0x3FFC];
	_ =	sdelay $0x3  }
0x94: {  	_ =	strace s2  }
0x95: {  	s2 =	sld [smem:$0x3FFD];
	_ =	sdelay $0x3  }
0x96: {  	_ =	strace s2  }
0x97: {  	_ =	strace $0x8FFFFFFF  }
0x98: {  	s18 =	sld [smem:$0x3FDB];
	_ =	sdelay $0x1  }
0x99: {  	s19 =	simm.s32 $_scs_section_size  }
0x9a: {  	s4 =	simm.s32 $_size__tile_overlayer_lowered;
	s5 =	simm.s32 $_tile_overlayer_lowered  }
0x9b: {  	s22 =	simm.s32 $0x1BFF;
	s21 =	sshll.u32 s5, $0x1;
	s2 =	sadd.s32 s19, s18  }
0x9c: {  	s6 =	simm.s32 $0x0;
	s20 =	sshll.u32 s4, $0x1;
	s4 =	sadd.s32 s21, s2  }
0x9d: {  	[timem:s6], [sflag:s22] =	dma.local [hbm:s4], s20  }
0x9e: {  	_ =	swait.ge [sflag:s22], s20  }
0x9f: {  	s3 =	ssub.s32 $0x0, s20;
	[sflag:s22] =	ssyncset.done $0x0  }
0xa0: {  	[sflag:s22] =	ssyncadd.s32 s3;
	_ =	sdelay $0x1  }
0xa1: {  	s23 =	simm.s32 $0x1B8B  }
0xa2: {  	_ =	swait.ge [sflag:s23], $0x1  }
0xa3: {  	[sflag:s23] =	ssyncset.done $0x0  }
0xa4: {  	s25 =	simm.s32 $0x1B8E;
	s24 =	sld [smem:$0x3FFE];
	[sflag:s23] =	ssyncadd.s32 $0xFFFFFFFF  }
0xa5: {  	s26 =	simm.s32 $execute0_lowered;
	[smem:$0x3FD2] =	sst s25  }
0xa6: {  	s4 =	sshll.u32 s26, $0x1;
	_ =	strace $0x80000046;
	[dreg:$0x1] =	wrdreg $0xFFFFFFFF  }
0xa7: {  	s28 =	simm.s32 $_size_execute0_lowered;
	s2 =	sadd.s32 s2, s4;
	[dreg:$0x0] =	wrdreg $0x0  }
0xa8: {  	s4 =	sshll.u32 s28, $0x1;
	[dreg:$0x2] =	wrdreg s2  }
0xa9: {  	[dreg:$0x3] =	wrdreg s4  }
0xaa: {  	[dreg:$0x4] =	wrdreg $0xC0  }
0xab: {  	_ =	task [dreg:s6], $0x5FFFF  }
0xac: {  	[dreg:$0x1] =	wrdreg $0xFFFFFFFF  }
0xad: {  	[dreg:$0x0] =	wrdreg $0x60  }
0xae: {  	[dreg:$0x2] =	wrdreg s24  }
0xaf: {  	[dreg:$0x3] =	wrdreg $0x0  }
0xb0: {  	[dreg:$0x4] =	wrdreg $0x9  }
0xb1: {  	_ =	task.clear_ibuf [dreg:s6], $0x5FFFF;
	_ =	strace $0x90000046  }
0xb2: {  	s29 =	simm.s32 $0x9;
	_ =	strace $0x80000048  }
0xb3: {  	_ =	swait.ge [sflag:s29], $0x1  }
0xb4: {  	[sflag:s29] =	ssyncadd.s32 $0xFFFFFFFF  }
0xb5: {  	_ =	strace $0x90000048  }
0xb6: {  	_ =	sfence  }
0xb7: {  	s30 =	sld [smem:$0x0];
	_ =	sdelay $0x2  }
0xb8: {  	s31 =	sshll.u32 s1, $0xD;
	s1 =	sshrl.u32 s1, $0x2  }
0xb9: {  	s3 =	sand.u32 $0x4000, s31;
	s1 =	sadd.s32 s1, s30  }
0xba: {  	s0 =	sor.u32 s3, s0;
	s1 =	sshll.u32 s1, $0x11  }
0xbb: {  	s0 =	sor.u32 s1, s0  }
0xbc: {  	s0 =	sadd.s32 $0x8F2B, s0  }
0xbd: {  	[sflag:s0] =	ssyncadd.remote.s32 $0x1  }
0xbe: {  	_ =	sfence.sel $0xFFFF  }
0xbf: {  	[dreg:$0x0] =	wrdreg $0xFFFFFFFF;
	(pc) =	sbr.abs _section_cstart, $3  }
0xc0: {  	[dreg:$0x1] =	wrdreg $0xFFFFFFFF  }
0xc1: {  	_ =	task.clear_ibuf [dreg:s6], $0x2FFFF;
	_ =	strace $0x9FFFFFFF  }
0xc2: {  	(tm) =	ssettm $0x7FFFFFFF  }
0xc3: {  	_ =	shalt  }
tec
execute0_lowered:
.L_overlay_start_1:
0x0: {  	(tag) =	ssettag $0x1  }
0x1: {  	s0 =	srdreg.scid;
	s1 =	rddreg [dreg:$0x0]  }
0x2: {  	s14 =	stileid.u32;
	s2 =	rddreg [dreg:$0x1]  }
0x3: {  	s6 =	simm.s32 $0x0;
	s18 =	simm.s32 $0x13880;
	s20 =	simm.s32 $0x18  }
0x4: {  	s21 =	simm.s32 $0x1A000;
	s29 =	simm.s32 $0x1C000;
	s31 =	simm.s32 $0x1C800  }
0x5: {  	s16 =	simm.s32 $0x1DC00;
	s19 =	simm.s32 $0x1E800;
	s28 =	simm.s32 $0x2  }
0x6: {  	s17 =	simm.s32 $0x15F68;
	s30 =	simm.s32 $0x15F80;
	s0 =	sand.u32 $0x1, s0  }
0x7: {  	s5 =	sshll.u32 s14, $0x7;
	[smem:$0x7FF] =	sst s6;
	s7 =	smul.u32 $0x13800, s14  }
0x8: {  	s22 =	smul.u32 $0x4E000, s14;
	s11 =	sadd.s32 $0x6D800, s1;
	s24 =	sshll.u32 s14, $0x6  }
0x9: {  	p0 =	sne.s32 s14, $0xF;
	s3 =	sshll.u32 s0, $0x4;
	s5 =	sand.u32 $0x380, s5  }
0xa: {  	_ =	strace $0x80000047;
	s9 =	ssub.s32 $0x2, s0;
	s0 =	smul.u32 $0x138800, s0  }
0xb: {  	s3 =	sor.u32 s14, s3;
	s8 =	sshrl.u32 s7, $0x3;
	s10 =	sshrl.u32 s9, $0x1  }
0xc: {  	s6 =	sshrl.u32 s22, $0x2;
	s14 =	simm.s32 $0x3;
	s22 =	simm.s32 $0x10  }
0xd: {  	s4 =	sshrl.u32 s3, $0x3;
	s3 =	sshll.u32 s3, $0xB;
	s8 =	sadd.s32 s8, s1  }
0xe: {  	s9 =	ssub.s32 s9, s10;
	s13 =	sadd.s32 s6, s2;
	s6 =	sor.u32 $0x1C03, s24  }
0xf: {  	s26 =	sadd.s32 s7, s0;
	s0 =	sshrl.u32 s0, $0x3;
	s24 =	simm.s32 $0x1AC00  }
0x10: {  	s4 =	smul.u32 $0x13C00, s4;
	s3 =	sadd.s32 s3, s1;
	s23 =	sadd.s32 $0x46600, s8  }
0x11: {  	s8 =	sadd.s32 $0x138000, s2;
	s0 =	sadd.s32 s11, s0;
	s12 =	smax.u32 s9, $0x1  }
0x12: {  	s13 =	sshrl.u32 s13, $0x3;
	[dreg:$0x3] =	wrdreg s23;
	s3 =	sadd.s32 $0x5600, s3  }
0x13: {  	s15 =	sshrl.u32 @!p0 s8, $0x3;
	s23 =	simm.s32 $0x1;
	s5 =	sor.u32 s5, s4  }
0x14: {  	s4 =	sadd.s32 $0x1F400, s1;
	[dreg:$0x6] =	wrdreg s3;
	s5 =	sshrl.u32 s5, $0x3  }
0x15: {  	s3 =	simm.s32 $0x15F58;
	s5 =	sadd.s32 s5, s1;
	s1 =	sadd.s32 $0x6D600, s1  }
0x16: {  	[dreg:$0x4] =	wrdreg s1;
	s25 =	sadd.s32 $0x15600, s5;
	s1 =	sshrl.u32 s26, $0x3  }
0x17: {  	s26 =	simm.s32 $0x1B400;
	s5 =	simm.s32 $0x0;
	[dreg:$0x5] =	wrdreg s25  }
0x18: {  	s1 =	sadd.s32 s11, s1;
	s11 =	sadd.s32 $0x27000, s0;
	s0 =	simm.s32 $0x1D400  }
0x19: {  	s25 =	simm.s32 $0x50;
	[dreg:$0x7] =	wrdreg s1;
	s1 =	simm.s32 $0x15F40  }
.LBB2_1:
0x1a: {  	s7 =	rddreg [dreg:$0x3]  }
0x1b: {  	[spmem:s13], [sflag:s6] =	dma.local [hbm:s7], $0x2700  }
0x1c: {  	_ =	swait.ge [sflag:s14], $0x2700  }
0x1d: {  	[sflag:s14] =	ssyncset.done $0x0  }
0x1e: {  	s7 =	rddreg [dreg:$0x4];
	[sflag:s14] =	ssyncadd.s32 $0xFFFFD900  }
0x1f: {  	[spmem:s15], [sflag:s6] =	dma.local @!p0 [hbm:s7], $0x100  }
0x20: {  	s7 =	simm.s32 @!p0 $0x3  }
0x21: {  	_ =	swait.ge @!p0 [sflag:s7], $0x100  }
0x22: {  	s8 =	simm.s32 $0x80;
	[sflag:s7] =	ssyncset.done @!p0 $0x0  }
0x23: {  	s9 =	simm.s32 $0x400;
	s10 =	rddreg [dreg:$0x5];
	[sflag:s7] =	ssyncadd.s32 @!p0 $0xFFFFFF00  }
0x24: {  	[tilespmem:s18], [sflag:$0x3] =	stream.strided.gather [hbm4b:s10+s8], $0x2780, s9, s8, $0x38;
	[tilespmem:$0x1F000] =	vst v63  }
0x25: {  	_ =	swait.ge [sflag:s14], $0x2780  }
0x26: {  	s8 =	simm.s32 $0x0;
	[sflag:s14] =	ssyncset.done $0x0  }
0x27: {  	s10 =	simm.s32 $0x16000;
	s9 =	rddreg [dreg:$0x6];
	[sflag:s14] =	ssyncadd.s32 $0xFFFFD880  }
0x28: {  	[tilespmem:s10], [sflag:$0x3] =	stream.linear.gather [hbm4b:s9+s8], $0x3E80, $0x38;
	[tilespmem:$0x1F000] =	vst v63  }
0x29: {  	_ =	swait.ge [sflag:s14], $0x3E80  }
0x2a: {  	[sflag:s14] =	ssyncset.done $0x0  }
0x2b: {  	[sflag:s14] =	ssyncadd.s32 $0xFFFFC180  }
0x2c: {  	[bflag:$0x0] =	sbarrier.arrive $0xFFFF  }
0x2d: {  	[tilespmem:s21], [sflag:$0x1] =	stream.indirect.gather [hbm4b:s4+s20], $0x80, s18, s20, $0xb8;
	[tilespmem:$0x1F000] =	vst v63  }
0x2e: {  	s10 =	simm.s32 $0x13898  }
0x2f: {  	[tilespmem:s24], [sflag:$0x1] =	stream.indirect.gather [hbm4b:s4+s22], $0x80, s10, s22, $0xb8;
	[tilespmem:$0x1F000] =	vst v63  }
0x30: {  	s8 =	simm.s32 $0x138A8  }
0x31: {  	[tilespmem:s26], [sflag:$0x1] =	stream.indirect.gather [hbm4b:s4+s20], $0x80, s8, s20, $0xb8;
	[tilespmem:$0x1F000] =	vst v63  }
0x32: {  	s9 =	simm.s32 $0x138C0  }
0x33: {  	[tilespmem:s29], [sflag:$0x1] =	stream.indirect.gather [hbm4b:s4+s22], $0x80, s9, s22, $0xb8;
	[tilespmem:$0x1F000] =	vst v63  }
0x34: {  	s10 =	simm.s32 $0x138D0  }
0x35: {  	[tilespmem:s31], [sflag:$0x2] =	stream.indirect.gather [hbm4b:s4+s20], $0x80, s10, s20, $0xb8;
	[tilespmem:$0x1F000] =	vst v63  }
0x36: {  	s8 =	simm.s32 $0x138E8  }
0x37: {  	[tilespmem:s0], [sflag:$0x2] =	stream.indirect.gather [hbm4b:s4+s22], $0x80, s8, s22, $0xb8;
	[tilespmem:$0x1F000] =	vst v63  }
0x38: {  	s9 =	simm.s32 $0x138F8  }
0x39: {  	[tilespmem:s16], [sflag:$0x2] =	stream.indirect.gather [hbm4b:s4+s20], $0x80, s9, s20, $0xb8;
	[tilespmem:$0x1F000] =	vst v63  }
0x3a: {  	s10 =	simm.s32 $0x13910  }
0x3b: {  	[tilespmem:s19], [sflag:$0x2] =	stream.indirect.gather [hbm4b:s4+s22], $0x80, s10, s22, $0xb8;
	[tilespmem:$0x1F000] =	vst v63  }
0x3c: {  	_ =	swait.ge [sflag:s23], $0x2800  }
0x3d: {  	[sflag:s23] =	ssyncset.done $0x0  }
0x3e: {  	s8 =	simm.s32 $0x16000;
	[sflag:s23] =	ssyncadd.s32 $0xFFFFD800  }
0x3f: {  	[spmem:s2] =	stream.indirect.scatter.add.f32 [tilespmem:s21], [sflag:$0x3], $0x80, s8, s25, $0xb8;
	[tilespmem:$0x1F000] =	vst v63  }
0x40: {  	_ =	swait.ge [sflag:s14], $0x2800  }
0x41: {  	[sflag:s14] =	ssyncset.done $0x0  }
0x42: {  	s9 =	simm.s32 $0x13920;
	[sflag:s14] =	ssyncadd.s32 $0xFFFFD800  }
0x43: {  	[tilespmem:s21], [sflag:$0x1] =	stream.indirect.gather [hbm4b:s4+s20], $0x80, s9, s20, $0xb8;
	[tilespmem:$0x1F000] =	vst v63  }
0x44: {  	s10 =	simm.s32 $0x13938  }
0x45: {  	[tilespmem:s24], [sflag:$0x1] =	stream.indirect.gather [hbm4b:s4+s22], $0x80, s10, s22, $0xb8;
	[tilespmem:$0x1F000] =	vst v63  }
0x46: {  	s8 =	simm.s32 $0x13948  }
0x47: {  	[tilespmem:s26], [sflag:$0x1] =	stream.indirect.gather [hbm4b:s4+s20], $0x80, s8, s20, $0xb8;
	[tilespmem:$0x1F000] =	vst v63  }
0x48: {  	s9 =	simm.s32 $0x13960  }
0x49: {  	[tilespmem:s29], [sflag:$0x1] =	stream.indirect.gather [hbm4b:s4+s22], $0x80, s9, s22, $0xb8;
	[tilespmem:$0x1F000] =	vst v63  }
0x4a: {  	_ =	swait.ge [sflag:s28], $0x2800  }
0x4b: {  	[sflag:s28] =	ssyncset.done $0x0  }
0x4c: {  	s10 =	simm.s32 $0x16080;
	[sflag:s28] =	ssyncadd.s32 $0xFFFFD800  }
0x4d: {  	[spmem:s2] =	stream.indirect.scatter.add.f32 [tilespmem:s31], [sflag:$0x3], $0x80, s10, s25, $0xb8;
	[tilespmem:$0x1F000] =	vst v63  }
0x4e: {  	_ =	swait.ge [sflag:s14], $0x2800  }
0x4f: {  	[sflag:s14] =	ssyncset.done $0x0  }
0x50: {  	s8 =	simm.s32 $0x13970;
	[sflag:s14] =	ssyncadd.s32 $0xFFFFD800  }
0x51: {  	[tilespmem:s31], [sflag:$0x2] =	stream.indirect.gather [hbm4b:s4+s20], $0x80, s8, s20, $0xb8;
	[tilespmem:$0x1F000] =	vst v63  }
0x52: {  	s7 =	simm.s32 $0x280;
	s9 =	simm.s32 $0x13988  }
0x53: {  	[tilespmem:s0], [sflag:$0x2] =	stream.indirect.gather [hbm4b:s4+s22], $0x80, s9, s22, $0xb8;
	[tilespmem:$0x1F000] =	vst v63  }
0x54: {  	s10 =	simm.s32 $0x13998;
	s8 =	simm.s32 $0x16180;
	s9 =	simm.s32 $0x139B0  }
0x55: {  	[tilespmem:s16], [sflag:$0x2] =	stream.indirect.gather [hbm4b:s4+s20], $0x80, s10, s20, $0xb8;
	[tilespmem:$0x1F000] =	vst v63  }
.LBB2_2:
0x56: {  	[tilespmem:s19], [sflag:$0x2] =	stream.indirect.gather [hbm4b:s4+s22], $0x80, s9, s22, $0xb8;
	[tilespmem:$0x1F000] =	vst v63  }
0x57: {  	s9 =	smov.u32 s7  }
0x58: {  	p1 =	sne.s32 s7, $0x9600;
	s7 =	sadd.s32 $0x280, s7;
	_ =	swait.ge [sflag:s23], $0x2800  }
0x59: {  	[sflag:s23] =	ssyncset.done $0x0  }
0x5a: {  	s10 =	sadd.s32 $0xFFFFFF80, s8;
	[sflag:s23] =	ssyncadd.s32 $0xFFFFD800  }
0x5b: {  	[spmem:s2] =	stream.indirect.scatter.add.f32 [tilespmem:s21], [sflag:$0x3], $0x80, s10, s25, $0xb8;
	[tilespmem:$0x1F000] =	vst v63  }
0x5c: {  	_ =	swait.ge [sflag:s14], $0x2800  }
0x5d: {  	s9 =	sshra.s32 s9, $0x2;
	[sflag:s14] =	ssyncset.done $0x0  }
0x5e: {  	s10 =	sadd.s32 $0x13920, s9;
	[sflag:s14] =	ssyncadd.s32 $0xFFFFD800  }
0x5f: {  	[tilespmem:s21], [sflag:$0x1] =	stream.indirect.gather [hbm4b:s4+s20], $0x80, s10, s20, $0xb8;
	[tilespmem:$0x1F000] =	vst v63  }
0x60: {  	s10 =	sadd.s32 $0x13938, s9  }
0x61: {  	[tilespmem:s24], [sflag:$0x1] =	stream.indirect.gather [hbm4b:s4+s22], $0x80, s10, s22, $0xb8;
	[tilespmem:$0x1F000] =	vst v63  }
0x62: {  	s10 =	sadd.s32 $0x13948, s9  }
0x63: {  	[tilespmem:s26], [sflag:$0x1] =	stream.indirect.gather [hbm4b:s4+s20], $0x80, s10, s20, $0xb8;
	[tilespmem:$0x1F000] =	vst v63  }
0x64: {  	s10 =	sadd.s32 $0x13960, s9  }
0x65: {  	[tilespmem:s29], [sflag:$0x1] =	stream.indirect.gather [hbm4b:s4+s22], $0x80, s10, s22, $0xb8;
	[tilespmem:$0x1F000] =	vst v63  }
0x66: {  	_ =	swait.ge [sflag:s28], $0x2800  }
0x67: {  	[sflag:s28] =	ssyncset.done $0x0  }
0x68: {  	[sflag:s28] =	ssyncadd.s32 $0xFFFFD800  }
0x69: {  	[spmem:s2] =	stream.indirect.scatter.add.f32 [tilespmem:s31], [sflag:$0x3], $0x80, s8, s25, $0xb8;
	[tilespmem:$0x1F000] =	vst v63  }
0x6a: {  	_ =	swait.ge [sflag:s14], $0x2800  }
0x6b: {  	[sflag:s14] =	ssyncset.done $0x0  }
0x6c: {  	s10 =	sadd.s32 $0x13970, s9;
	[sflag:s14] =	ssyncadd.s32 $0xFFFFD800  }
0x6d: {  	[tilespmem:s31], [sflag:$0x2] =	stream.indirect.gather [hbm4b:s4+s20], $0x80, s10, s20, $0xb8;
	[tilespmem:$0x1F000] =	vst v63  }
.Ltmp0:
0x6e: {  	s10 =	sadd.s32 $0x13988, s9;
	(pc) =	sbr.rel @p1 .LBB2_2-.Ltmp0, $4  }
0x6f: {  	[tilespmem:s0], [sflag:$0x2] =	stream.indirect.gather [hbm4b:s4+s22], $0x80, s10, s22, $0xb8;
	[tilespmem:$0x1F000] =	vst v63  }
0x70: {  	s10 =	sadd.s32 $0x13998, s9  }
0x71: {  	[tilespmem:s16], [sflag:$0x2] =	stream.indirect.gather [hbm4b:s4+s20], $0x80, s10, s20, $0xb8;
	[tilespmem:$0x1F000] =	vst v63  }
0x72: {  	s8 =	sadd.s32 $0x100, s8;
	s9 =	sadd.s32 $0x139B0, s9  }
0x73: {  	[tilespmem:s19], [sflag:$0x2] =	stream.indirect.gather [hbm4b:s4+s22], $0x80, s9, s22, $0xb8;
	[tilespmem:$0x1F000] =	vst v63  }
0x74: {  	_ =	swait.ge [sflag:s23], $0x2800  }
0x75: {  	[sflag:s23] =	ssyncset.done $0x0  }
0x76: {  	s7 =	simm.s32 $0x19D00;
	[sflag:s23] =	ssyncadd.s32 $0xFFFFD800  }
0x77: {  	[spmem:s2] =	stream.indirect.scatter.add.f32 [tilespmem:s21], [sflag:$0x3], $0x80, s7, s25, $0xb8;
	[tilespmem:$0x1F000] =	vst v63  }
0x78: {  	_ =	swait.ge [sflag:s14], $0x2800  }
0x79: {  	[sflag:s14] =	ssyncset.done $0x0  }
0x7a: {  	[sflag:s14] =	ssyncadd.s32 $0xFFFFD800  }
0x7b: {  	[tilespmem:s21], [sflag:$0x1] =	stream.indirect.gather [hbm4b:s4+s20], $0x80, s1, s20, $0xb8;
	[tilespmem:$0x1F000] =	vst v63  }
0x7c: {  	_ = 	snop  }
0x7d: {  	[tilespmem:s24], [sflag:$0x1] =	stream.indirect.gather [hbm4b:s4+s22], $0x80, s3, s22, $0xb8;
	[tilespmem:$0x1F000] =	vst v63  }
0x7e: {  	_ = 	snop  }
0x7f: {  	[tilespmem:s26], [sflag:$0x1] =	stream.indirect.gather [hbm4b:s4+s20], $0x80, s17, s20, $0xb8;
	[tilespmem:$0x1F000] =	vst v63  }
0x80: {  	_ = 	snop  }
0x81: {  	[tilespmem:s29], [sflag:$0x1] =	stream.indirect.gather [hbm4b:s4+s22], $0x80, s30, s22, $0xb8;
	[tilespmem:$0x1F000] =	vst v63  }
0x82: {  	_ =	swait.ge [sflag:s28], $0x2800  }
0x83: {  	[sflag:s28] =	ssyncset.done $0x0  }
0x84: {  	s8 =	simm.s32 $0x19D80;
	[sflag:s28] =	ssyncadd.s32 $0xFFFFD800  }
0x85: {  	[spmem:s2] =	stream.indirect.scatter.add.f32 [tilespmem:s31], [sflag:$0x3], $0x80, s8, s25, $0xb8;
	[tilespmem:$0x1F000] =	vst v63  }
0x86: {  	_ =	swait.ge [sflag:s14], $0x2800  }
0x87: {  	[sflag:s14] =	ssyncset.done $0x0  }
0x88: {  	[sflag:s14] =	ssyncadd.s32 $0xFFFFD800  }
0x89: {  	[tilespmem:s31], [sflag:$0x2] =	stream.indirect.gather [hbm4b:s4+s20], $0x80, s1, s20, $0xb8;
	[tilespmem:$0x1F000] =	vst v63  }
0x8a: {  	_ = 	snop  }
0x8b: {  	[tilespmem:s0], [sflag:$0x2] =	stream.indirect.gather [hbm4b:s4+s22], $0x80, s3, s22, $0xb8;
	[tilespmem:$0x1F000] =	vst v63  }
0x8c: {  	_ = 	snop  }
0x8d: {  	[tilespmem:s16], [sflag:$0x2] =	stream.indirect.gather [hbm4b:s4+s20], $0x80, s17, s20, $0xb8;
	[tilespmem:$0x1F000] =	vst v63  }
0x8e: {  	_ = 	snop  }
0x8f: {  	[tilespmem:s19], [sflag:$0x2] =	stream.indirect.gather [hbm4b:s4+s22], $0x80, s30, s22, $0xb8;
	[tilespmem:$0x1F000] =	vst v63  }
0x90: {  	_ =	swait.ge [sflag:s23], $0x2800  }
0x91: {  	[sflag:s23] =	ssyncset.done $0x0  }
0x92: {  	s9 =	simm.s32 $0x19E00;
	[sflag:s23] =	ssyncadd.s32 $0xFFFFD800  }
0x93: {  	[spmem:s2] =	stream.indirect.scatter.add.f32 [tilespmem:s21], [sflag:$0x3], $0x80, s9, s25, $0xb8;
	[tilespmem:$0x1F000] =	vst v63  }
0x94: {  	_ =	swait.ge [sflag:s14], $0x2800  }
0x95: {  	[sflag:s14] =	ssyncset.done $0x0  }
0x96: {  	[sflag:s14] =	ssyncadd.s32 $0xFFFFD800  }
0x97: {  	_ =	swait.ge [sflag:s28], $0x2800  }
0x98: {  	[sflag:s28] =	ssyncset.done $0x0  }
0x99: {  	[sflag:s28] =	ssyncadd.s32 $0xFFFFD800  }
0x9a: {  	[bflag:$0x0] =	sbarrier.arrive $0xFFFF  }
0x9b: {  	s10 =	rddreg [dreg:$0x7]  }
0x9c: {  	[hbm:s10], [sflag:s6] =	dma.local [spmem:s13], $0x2700  }
0x9d: {  	s5 =	sadd.s32 $0x1, s5;
	_ =	swait.ge [sflag:s14], $0x2700  }
0x9e: {  	p1 =	sne.s32 s5, s12;
	[sflag:s14] =	ssyncset.done $0x0  }
.Ltmp1:
0x9f: {  	s7 =	simm.s32 @!p0 $0x3;
	[sflag:s14] =	ssyncadd.s32 $0xFFFFD900;
	(pc) =	sbr.rel @p1 .LBB2_1-.Ltmp1, $4  }
0xa0: {  	[hbm:s11], [sflag:s6] =	dma.local @!p0 [spmem:s15], $0x100  }
0xa1: {  	_ =	swait.ge @!p0 [sflag:s7], $0x100  }
0xa2: {  	[sflag:s7] =	ssyncset.done @!p0 $0x0  }
0xa3: {  	[sflag:s7] =	ssyncadd.s32 @!p0 $0xFFFFFF00  }
0xa4: {  	_ =	sfence.sel $0x180000  }
0xa5: {  	[bflag:$0x0] =	sbarrier.arrive $0xFFFF  }
0xa6: {  	_ =	strace $0x90000047  }
0xa7: {  	s0 =	stileid.u32;
	[bflag:$0x2] =	sbarrier.arrive $0xFFFF  }
0xa8: {  	p0 =	sne.s32 s0, $0x0;
	s0 =	rddreg [dreg:$0x2]  }
0xa9: {  	s0 =	sadd.s32 @!p0 $0x100000, s0  }
0xaa: {  	[sflag:s0] =	ssyncadd.tile.s32 @!p0 $0x1;
	_ =	shalt  }
.Lfunc_end2:
_tile_overlayer_lowered:
.L_overlay_start_2:
0xab: {  	(tag) =	ssettag $0x2  }
0xac: {  	s0 =	rddreg [dreg:$0x0];
	s2 =	stileid.u32  }
0xad: {  	s1 =	rddreg [dreg:$0x1];
	p0 =	sne.s32 s2, $0x0  }
0xae: {  	s3 =	rddreg [dreg:$0x2];
	[bflag:$0x3] =	sbarrier.arrive $0xFFFF;
	s2 =	simm.s32 @!p0 $0x1C03  }
0xaf: {  	[timem:s3], [sflag:s2] =	dma.local @!p0 [hbm:s0], s1  }
0xb0: {  	s0 =	simm.s32 @!p0 $0x3  }
0xb1: {  	_ =	swait.ge @!p0 [sflag:s0], s1  }
0xb2: {  	s1 =	ssub.s32 @!p0 $0x0, s1;
	[sflag:s0] =	ssyncset.done @!p0 $0x0  }
0xb3: {  	[sflag:s0] =	ssyncadd.s32 @!p0 s1  }
0xb4: {  	[bflag:$0x3] =	sbarrier.arrive $0xFFFF  }
0xb5: {  	_ =	shalt  }

// kernel: kernel.14.cloned.1.call-start
scs
__scs_entry_jumppad:
0x0: {  	(pc) =	sbr.rel $0x88, $3  }
0x1: {  	(tag) =	ssettag $0x0;
	lr =	simm.s32 $0x1  }
0x2: {  	[smem:$0x3F81] =	sst lr;
	_ =	strace $0xD0000000  }
0x3: {  	_ = 	snop  }
0x4: {  	_ = 	snop  }
0x5: {  	_ = 	snop  }
0x6: {  	_ = 	snop  }
0x7: {  	_ = 	snop  }
__scs_overlays_trampoline_lowered:
0x8: {  	[smem:$0x3F90] =	sst s0  }
0x9: {  	[smem:$0x3F91] =	sst s1  }
0xa: {  	[smem:$0x3F92] =	sst s2  }
0xb: {  	[smem:$0x3F93] =	sst s3  }
0xc: {  	[smem:$0x3F94] =	sst s4  }
0xd: {  	[smem:$0x3F95] =	sst s5  }
0xe: {  	[smem:$0x3F96] =	sst s6  }
0xf: {  	[smem:$0x3F97] =	sst s7  }
0x10: {  	[smem:$0x3F98] =	sst s8  }
0x11: {  	[smem:$0x3F99] =	sst s9;
	s0 =	simm.s32 @!p0 $0x0  }
0x12: {  	s1 =	sld [smem:$0x3F7F];
	s0 =	simm.s32 @p0 $0x1  }
0x13: {  	[smem:$0x3F9A] =	sst s0;
	s0 =	simm.s32 @!p1 $0x0  }
0x14: {  	s2 =	sld [smem:$0x3F7E];
	s0 =	simm.s32 @p1 $0x1  }
0x15: {  	[smem:$0x3F9B] =	sst s0;
	s0 =	simm.s32 @!p2 $0x0  }
0x16: {  	s3 =	sld [smem:$0x3FDB];
	s0 =	simm.s32 @p2 $0x1  }
0x17: {  	s4 =	simm.s32 $0x1BF5;
	[smem:$0x3F9D] =	sst s0  }
0x18: {  	s0 =	sld [smem:$0x3F80];
	_ =	swait.ge [sflag:s4], $0x0  }
0x19: {  	s7 =	sld [smem:$0x3F81]  }
0x1a: {  	s8 =	sadd.s32 $0xFFFFE003, lr  }
0x1b: {  	s9 =	sadd.s32 $0xFFFFFEF7, lr;
	s5 =	simm.s32 $0xFFFFFFFF;
	p2 =	slt.u32 s8, $0xFFFFF086  }
0x1c: {  	p1 =	slt.u32 s9, $0xF7A;
	s5 =	simm.s32 @!p2 $0x0  }
0x1d: {  	s5 =	simm.s32 @p1 $0x1;
	p0 =	seq.s32 s7, s2  }
0x1e: {  	s7 =	smul.u32 @!p0 $0xF7A, s2;
	p2 =	seq.s32 @!p0 s5, $0x0  }
0x1f: {  	s9 =	smul.u32 $0xF7A, s1;
	s8 =	simm.s32 @!p0 $0x1BF5;
	p2 =	por !p2, p0  }
0x20: {  	[sflag:s8] =	ssyncset.s32 @!p0 $0xFFFFF086;
	s6 =	sadd.s32 @!p0 s3, s7;
	s7 =	simm.s32 @!p0 $0x108  }
0x21: {  	s3 =	sadd.s32 s3, s9;
	s6 =	sadd.s32 @!p0 $0x88, s6;
	s7 =	simm.s32 @p2 $0x1082  }
0x22: {  	[simem:s7], [sflag:s8] =	dma.local @!p0 [hbm:s6], $0xF7A  }
0x23: {  	s9 =	sor.u32 $0xD0000000, s2;
	s6 =	simm.s32 $0x108;
	_ =	swait.ge @!p0 [sflag:s8], $0x0  }
0x24: {  	s3 =	sadd.s32 $0x88, s3;
	s6 =	simm.s32 @!p1 $0x1082;
	[sflag:s4] =	ssyncset.s32 $0xFFFFF086  }
0x25: {  	[simem:s6], [sflag:s4] =	dma.local [hbm:s3], $0xF7A  }
0x26: {  	[smem:$0x3F81] =	sst s1;
	(tag) =	ssettag s2;
	_ =	strace s9  }
0x27: {  	s1 =	sld [smem:$0x3F91]  }
0x28: {  	s2 =	sld [smem:$0x3F92]  }
0x29: {  	s4 =	sld [smem:$0x3F94]  }
0x2a: {  	p0 =	seq.s32 s5, $0x0;
	s5 =	sld [smem:$0x3F95]  }
0x2b: {  	s6 =	sld [smem:$0x3F96]  }
0x2c: {  	s7 =	sld [smem:$0x3F97]  }
0x2d: {  	s3 =	simm.s32 $0x108;
	s8 =	sld [smem:$0x3F98]  }
0x2e: {  	s3 =	simm.s32 @!p0 $0x1082;
	s9 =	sld [smem:$0x3F99]  }
0x2f: {  	lr =	sadd.s32 s0, s3;
	s0 =	sld [smem:$0x3F90]  }
0x30: {  	s3 =	sld [smem:$0x3F93]  }
0x31: {  	[smem:$0x3F9C] =	sst s10  }
0x32: {  	s10 =	sld [smem:$0x3F9A];
	_ =	sdelay $0x3  }
0x33: {  	p0 =	seq.s32 s10, $0x1;
	s10 =	sld [smem:$0x3F9C];
	_ =	sdelay $0x3  }
0x34: {  	[smem:$0x3F9C] =	sst s10  }
0x35: {  	s10 =	sld [smem:$0x3F9B];
	_ =	sdelay $0x3  }
0x36: {  	p1 =	seq.s32 s10, $0x1;
	s10 =	sld [smem:$0x3F9C];
	_ =	sdelay $0x3  }
0x37: {  	[smem:$0x3F9C] =	sst s10  }
0x38: {  	s10 =	sld [smem:$0x3F9D]  }
0x39: {  	_ = 	snop;
	(pc) =	sbr.ind lr, $3  }
0x3a: {  	_ = 	snop  }
0x3b: {  	_ = 	snop  }
0x3c: {  	p2 =	seq.s32 s10, $0x1;
	s10 =	sld [smem:$0x3F9C]  }
0x3d: {  	_ =	shalt  }
0x3e: {  	_ =	shalt  }
0x3f: {  	_ =	shalt  }
0x40: {  	_ =	shalt  }
0x41: {  	_ =	shalt  }
0x42: {  	_ =	shalt  }
0x43: {  	_ =	shalt  }
0x44: {  	_ =	shalt  }
0x45: {  	_ =	shalt  }
0x46: {  	_ =	shalt  }
0x47: {  	_ =	shalt  }
0x48: {  	_ =	shalt  }
0x49: {  	_ =	shalt  }
0x4a: {  	_ =	shalt  }
0x4b: {  	_ =	shalt  }
0x4c: {  	_ =	shalt  }
0x4d: {  	_ =	shalt  }
0x4e: {  	_ =	shalt  }
0x4f: {  	_ =	shalt  }
0x50: {  	_ =	shalt  }
0x51: {  	_ =	shalt  }
0x52: {  	_ =	shalt  }
0x53: {  	_ =	shalt  }
0x54: {  	_ =	shalt  }
0x55: {  	_ =	shalt  }
0x56: {  	_ =	shalt  }
0x57: {  	_ =	shalt  }
0x58: {  	_ =	shalt  }
0x59: {  	_ =	shalt  }
0x5a: {  	_ =	shalt  }
0x5b: {  	_ =	shalt  }
0x5c: {  	_ =	shalt  }
0x5d: {  	_ =	shalt  }
0x5e: {  	_ =	shalt  }
0x5f: {  	_ =	shalt  }
0x60: {  	_ =	shalt  }
0x61: {  	_ =	shalt  }
0x62: {  	_ =	shalt  }
0x63: {  	_ =	shalt  }
0x64: {  	_ =	shalt  }
0x65: {  	_ =	shalt  }
0x66: {  	_ =	shalt  }
0x67: {  	_ =	shalt  }
0x68: {  	_ =	shalt  }
0x69: {  	_ =	shalt  }
0x6a: {  	_ =	shalt  }
0x6b: {  	_ =	shalt  }
0x6c: {  	_ =	shalt  }
0x6d: {  	_ =	shalt  }
0x6e: {  	_ =	shalt  }
0x6f: {  	_ =	shalt  }
0x70: {  	_ =	shalt  }
0x71: {  	_ =	shalt  }
0x72: {  	_ =	shalt  }
0x73: {  	_ =	shalt  }
0x74: {  	_ =	shalt  }
0x75: {  	_ =	shalt  }
0x76: {  	_ =	shalt  }
0x77: {  	_ =	shalt  }
0x78: {  	_ =	shalt  }
0x79: {  	_ =	shalt  }
0x7a: {  	_ =	shalt  }
0x7b: {  	_ =	shalt  }
0x7c: {  	_ =	shalt  }
0x7d: {  	_ =	shalt  }
0x7e: {  	_ =	shalt  }
0x7f: {  	_ =	shalt  }
0x80: {  	_ =	shalt  }
0x81: {  	_ =	shalt  }
0x82: {  	_ =	shalt  }
0x83: {  	_ =	shalt  }
0x84: {  	_ =	shalt  }
0x85: {  	_ =	shalt  }
0x86: {  	_ =	shalt  }
0x87: {  	_ =	shalt  }
.Lfunc_end0:
.L_simem_size_0:
called_computation.1_lowered:
.L_overlay_start_0:
0x88: {  	s2 =	sld [smem:$0x3FD9]  }
0x89: {  	s3 =	sld [smem:$0x3FFE];
	_ =	sdelay $0x1  }
0x8a: {  	s1 =	srdreg.scid  }
0x8b: {  	s0 =	sand.u32 $0x1, s1  }
0x8c: {  	s16 =	sshll.u32 s0, $0xA;
	s2 =	sadd.s32 s3, s2  }
0x8d: {  	s2 =	sadd.s32 s2, s16  }
0x8e: {  	[smem:$0x3FA8] =	sst s2  }
0x8f: {  	_ = 	snop  }
0x90: {  	(tm) =	ssettm $0x1  }
0x91: {  	s17 =	sld [smem:$0x3FFB];
	_ =	sdelay $0x3  }
0x92: {  	_ =	strace s17  }
0x93: {  	s2 =	sld [smem:$0x3FFC];
	_ =	sdelay $0x3  }
0x94: {  	_ =	strace s2  }
0x95: {  	s2 =	sld [smem:$0x3FFD];
	_ =	sdelay $0x3  }
0x96: {  	_ =	strace s2  }
0x97: {  	_ =	strace $0x8FFFFFFF  }
0x98: {  	s18 =	sld [smem:$0x3FDB];
	_ =	sdelay $0x1  }
0x99: {  	s19 =	simm.s32 $_scs_section_size  }
0x9a: {  	s4 =	simm.s32 $_size__tile_overlayer_lowered;
	s5 =	simm.s32 $_tile_overlayer_lowered  }
0x9b: {  	s22 =	simm.s32 $0x1BFF;
	s21 =	sshll.u32 s5, $0x1;
	s2 =	sadd.s32 s19, s18  }
0x9c: {  	s6 =	simm.s32 $0x0;
	s20 =	sshll.u32 s4, $0x1;
	s4 =	sadd.s32 s21, s2  }
0x9d: {  	[timem:s6], [sflag:s22] =	dma.local [hbm:s4], s20  }
0x9e: {  	_ =	swait.ge [sflag:s22], s20  }
0x9f: {  	s3 =	ssub.s32 $0x0, s20;
	[sflag:s22] =	ssyncset.done $0x0  }
0xa0: {  	[sflag:s22] =	ssyncadd.s32 s3;
	_ =	sdelay $0x1  }
0xa1: {  	s23 =	simm.s32 $0x1B8B  }
0xa2: {  	_ =	swait.ge [sflag:s23], $0x1  }
0xa3: {  	[sflag:s23] =	ssyncset.done $0x0  }
0xa4: {  	s25 =	simm.s32 $0x1B8E;
	s24 =	sld [smem:$0x3FFE];
	[sflag:s23] =	ssyncadd.s32 $0xFFFFFFFF  }
0xa5: {  	s26 =	simm.s32 $execute0_lowered;
	[smem:$0x3FD2] =	sst s25  }
0xa6: {  	s4 =	sshll.u32 s26, $0x1;
	_ =	strace $0x80000049;
	[dreg:$0x1] =	wrdreg $0xFFFFFFFF  }
0xa7: {  	s28 =	simm.s32 $_size_execute0_lowered;
	s2 =	sadd.s32 s2, s4;
	[dreg:$0x0] =	wrdreg $0x0  }
0xa8: {  	s4 =	sshll.u32 s28, $0x1;
	[dreg:$0x2] =	wrdreg s2  }
0xa9: {  	[dreg:$0x3] =	wrdreg s4  }
0xaa: {  	[dreg:$0x4] =	wrdreg $0xC0  }
0xab: {  	_ =	task [dreg:s6], $0x5FFFF  }
0xac: {  	[dreg:$0x1] =	wrdreg $0xFFFFFFFF  }
0xad: {  	[dreg:$0x0] =	wrdreg $0x60  }
0xae: {  	[dreg:$0x2] =	wrdreg s24  }
0xaf: {  	[dreg:$0x3] =	wrdreg $0x0  }
0xb0: {  	[dreg:$0x4] =	wrdreg $0x9  }
0xb1: {  	_ =	task.clear_ibuf [dreg:s6], $0x5FFFF;
	_ =	strace $0x90000049  }
0xb2: {  	s29 =	simm.s32 $0x9;
	_ =	strace $0x8000004B  }
0xb3: {  	_ =	swait.ge [sflag:s29], $0x1  }
0xb4: {  	[sflag:s29] =	ssyncadd.s32 $0xFFFFFFFF  }
0xb5: {  	_ =	strace $0x9000004B  }
0xb6: {  	_ =	sfence  }
0xb7: {  	s30 =	sld [smem:$0x0];
	_ =	sdelay $0x2  }
0xb8: {  	s31 =	sshll.u32 s1, $0xD;
	s1 =	sshrl.u32 s1, $0x2  }
0xb9: {  	s3 =	sand.u32 $0x4000, s31;
	s1 =	sadd.s32 s1, s30  }
0xba: {  	s0 =	sor.u32 s3, s0;
	s1 =	sshll.u32 s1, $0x11  }
0xbb: {  	s0 =	sor.u32 s1, s0  }
0xbc: {  	s0 =	sadd.s32 $0x8F2B, s0  }
0xbd: {  	[sflag:s0] =	ssyncadd.remote.s32 $0x1  }
0xbe: {  	_ =	sfence.sel $0xFFFF  }
0xbf: {  	[dreg:$0x0] =	wrdreg $0xFFFFFFFF;
	(pc) =	sbr.abs _section_cstart, $3  }
0xc0: {  	[dreg:$0x1] =	wrdreg $0xFFFFFFFF  }
0xc1: {  	_ =	task.clear_ibuf [dreg:s6], $0x2FFFF;
	_ =	strace $0x9FFFFFFF  }
0xc2: {  	(tm) =	ssettm $0x7FFFFFFF  }
0xc3: {  	_ =	shalt  }
tec
execute0_lowered:
.L_overlay_start_1:
0x0: {  	(tag) =	ssettag $0x1  }
0x1: {  	s0 =	srdreg.scid;
	s1 =	rddreg [dreg:$0x0]  }
0x2: {  	s14 =	stileid.u32;
	s2 =	rddreg [dreg:$0x1]  }
0x3: {  	s6 =	simm.s32 $0x0;
	s18 =	simm.s32 $0x13880;
	s20 =	simm.s32 $0x18  }
0x4: {  	s21 =	simm.s32 $0x1A000;
	s29 =	simm.s32 $0x1C000;
	s31 =	simm.s32 $0x1C800  }
0x5: {  	s16 =	simm.s32 $0x1DC00;
	s19 =	simm.s32 $0x1E800;
	s28 =	simm.s32 $0x2  }
0x6: {  	s17 =	simm.s32 $0x15F68;
	s30 =	simm.s32 $0x15F80;
	s0 =	sand.u32 $0x1, s0  }
0x7: {  	s5 =	sshll.u32 s14, $0x7;
	[smem:$0x7FF] =	sst s6;
	s7 =	smul.u32 $0x13800, s14  }
0x8: {  	s22 =	smul.u32 $0x4E000, s14;
	s11 =	sadd.s32 $0x6D800, s1;
	s24 =	sshll.u32 s14, $0x6  }
0x9: {  	p0 =	sne.s32 s14, $0xF;
	s3 =	sshll.u32 s0, $0x4;
	s5 =	sand.u32 $0x380, s5  }
0xa: {  	_ =	strace $0x8000004A;
	s9 =	ssub.s32 $0x2, s0;
	s0 =	smul.u32 $0x138800, s0  }
0xb: {  	s3 =	sor.u32 s14, s3;
	s8 =	sshrl.u32 s7, $0x3;
	s10 =	sshrl.u32 s9, $0x1  }
0xc: {  	s6 =	sshrl.u32 s22, $0x2;
	s14 =	simm.s32 $0x3;
	s22 =	simm.s32 $0x10  }
0xd: {  	s4 =	sshrl.u32 s3, $0x3;
	s3 =	sshll.u32 s3, $0xB;
	s8 =	sadd.s32 s8, s1  }
0xe: {  	s9 =	ssub.s32 s9, s10;
	s13 =	sadd.s32 s6, s2;
	s6 =	sor.u32 $0x1C03, s24  }
0xf: {  	s26 =	sadd.s32 s7, s0;
	s0 =	sshrl.u32 s0, $0x3;
	s24 =	simm.s32 $0x1AC00  }
0x10: {  	s4 =	smul.u32 $0x13C00, s4;
	s3 =	sadd.s32 s3, s1;
	s23 =	sadd.s32 $0x46600, s8  }
0x11: {  	s8 =	sadd.s32 $0x138000, s2;
	s0 =	sadd.s32 s11, s0;
	s12 =	smax.u32 s9, $0x1  }
0x12: {  	s13 =	sshrl.u32 s13, $0x3;
	[dreg:$0x3] =	wrdreg s23;
	s3 =	sadd.s32 $0x5600, s3  }
0x13: {  	s15 =	sshrl.u32 @!p0 s8, $0x3;
	s23 =	simm.s32 $0x1;
	s5 =	sor.u32 s5, s4  }
0x14: {  	s4 =	sadd.s32 $0x1F400, s1;
	[dreg:$0x6] =	wrdreg s3;
	s5 =	sshrl.u32 s5, $0x3  }
0x15: {  	s3 =	simm.s32 $0x15F58;
	s5 =	sadd.s32 s5, s1;
	s1 =	sadd.s32 $0x6D600, s1  }
0x16: {  	[dreg:$0x4] =	wrdreg s1;
	s25 =	sadd.s32 $0x15600, s5;
	s1 =	sshrl.u32 s26, $0x3  }
0x17: {  	s26 =	simm.s32 $0x1B400;
	s5 =	simm.s32 $0x0;
	[dreg:$0x5] =	wrdreg s25  }
0x18: {  	s1 =	sadd.s32 s11, s1;
	s11 =	sadd.s32 $0x27000, s0;
	s0 =	simm.s32 $0x1D400  }
0x19: {  	s25 =	simm.s32 $0x50;
	[dreg:$0x7] =	wrdreg s1;
	s1 =	simm.s32 $0x15F40  }
.LBB2_1:
0x1a: {  	s7 =	rddreg [dreg:$0x3]  }
0x1b: {  	[spmem:s13], [sflag:s6] =	dma.local [hbm:s7], $0x2700  }
0x1c: {  	_ =	swait.ge [sflag:s14], $0x2700  }
0x1d: {  	[sflag:s14] =	ssyncset.done $0x0  }
0x1e: {  	s7 =	rddreg [dreg:$0x4];
	[sflag:s14] =	ssyncadd.s32 $0xFFFFD900  }
0x1f: {  	[spmem:s15], [sflag:s6] =	dma.local @!p0 [hbm:s7], $0x100  }
0x20: {  	s7 =	simm.s32 @!p0 $0x3  }
0x21: {  	_ =	swait.ge @!p0 [sflag:s7], $0x100  }
0x22: {  	s8 =	simm.s32 $0x80;
	[sflag:s7] =	ssyncset.done @!p0 $0x0  }
0x23: {  	s9 =	simm.s32 $0x400;
	s10 =	rddreg [dreg:$0x5];
	[sflag:s7] =	ssyncadd.s32 @!p0 $0xFFFFFF00  }
0x24: {  	[tilespmem:s18], [sflag:$0x3] =	stream.strided.gather [hbm4b:s10+s8], $0x2780, s9, s8, $0x38;
	[tilespmem:$0x1F000] =	vst v63  }
0x25: {  	_ =	swait.ge [sflag:s14], $0x2780  }
0x26: {  	s8 =	simm.s32 $0x0;
	[sflag:s14] =	ssyncset.done $0x0  }
0x27: {  	s10 =	simm.s32 $0x16000;
	s9 =	rddreg [dreg:$0x6];
	[sflag:s14] =	ssyncadd.s32 $0xFFFFD880  }
0x28: {  	[tilespmem:s10], [sflag:$0x3] =	stream.linear.gather [hbm4b:s9+s8], $0x3E80, $0x38;
	[tilespmem:$0x1F000] =	vst v63  }
0x29: {  	_ =	swait.ge [sflag:s14], $0x3E80  }
0x2a: {  	[sflag:s14] =	ssyncset.done $0x0  }
0x2b: {  	[sflag:s14] =	ssyncadd.s32 $0xFFFFC180  }
0x2c: {  	[bflag:$0x0] =	sbarrier.arrive $0xFFFF  }
0x2d: {  	[tilespmem:s21], [sflag:$0x1] =	stream.indirect.gather [hbm4b:s4+s20], $0x80, s18, s20, $0xb8;
	[tilespmem:$0x1F000] =	vst v63  }
0x2e: {  	s10 =	simm.s32 $0x13898  }
0x2f: {  	[tilespmem:s24], [sflag:$0x1] =	stream.indirect.gather [hbm4b:s4+s22], $0x80, s10, s22, $0xb8;
	[tilespmem:$0x1F000] =	vst v63  }
0x30: {  	s8 =	simm.s32 $0x138A8  }
0x31: {  	[tilespmem:s26], [sflag:$0x1] =	stream.indirect.gather [hbm4b:s4+s20], $0x80, s8, s20, $0xb8;
	[tilespmem:$0x1F000] =	vst v63  }
0x32: {  	s9 =	simm.s32 $0x138C0  }
0x33: {  	[tilespmem:s29], [sflag:$0x1] =	stream.indirect.gather [hbm4b:s4+s22], $0x80, s9, s22, $0xb8;
	[tilespmem:$0x1F000] =	vst v63  }
0x34: {  	s10 =	simm.s32 $0x138D0  }
0x35: {  	[tilespmem:s31], [sflag:$0x2] =	stream.indirect.gather [hbm4b:s4+s20], $0x80, s10, s20, $0xb8;
	[tilespmem:$0x1F000] =	vst v63  }
0x36: {  	s8 =	simm.s32 $0x138E8  }
0x37: {  	[tilespmem:s0], [sflag:$0x2] =	stream.indirect.gather [hbm4b:s4+s22], $0x80, s8, s22, $0xb8;
	[tilespmem:$0x1F000] =	vst v63  }
0x38: {  	s9 =	simm.s32 $0x138F8  }
0x39: {  	[tilespmem:s16], [sflag:$0x2] =	stream.indirect.gather [hbm4b:s4+s20], $0x80, s9, s20, $0xb8;
	[tilespmem:$0x1F000] =	vst v63  }
0x3a: {  	s10 =	simm.s32 $0x13910  }
0x3b: {  	[tilespmem:s19], [sflag:$0x2] =	stream.indirect.gather [hbm4b:s4+s22], $0x80, s10, s22, $0xb8;
	[tilespmem:$0x1F000] =	vst v63  }
0x3c: {  	_ =	swait.ge [sflag:s23], $0x2800  }
0x3d: {  	[sflag:s23] =	ssyncset.done $0x0  }
0x3e: {  	s8 =	simm.s32 $0x16000;
	[sflag:s23] =	ssyncadd.s32 $0xFFFFD800  }
0x3f: {  	[spmem:s2] =	stream.indirect.scatter.add.f32 [tilespmem:s21], [sflag:$0x3], $0x80, s8, s25, $0xb8;
	[tilespmem:$0x1F000] =	vst v63  }
0x40: {  	_ =	swait.ge [sflag:s14], $0x2800  }
0x41: {  	[sflag:s14] =	ssyncset.done $0x0  }
0x42: {  	s9 =	simm.s32 $0x13920;
	[sflag:s14] =	ssyncadd.s32 $0xFFFFD800  }
0x43: {  	[tilespmem:s21], [sflag:$0x1] =	stream.indirect.gather [hbm4b:s4+s20], $0x80, s9, s20, $0xb8;
	[tilespmem:$0x1F000] =	vst v63  }
0x44: {  	s10 =	simm.s32 $0x13938  }
0x45: {  	[tilespmem:s24], [sflag:$0x1] =	stream.indirect.gather [hbm4b:s4+s22], $0x80, s10, s22, $0xb8;
	[tilespmem:$0x1F000] =	vst v63  }
0x46: {  	s8 =	simm.s32 $0x13948  }
0x47: {  	[tilespmem:s26], [sflag:$0x1] =	stream.indirect.gather [hbm4b:s4+s20], $0x80, s8, s20, $0xb8;
	[tilespmem:$0x1F000] =	vst v63  }
0x48: {  	s9 =	simm.s32 $0x13960  }
0x49: {  	[tilespmem:s29], [sflag:$0x1] =	stream.indirect.gather [hbm4b:s4+s22], $0x80, s9, s22, $0xb8;
	[tilespmem:$0x1F000] =	vst v63  }
0x4a: {  	_ =	swait.ge [sflag:s28], $0x2800  }
0x4b: {  	[sflag:s28] =	ssyncset.done $0x0  }
0x4c: {  	s10 =	simm.s32 $0x16080;
	[sflag:s28] =	ssyncadd.s32 $0xFFFFD800  }
0x4d: {  	[spmem:s2] =	stream.indirect.scatter.add.f32 [tilespmem:s31], [sflag:$0x3], $0x80, s10, s25, $0xb8;
	[tilespmem:$0x1F000] =	vst v63  }
0x4e: {  	_ =	swait.ge [sflag:s14], $0x2800  }
0x4f: {  	[sflag:s14] =	ssyncset.done $0x0  }
0x50: {  	s8 =	simm.s32 $0x13970;
	[sflag:s14] =	ssyncadd.s32 $0xFFFFD800  }
0x51: {  	[tilespmem:s31], [sflag:$0x2] =	stream.indirect.gather [hbm4b:s4+s20], $0x80, s8, s20, $0xb8;
	[tilespmem:$0x1F000] =	vst v63  }
0x52: {  	s7 =	simm.s32 $0x280;
	s9 =	simm.s32 $0x13988  }
0x53: {  	[tilespmem:s0], [sflag:$0x2] =	stream.indirect.gather [hbm4b:s4+s22], $0x80, s9, s22, $0xb8;
	[tilespmem:$0x1F000] =	vst v63  }
0x54: {  	s10 =	simm.s32 $0x13998;
	s8 =	simm.s32 $0x16180;
	s9 =	simm.s32 $0x139B0  }
0x55: {  	[tilespmem:s16], [sflag:$0x2] =	stream.indirect.gather [hbm4b:s4+s20], $0x80, s10, s20, $0xb8;
	[tilespmem:$0x1F000] =	vst v63  }
.LBB2_2:
0x56: {  	[tilespmem:s19], [sflag:$0x2] =	stream.indirect.gather [hbm4b:s4+s22], $0x80, s9, s22, $0xb8;
	[tilespmem:$0x1F000] =	vst v63  }
0x57: {  	s9 =	smov.u32 s7  }
0x58: {  	p1 =	sne.s32 s7, $0x9600;
	s7 =	sadd.s32 $0x280, s7;
	_ =	swait.ge [sflag:s23], $0x2800  }
0x59: {  	[sflag:s23] =	ssyncset.done $0x0  }
0x5a: {  	s10 =	sadd.s32 $0xFFFFFF80, s8;
	[sflag:s23] =	ssyncadd.s32 $0xFFFFD800  }
0x5b: {  	[spmem:s2] =	stream.indirect.scatter.add.f32 [tilespmem:s21], [sflag:$0x3], $0x80, s10, s25, $0xb8;
	[tilespmem:$0x1F000] =	vst v63  }
0x5c: {  	_ =	swait.ge [sflag:s14], $0x2800  }
0x5d: {  	s9 =	sshra.s32 s9, $0x2;
	[sflag:s14] =	ssyncset.done $0x0  }
0x5e: {  	s10 =	sadd.s32 $0x13920, s9;
	[sflag:s14] =	ssyncadd.s32 $0xFFFFD800  }
0x5f: {  	[tilespmem:s21], [sflag:$0x1] =	stream.indirect.gather [hbm4b:s4+s20], $0x80, s10, s20, $0xb8;
	[tilespmem:$0x1F000] =	vst v63  }
0x60: {  	s10 =	sadd.s32 $0x13938, s9  }
0x61: {  	[tilespmem:s24], [sflag:$0x1] =	stream.indirect.gather [hbm4b:s4+s22], $0x80, s10, s22, $0xb8;
	[tilespmem:$0x1F000] =	vst v63  }
0x62: {  	s10 =	sadd.s32 $0x13948, s9  }
0x63: {  	[tilespmem:s26], [sflag:$0x1] =	stream.indirect.gather [hbm4b:s4+s20], $0x80, s10, s20, $0xb8;
	[tilespmem:$0x1F000] =	vst v63  }
0x64: {  	s10 =	sadd.s32 $0x13960, s9  }
0x65: {  	[tilespmem:s29], [sflag:$0x1] =	stream.indirect.gather [hbm4b:s4+s22], $0x80, s10, s22, $0xb8;
	[tilespmem:$0x1F000] =	vst v63  }
0x66: {  	_ =	swait.ge [sflag:s28], $0x2800  }
0x67: {  	[sflag:s28] =	ssyncset.done $0x0  }
0x68: {  	[sflag:s28] =	ssyncadd.s32 $0xFFFFD800  }
0x69: {  	[spmem:s2] =	stream.indirect.scatter.add.f32 [tilespmem:s31], [sflag:$0x3], $0x80, s8, s25, $0xb8;
	[tilespmem:$0x1F000] =	vst v63  }
0x6a: {  	_ =	swait.ge [sflag:s14], $0x2800  }
0x6b: {  	[sflag:s14] =	ssyncset.done $0x0  }
0x6c: {  	s10 =	sadd.s32 $0x13970, s9;
	[sflag:s14] =	ssyncadd.s32 $0xFFFFD800  }
0x6d: {  	[tilespmem:s31], [sflag:$0x2] =	stream.indirect.gather [hbm4b:s4+s20], $0x80, s10, s20, $0xb8;
	[tilespmem:$0x1F000] =	vst v63  }
.Ltmp0:
0x6e: {  	s10 =	sadd.s32 $0x13988, s9;
	(pc) =	sbr.rel @p1 .LBB2_2-.Ltmp0, $4  }
0x6f: {  	[tilespmem:s0], [sflag:$0x2] =	stream.indirect.gather [hbm4b:s4+s22], $0x80, s10, s22, $0xb8;
	[tilespmem:$0x1F000] =	vst v63  }
0x70: {  	s10 =	sadd.s32 $0x13998, s9  }
0x71: {  	[tilespmem:s16], [sflag:$0x2] =	stream.indirect.gather [hbm4b:s4+s20], $0x80, s10, s20, $0xb8;
	[tilespmem:$0x1F000] =	vst v63  }
0x72: {  	s8 =	sadd.s32 $0x100, s8;
	s9 =	sadd.s32 $0x139B0, s9  }
0x73: {  	[tilespmem:s19], [sflag:$0x2] =	stream.indirect.gather [hbm4b:s4+s22], $0x80, s9, s22, $0xb8;
	[tilespmem:$0x1F000] =	vst v63  }
0x74: {  	_ =	swait.ge [sflag:s23], $0x2800  }
0x75: {  	[sflag:s23] =	ssyncset.done $0x0  }
0x76: {  	s7 =	simm.s32 $0x19D00;
	[sflag:s23] =	ssyncadd.s32 $0xFFFFD800  }
0x77: {  	[spmem:s2] =	stream.indirect.scatter.add.f32 [tilespmem:s21], [sflag:$0x3], $0x80, s7, s25, $0xb8;
	[tilespmem:$0x1F000] =	vst v63  }
0x78: {  	_ =	swait.ge [sflag:s14], $0x2800  }
0x79: {  	[sflag:s14] =	ssyncset.done $0x0  }
0x7a: {  	[sflag:s14] =	ssyncadd.s32 $0xFFFFD800  }
0x7b: {  	[tilespmem:s21], [sflag:$0x1] =	stream.indirect.gather [hbm4b:s4+s20], $0x80, s1, s20, $0xb8;
	[tilespmem:$0x1F000] =	vst v63  }
0x7c: {  	_ = 	snop  }
0x7d: {  	[tilespmem:s24], [sflag:$0x1] =	stream.indirect.gather [hbm4b:s4+s22], $0x80, s3, s22, $0xb8;
	[tilespmem:$0x1F000] =	vst v63  }
0x7e: {  	_ = 	snop  }
0x7f: {  	[tilespmem:s26], [sflag:$0x1] =	stream.indirect.gather [hbm4b:s4+s20], $0x80, s17, s20, $0xb8;
	[tilespmem:$0x1F000] =	vst v63  }
0x80: {  	_ = 	snop  }
0x81: {  	[tilespmem:s29], [sflag:$0x1] =	stream.indirect.gather [hbm4b:s4+s22], $0x80, s30, s22, $0xb8;
	[tilespmem:$0x1F000] =	vst v63  }
0x82: {  	_ =	swait.ge [sflag:s28], $0x2800  }
0x83: {  	[sflag:s28] =	ssyncset.done $0x0  }
0x84: {  	s8 =	simm.s32 $0x19D80;
	[sflag:s28] =	ssyncadd.s32 $0xFFFFD800  }
0x85: {  	[spmem:s2] =	stream.indirect.scatter.add.f32 [tilespmem:s31], [sflag:$0x3], $0x80, s8, s25, $0xb8;
	[tilespmem:$0x1F000] =	vst v63  }
0x86: {  	_ =	swait.ge [sflag:s14], $0x2800  }
0x87: {  	[sflag:s14] =	ssyncset.done $0x0  }
0x88: {  	[sflag:s14] =	ssyncadd.s32 $0xFFFFD800  }
0x89: {  	[tilespmem:s31], [sflag:$0x2] =	stream.indirect.gather [hbm4b:s4+s20], $0x80, s1, s20, $0xb8;
	[tilespmem:$0x1F000] =	vst v63  }
0x8a: {  	_ = 	snop  }
0x8b: {  	[tilespmem:s0], [sflag:$0x2] =	stream.indirect.gather [hbm4b:s4+s22], $0x80, s3, s22, $0xb8;
	[tilespmem:$0x1F000] =	vst v63  }
0x8c: {  	_ = 	snop  }
0x8d: {  	[tilespmem:s16], [sflag:$0x2] =	stream.indirect.gather [hbm4b:s4+s20], $0x80, s17, s20, $0xb8;
	[tilespmem:$0x1F000] =	vst v63  }
0x8e: {  	_ = 	snop  }
0x8f: {  	[tilespmem:s19], [sflag:$0x2] =	stream.indirect.gather [hbm4b:s4+s22], $0x80, s30, s22, $0xb8;
	[tilespmem:$0x1F000] =	vst v63  }
0x90: {  	_ =	swait.ge [sflag:s23], $0x2800  }
0x91: {  	[sflag:s23] =	ssyncset.done $0x0  }
0x92: {  	s9 =	simm.s32 $0x19E00;
	[sflag:s23] =	ssyncadd.s32 $0xFFFFD800  }
0x93: {  	[spmem:s2] =	stream.indirect.scatter.add.f32 [tilespmem:s21], [sflag:$0x3], $0x80, s9, s25, $0xb8;
	[tilespmem:$0x1F000] =	vst v63  }
0x94: {  	_ =	swait.ge [sflag:s14], $0x2800  }
0x95: {  	[sflag:s14] =	ssyncset.done $0x0  }
0x96: {  	[sflag:s14] =	ssyncadd.s32 $0xFFFFD800  }
0x97: {  	_ =	swait.ge [sflag:s28], $0x2800  }
0x98: {  	[sflag:s28] =	ssyncset.done $0x0  }
0x99: {  	[sflag:s28] =	ssyncadd.s32 $0xFFFFD800  }
0x9a: {  	[bflag:$0x0] =	sbarrier.arrive $0xFFFF  }
0x9b: {  	s10 =	rddreg [dreg:$0x7]  }
0x9c: {  	[hbm:s10], [sflag:s6] =	dma.local [spmem:s13], $0x2700  }
0x9d: {  	s5 =	sadd.s32 $0x1, s5;
	_ =	swait.ge [sflag:s14], $0x2700  }
0x9e: {  	p1 =	sne.s32 s5, s12;
	[sflag:s14] =	ssyncset.done $0x0  }
.Ltmp1:
0x9f: {  	s7 =	simm.s32 @!p0 $0x3;
	[sflag:s14] =	ssyncadd.s32 $0xFFFFD900;
	(pc) =	sbr.rel @p1 .LBB2_1-.Ltmp1, $4  }
0xa0: {  	[hbm:s11], [sflag:s6] =	dma.local @!p0 [spmem:s15], $0x100  }
0xa1: {  	_ =	swait.ge @!p0 [sflag:s7], $0x100  }
0xa2: {  	[sflag:s7] =	ssyncset.done @!p0 $0x0  }
0xa3: {  	[sflag:s7] =	ssyncadd.s32 @!p0 $0xFFFFFF00  }
0xa4: {  	_ =	sfence.sel $0x180000  }
0xa5: {  	[bflag:$0x0] =	sbarrier.arrive $0xFFFF  }
0xa6: {  	_ =	strace $0x9000004A  }
0xa7: {  	s0 =	stileid.u32;
	[bflag:$0x2] =	sbarrier.arrive $0xFFFF  }
0xa8: {  	p0 =	sne.s32 s0, $0x0;
	s0 =	rddreg [dreg:$0x2]  }
0xa9: {  	s0 =	sadd.s32 @!p0 $0x100000, s0  }
0xaa: {  	[sflag:s0] =	ssyncadd.tile.s32 @!p0 $0x1;
	_ =	shalt  }
.Lfunc_end2:
_tile_overlayer_lowered:
.L_overlay_start_2:
0xab: {  	(tag) =	ssettag $0x2  }
0xac: {  	s0 =	rddreg [dreg:$0x0];
	s2 =	stileid.u32  }
0xad: {  	s1 =	rddreg [dreg:$0x1];
	p0 =	sne.s32 s2, $0x0  }
0xae: {  	s3 =	rddreg [dreg:$0x2];
	[bflag:$0x3] =	sbarrier.arrive $0xFFFF;
	s2 =	simm.s32 @!p0 $0x1C03  }
0xaf: {  	[timem:s3], [sflag:s2] =	dma.local @!p0 [hbm:s0], s1  }
0xb0: {  	s0 =	simm.s32 @!p0 $0x3  }
0xb1: {  	_ =	swait.ge @!p0 [sflag:s0], s1  }
0xb2: {  	s1 =	ssub.s32 @!p0 $0x0, s1;
	[sflag:s0] =	ssyncset.done @!p0 $0x0  }
0xb3: {  	[sflag:s0] =	ssyncadd.s32 @!p0 s1  }
0xb4: {  	[bflag:$0x3] =	sbarrier.arrive $0xFFFF  }
0xb5: {  	_ =	shalt  }

// kernel: kernel.17.cloned.1.call-start
scs
__scs_entry_jumppad:
0x0: {  	(pc) =	sbr.rel $0x88, $3  }
0x1: {  	(tag) =	ssettag $0x0;
	lr =	simm.s32 $0x1  }
0x2: {  	[smem:$0x3F81] =	sst lr;
	_ =	strace $0xD0000000  }
0x3: {  	_ = 	snop  }
0x4: {  	_ = 	snop  }
0x5: {  	_ = 	snop  }
0x6: {  	_ = 	snop  }
0x7: {  	_ = 	snop  }
__scs_overlays_trampoline_lowered:
0x8: {  	[smem:$0x3F90] =	sst s0  }
0x9: {  	[smem:$0x3F91] =	sst s1  }
0xa: {  	[smem:$0x3F92] =	sst s2  }
0xb: {  	[smem:$0x3F93] =	sst s3  }
0xc: {  	[smem:$0x3F94] =	sst s4  }
0xd: {  	[smem:$0x3F95] =	sst s5  }
0xe: {  	[smem:$0x3F96] =	sst s6  }
0xf: {  	[smem:$0x3F97] =	sst s7  }
0x10: {  	[smem:$0x3F98] =	sst s8  }
0x11: {  	[smem:$0x3F99] =	sst s9;
	s0 =	simm.s32 @!p0 $0x0  }
0x12: {  	s1 =	sld [smem:$0x3F7F];
	s0 =	simm.s32 @p0 $0x1  }
0x13: {  	[smem:$0x3F9A] =	sst s0;
	s0 =	simm.s32 @!p1 $0x0  }
0x14: {  	s2 =	sld [smem:$0x3F7E];
	s0 =	simm.s32 @p1 $0x1  }
0x15: {  	[smem:$0x3F9B] =	sst s0;
	s0 =	simm.s32 @!p2 $0x0  }
0x16: {  	s3 =	sld [smem:$0x3FDB];
	s0 =	simm.s32 @p2 $0x1  }
0x17: {  	s4 =	simm.s32 $0x1BF5;
	[smem:$0x3F9D] =	sst s0  }
0x18: {  	s0 =	sld [smem:$0x3F80];
	_ =	swait.ge [sflag:s4], $0x0  }
0x19: {  	s7 =	sld [smem:$0x3F81]  }
0x1a: {  	s8 =	sadd.s32 $0xFFFFE003, lr  }
0x1b: {  	s9 =	sadd.s32 $0xFFFFFEF7, lr;
	s5 =	simm.s32 $0xFFFFFFFF;
	p2 =	slt.u32 s8, $0xFFFFF086  }
0x1c: {  	p1 =	slt.u32 s9, $0xF7A;
	s5 =	simm.s32 @!p2 $0x0  }
0x1d: {  	s5 =	simm.s32 @p1 $0x1;
	p0 =	seq.s32 s7, s2  }
0x1e: {  	s7 =	smul.u32 @!p0 $0xF7A, s2;
	p2 =	seq.s32 @!p0 s5, $0x0  }
0x1f: {  	s9 =	smul.u32 $0xF7A, s1;
	s8 =	simm.s32 @!p0 $0x1BF5;
	p2 =	por !p2, p0  }
0x20: {  	[sflag:s8] =	ssyncset.s32 @!p0 $0xFFFFF086;
	s6 =	sadd.s32 @!p0 s3, s7;
	s7 =	simm.s32 @!p0 $0x108  }
0x21: {  	s3 =	sadd.s32 s3, s9;
	s6 =	sadd.s32 @!p0 $0x88, s6;
	s7 =	simm.s32 @p2 $0x1082  }
0x22: {  	[simem:s7], [sflag:s8] =	dma.local @!p0 [hbm:s6], $0xF7A  }
0x23: {  	s9 =	sor.u32 $0xD0000000, s2;
	s6 =	simm.s32 $0x108;
	_ =	swait.ge @!p0 [sflag:s8], $0x0  }
0x24: {  	s3 =	sadd.s32 $0x88, s3;
	s6 =	simm.s32 @!p1 $0x1082;
	[sflag:s4] =	ssyncset.s32 $0xFFFFF086  }
0x25: {  	[simem:s6], [sflag:s4] =	dma.local [hbm:s3], $0xF7A  }
0x26: {  	[smem:$0x3F81] =	sst s1;
	(tag) =	ssettag s2;
	_ =	strace s9  }
0x27: {  	s1 =	sld [smem:$0x3F91]  }
0x28: {  	s2 =	sld [smem:$0x3F92]  }
0x29: {  	s4 =	sld [smem:$0x3F94]  }
0x2a: {  	p0 =	seq.s32 s5, $0x0;
	s5 =	sld [smem:$0x3F95]  }
0x2b: {  	s6 =	sld [smem:$0x3F96]  }
0x2c: {  	s7 =	sld [smem:$0x3F97]  }
0x2d: {  	s3 =	simm.s32 $0x108;
	s8 =	sld [smem:$0x3F98]  }
0x2e: {  	s3 =	simm.s32 @!p0 $0x1082;
	s9 =	sld [smem:$0x3F99]  }
0x2f: {  	lr =	sadd.s32 s0, s3;
	s0 =	sld [smem:$0x3F90]  }
0x30: {  	s3 =	sld [smem:$0x3F93]  }
0x31: {  	[smem:$0x3F9C] =	sst s10  }
0x32: {  	s10 =	sld [smem:$0x3F9A];
	_ =	sdelay $0x3  }
0x33: {  	p0 =	seq.s32 s10, $0x1;
	s10 =	sld [smem:$0x3F9C];
	_ =	sdelay $0x3  }
0x34: {  	[smem:$0x3F9C] =	sst s10  }
0x35: {  	s10 =	sld [smem:$0x3F9B];
	_ =	sdelay $0x3  }
0x36: {  	p1 =	seq.s32 s10, $0x1;
	s10 =	sld [smem:$0x3F9C];
	_ =	sdelay $0x3  }
0x37: {  	[smem:$0x3F9C] =	sst s10  }
0x38: {  	s10 =	sld [smem:$0x3F9D]  }
0x39: {  	_ = 	snop;
	(pc) =	sbr.ind lr, $3  }
0x3a: {  	_ = 	snop  }
0x3b: {  	_ = 	snop  }
0x3c: {  	p2 =	seq.s32 s10, $0x1;
	s10 =	sld [smem:$0x3F9C]  }
0x3d: {  	_ =	shalt  }
0x3e: {  	_ =	shalt  }
0x3f: {  	_ =	shalt  }
0x40: {  	_ =	shalt  }
0x41: {  	_ =	shalt  }
0x42: {  	_ =	shalt  }
0x43: {  	_ =	shalt  }
0x44: {  	_ =	shalt  }
0x45: {  	_ =	shalt  }
0x46: {  	_ =	shalt  }
0x47: {  	_ =	shalt  }
0x48: {  	_ =	shalt  }
0x49: {  	_ =	shalt  }
0x4a: {  	_ =	shalt  }
0x4b: {  	_ =	shalt  }
0x4c: {  	_ =	shalt  }
0x4d: {  	_ =	shalt  }
0x4e: {  	_ =	shalt  }
0x4f: {  	_ =	shalt  }
0x50: {  	_ =	shalt  }
0x51: {  	_ =	shalt  }
0x52: {  	_ =	shalt  }
0x53: {  	_ =	shalt  }
0x54: {  	_ =	shalt  }
0x55: {  	_ =	shalt  }
0x56: {  	_ =	shalt  }
0x57: {  	_ =	shalt  }
0x58: {  	_ =	shalt  }
0x59: {  	_ =	shalt  }
0x5a: {  	_ =	shalt  }
0x5b: {  	_ =	shalt  }
0x5c: {  	_ =	shalt  }
0x5d: {  	_ =	shalt  }
0x5e: {  	_ =	shalt  }
0x5f: {  	_ =	shalt  }
0x60: {  	_ =	shalt  }
0x61: {  	_ =	shalt  }
0x62: {  	_ =	shalt  }
0x63: {  	_ =	shalt  }
0x64: {  	_ =	shalt  }
0x65: {  	_ =	shalt  }
0x66: {  	_ =	shalt  }
0x67: {  	_ =	shalt  }
0x68: {  	_ =	shalt  }
0x69: {  	_ =	shalt  }
0x6a: {  	_ =	shalt  }
0x6b: {  	_ =	shalt  }
0x6c: {  	_ =	shalt  }
0x6d: {  	_ =	shalt  }
0x6e: {  	_ =	shalt  }
0x6f: {  	_ =	shalt  }
0x70: {  	_ =	shalt  }
0x71: {  	_ =	shalt  }
0x72: {  	_ =	shalt  }
0x73: {  	_ =	shalt  }
0x74: {  	_ =	shalt  }
0x75: {  	_ =	shalt  }
0x76: {  	_ =	shalt  }
0x77: {  	_ =	shalt  }
0x78: {  	_ =	shalt  }
0x79: {  	_ =	shalt  }
0x7a: {  	_ =	shalt  }
0x7b: {  	_ =	shalt  }
0x7c: {  	_ =	shalt  }
0x7d: {  	_ =	shalt  }
0x7e: {  	_ =	shalt  }
0x7f: {  	_ =	shalt  }
0x80: {  	_ =	shalt  }
0x81: {  	_ =	shalt  }
0x82: {  	_ =	shalt  }
0x83: {  	_ =	shalt  }
0x84: {  	_ =	shalt  }
0x85: {  	_ =	shalt  }
0x86: {  	_ =	shalt  }
0x87: {  	_ =	shalt  }
.Lfunc_end0:
.L_simem_size_0:
called_computation.2_lowered:
.L_overlay_start_0:
0x88: {  	s2 =	sld [smem:$0x3FD9]  }
0x89: {  	s3 =	sld [smem:$0x3FFE];
	_ =	sdelay $0x1  }
0x8a: {  	s1 =	srdreg.scid  }
0x8b: {  	s0 =	sand.u32 $0x1, s1  }
0x8c: {  	s16 =	sshll.u32 s0, $0xA;
	s2 =	sadd.s32 s3, s2  }
0x8d: {  	s2 =	sadd.s32 s2, s16  }
0x8e: {  	[smem:$0x3FA8] =	sst s2  }
0x8f: {  	_ = 	snop  }
0x90: {  	(tm) =	ssettm $0x1  }
0x91: {  	s17 =	sld [smem:$0x3FFB];
	_ =	sdelay $0x3  }
0x92: {  	_ =	strace s17  }
0x93: {  	s2 =	sld [smem:$0x3FFC];
	_ =	sdelay $0x3  }
0x94: {  	_ =	strace s2  }
0x95: {  	s2 =	sld [smem:$0x3FFD];
	_ =	sdelay $0x3  }
0x96: {  	_ =	strace s2  }
0x97: {  	_ =	strace $0x8FFFFFFF  }
0x98: {  	s18 =	sld [smem:$0x3FDB];
	_ =	sdelay $0x1  }
0x99: {  	s19 =	simm.s32 $_scs_section_size  }
0x9a: {  	s4 =	simm.s32 $_size__tile_overlayer_lowered;
	s5 =	simm.s32 $_tile_overlayer_lowered  }
0x9b: {  	s22 =	simm.s32 $0x1BFF;
	s21 =	sshll.u32 s5, $0x1;
	s2 =	sadd.s32 s19, s18  }
0x9c: {  	s6 =	simm.s32 $0x0;
	s20 =	sshll.u32 s4, $0x1;
	s4 =	sadd.s32 s21, s2  }
0x9d: {  	[timem:s6], [sflag:s22] =	dma.local [hbm:s4], s20  }
0x9e: {  	_ =	swait.ge [sflag:s22], s20  }
0x9f: {  	s3 =	ssub.s32 $0x0, s20;
	[sflag:s22] =	ssyncset.done $0x0  }
0xa0: {  	[sflag:s22] =	ssyncadd.s32 s3;
	_ =	sdelay $0x1  }
0xa1: {  	s23 =	simm.s32 $0x1B8B  }
0xa2: {  	_ =	swait.ge [sflag:s23], $0x1  }
0xa3: {  	[sflag:s23] =	ssyncset.done $0x0  }
0xa4: {  	s25 =	simm.s32 $0x1B8E;
	s24 =	sld [smem:$0x3FFE];
	[sflag:s23] =	ssyncadd.s32 $0xFFFFFFFF  }
0xa5: {  	s26 =	simm.s32 $execute0_lowered;
	[smem:$0x3FD2] =	sst s25  }
0xa6: {  	s4 =	sshll.u32 s26, $0x1;
	_ =	strace $0x8000004C;
	[dreg:$0x1] =	wrdreg $0xFFFFFFFF  }
0xa7: {  	s28 =	simm.s32 $_size_execute0_lowered;
	s2 =	sadd.s32 s2, s4;
	[dreg:$0x0] =	wrdreg $0x0  }
0xa8: {  	s4 =	sshll.u32 s28, $0x1;
	[dreg:$0x2] =	wrdreg s2  }
0xa9: {  	[dreg:$0x3] =	wrdreg s4  }
0xaa: {  	[dreg:$0x4] =	wrdreg $0xC0  }
0xab: {  	_ =	task [dreg:s6], $0x5FFFF  }
0xac: {  	[dreg:$0x1] =	wrdreg $0xFFFFFFFF  }
0xad: {  	[dreg:$0x0] =	wrdreg $0x60  }
0xae: {  	[dreg:$0x2] =	wrdreg s24  }
0xaf: {  	[dreg:$0x3] =	wrdreg $0x0  }
0xb0: {  	[dreg:$0x4] =	wrdreg $0x9  }
0xb1: {  	_ =	task.clear_ibuf [dreg:s6], $0x5FFFF;
	_ =	strace $0x9000004C  }
0xb2: {  	s29 =	simm.s32 $0x9;
	_ =	strace $0x8000004E  }
0xb3: {  	_ =	swait.ge [sflag:s29], $0x1  }
0xb4: {  	[sflag:s29] =	ssyncadd.s32 $0xFFFFFFFF  }
0xb5: {  	_ =	strace $0x9000004E  }
0xb6: {  	_ =	sfence  }
0xb7: {  	s30 =	sld [smem:$0x0];
	_ =	sdelay $0x2  }
0xb8: {  	s31 =	sshll.u32 s1, $0xD;
	s1 =	sshrl.u32 s1, $0x2  }
0xb9: {  	s3 =	sand.u32 $0x4000, s31;
	s1 =	sadd.s32 s1, s30  }
0xba: {  	s0 =	sor.u32 s3, s0;
	s1 =	sshll.u32 s1, $0x11  }
0xbb: {  	s0 =	sor.u32 s1, s0  }
0xbc: {  	s0 =	sadd.s32 $0x8F2B, s0  }
0xbd: {  	[sflag:s0] =	ssyncadd.remote.s32 $0x1  }
0xbe: {  	_ =	sfence.sel $0xFFFF  }
0xbf: {  	[dreg:$0x0] =	wrdreg $0xFFFFFFFF;
	(pc) =	sbr.abs _section_cstart, $3  }
0xc0: {  	[dreg:$0x1] =	wrdreg $0xFFFFFFFF  }
0xc1: {  	_ =	task.clear_ibuf [dreg:s6], $0x2FFFF;
	_ =	strace $0x9FFFFFFF  }
0xc2: {  	(tm) =	ssettm $0x7FFFFFFF  }
0xc3: {  	_ =	shalt  }
tec
execute0_lowered:
.L_overlay_start_1:
0x0: {  	(tag) =	ssettag $0x1  }
0x1: {  	s0 =	srdreg.scid;
	s1 =	rddreg [dreg:$0x0]  }
0x2: {  	s14 =	stileid.u32;
	s2 =	rddreg [dreg:$0x1]  }
0x3: {  	s6 =	simm.s32 $0x0;
	s18 =	simm.s32 $0x13880;
	s20 =	simm.s32 $0x18  }
0x4: {  	s21 =	simm.s32 $0x1A000;
	s29 =	simm.s32 $0x1C000;
	s31 =	simm.s32 $0x1C800  }
0x5: {  	s16 =	simm.s32 $0x1DC00;
	s19 =	simm.s32 $0x1E800;
	s28 =	simm.s32 $0x2  }
0x6: {  	s17 =	simm.s32 $0x15F68;
	s30 =	simm.s32 $0x15F80;
	s0 =	sand.u32 $0x1, s0  }
0x7: {  	s5 =	sshll.u32 s14, $0x7;
	[smem:$0x7FF] =	sst s6;
	s7 =	smul.u32 $0x13800, s14  }
0x8: {  	s22 =	smul.u32 $0x4E000, s14;
	s11 =	sadd.s32 $0x6D800, s1;
	s24 =	sshll.u32 s14, $0x6  }
0x9: {  	p0 =	sne.s32 s14, $0xF;
	s3 =	sshll.u32 s0, $0x4;
	s5 =	sand.u32 $0x380, s5  }
0xa: {  	_ =	strace $0x8000004D;
	s9 =	ssub.s32 $0x2, s0;
	s0 =	smul.u32 $0x138800, s0  }
0xb: {  	s3 =	sor.u32 s14, s3;
	s8 =	sshrl.u32 s7, $0x3;
	s10 =	sshrl.u32 s9, $0x1  }
0xc: {  	s6 =	sshrl.u32 s22, $0x2;
	s14 =	simm.s32 $0x3;
	s22 =	simm.s32 $0x10  }
0xd: {  	s4 =	sshrl.u32 s3, $0x3;
	s3 =	sshll.u32 s3, $0xB;
	s8 =	sadd.s32 s8, s1  }
0xe: {  	s9 =	ssub.s32 s9, s10;
	s13 =	sadd.s32 s6, s2;
	s6 =	sor.u32 $0x1C03, s24  }
0xf: {  	s26 =	sadd.s32 s7, s0;
	s0 =	sshrl.u32 s0, $0x3;
	s24 =	simm.s32 $0x1AC00  }
0x10: {  	s4 =	smul.u32 $0x13C00, s4;
	s3 =	sadd.s32 s3, s1;
	s23 =	sadd.s32 $0x46600, s8  }
0x11: {  	s8 =	sadd.s32 $0x138000, s2;
	s0 =	sadd.s32 s11, s0;
	s12 =	smax.u32 s9, $0x1  }
0x12: {  	s13 =	sshrl.u32 s13, $0x3;
	[dreg:$0x3] =	wrdreg s23;
	s3 =	sadd.s32 $0x5600, s3  }
0x13: {  	s15 =	sshrl.u32 @!p0 s8, $0x3;
	s23 =	simm.s32 $0x1;
	s5 =	sor.u32 s5, s4  }
0x14: {  	s4 =	sadd.s32 $0x1F400, s1;
	[dreg:$0x6] =	wrdreg s3;
	s5 =	sshrl.u32 s5, $0x3  }
0x15: {  	s3 =	simm.s32 $0x15F58;
	s5 =	sadd.s32 s5, s1;
	s1 =	sadd.s32 $0x6D600, s1  }
0x16: {  	[dreg:$0x4] =	wrdreg s1;
	s25 =	sadd.s32 $0x15600, s5;
	s1 =	sshrl.u32 s26, $0x3  }
0x17: {  	s26 =	simm.s32 $0x1B400;
	s5 =	simm.s32 $0x0;
	[dreg:$0x5] =	wrdreg s25  }
0x18: {  	s1 =	sadd.s32 s11, s1;
	s11 =	sadd.s32 $0x27000, s0;
	s0 =	simm.s32 $0x1D400  }
0x19: {  	s25 =	simm.s32 $0x50;
	[dreg:$0x7] =	wrdreg s1;
	s1 =	simm.s32 $0x15F40  }
.LBB2_1:
0x1a: {  	s7 =	rddreg [dreg:$0x3]  }
0x1b: {  	[spmem:s13], [sflag:s6] =	dma.local [hbm:s7], $0x2700  }
0x1c: {  	_ =	swait.ge [sflag:s14], $0x2700  }
0x1d: {  	[sflag:s14] =	ssyncset.done $0x0  }
0x1e: {  	s7 =	rddreg [dreg:$0x4];
	[sflag:s14] =	ssyncadd.s32 $0xFFFFD900  }
0x1f: {  	[spmem:s15], [sflag:s6] =	dma.local @!p0 [hbm:s7], $0x100  }
0x20: {  	s7 =	simm.s32 @!p0 $0x3  }
0x21: {  	_ =	swait.ge @!p0 [sflag:s7], $0x100  }
0x22: {  	s8 =	simm.s32 $0x80;
	[sflag:s7] =	ssyncset.done @!p0 $0x0  }
0x23: {  	s9 =	simm.s32 $0x400;
	s10 =	rddreg [dreg:$0x5];
	[sflag:s7] =	ssyncadd.s32 @!p0 $0xFFFFFF00  }
0x24: {  	[tilespmem:s18], [sflag:$0x3] =	stream.strided.gather [hbm4b:s10+s8], $0x2780, s9, s8, $0x38;
	[tilespmem:$0x1F000] =	vst v63  }
0x25: {  	_ =	swait.ge [sflag:s14], $0x2780  }
0x26: {  	s8 =	simm.s32 $0x0;
	[sflag:s14] =	ssyncset.done $0x0  }
0x27: {  	s10 =	simm.s32 $0x16000;
	s9 =	rddreg [dreg:$0x6];
	[sflag:s14] =	ssyncadd.s32 $0xFFFFD880  }
0x28: {  	[tilespmem:s10], [sflag:$0x3] =	stream.linear.gather [hbm4b:s9+s8], $0x3E80, $0x38;
	[tilespmem:$0x1F000] =	vst v63  }
0x29: {  	_ =	swait.ge [sflag:s14], $0x3E80  }
0x2a: {  	[sflag:s14] =	ssyncset.done $0x0  }
0x2b: {  	[sflag:s14] =	ssyncadd.s32 $0xFFFFC180  }
0x2c: {  	[bflag:$0x0] =	sbarrier.arrive $0xFFFF  }
0x2d: {  	[tilespmem:s21], [sflag:$0x1] =	stream.indirect.gather [hbm4b:s4+s20], $0x80, s18, s20, $0xb8;
	[tilespmem:$0x1F000] =	vst v63  }
0x2e: {  	s10 =	simm.s32 $0x13898  }
0x2f: {  	[tilespmem:s24], [sflag:$0x1] =	stream.indirect.gather [hbm4b:s4+s22], $0x80, s10, s22, $0xb8;
	[tilespmem:$0x1F000] =	vst v63  }
0x30: {  	s8 =	simm.s32 $0x138A8  }
0x31: {  	[tilespmem:s26], [sflag:$0x1] =	stream.indirect.gather [hbm4b:s4+s20], $0x80, s8, s20, $0xb8;
	[tilespmem:$0x1F000] =	vst v63  }
0x32: {  	s9 =	simm.s32 $0x138C0  }
0x33: {  	[tilespmem:s29], [sflag:$0x1] =	stream.indirect.gather [hbm4b:s4+s22], $0x80, s9, s22, $0xb8;
	[tilespmem:$0x1F000] =	vst v63  }
0x34: {  	s10 =	simm.s32 $0x138D0  }
0x35: {  	[tilespmem:s31], [sflag:$0x2] =	stream.indirect.gather [hbm4b:s4+s20], $0x80, s10, s20, $0xb8;
	[tilespmem:$0x1F000] =	vst v63  }
0x36: {  	s8 =	simm.s32 $0x138E8  }
0x37: {  	[tilespmem:s0], [sflag:$0x2] =	stream.indirect.gather [hbm4b:s4+s22], $0x80, s8, s22, $0xb8;
	[tilespmem:$0x1F000] =	vst v63  }
0x38: {  	s9 =	simm.s32 $0x138F8  }
0x39: {  	[tilespmem:s16], [sflag:$0x2] =	stream.indirect.gather [hbm4b:s4+s20], $0x80, s9, s20, $0xb8;
	[tilespmem:$0x1F000] =	vst v63  }
0x3a: {  	s10 =	simm.s32 $0x13910  }
0x3b: {  	[tilespmem:s19], [sflag:$0x2] =	stream.indirect.gather [hbm4b:s4+s22], $0x80, s10, s22, $0xb8;
	[tilespmem:$0x1F000] =	vst v63  }
0x3c: {  	_ =	swait.ge [sflag:s23], $0x2800  }
0x3d: {  	[sflag:s23] =	ssyncset.done $0x0  }
0x3e: {  	s8 =	simm.s32 $0x16000;
	[sflag:s23] =	ssyncadd.s32 $0xFFFFD800  }
0x3f: {  	[spmem:s2] =	stream.indirect.scatter.add.f32 [tilespmem:s21], [sflag:$0x3], $0x80, s8, s25, $0xb8;
	[tilespmem:$0x1F000] =	vst v63  }
0x40: {  	_ =	swait.ge [sflag:s14], $0x2800  }
0x41: {  	[sflag:s14] =	ssyncset.done $0x0  }
0x42: {  	s9 =	simm.s32 $0x13920;
	[sflag:s14] =	ssyncadd.s32 $0xFFFFD800  }
0x43: {  	[tilespmem:s21], [sflag:$0x1] =	stream.indirect.gather [hbm4b:s4+s20], $0x80, s9, s20, $0xb8;
	[tilespmem:$0x1F000] =	vst v63  }
0x44: {  	s10 =	simm.s32 $0x13938  }
0x45: {  	[tilespmem:s24], [sflag:$0x1] =	stream.indirect.gather [hbm4b:s4+s22], $0x80, s10, s22, $0xb8;
	[tilespmem:$0x1F000] =	vst v63  }
0x46: {  	s8 =	simm.s32 $0x13948  }
0x47: {  	[tilespmem:s26], [sflag:$0x1] =	stream.indirect.gather [hbm4b:s4+s20], $0x80, s8, s20, $0xb8;
	[tilespmem:$0x1F000] =	vst v63  }
0x48: {  	s9 =	simm.s32 $0x13960  }
0x49: {  	[tilespmem:s29], [sflag:$0x1] =	stream.indirect.gather [hbm4b:s4+s22], $0x80, s9, s22, $0xb8;
	[tilespmem:$0x1F000] =	vst v63  }
0x4a: {  	_ =	swait.ge [sflag:s28], $0x2800  }
0x4b: {  	[sflag:s28] =	ssyncset.done $0x0  }
0x4c: {  	s10 =	simm.s32 $0x16080;
	[sflag:s28] =	ssyncadd.s32 $0xFFFFD800  }
0x4d: {  	[spmem:s2] =	stream.indirect.scatter.add.f32 [tilespmem:s31], [sflag:$0x3], $0x80, s10, s25, $0xb8;
	[tilespmem:$0x1F000] =	vst v63  }
0x4e: {  	_ =	swait.ge [sflag:s14], $0x2800  }
0x4f: {  	[sflag:s14] =	ssyncset.done $0x0  }
0x50: {  	s8 =	simm.s32 $0x13970;
	[sflag:s14] =	ssyncadd.s32 $0xFFFFD800  }
0x51: {  	[tilespmem:s31], [sflag:$0x2] =	stream.indirect.gather [hbm4b:s4+s20], $0x80, s8, s20, $0xb8;
	[tilespmem:$0x1F000] =	vst v63  }
0x52: {  	s7 =	simm.s32 $0x280;
	s9 =	simm.s32 $0x13988  }
0x53: {  	[tilespmem:s0], [sflag:$0x2] =	stream.indirect.gather [hbm4b:s4+s22], $0x80, s9, s22, $0xb8;
	[tilespmem:$0x1F000] =	vst v63  }
0x54: {  	s10 =	simm.s32 $0x13998;
	s8 =	simm.s32 $0x16180;
	s9 =	simm.s32 $0x139B0  }
0x55: {  	[tilespmem:s16], [sflag:$0x2] =	stream.indirect.gather [hbm4b:s4+s20], $0x80, s10, s20, $0xb8;
	[tilespmem:$0x1F000] =	vst v63  }
.LBB2_2:
0x56: {  	[tilespmem:s19], [sflag:$0x2] =	stream.indirect.gather [hbm4b:s4+s22], $0x80, s9, s22, $0xb8;
	[tilespmem:$0x1F000] =	vst v63  }
0x57: {  	s9 =	smov.u32 s7  }
0x58: {  	p1 =	sne.s32 s7, $0x9600;
	s7 =	sadd.s32 $0x280, s7;
	_ =	swait.ge [sflag:s23], $0x2800  }
0x59: {  	[sflag:s23] =	ssyncset.done $0x0  }
0x5a: {  	s10 =	sadd.s32 $0xFFFFFF80, s8;
	[sflag:s23] =	ssyncadd.s32 $0xFFFFD800  }
0x5b: {  	[spmem:s2] =	stream.indirect.scatter.add.f32 [tilespmem:s21], [sflag:$0x3], $0x80, s10, s25, $0xb8;
	[tilespmem:$0x1F000] =	vst v63  }
0x5c: {  	_ =	swait.ge [sflag:s14], $0x2800  }
0x5d: {  	s9 =	sshra.s32 s9, $0x2;
	[sflag:s14] =	ssyncset.done $0x0  }
0x5e: {  	s10 =	sadd.s32 $0x13920, s9;
	[sflag:s14] =	ssyncadd.s32 $0xFFFFD800  }
0x5f: {  	[tilespmem:s21], [sflag:$0x1] =	stream.indirect.gather [hbm4b:s4+s20], $0x80, s10, s20, $0xb8;
	[tilespmem:$0x1F000] =	vst v63  }
0x60: {  	s10 =	sadd.s32 $0x13938, s9  }
0x61: {  	[tilespmem:s24], [sflag:$0x1] =	stream.indirect.gather [hbm4b:s4+s22], $0x80, s10, s22, $0xb8;
	[tilespmem:$0x1F000] =	vst v63  }
0x62: {  	s10 =	sadd.s32 $0x13948, s9  }
0x63: {  	[tilespmem:s26], [sflag:$0x1] =	stream.indirect.gather [hbm4b:s4+s20], $0x80, s10, s20, $0xb8;
	[tilespmem:$0x1F000] =	vst v63  }
0x64: {  	s10 =	sadd.s32 $0x13960, s9  }
0x65: {  	[tilespmem:s29], [sflag:$0x1] =	stream.indirect.gather [hbm4b:s4+s22], $0x80, s10, s22, $0xb8;
	[tilespmem:$0x1F000] =	vst v63  }
0x66: {  	_ =	swait.ge [sflag:s28], $0x2800  }
0x67: {  	[sflag:s28] =	ssyncset.done $0x0  }
0x68: {  	[sflag:s28] =	ssyncadd.s32 $0xFFFFD800  }
0x69: {  	[spmem:s2] =	stream.indirect.scatter.add.f32 [tilespmem:s31], [sflag:$0x3], $0x80, s8, s25, $0xb8;
	[tilespmem:$0x1F000] =	vst v63  }
0x6a: {  	_ =	swait.ge [sflag:s14], $0x2800  }
0x6b: {  	[sflag:s14] =	ssyncset.done $0x0  }
0x6c: {  	s10 =	sadd.s32 $0x13970, s9;
	[sflag:s14] =	ssyncadd.s32 $0xFFFFD800  }
0x6d: {  	[tilespmem:s31], [sflag:$0x2] =	stream.indirect.gather [hbm4b:s4+s20], $0x80, s10, s20, $0xb8;
	[tilespmem:$0x1F000] =	vst v63  }
.Ltmp0:
0x6e: {  	s10 =	sadd.s32 $0x13988, s9;
	(pc) =	sbr.rel @p1 .LBB2_2-.Ltmp0, $4  }
0x6f: {  	[tilespmem:s0], [sflag:$0x2] =	stream.indirect.gather [hbm4b:s4+s22], $0x80, s10, s22, $0xb8;
	[tilespmem:$0x1F000] =	vst v63  }
0x70: {  	s10 =	sadd.s32 $0x13998, s9  }
0x71: {  	[tilespmem:s16], [sflag:$0x2] =	stream.indirect.gather [hbm4b:s4+s20], $0x80, s10, s20, $0xb8;
	[tilespmem:$0x1F000] =	vst v63  }
0x72: {  	s8 =	sadd.s32 $0x100, s8;
	s9 =	sadd.s32 $0x139B0, s9  }
0x73: {  	[tilespmem:s19], [sflag:$0x2] =	stream.indirect.gather [hbm4b:s4+s22], $0x80, s9, s22, $0xb8;
	[tilespmem:$0x1F000] =	vst v63  }
0x74: {  	_ =	swait.ge [sflag:s23], $0x2800  }
0x75: {  	[sflag:s23] =	ssyncset.done $0x0  }
0x76: {  	s7 =	simm.s32 $0x19D00;
	[sflag:s23] =	ssyncadd.s32 $0xFFFFD800  }
0x77: {  	[spmem:s2] =	stream.indirect.scatter.add.f32 [tilespmem:s21], [sflag:$0x3], $0x80, s7, s25, $0xb8;
	[tilespmem:$0x1F000] =	vst v63  }
0x78: {  	_ =	swait.ge [sflag:s14], $0x2800  }
0x79: {  	[sflag:s14] =	ssyncset.done $0x0  }
0x7a: {  	[sflag:s14] =	ssyncadd.s32 $0xFFFFD800  }
0x7b: {  	[tilespmem:s21], [sflag:$0x1] =	stream.indirect.gather [hbm4b:s4+s20], $0x80, s1, s20, $0xb8;
	[tilespmem:$0x1F000] =	vst v63  }
0x7c: {  	_ = 	snop  }
0x7d: {  	[tilespmem:s24], [sflag:$0x1] =	stream.indirect.gather [hbm4b:s4+s22], $0x80, s3, s22, $0xb8;
	[tilespmem:$0x1F000] =	vst v63  }
0x7e: {  	_ = 	snop  }
0x7f: {  	[tilespmem:s26], [sflag:$0x1] =	stream.indirect.gather [hbm4b:s4+s20], $0x80, s17, s20, $0xb8;
	[tilespmem:$0x1F000] =	vst v63  }
0x80: {  	_ = 	snop  }
0x81: {  	[tilespmem:s29], [sflag:$0x1] =	stream.indirect.gather [hbm4b:s4+s22], $0x80, s30, s22, $0xb8;
	[tilespmem:$0x1F000] =	vst v63  }
0x82: {  	_ =	swait.ge [sflag:s28], $0x2800  }
0x83: {  	[sflag:s28] =	ssyncset.done $0x0  }
0x84: {  	s8 =	simm.s32 $0x19D80;
	[sflag:s28] =	ssyncadd.s32 $0xFFFFD800  }
0x85: {  	[spmem:s2] =	stream.indirect.scatter.add.f32 [tilespmem:s31], [sflag:$0x3], $0x80, s8, s25, $0xb8;
	[tilespmem:$0x1F000] =	vst v63  }
0x86: {  	_ =	swait.ge [sflag:s14], $0x2800  }
0x87: {  	[sflag:s14] =	ssyncset.done $0x0  }
0x88: {  	[sflag:s14] =	ssyncadd.s32 $0xFFFFD800  }
0x89: {  	[tilespmem:s31], [sflag:$0x2] =	stream.indirect.gather [hbm4b:s4+s20], $0x80, s1, s20, $0xb8;
	[tilespmem:$0x1F000] =	vst v63  }
0x8a: {  	_ = 	snop  }
0x8b: {  	[tilespmem:s0], [sflag:$0x2] =	stream.indirect.gather [hbm4b:s4+s22], $0x80, s3, s22, $0xb8;
	[tilespmem:$0x1F000] =	vst v63  }
0x8c: {  	_ = 	snop  }
0x8d: {  	[tilespmem:s16], [sflag:$0x2] =	stream.indirect.gather [hbm4b:s4+s20], $0x80, s17, s20, $0xb8;
	[tilespmem:$0x1F000] =	vst v63  }
0x8e: {  	_ = 	snop  }
0x8f: {  	[tilespmem:s19], [sflag:$0x2] =	stream.indirect.gather [hbm4b:s4+s22], $0x80, s30, s22, $0xb8;
	[tilespmem:$0x1F000] =	vst v63  }
0x90: {  	_ =	swait.ge [sflag:s23], $0x2800  }
0x91: {  	[sflag:s23] =	ssyncset.done $0x0  }
0x92: {  	s9 =	simm.s32 $0x19E00;
	[sflag:s23] =	ssyncadd.s32 $0xFFFFD800  }
0x93: {  	[spmem:s2] =	stream.indirect.scatter.add.f32 [tilespmem:s21], [sflag:$0x3], $0x80, s9, s25, $0xb8;
	[tilespmem:$0x1F000] =	vst v63  }
0x94: {  	_ =	swait.ge [sflag:s14], $0x2800  }
0x95: {  	[sflag:s14] =	ssyncset.done $0x0  }
0x96: {  	[sflag:s14] =	ssyncadd.s32 $0xFFFFD800  }
0x97: {  	_ =	swait.ge [sflag:s28], $0x2800  }
0x98: {  	[sflag:s28] =	ssyncset.done $0x0  }
0x99: {  	[sflag:s28] =	ssyncadd.s32 $0xFFFFD800  }
0x9a: {  	[bflag:$0x0] =	sbarrier.arrive $0xFFFF  }
0x9b: {  	s10 =	rddreg [dreg:$0x7]  }
0x9c: {  	[hbm:s10], [sflag:s6] =	dma.local [spmem:s13], $0x2700  }
0x9d: {  	s5 =	sadd.s32 $0x1, s5;
	_ =	swait.ge [sflag:s14], $0x2700  }
0x9e: {  	p1 =	sne.s32 s5, s12;
	[sflag:s14] =	ssyncset.done $0x0  }
.Ltmp1:
0x9f: {  	s7 =	simm.s32 @!p0 $0x3;
	[sflag:s14] =	ssyncadd.s32 $0xFFFFD900;
	(pc) =	sbr.rel @p1 .LBB2_1-.Ltmp1, $4  }
0xa0: {  	[hbm:s11], [sflag:s6] =	dma.local @!p0 [spmem:s15], $0x100  }
0xa1: {  	_ =	swait.ge @!p0 [sflag:s7], $0x100  }
0xa2: {  	[sflag:s7] =	ssyncset.done @!p0 $0x0  }
0xa3: {  	[sflag:s7] =	ssyncadd.s32 @!p0 $0xFFFFFF00  }
0xa4: {  	_ =	sfence.sel $0x180000  }
0xa5: {  	[bflag:$0x0] =	sbarrier.arrive $0xFFFF  }
0xa6: {  	_ =	strace $0x9000004D  }
0xa7: {  	s0 =	stileid.u32;
	[bflag:$0x2] =	sbarrier.arrive $0xFFFF  }
0xa8: {  	p0 =	sne.s32 s0, $0x0;
	s0 =	rddreg [dreg:$0x2]  }
0xa9: {  	s0 =	sadd.s32 @!p0 $0x100000, s0  }
0xaa: {  	[sflag:s0] =	ssyncadd.tile.s32 @!p0 $0x1;
	_ =	shalt  }
.Lfunc_end2:
_tile_overlayer_lowered:
.L_overlay_start_2:
0xab: {  	(tag) =	ssettag $0x2  }
0xac: {  	s0 =	rddreg [dreg:$0x0];
	s2 =	stileid.u32  }
0xad: {  	s1 =	rddreg [dreg:$0x1];
	p0 =	sne.s32 s2, $0x0  }
0xae: {  	s3 =	rddreg [dreg:$0x2];
	[bflag:$0x3] =	sbarrier.arrive $0xFFFF;
	s2 =	simm.s32 @!p0 $0x1C03  }
0xaf: {  	[timem:s3], [sflag:s2] =	dma.local @!p0 [hbm:s0], s1  }
0xb0: {  	s0 =	simm.s32 @!p0 $0x3  }
0xb1: {  	_ =	swait.ge @!p0 [sflag:s0], s1  }
0xb2: {  	s1 =	ssub.s32 @!p0 $0x0, s1;
	[sflag:s0] =	ssyncset.done @!p0 $0x0  }
0xb3: {  	[sflag:s0] =	ssyncadd.s32 @!p0 s1  }
0xb4: {  	[bflag:$0x3] =	sbarrier.arrive $0xFFFF  }
0xb5: {  	_ =	shalt  }

// kernel: kernel.20.cloned.1.call-start
scs
__scs_entry_jumppad:
0x0: {  	(pc) =	sbr.rel $0x88, $3  }
0x1: {  	(tag) =	ssettag $0x0;
	lr =	simm.s32 $0x1  }
0x2: {  	[smem:$0x3F81] =	sst lr;
	_ =	strace $0xD0000000  }
0x3: {  	_ = 	snop  }
0x4: {  	_ = 	snop  }
0x5: {  	_ = 	snop  }
0x6: {  	_ = 	snop  }
0x7: {  	_ = 	snop  }
__scs_overlays_trampoline_lowered:
0x8: {  	[smem:$0x3F90] =	sst s0  }
0x9: {  	[smem:$0x3F91] =	sst s1  }
0xa: {  	[smem:$0x3F92] =	sst s2  }
0xb: {  	[smem:$0x3F93] =	sst s3  }
0xc: {  	[smem:$0x3F94] =	sst s4  }
0xd: {  	[smem:$0x3F95] =	sst s5  }
0xe: {  	[smem:$0x3F96] =	sst s6  }
0xf: {  	[smem:$0x3F97] =	sst s7  }
0x10: {  	[smem:$0x3F98] =	sst s8  }
0x11: {  	[smem:$0x3F99] =	sst s9;
	s0 =	simm.s32 @!p0 $0x0  }
0x12: {  	s1 =	sld [smem:$0x3F7F];
	s0 =	simm.s32 @p0 $0x1  }
0x13: {  	[smem:$0x3F9A] =	sst s0;
	s0 =	simm.s32 @!p1 $0x0  }
0x14: {  	s2 =	sld [smem:$0x3F7E];
	s0 =	simm.s32 @p1 $0x1  }
0x15: {  	[smem:$0x3F9B] =	sst s0;
	s0 =	simm.s32 @!p2 $0x0  }
0x16: {  	s3 =	sld [smem:$0x3FDB];
	s0 =	simm.s32 @p2 $0x1  }
0x17: {  	s4 =	simm.s32 $0x1BF5;
	[smem:$0x3F9D] =	sst s0  }
0x18: {  	s0 =	sld [smem:$0x3F80];
	_ =	swait.ge [sflag:s4], $0x0  }
0x19: {  	s7 =	sld [smem:$0x3F81]  }
0x1a: {  	s8 =	sadd.s32 $0xFFFFE003, lr  }
0x1b: {  	s9 =	sadd.s32 $0xFFFFFEF7, lr;
	s5 =	simm.s32 $0xFFFFFFFF;
	p2 =	slt.u32 s8, $0xFFFFF086  }
0x1c: {  	p1 =	slt.u32 s9, $0xF7A;
	s5 =	simm.s32 @!p2 $0x0  }
0x1d: {  	s5 =	simm.s32 @p1 $0x1;
	p0 =	seq.s32 s7, s2  }
0x1e: {  	s7 =	smul.u32 @!p0 $0xF7A, s2;
	p2 =	seq.s32 @!p0 s5, $0x0  }
0x1f: {  	s9 =	smul.u32 $0xF7A, s1;
	s8 =	simm.s32 @!p0 $0x1BF5;
	p2 =	por !p2, p0  }
0x20: {  	[sflag:s8] =	ssyncset.s32 @!p0 $0xFFFFF086;
	s6 =	sadd.s32 @!p0 s3, s7;
	s7 =	simm.s32 @!p0 $0x108  }
0x21: {  	s3 =	sadd.s32 s3, s9;
	s6 =	sadd.s32 @!p0 $0x88, s6;
	s7 =	simm.s32 @p2 $0x1082  }
0x22: {  	[simem:s7], [sflag:s8] =	dma.local @!p0 [hbm:s6], $0xF7A  }
0x23: {  	s9 =	sor.u32 $0xD0000000, s2;
	s6 =	simm.s32 $0x108;
	_ =	swait.ge @!p0 [sflag:s8], $0x0  }
0x24: {  	s3 =	sadd.s32 $0x88, s3;
	s6 =	simm.s32 @!p1 $0x1082;
	[sflag:s4] =	ssyncset.s32 $0xFFFFF086  }
0x25: {  	[simem:s6], [sflag:s4] =	dma.local [hbm:s3], $0xF7A  }
0x26: {  	[smem:$0x3F81] =	sst s1;
	(tag) =	ssettag s2;
	_ =	strace s9  }
0x27: {  	s1 =	sld [smem:$0x3F91]  }
0x28: {  	s2 =	sld [smem:$0x3F92]  }
0x29: {  	s4 =	sld [smem:$0x3F94]  }
0x2a: {  	p0 =	seq.s32 s5, $0x0;
	s5 =	sld [smem:$0x3F95]  }
0x2b: {  	s6 =	sld [smem:$0x3F96]  }
0x2c: {  	s7 =	sld [smem:$0x3F97]  }
0x2d: {  	s3 =	simm.s32 $0x108;
	s8 =	sld [smem:$0x3F98]  }
0x2e: {  	s3 =	simm.s32 @!p0 $0x1082;
	s9 =	sld [smem:$0x3F99]  }
0x2f: {  	lr =	sadd.s32 s0, s3;
	s0 =	sld [smem:$0x3F90]  }
0x30: {  	s3 =	sld [smem:$0x3F93]  }
0x31: {  	[smem:$0x3F9C] =	sst s10  }
0x32: {  	s10 =	sld [smem:$0x3F9A];
	_ =	sdelay $0x3  }
0x33: {  	p0 =	seq.s32 s10, $0x1;
	s10 =	sld [smem:$0x3F9C];
	_ =	sdelay $0x3  }
0x34: {  	[smem:$0x3F9C] =	sst s10  }
0x35: {  	s10 =	sld [smem:$0x3F9B];
	_ =	sdelay $0x3  }
0x36: {  	p1 =	seq.s32 s10, $0x1;
	s10 =	sld [smem:$0x3F9C];
	_ =	sdelay $0x3  }
0x37: {  	[smem:$0x3F9C] =	sst s10  }
0x38: {  	s10 =	sld [smem:$0x3F9D]  }
0x39: {  	_ = 	snop;
	(pc) =	sbr.ind lr, $3  }
0x3a: {  	_ = 	snop  }
0x3b: {  	_ = 	snop  }
0x3c: {  	p2 =	seq.s32 s10, $0x1;
	s10 =	sld [smem:$0x3F9C]  }
0x3d: {  	_ =	shalt  }
0x3e: {  	_ =	shalt  }
0x3f: {  	_ =	shalt  }
0x40: {  	_ =	shalt  }
0x41: {  	_ =	shalt  }
0x42: {  	_ =	shalt  }
0x43: {  	_ =	shalt  }
0x44: {  	_ =	shalt  }
0x45: {  	_ =	shalt  }
0x46: {  	_ =	shalt  }
0x47: {  	_ =	shalt  }
0x48: {  	_ =	shalt  }
0x49: {  	_ =	shalt  }
0x4a: {  	_ =	shalt  }
0x4b: {  	_ =	shalt  }
0x4c: {  	_ =	shalt  }
0x4d: {  	_ =	shalt  }
0x4e: {  	_ =	shalt  }
0x4f: {  	_ =	shalt  }
0x50: {  	_ =	shalt  }
0x51: {  	_ =	shalt  }
0x52: {  	_ =	shalt  }
0x53: {  	_ =	shalt  }
0x54: {  	_ =	shalt  }
0x55: {  	_ =	shalt  }
0x56: {  	_ =	shalt  }
0x57: {  	_ =	shalt  }
0x58: {  	_ =	shalt  }
0x59: {  	_ =	shalt  }
0x5a: {  	_ =	shalt  }
0x5b: {  	_ =	shalt  }
0x5c: {  	_ =	shalt  }
0x5d: {  	_ =	shalt  }
0x5e: {  	_ =	shalt  }
0x5f: {  	_ =	shalt  }
0x60: {  	_ =	shalt  }
0x61: {  	_ =	shalt  }
0x62: {  	_ =	shalt  }
0x63: {  	_ =	shalt  }
0x64: {  	_ =	shalt  }
0x65: {  	_ =	shalt  }
0x66: {  	_ =	shalt  }
0x67: {  	_ =	shalt  }
0x68: {  	_ =	shalt  }
0x69: {  	_ =	shalt  }
0x6a: {  	_ =	shalt  }
0x6b: {  	_ =	shalt  }
0x6c: {  	_ =	shalt  }
0x6d: {  	_ =	shalt  }
0x6e: {  	_ =	shalt  }
0x6f: {  	_ =	shalt  }
0x70: {  	_ =	shalt  }
0x71: {  	_ =	shalt  }
0x72: {  	_ =	shalt  }
0x73: {  	_ =	shalt  }
0x74: {  	_ =	shalt  }
0x75: {  	_ =	shalt  }
0x76: {  	_ =	shalt  }
0x77: {  	_ =	shalt  }
0x78: {  	_ =	shalt  }
0x79: {  	_ =	shalt  }
0x7a: {  	_ =	shalt  }
0x7b: {  	_ =	shalt  }
0x7c: {  	_ =	shalt  }
0x7d: {  	_ =	shalt  }
0x7e: {  	_ =	shalt  }
0x7f: {  	_ =	shalt  }
0x80: {  	_ =	shalt  }
0x81: {  	_ =	shalt  }
0x82: {  	_ =	shalt  }
0x83: {  	_ =	shalt  }
0x84: {  	_ =	shalt  }
0x85: {  	_ =	shalt  }
0x86: {  	_ =	shalt  }
0x87: {  	_ =	shalt  }
.Lfunc_end0:
.L_simem_size_0:
called_computation.3_lowered:
.L_overlay_start_0:
0x88: {  	s2 =	sld [smem:$0x3FD9]  }
0x89: {  	s3 =	sld [smem:$0x3FFE];
	_ =	sdelay $0x1  }
0x8a: {  	s1 =	srdreg.scid  }
0x8b: {  	s0 =	sand.u32 $0x1, s1  }
0x8c: {  	s16 =	sshll.u32 s0, $0xA;
	s2 =	sadd.s32 s3, s2  }
0x8d: {  	s2 =	sadd.s32 s2, s16  }
0x8e: {  	[smem:$0x3FA8] =	sst s2  }
0x8f: {  	_ = 	snop  }
0x90: {  	(tm) =	ssettm $0x1  }
0x91: {  	s17 =	sld [smem:$0x3FFB];
	_ =	sdelay $0x3  }
0x92: {  	_ =	strace s17  }
0x93: {  	s2 =	sld [smem:$0x3FFC];
	_ =	sdelay $0x3  }
0x94: {  	_ =	strace s2  }
0x95: {  	s2 =	sld [smem:$0x3FFD];
	_ =	sdelay $0x3  }
0x96: {  	_ =	strace s2  }
0x97: {  	_ =	strace $0x8FFFFFFF  }
0x98: {  	s18 =	sld [smem:$0x3FDB];
	_ =	sdelay $0x1  }
0x99: {  	s19 =	simm.s32 $_scs_section_size  }
0x9a: {  	s4 =	simm.s32 $_size__tile_overlayer_lowered;
	s5 =	simm.s32 $_tile_overlayer_lowered  }
0x9b: {  	s22 =	simm.s32 $0x1BFF;
	s21 =	sshll.u32 s5, $0x1;
	s2 =	sadd.s32 s19, s18  }
0x9c: {  	s6 =	simm.s32 $0x0;
	s20 =	sshll.u32 s4, $0x1;
	s4 =	sadd.s32 s21, s2  }
0x9d: {  	[timem:s6], [sflag:s22] =	dma.local [hbm:s4], s20  }
0x9e: {  	_ =	swait.ge [sflag:s22], s20  }
0x9f: {  	s3 =	ssub.s32 $0x0, s20;
	[sflag:s22] =	ssyncset.done $0x0  }
0xa0: {  	[sflag:s22] =	ssyncadd.s32 s3;
	_ =	sdelay $0x1  }
0xa1: {  	s23 =	simm.s32 $0x1B8B  }
0xa2: {  	_ =	swait.ge [sflag:s23], $0x1  }
0xa3: {  	[sflag:s23] =	ssyncset.done $0x0  }
0xa4: {  	s25 =	simm.s32 $0x1B8E;
	s24 =	sld [smem:$0x3FFE];
	[sflag:s23] =	ssyncadd.s32 $0xFFFFFFFF  }
0xa5: {  	s26 =	simm.s32 $execute0_lowered;
	[smem:$0x3FD2] =	sst s25  }
0xa6: {  	s4 =	sshll.u32 s26, $0x1;
	_ =	strace $0x8000004F;
	[dreg:$0x1] =	wrdreg $0xFFFFFFFF  }
0xa7: {  	s28 =	simm.s32 $_size_execute0_lowered;
	s2 =	sadd.s32 s2, s4;
	[dreg:$0x0] =	wrdreg $0x0  }
0xa8: {  	s4 =	sshll.u32 s28, $0x1;
	[dreg:$0x2] =	wrdreg s2  }
0xa9: {  	[dreg:$0x3] =	wrdreg s4  }
0xaa: {  	[dreg:$0x4] =	wrdreg $0xC0  }
0xab: {  	_ =	task [dreg:s6], $0x5FFFF  }
0xac: {  	[dreg:$0x1] =	wrdreg $0xFFFFFFFF  }
0xad: {  	[dreg:$0x0] =	wrdreg $0x60  }
0xae: {  	[dreg:$0x2] =	wrdreg s24  }
0xaf: {  	[dreg:$0x3] =	wrdreg $0x0  }
0xb0: {  	[dreg:$0x4] =	wrdreg $0x9  }
0xb1: {  	_ =	task.clear_ibuf [dreg:s6], $0x5FFFF;
	_ =	strace $0x9000004F  }
0xb2: {  	s29 =	simm.s32 $0x9;
	_ =	strace $0x80000051  }
0xb3: {  	_ =	swait.ge [sflag:s29], $0x1  }
0xb4: {  	[sflag:s29] =	ssyncadd.s32 $0xFFFFFFFF  }
0xb5: {  	_ =	strace $0x90000051  }
0xb6: {  	_ =	sfence  }
0xb7: {  	s30 =	sld [smem:$0x0];
	_ =	sdelay $0x2  }
0xb8: {  	s31 =	sshll.u32 s1, $0xD;
	s1 =	sshrl.u32 s1, $0x2  }
0xb9: {  	s3 =	sand.u32 $0x4000, s31;
	s1 =	sadd.s32 s1, s30  }
0xba: {  	s0 =	sor.u32 s3, s0;
	s1 =	sshll.u32 s1, $0x11  }
0xbb: {  	s0 =	sor.u32 s1, s0  }
0xbc: {  	s0 =	sadd.s32 $0x8F2B, s0  }
0xbd: {  	[sflag:s0] =	ssyncadd.remote.s32 $0x1  }
0xbe: {  	_ =	sfence.sel $0xFFFF  }
0xbf: {  	[dreg:$0x0] =	wrdreg $0xFFFFFFFF;
	(pc) =	sbr.abs _section_cstart, $3  }
0xc0: {  	[dreg:$0x1] =	wrdreg $0xFFFFFFFF  }
0xc1: {  	_ =	task.clear_ibuf [dreg:s6], $0x2FFFF;
	_ =	strace $0x9FFFFFFF  }
0xc2: {  	(tm) =	ssettm $0x7FFFFFFF  }
0xc3: {  	_ =	shalt  }
tec
execute0_lowered:
.L_overlay_start_1:
0x0: {  	(tag) =	ssettag $0x1  }
0x1: {  	s0 =	srdreg.scid;
	s1 =	rddreg [dreg:$0x0]  }
0x2: {  	s14 =	stileid.u32;
	s2 =	rddreg [dreg:$0x1]  }
0x3: {  	s6 =	simm.s32 $0x0;
	s18 =	simm.s32 $0x13880;
	s20 =	simm.s32 $0x18  }
0x4: {  	s21 =	simm.s32 $0x1A000;
	s29 =	simm.s32 $0x1C000;
	s31 =	simm.s32 $0x1C800  }
0x5: {  	s16 =	simm.s32 $0x1DC00;
	s19 =	simm.s32 $0x1E800;
	s28 =	simm.s32 $0x2  }
0x6: {  	s17 =	simm.s32 $0x15F68;
	s30 =	simm.s32 $0x15F80;
	s0 =	sand.u32 $0x1, s0  }
0x7: {  	s5 =	sshll.u32 s14, $0x7;
	[smem:$0x7FF] =	sst s6;
	s7 =	smul.u32 $0x13800, s14  }
0x8: {  	s22 =	smul.u32 $0x4E000, s14;
	s11 =	sadd.s32 $0x6D800, s1;
	s24 =	sshll.u32 s14, $0x6  }
0x9: {  	p0 =	sne.s32 s14, $0xF;
	s3 =	sshll.u32 s0, $0x4;
	s5 =	sand.u32 $0x380, s5  }
0xa: {  	_ =	strace $0x80000050;
	s9 =	ssub.s32 $0x2, s0;
	s0 =	smul.u32 $0x138800, s0  }
0xb: {  	s3 =	sor.u32 s14, s3;
	s8 =	sshrl.u32 s7, $0x3;
	s10 =	sshrl.u32 s9, $0x1  }
0xc: {  	s6 =	sshrl.u32 s22, $0x2;
	s14 =	simm.s32 $0x3;
	s22 =	simm.s32 $0x10  }
0xd: {  	s4 =	sshrl.u32 s3, $0x3;
	s3 =	sshll.u32 s3, $0xB;
	s8 =	sadd.s32 s8, s1  }
0xe: {  	s9 =	ssub.s32 s9, s10;
	s13 =	sadd.s32 s6, s2;
	s6 =	sor.u32 $0x1C03, s24  }
0xf: {  	s26 =	sadd.s32 s7, s0;
	s0 =	sshrl.u32 s0, $0x3;
	s24 =	simm.s32 $0x1AC00  }
0x10: {  	s4 =	smul.u32 $0x13C00, s4;
	s3 =	sadd.s32 s3, s1;
	s23 =	sadd.s32 $0x46600, s8  }
0x11: {  	s8 =	sadd.s32 $0x138000, s2;
	s0 =	sadd.s32 s11, s0;
	s12 =	smax.u32 s9, $0x1  }
0x12: {  	s13 =	sshrl.u32 s13, $0x3;
	[dreg:$0x3] =	wrdreg s23;
	s3 =	sadd.s32 $0x5600, s3  }
0x13: {  	s15 =	sshrl.u32 @!p0 s8, $0x3;
	s23 =	simm.s32 $0x1;
	s5 =	sor.u32 s5, s4  }
0x14: {  	s4 =	sadd.s32 $0x1F400, s1;
	[dreg:$0x6] =	wrdreg s3;
	s5 =	sshrl.u32 s5, $0x3  }
0x15: {  	s3 =	simm.s32 $0x15F58;
	s5 =	sadd.s32 s5, s1;
	s1 =	sadd.s32 $0x6D600, s1  }
0x16: {  	[dreg:$0x4] =	wrdreg s1;
	s25 =	sadd.s32 $0x15600, s5;
	s1 =	sshrl.u32 s26, $0x3  }
0x17: {  	s26 =	simm.s32 $0x1B400;
	s5 =	simm.s32 $0x0;
	[dreg:$0x5] =	wrdreg s25  }
0x18: {  	s1 =	sadd.s32 s11, s1;
	s11 =	sadd.s32 $0x27000, s0;
	s0 =	simm.s32 $0x1D400  }
0x19: {  	s25 =	simm.s32 $0x50;
	[dreg:$0x7] =	wrdreg s1;
	s1 =	simm.s32 $0x15F40  }
.LBB2_1:
0x1a: {  	s7 =	rddreg [dreg:$0x3]  }
0x1b: {  	[spmem:s13], [sflag:s6] =	dma.local [hbm:s7], $0x2700  }
0x1c: {  	_ =	swait.ge [sflag:s14], $0x2700  }
0x1d: {  	[sflag:s14] =	ssyncset.done $0x0  }
0x1e: {  	s7 =	rddreg [dreg:$0x4];
	[sflag:s14] =	ssyncadd.s32 $0xFFFFD900  }
0x1f: {  	[spmem:s15], [sflag:s6] =	dma.local @!p0 [hbm:s7], $0x100  }
0x20: {  	s7 =	simm.s32 @!p0 $0x3  }
0x21: {  	_ =	swait.ge @!p0 [sflag:s7], $0x100  }
0x22: {  	s8 =	simm.s32 $0x80;
	[sflag:s7] =	ssyncset.done @!p0 $0x0  }
0x23: {  	s9 =	simm.s32 $0x400;
	s10 =	rddreg [dreg:$0x5];
	[sflag:s7] =	ssyncadd.s32 @!p0 $0xFFFFFF00  }
0x24: {  	[tilespmem:s18], [sflag:$0x3] =	stream.strided.gather [hbm4b:s10+s8], $0x2780, s9, s8, $0x38;
	[tilespmem:$0x1F000] =	vst v63  }
0x25: {  	_ =	swait.ge [sflag:s14], $0x2780  }
0x26: {  	s8 =	simm.s32 $0x0;
	[sflag:s14] =	ssyncset.done $0x0  }
0x27: {  	s10 =	simm.s32 $0x16000;
	s9 =	rddreg [dreg:$0x6];
	[sflag:s14] =	ssyncadd.s32 $0xFFFFD880  }
0x28: {  	[tilespmem:s10], [sflag:$0x3] =	stream.linear.gather [hbm4b:s9+s8], $0x3E80, $0x38;
	[tilespmem:$0x1F000] =	vst v63  }
0x29: {  	_ =	swait.ge [sflag:s14], $0x3E80  }
0x2a: {  	[sflag:s14] =	ssyncset.done $0x0  }
0x2b: {  	[sflag:s14] =	ssyncadd.s32 $0xFFFFC180  }
0x2c: {  	[bflag:$0x0] =	sbarrier.arrive $0xFFFF  }
0x2d: {  	[tilespmem:s21], [sflag:$0x1] =	stream.indirect.gather [hbm4b:s4+s20], $0x80, s18, s20, $0xb8;
	[tilespmem:$0x1F000] =	vst v63  }
0x2e: {  	s10 =	simm.s32 $0x13898  }
0x2f: {  	[tilespmem:s24], [sflag:$0x1] =	stream.indirect.gather [hbm4b:s4+s22], $0x80, s10, s22, $0xb8;
	[tilespmem:$0x1F000] =	vst v63  }
0x30: {  	s8 =	simm.s32 $0x138A8  }
0x31: {  	[tilespmem:s26], [sflag:$0x1] =	stream.indirect.gather [hbm4b:s4+s20], $0x80, s8, s20, $0xb8;
	[tilespmem:$0x1F000] =	vst v63  }
0x32: {  	s9 =	simm.s32 $0x138C0  }
0x33: {  	[tilespmem:s29], [sflag:$0x1] =	stream.indirect.gather [hbm4b:s4+s22], $0x80, s9, s22, $0xb8;
	[tilespmem:$0x1F000] =	vst v63  }
0x34: {  	s10 =	simm.s32 $0x138D0  }
0x35: {  	[tilespmem:s31], [sflag:$0x2] =	stream.indirect.gather [hbm4b:s4+s20], $0x80, s10, s20, $0xb8;
	[tilespmem:$0x1F000] =	vst v63  }
0x36: {  	s8 =	simm.s32 $0x138E8  }
0x37: {  	[tilespmem:s0], [sflag:$0x2] =	stream.indirect.gather [hbm4b:s4+s22], $0x80, s8, s22, $0xb8;
	[tilespmem:$0x1F000] =	vst v63  }
0x38: {  	s9 =	simm.s32 $0x138F8  }
0x39: {  	[tilespmem:s16], [sflag:$0x2] =	stream.indirect.gather [hbm4b:s4+s20], $0x80, s9, s20, $0xb8;
	[tilespmem:$0x1F000] =	vst v63  }
0x3a: {  	s10 =	simm.s32 $0x13910  }
0x3b: {  	[tilespmem:s19], [sflag:$0x2] =	stream.indirect.gather [hbm4b:s4+s22], $0x80, s10, s22, $0xb8;
	[tilespmem:$0x1F000] =	vst v63  }
0x3c: {  	_ =	swait.ge [sflag:s23], $0x2800  }
0x3d: {  	[sflag:s23] =	ssyncset.done $0x0  }
0x3e: {  	s8 =	simm.s32 $0x16000;
	[sflag:s23] =	ssyncadd.s32 $0xFFFFD800  }
0x3f: {  	[spmem:s2] =	stream.indirect.scatter.add.f32 [tilespmem:s21], [sflag:$0x3], $0x80, s8, s25, $0xb8;
	[tilespmem:$0x1F000] =	vst v63  }
0x40: {  	_ =	swait.ge [sflag:s14], $0x2800  }
0x41: {  	[sflag:s14] =	ssyncset.done $0x0  }
0x42: {  	s9 =	simm.s32 $0x13920;
	[sflag:s14] =	ssyncadd.s32 $0xFFFFD800  }
0x43: {  	[tilespmem:s21], [sflag:$0x1] =	stream.indirect.gather [hbm4b:s4+s20], $0x80, s9, s20, $0xb8;
	[tilespmem:$0x1F000] =	vst v63  }
0x44: {  	s10 =	simm.s32 $0x13938  }
0x45: {  	[tilespmem:s24], [sflag:$0x1] =	stream.indirect.gather [hbm4b:s4+s22], $0x80, s10, s22, $0xb8;
	[tilespmem:$0x1F000] =	vst v63  }
0x46: {  	s8 =	simm.s32 $0x13948  }
0x47: {  	[tilespmem:s26], [sflag:$0x1] =	stream.indirect.gather [hbm4b:s4+s20], $0x80, s8, s20, $0xb8;
	[tilespmem:$0x1F000] =	vst v63  }
0x48: {  	s9 =	simm.s32 $0x13960  }
0x49: {  	[tilespmem:s29], [sflag:$0x1] =	stream.indirect.gather [hbm4b:s4+s22], $0x80, s9, s22, $0xb8;
	[tilespmem:$0x1F000] =	vst v63  }
0x4a: {  	_ =	swait.ge [sflag:s28], $0x2800  }
0x4b: {  	[sflag:s28] =	ssyncset.done $0x0  }
0x4c: {  	s10 =	simm.s32 $0x16080;
	[sflag:s28] =	ssyncadd.s32 $0xFFFFD800  }
0x4d: {  	[spmem:s2] =	stream.indirect.scatter.add.f32 [tilespmem:s31], [sflag:$0x3], $0x80, s10, s25, $0xb8;
	[tilespmem:$0x1F000] =	vst v63  }
0x4e: {  	_ =	swait.ge [sflag:s14], $0x2800  }
0x4f: {  	[sflag:s14] =	ssyncset.done $0x0  }
0x50: {  	s8 =	simm.s32 $0x13970;
	[sflag:s14] =	ssyncadd.s32 $0xFFFFD800  }
0x51: {  	[tilespmem:s31], [sflag:$0x2] =	stream.indirect.gather [hbm4b:s4+s20], $0x80, s8, s20, $0xb8;
	[tilespmem:$0x1F000] =	vst v63  }
0x52: {  	s7 =	simm.s32 $0x280;
	s9 =	simm.s32 $0x13988  }
0x53: {  	[tilespmem:s0], [sflag:$0x2] =	stream.indirect.gather [hbm4b:s4+s22], $0x80, s9, s22, $0xb8;
	[tilespmem:$0x1F000] =	vst v63  }
0x54: {  	s10 =	simm.s32 $0x13998;
	s8 =	simm.s32 $0x16180;
	s9 =	simm.s32 $0x139B0  }
0x55: {  	[tilespmem:s16], [sflag:$0x2] =	stream.indirect.gather [hbm4b:s4+s20], $0x80, s10, s20, $0xb8;
	[tilespmem:$0x1F000] =	vst v63  }
.LBB2_2:
0x56: {  	[tilespmem:s19], [sflag:$0x2] =	stream.indirect.gather [hbm4b:s4+s22], $0x80, s9, s22, $0xb8;
	[tilespmem:$0x1F000] =	vst v63  }
0x57: {  	s9 =	smov.u32 s7  }
0x58: {  	p1 =	sne.s32 s7, $0x9600;
	s7 =	sadd.s32 $0x280, s7;
	_ =	swait.ge [sflag:s23], $0x2800  }
0x59: {  	[sflag:s23] =	ssyncset.done $0x0  }
0x5a: {  	s10 =	sadd.s32 $0xFFFFFF80, s8;
	[sflag:s23] =	ssyncadd.s32 $0xFFFFD800  }
0x5b: {  	[spmem:s2] =	stream.indirect.scatter.add.f32 [tilespmem:s21], [sflag:$0x3], $0x80, s10, s25, $0xb8;
	[tilespmem:$0x1F000] =	vst v63  }
0x5c: {  	_ =	swait.ge [sflag:s14], $0x2800  }
0x5d: {  	s9 =	sshra.s32 s9, $0x2;
	[sflag:s14] =	ssyncset.done $0x0  }
0x5e: {  	s10 =	sadd.s32 $0x13920, s9;
	[sflag:s14] =	ssyncadd.s32 $0xFFFFD800  }
0x5f: {  	[tilespmem:s21], [sflag:$0x1] =	stream.indirect.gather [hbm4b:s4+s20], $0x80, s10, s20, $0xb8;
	[tilespmem:$0x1F000] =	vst v63  }
0x60: {  	s10 =	sadd.s32 $0x13938, s9  }
0x61: {  	[tilespmem:s24], [sflag:$0x1] =	stream.indirect.gather [hbm4b:s4+s22], $0x80, s10, s22, $0xb8;
	[tilespmem:$0x1F000] =	vst v63  }
0x62: {  	s10 =	sadd.s32 $0x13948, s9  }
0x63: {  	[tilespmem:s26], [sflag:$0x1] =	stream.indirect.gather [hbm4b:s4+s20], $0x80, s10, s20, $0xb8;
	[tilespmem:$0x1F000] =	vst v63  }
0x64: {  	s10 =	sadd.s32 $0x13960, s9  }
0x65: {  	[tilespmem:s29], [sflag:$0x1] =	stream.indirect.gather [hbm4b:s4+s22], $0x80, s10, s22, $0xb8;
	[tilespmem:$0x1F000] =	vst v63  }
0x66: {  	_ =	swait.ge [sflag:s28], $0x2800  }
0x67: {  	[sflag:s28] =	ssyncset.done $0x0  }
0x68: {  	[sflag:s28] =	ssyncadd.s32 $0xFFFFD800  }
0x69: {  	[spmem:s2] =	stream.indirect.scatter.add.f32 [tilespmem:s31], [sflag:$0x3], $0x80, s8, s25, $0xb8;
	[tilespmem:$0x1F000] =	vst v63  }
0x6a: {  	_ =	swait.ge [sflag:s14], $0x2800  }
0x6b: {  	[sflag:s14] =	ssyncset.done $0x0  }
0x6c: {  	s10 =	sadd.s32 $0x13970, s9;
	[sflag:s14] =	ssyncadd.s32 $0xFFFFD800  }
0x6d: {  	[tilespmem:s31], [sflag:$0x2] =	stream.indirect.gather [hbm4b:s4+s20], $0x80, s10, s20, $0xb8;
	[tilespmem:$0x1F000] =	vst v63  }
.Ltmp0:
0x6e: {  	s10 =	sadd.s32 $0x13988, s9;
	(pc) =	sbr.rel @p1 .LBB2_2-.Ltmp0, $4  }
0x6f: {  	[tilespmem:s0], [sflag:$0x2] =	stream.indirect.gather [hbm4b:s4+s22], $0x80, s10, s22, $0xb8;
	[tilespmem:$0x1F000] =	vst v63  }
0x70: {  	s10 =	sadd.s32 $0x13998, s9  }
0x71: {  	[tilespmem:s16], [sflag:$0x2] =	stream.indirect.gather [hbm4b:s4+s20], $0x80, s10, s20, $0xb8;
	[tilespmem:$0x1F000] =	vst v63  }
0x72: {  	s8 =	sadd.s32 $0x100, s8;
	s9 =	sadd.s32 $0x139B0, s9  }
0x73: {  	[tilespmem:s19], [sflag:$0x2] =	stream.indirect.gather [hbm4b:s4+s22], $0x80, s9, s22, $0xb8;
	[tilespmem:$0x1F000] =	vst v63  }
0x74: {  	_ =	swait.ge [sflag:s23], $0x2800  }
0x75: {  	[sflag:s23] =	ssyncset.done $0x0  }
0x76: {  	s7 =	simm.s32 $0x19D00;
	[sflag:s23] =	ssyncadd.s32 $0xFFFFD800  }
0x77: {  	[spmem:s2] =	stream.indirect.scatter.add.f32 [tilespmem:s21], [sflag:$0x3], $0x80, s7, s25, $0xb8;
	[tilespmem:$0x1F000] =	vst v63  }
0x78: {  	_ =	swait.ge [sflag:s14], $0x2800  }
0x79: {  	[sflag:s14] =	ssyncset.done $0x0  }
0x7a: {  	[sflag:s14] =	ssyncadd.s32 $0xFFFFD800  }
0x7b: {  	[tilespmem:s21], [sflag:$0x1] =	stream.indirect.gather [hbm4b:s4+s20], $0x80, s1, s20, $0xb8;
	[tilespmem:$0x1F000] =	vst v63  }
0x7c: {  	_ = 	snop  }
0x7d: {  	[tilespmem:s24], [sflag:$0x1] =	stream.indirect.gather [hbm4b:s4+s22], $0x80, s3, s22, $0xb8;
	[tilespmem:$0x1F000] =	vst v63  }
0x7e: {  	_ = 	snop  }
0x7f: {  	[tilespmem:s26], [sflag:$0x1] =	stream.indirect.gather [hbm4b:s4+s20], $0x80, s17, s20, $0xb8;
	[tilespmem:$0x1F000] =	vst v63  }
0x80: {  	_ = 	snop  }
0x81: {  	[tilespmem:s29], [sflag:$0x1] =	stream.indirect.gather [hbm4b:s4+s22], $0x80, s30, s22, $0xb8;
	[tilespmem:$0x1F000] =	vst v63  }
0x82: {  	_ =	swait.ge [sflag:s28], $0x2800  }
0x83: {  	[sflag:s28] =	ssyncset.done $0x0  }
0x84: {  	s8 =	simm.s32 $0x19D80;
	[sflag:s28] =	ssyncadd.s32 $0xFFFFD800  }
0x85: {  	[spmem:s2] =	stream.indirect.scatter.add.f32 [tilespmem:s31], [sflag:$0x3], $0x80, s8, s25, $0xb8;
	[tilespmem:$0x1F000] =	vst v63  }
0x86: {  	_ =	swait.ge [sflag:s14], $0x2800  }
0x87: {  	[sflag:s14] =	ssyncset.done $0x0  }
0x88: {  	[sflag:s14] =	ssyncadd.s32 $0xFFFFD800  }
0x89: {  	[tilespmem:s31], [sflag:$0x2] =	stream.indirect.gather [hbm4b:s4+s20], $0x80, s1, s20, $0xb8;
	[tilespmem:$0x1F000] =	vst v63  }
0x8a: {  	_ = 	snop  }
0x8b: {  	[tilespmem:s0], [sflag:$0x2] =	stream.indirect.gather [hbm4b:s4+s22], $0x80, s3, s22, $0xb8;
	[tilespmem:$0x1F000] =	vst v63  }
0x8c: {  	_ = 	snop  }
0x8d: {  	[tilespmem:s16], [sflag:$0x2] =	stream.indirect.gather [hbm4b:s4+s20], $0x80, s17, s20, $0xb8;
	[tilespmem:$0x1F000] =	vst v63  }
0x8e: {  	_ = 	snop  }
0x8f: {  	[tilespmem:s19], [sflag:$0x2] =	stream.indirect.gather [hbm4b:s4+s22], $0x80, s30, s22, $0xb8;
	[tilespmem:$0x1F000] =	vst v63  }
0x90: {  	_ =	swait.ge [sflag:s23], $0x2800  }
0x91: {  	[sflag:s23] =	ssyncset.done $0x0  }
0x92: {  	s9 =	simm.s32 $0x19E00;
	[sflag:s23] =	ssyncadd.s32 $0xFFFFD800  }
0x93: {  	[spmem:s2] =	stream.indirect.scatter.add.f32 [tilespmem:s21], [sflag:$0x3], $0x80, s9, s25, $0xb8;
	[tilespmem:$0x1F000] =	vst v63  }
0x94: {  	_ =	swait.ge [sflag:s14], $0x2800  }
0x95: {  	[sflag:s14] =	ssyncset.done $0x0  }
0x96: {  	[sflag:s14] =	ssyncadd.s32 $0xFFFFD800  }
0x97: {  	_ =	swait.ge [sflag:s28], $0x2800  }
0x98: {  	[sflag:s28] =	ssyncset.done $0x0  }
0x99: {  	[sflag:s28] =	ssyncadd.s32 $0xFFFFD800  }
0x9a: {  	[bflag:$0x0] =	sbarrier.arrive $0xFFFF  }
0x9b: {  	s10 =	rddreg [dreg:$0x7]  }
0x9c: {  	[hbm:s10], [sflag:s6] =	dma.local [spmem:s13], $0x2700  }
0x9d: {  	s5 =	sadd.s32 $0x1, s5;
	_ =	swait.ge [sflag:s14], $0x2700  }
0x9e: {  	p1 =	sne.s32 s5, s12;
	[sflag:s14] =	ssyncset.done $0x0  }
.Ltmp1:
0x9f: {  	s7 =	simm.s32 @!p0 $0x3;
	[sflag:s14] =	ssyncadd.s32 $0xFFFFD900;
	(pc) =	sbr.rel @p1 .LBB2_1-.Ltmp1, $4  }
0xa0: {  	[hbm:s11], [sflag:s6] =	dma.local @!p0 [spmem:s15], $0x100  }
0xa1: {  	_ =	swait.ge @!p0 [sflag:s7], $0x100  }
0xa2: {  	[sflag:s7] =	ssyncset.done @!p0 $0x0  }
0xa3: {  	[sflag:s7] =	ssyncadd.s32 @!p0 $0xFFFFFF00  }
0xa4: {  	_ =	sfence.sel $0x180000  }
0xa5: {  	[bflag:$0x0] =	sbarrier.arrive $0xFFFF  }
0xa6: {  	_ =	strace $0x90000050  }
0xa7: {  	s0 =	stileid.u32;
	[bflag:$0x2] =	sbarrier.arrive $0xFFFF  }
0xa8: {  	p0 =	sne.s32 s0, $0x0;
	s0 =	rddreg [dreg:$0x2]  }
0xa9: {  	s0 =	sadd.s32 @!p0 $0x100000, s0  }
0xaa: {  	[sflag:s0] =	ssyncadd.tile.s32 @!p0 $0x1;
	_ =	shalt  }
.Lfunc_end2:
_tile_overlayer_lowered:
.L_overlay_start_2:
0xab: {  	(tag) =	ssettag $0x2  }
0xac: {  	s0 =	rddreg [dreg:$0x0];
	s2 =	stileid.u32  }
0xad: {  	s1 =	rddreg [dreg:$0x1];
	p0 =	sne.s32 s2, $0x0  }
0xae: {  	s3 =	rddreg [dreg:$0x2];
	[bflag:$0x3] =	sbarrier.arrive $0xFFFF;
	s2 =	simm.s32 @!p0 $0x1C03  }
0xaf: {  	[timem:s3], [sflag:s2] =	dma.local @!p0 [hbm:s0], s1  }
0xb0: {  	s0 =	simm.s32 @!p0 $0x3  }
0xb1: {  	_ =	swait.ge @!p0 [sflag:s0], s1  }
0xb2: {  	s1 =	ssub.s32 @!p0 $0x0, s1;
	[sflag:s0] =	ssyncset.done @!p0 $0x0  }
0xb3: {  	[sflag:s0] =	ssyncadd.s32 @!p0 s1  }
0xb4: {  	[bflag:$0x3] =	sbarrier.arrive $0xFFFF  }
0xb5: {  	_ =	shalt  }

</sc_bundles>
